<compile_context>
chip_gen: v7x
topology: tpu7x:2x2x1
jax: 0.10.2.dev20260603
libtpu: 0.0.44.dev20260713+nightly
codegen_flags: <defaults>
</compile_context>

<pallas_src>
import functools

import jax
import jax.numpy as jnp
from jax import lax
from jax.experimental import pallas as pl
from jax.experimental.pallas import tpu as pltpu
from jax.experimental.pallas import tpu_sc as plsc

N = 10000
T = 12
DF = 256
H = 256
E = 160000
K = 3
DILS = (1, 2, 4)

NC = 2
NS = 16
HW = H // NC
CH = 80
NCH = E // CH
NCH_W = NCH // NS
NB = 25
NP = NCH_W // NB
NROW_W = N // NS
RB = 1000
DEGW = 128

@functools.cache
def _sc_mesh():
    return plsc.VectorSubcoreMesh(
        core_axis_name="c", subcore_axis_name="s",
        num_cores=NC, num_subcores=NS)



def _deg_counts(dst_w, tt):
    ones = jnp.ones((CH, DEGW), jnp.float32)
    zeros = jnp.zeros((NROW_W, DEGW), jnp.float32)

    @functools.partial(
        pl.kernel,
        out_type=jax.ShapeDtypeStruct((tt, NS, NROW_W, DEGW), jnp.float32),
        mesh=_sc_mesh(),
        scratch_types=[
            pltpu.VMEM((NB, CH), jnp.int32),
            pltpu.VMEM((CH, DEGW), jnp.float32),
            pltpu.VMEM_SHARED((N, DEGW), jnp.float32),
            pltpu.SemaphoreType.DMA,
        ],
    )
    def deg_k(dst_hbm, ones_hbm, zer_hbm, out_hbm, idx_v, ones_v, acc_sh,
              sem):
        c = lax.axis_index("c")
        s = lax.axis_index("s")
        pltpu.sync_copy(ones_hbm, ones_v)

        def per_t(tl, carry):
            t = c * (tt // NC) + tl
            pltpu.sync_copy(zer_hbm, acc_sh.at[pl.ds(s * NROW_W, NROW_W)])
            plsc.subcore_barrier()

            def per_piece(p, carry1):
                pltpu.sync_copy(dst_hbm.at[t, s, p], idx_v)

                def fire(j, carry2):
                    pltpu.async_copy(ones_v, acc_sh.at[idx_v.at[j]], sem,
                                     add=True)
                    return carry2

                def drain(j, carry2):
                    pltpu.make_async_copy(ones_v, acc_sh.at[idx_v.at[0]],
                                          sem).wait()
                    return carry2

                lax.fori_loop(0, NB, fire, 0)
                lax.fori_loop(0, NB, drain, 0)
                return carry1

            lax.fori_loop(0, NP, per_piece, 0)
            plsc.subcore_barrier()
            pltpu.sync_copy(acc_sh.at[pl.ds(s * NROW_W, NROW_W)],
                            out_hbm.at[t, s])
            return carry

        lax.fori_loop(0, tt // NC, per_t, 0)

    return deg_k(dst_w, ones, zeros)


def _scatter_rows(table, srcadj2, dst_w, tt):
    zeros = jnp.zeros((NROW_W, HW), jnp.float32)

    @functools.partial(
        pl.kernel,
        out_type=jax.ShapeDtypeStruct((NC, tt, NS, NROW_W, HW), jnp.float32),
        mesh=_sc_mesh(),
        scratch_types=[
            pltpu.VMEM((NB, CH), jnp.int32),
            pltpu.VMEM((NB, CH), jnp.int32),
            pltpu.VMEM((3, CH, HW), jnp.float32),
            pltpu.VMEM_SHARED((N, HW), jnp.float32),
            pltpu.SemaphoreType.DMA,
            pltpu.SemaphoreType.DMA,
            pltpu.SemaphoreType.DMA,
            pltpu.SemaphoreType.DMA,
            pltpu.SemaphoreType.DMA,
            pltpu.SemaphoreType.DMA,
        ],
    )
    def scat_k(tab_hbm, src_hbm, dst_hbm, zer_hbm, out_hbm,
               isrc, idst, rows, acc_sh, sg0, sg1, sg2, ss0, ss1, ss2):
        c = lax.axis_index("c")
        s = lax.axis_index("s")
        semg = (sg0, sg1, sg2)
        sems = (ss0, ss1, ss2)

        def per_t(t, carry):
            pltpu.sync_copy(zer_hbm, acc_sh.at[pl.ds(s * NROW_W, NROW_W)])
            plsc.subcore_barrier()

            def per_piece(p, carry1):
                pltpu.sync_copy(src_hbm.at[c, t, s, p], isrc)
                pltpu.sync_copy(dst_hbm.at[t, s, p], idst)

                def gather(j, b):
                    pltpu.async_copy(tab_hbm.at[isrc.at[j]], rows.at[b],
                                     semg[b])

                def wait_gather(b):
                    pltpu.make_async_copy(tab_hbm.at[isrc.at[0]],
                                          rows.at[b], semg[b]).wait()

                def scatter(j, b):
                    pltpu.async_copy(rows.at[b], acc_sh.at[idst.at[j]],
                                     sems[b], add=True)

                def wait_scatter(b):
                    pltpu.make_async_copy(rows.at[b],
                                          acc_sh.at[idst.at[0]],
                                          sems[b]).wait()

                def drain_scatter(j, b):
                    wait_gather(b)
                    pltpu.sync_copy(rows.at[b], acc_sh.at[idst.at[j]],
                                    add=True)

                gather(0, 0)

                def pipe(i, carry2):
                    gather(2 * i + 1, 1)
                    drain_scatter(2 * i, 0)
                    gather(2 * i + 2, 0)
                    drain_scatter(2 * i + 1, 1)
                    return carry2

                lax.fori_loop(0, (NB - 1) // 2, pipe, 0)
                drain_scatter(NB - 1, 0)
                return carry1

            lax.fori_loop(0, NP, per_piece, 0)
            plsc.subcore_barrier()
            pltpu.sync_copy(acc_sh.at[pl.ds(s * NROW_W, NROW_W)],
                            out_hbm.at[c, t, s])
            return carry

        lax.fori_loop(0, tt, per_t, 0)

    return scat_k(table, srcadj2, dst_w, zeros)



def _dinv_of(deg_ref):
    return lax.rsqrt(deg_ref[0, :, 0:1] + 1.0)


def _m1_body(x_ref, w_ref, deg_ref, o_ref):
    m = jnp.dot(x_ref[0], w_ref[...], preferred_element_type=jnp.float32,
        precision=lax.Precision.HIGHEST)
    mp = m * _dinv_of(deg_ref)
    o_ref[0, 0] = mp[:, :HW]
    o_ref[1, 0] = mp[:, HW:]


def _m1(x_seq, W1, deg16, tt):
    return pl.pallas_call(
        _m1_body,
        grid=(tt, N // RB),
        in_specs=[
            pl.BlockSpec((1, RB, DF), lambda t, i: (t, i, 0)),
            pl.BlockSpec((DF, H), lambda t, i: (0, 0)),
            pl.BlockSpec((1, RB, DEGW), lambda t, i: (t, i, 0)),
        ],
        out_specs=pl.BlockSpec((NC, 1, RB, HW), lambda t, i: (0, t, i, 0)),
        out_shape=jax.ShapeDtypeStruct((NC, tt, N, HW), jnp.float32),
    )(x_seq, W1, deg16)


def _m2_body(xw_ref, acc_ref, deg_ref, b_ref, w_ref, o_ref):
    dinv = _dinv_of(deg_ref)
    m1 = jnp.concatenate([xw_ref[0, 0], xw_ref[1, 0]], axis=1)
    a1 = jnp.concatenate([acc_ref[0, 0], acc_ref[1, 0]], axis=1)
    h = jax.nn.relu(dinv * (m1 + a1) + b_ref[...])
    mp = jnp.dot(h, w_ref[...], preferred_element_type=jnp.float32,
        precision=lax.Precision.HIGHEST) * dinv
    o_ref[0, 0] = mp[:, :HW]
    o_ref[1, 0] = mp[:, HW:]


def _m2(xw1p, acc1, deg16, b1, W2, tt):
    return pl.pallas_call(
        _m2_body,
        grid=(tt, N // RB),
        in_specs=[
            pl.BlockSpec((NC, 1, RB, HW), lambda t, i: (0, t, i, 0)),
            pl.BlockSpec((NC, 1, RB, HW), lambda t, i: (0, t, i, 0)),
            pl.BlockSpec((1, RB, DEGW), lambda t, i: (t, i, 0)),
            pl.BlockSpec((1, H), lambda t, i: (0, 0)),
            pl.BlockSpec((H, H), lambda t, i: (0, 0)),
        ],
        out_specs=pl.BlockSpec((NC, 1, RB, HW), lambda t, i: (0, t, i, 0)),
        out_shape=jax.ShapeDtypeStruct((NC, tt, N, HW), jnp.float32),
    )(xw1p, acc1, deg16, b1, W2)


def _m3_body(xw_ref, acc_ref, deg_ref, b_ref, o_ref):
    i = pl.program_id(1)
    dinv = _dinv_of(deg_ref)
    m2 = jnp.concatenate([xw_ref[0, 0], xw_ref[1, 0]], axis=1)
    a2 = jnp.concatenate([acc_ref[0, 0], acc_ref[1, 0]], axis=1)
    h = jax.nn.relu(dinv * (m2 + a2) + b_ref[...])
    part = (jnp.sum(h, axis=0, keepdims=True) * (1.0 / N))[None]

    @pl.when(i == 0)
    def _():
        o_ref[...] = part

    @pl.when(i > 0)
    def _():
        o_ref[...] += part


def _m3(xw2p, acc2, deg16, b2, tt):
    return pl.pallas_call(
        _m3_body,
        grid=(tt, N // RB),
        in_specs=[
            pl.BlockSpec((NC, 1, RB, HW), lambda t, i: (0, t, i, 0)),
            pl.BlockSpec((NC, 1, RB, HW), lambda t, i: (0, t, i, 0)),
            pl.BlockSpec((1, RB, DEGW), lambda t, i: (t, i, 0)),
            pl.BlockSpec((1, H), lambda t, i: (0, 0)),
        ],
        out_specs=pl.BlockSpec((1, 1, H), lambda t, i: (t, 0, 0)),
        out_shape=jax.ShapeDtypeStruct((tt, 1, H), jnp.float32),
    )(xw2p, acc2, deg16, b2)


def _tcn_body(g_ref, w_ref, b_ref, bng_ref, bnb_ref, hw_ref, hb_ref, o_ref):
    x = g_ref[...]
    for i, dil in enumerate(DILS):
        pad = (K - 1) * dil
        lin = x.shape[0]
        lout = lin + pad
        zp = jnp.zeros((pad, H), jnp.float32)
        xp = jnp.concatenate([zp, x, zp], axis=0)
        y = b_ref[i][None, :]
        for k in range(K):
            y = y + lax.dot_general(
                xp[k * dil:k * dil + lout], w_ref[i, k],
                (((1,), (1,)), ((), ())),
                preferred_element_type=jnp.float32,
        precision=lax.Precision.HIGHEST)
        m = jnp.mean(y, axis=0, keepdims=True)
        v = jnp.mean((y - m) ** 2, axis=0, keepdims=True)
        y = bng_ref[i][None, :] * (y - m) * lax.rsqrt(v + 1e-5) \
            + bnb_ref[i][None, :]
        x = jax.nn.relu(y)
    tl = x[x.shape[0] - 1:, :]
    o_ref[...] = lax.dot_general(
        tl, hw_ref[...], (((1,), (1,)), ((), ())),
        preferred_element_type=jnp.float32,
        precision=lax.Precision.HIGHEST) + hb_ref[...][None, :]


def _tcn(pooled, tcn_w, tcn_b, bn_g, bn_b, headW, headb):
    return pl.pallas_call(
        _tcn_body,
        out_shape=jax.ShapeDtypeStruct((1, DF), jnp.float32),
    )(pooled, tcn_w, tcn_b, bn_g, bn_b, headW, headb)



def kernel(x_seq, ei_seq, W1, b1, W2, b2, tcn_w, tcn_b, bn_g, bn_b,
           headW, headb):
    TT = T // 2
    tofs = (jnp.arange(TT, dtype=jnp.int32) * N)[:, None, None, None, None]

    def half(lo):
        src_w = ei_seq[lo:lo + TT, 0, :].reshape(TT, NS, NP, NB, CH)
        dst_w = ei_seq[lo:lo + TT, 1, :].reshape(TT, NS, NP, NB, CH)
        srcadj2 = jnp.stack([src_w + tofs, src_w + (TT * N + tofs)])
        deg16 = _deg_counts(dst_w, TT).reshape(TT, N, DEGW)
        xw1p = _m1(x_seq[lo:lo + TT], W1, deg16, TT)
        acc1 = _scatter_rows(xw1p.reshape(NC * TT * N, HW), srcadj2,
                             dst_w, TT).reshape(NC, TT, N, HW)
        xw2p = _m2(xw1p, acc1, deg16, b1.reshape(1, H), W2, TT)
        acc2 = _scatter_rows(xw2p.reshape(NC * TT * N, HW), srcadj2,
                             dst_w, TT).reshape(NC, TT, N, HW)
        return _m3(xw2p, acc2, deg16, b2.reshape(1, H), TT)

    pooled = jnp.concatenate([half(0), half(TT)], axis=0).reshape(T, H)
    out = _tcn(pooled, tcn_w.transpose(0, 3, 1, 2), tcn_b, bn_g, bn_b,
               headW, headb)
    return out.reshape(DF)

# --- scband reference (transcript-rebuilt; emitter-appended) ---
"""Pipeline reference for scband-dyn-tcn-26336739459147 (READ-ONLY COPY).

The authoritative reference and input builder live on the scoring server;
editing this copy changes nothing except your own understanding.
"""

import jax, jax.numpy as jnp
import numpy as np

N = 10000
T = 12
DF = 256
H = 256
E = 160000
K = 3
DILS = (1, 2, 4)


def setup_inputs(seed: int = 0) -> dict:
    key = jax.random.key(seed)
    ks = jax.random.split(key, 16)
    x_seq = jax.random.normal(ks[0], (T, N, DF), jnp.float32)
    ei_seq = jax.random.randint(ks[1], (T, 2, E), 0, N, dtype=jnp.int32)
    W1 = jax.random.normal(ks[2], (DF, H), jnp.float32) / np.sqrt(DF)
    b1 = jnp.zeros((H,), jnp.float32)
    W2 = jax.random.normal(ks[3], (H, H), jnp.float32) / np.sqrt(H)
    b2 = jnp.zeros((H,), jnp.float32)
    tcn_w = jax.random.normal(ks[4], (3, H, H, K), jnp.float32) / np.sqrt(H * K)
    tcn_b = jnp.zeros((3, H), jnp.float32)
    bn_g = jnp.ones((3, H), jnp.float32)
    bn_b = jnp.zeros((3, H), jnp.float32)
    headW = jax.random.normal(ks[5], (DF, H), jnp.float32) / np.sqrt(H)
    headb = jnp.zeros((DF,), jnp.float32)
    return dict(x_seq=x_seq, ei_seq=ei_seq, W1=W1, b1=b1, W2=W2, b2=b2,
                tcn_w=tcn_w, tcn_b=tcn_b, bn_g=bn_g, bn_b=bn_b,
                headW=headW, headb=headb)


def gcn_conv(x, ei, W, b):
    # PyG GCNConv: add self-loops, symmetric normalization, linear, scatter-add, bias
    n = x.shape[0]
    loop = jnp.arange(n, dtype=ei.dtype)
    src = jnp.concatenate([ei[0], loop])
    dst = jnp.concatenate([ei[1], loop])
    xw = x @ W
    deg = jnp.zeros((n,), xw.dtype).at[dst].add(1.0)
    dinv = jnp.where(deg > 0, 1.0 / jnp.sqrt(deg), 0.0)
    norm = dinv[src] * dinv[dst]
    msg = xw[src] * norm[:, None]
    out = jnp.zeros((n, W.shape[1]), xw.dtype).at[dst].add(msg)
    return out + b


def reference(x_seq, ei_seq, W1, b1, W2, b2, tcn_w, tcn_b, bn_g, bn_b, headW, headb):
    g_list = []
    for t in range(T):
        h = jax.nn.relu(gcn_conv(x_seq[t], ei_seq[t], W1, b1))
        h = jax.nn.relu(gcn_conv(h, ei_seq[t], W2, b2))
        g_list.append(jnp.mean(h, axis=0))  # global_mean_pool with single graph
    seq = jnp.stack(g_list).T[None]  # [1, H, T]
    for i, d in enumerate(DILS):
        pad = (K - 1) * d
        y = jax.lax.conv_general_dilated(seq, tcn_w[i], (1,), [(pad, pad)],
                                         rhs_dilation=(d,),
                                         dimension_numbers=('NCH', 'OIH', 'NCH'))
        y = y + tcn_b[i][None, :, None]
        # BatchNorm1d in training mode: batch stats over (N, L), biased variance
        m = jnp.mean(y, axis=(0, 2), keepdims=True)
        v = jnp.mean((y - m) ** 2, axis=(0, 2), keepdims=True)
        y = bn_g[i][None, :, None] * (y - m) / jnp.sqrt(v + 1e-5) + bn_b[i][None, :, None]
        seq = jax.nn.relu(y)
    t_last = seq[0, :, -1]
    return t_last @ headW.T + headb

if __name__ == "__main__":
    import jax
    _d = setup_inputs()
    print(jax.jit(kernel)(*tuple(_d.values())))

</pallas_src>

<mosaic_0001>
#map = affine_map<(d0, d1) -> (0, 0)>
#map1 = affine_map<(d0, d1) -> (0, 0, 0, 0, 0, 0)>
#map2 = affine_map<(d0, d1) -> (0, 0, 0, 0, 0)>
module attributes {stable_mosaic.version = 14 : i64} {
  func.func @scat_k(%arg0: i32, %arg1: i32, %arg2: memref<120000x128xf32, #tpu.memory_space<hbm>>, %arg3: memref<2x6x16x5x25x80xi32, #tpu.memory_space<hbm>>, %arg4: memref<6x16x5x25x80xi32, #tpu.memory_space<hbm>>, %arg5: memref<625x128xf32, #tpu.memory_space<hbm>>, %arg6: memref<2x6x16x625x128xf32, #tpu.memory_space<hbm>>, %arg7: memref<25x80xi32, #tpu.memory_space<vmem>>, %arg8: memref<25x80xi32, #tpu.memory_space<vmem>>, %arg9: memref<3x80x128xf32, #tpu.memory_space<vmem>>, %arg10: memref<10000x128xf32, #tpu.memory_space<vmem_shared>>, %arg11: memref<!tpu.dma_semaphore, #tpu.memory_space<semaphore_mem>>, %arg12: memref<!tpu.dma_semaphore, #tpu.memory_space<semaphore_mem>>, %arg13: memref<!tpu.dma_semaphore, #tpu.memory_space<semaphore_mem>>, %arg14: memref<!tpu.dma_semaphore, #tpu.memory_space<semaphore_mem>>, %arg15: memref<!tpu.dma_semaphore, #tpu.memory_space<semaphore_mem>>, %arg16: memref<!tpu.dma_semaphore, #tpu.memory_space<semaphore_mem>>) attributes {dimension_semantics = [#tpu.dimension_semantics<core_parallel>, #tpu.dimension_semantics<subcore_parallel>], iteration_bounds = array<i64: 2, 16>, scalar_prefetch = 0 : i64, scratch_operands = 10 : i64, tpu.core_type = #tpu.core_type<sc_vector_subcore>, window_params = [{transform_indices = #map}, {transform_indices = #map1}, {transform_indices = #map2}, {transform_indices = #map}, {transform_indices = #map2}]} {
    %scan3A = arith.constant 0 : i32
    %scan3A_0 = arith.constant 0 : i32
    %scan3A_1 = arith.constant 6 : i32
    %scan3A_2 = arith.addi %scan3A_0, %scan3A_1 : i32
    %scan3A_3 = arith.constant 1 : i32
    scf.for %scan3A_5 = %scan3A_0 to %scan3A_2 step %scan3A_3  : i32 {
      %mul3A = arith.constant 625 : i32
      %mul3A_6 = arith.muli %arg1, %mul3A : i32
      "tpu.region"() ({
        %run_scoped3A = tpu.sem_alloc : memref<!tpu.dma_semaphore, #tpu.memory_space<semaphore_mem>>
        %dma_start3A = arith.constant 0 : i32
        %dma_start3A_16 = tpu.memref_slice %arg10[%mul3A_6, %dma_start3A] : memref<10000x128xf32, #tpu.memory_space<vmem_shared>> -> memref<625x128xf32, #tpu.memory_space<vmem_shared>>
        tpu.enqueue_dma source(%arg5 : memref<625x128xf32, #tpu.memory_space<hbm>>) target(%dma_start3A_16 : memref<625x128xf32, #tpu.memory_space<vmem_shared>>) target_semaphore(%run_scoped3A : memref<!tpu.dma_semaphore, #tpu.memory_space<semaphore_mem>>)
        %dma_wait3A = arith.constant 0 : i32
        %dma_wait3A_17 = tpu.memref_slice %arg10[%mul3A_6, %dma_wait3A] : memref<10000x128xf32, #tpu.memory_space<vmem_shared>> -> memref<625x128xf32, #tpu.memory_space<vmem_shared>>
        tpu.wait_dma2 semaphore(%run_scoped3A : memref<!tpu.dma_semaphore, #tpu.memory_space<semaphore_mem>>) src(%arg5 : memref<625x128xf32, #tpu.memory_space<hbm>>) dst(%dma_wait3A_17 : memref<625x128xf32, #tpu.memory_space<vmem_shared>>)
        tpu.yield
      }) : () -> ()
      %barrier3A = arith.constant 0 : index
      tpu.barrier barrier_id(%barrier3A)
      %scan3A_7 = arith.constant 0 : i32
      %scan3A_8 = arith.constant 0 : i32
      %scan3A_9 = arith.constant 5 : i32
      %scan3A_10 = arith.addi %scan3A_8, %scan3A_9 : i32
      %scan3A_11 = arith.constant 1 : i32
      scf.for %scan3A_16 = %scan3A_8 to %scan3A_10 step %scan3A_11  : i32 {
        "tpu.region"() ({
          %run_scoped3A_46 = tpu.sem_alloc : memref<!tpu.dma_semaphore, #tpu.memory_space<semaphore_mem>>
          %dma_start3A_47 = arith.constant 0 : i32
          %dma_start3A_48 = arith.constant 0 : i32
          %dma_start3A_49 = tpu.memref_slice %arg3[%arg0, %scan3A_5, %arg1, %scan3A_16, %dma_start3A_47, %dma_start3A_48] : memref<2x6x16x5x25x80xi32, #tpu.memory_space<hbm>> -> memref<1x1x1x1x25x80xi32, #tpu.memory_space<hbm>>
          %dma_start3A_50 = tpu.memref_squeeze %dma_start3A_49 : memref<1x1x1x1x25x80xi32, #tpu.memory_space<hbm>> -> memref<25x80xi32, #tpu.memory_space<hbm>>
          %dma_start3A_51 = arith.constant 0 : i32
          %dma_start3A_52 = arith.constant 0 : i32
          %dma_start3A_53 = tpu.memref_slice %arg3[%arg0, %scan3A_5, %arg1, %scan3A_16, %dma_start3A_51, %dma_start3A_52] : memref<2x6x16x5x25x80xi32, #tpu.memory_space<hbm>> -> memref<1x1x1x1x25x80xi32, #tpu.memory_space<hbm>>
          %dma_start3A_54 = tpu.memref_squeeze %dma_start3A_53 : memref<1x1x1x1x25x80xi32, #tpu.memory_space<hbm>> -> memref<25x80xi32, #tpu.memory_space<hbm>>
          tpu.enqueue_dma source(%dma_start3A_54 : memref<25x80xi32, #tpu.memory_space<hbm>>) target(%arg7 : memref<25x80xi32, #tpu.memory_space<vmem>>) target_semaphore(%run_scoped3A_46 : memref<!tpu.dma_semaphore, #tpu.memory_space<semaphore_mem>>)
          %dma_wait3A_55 = arith.constant 0 : i32
          %dma_wait3A_56 = arith.constant 0 : i32
          %dma_wait3A_57 = tpu.memref_slice %arg3[%arg0, %scan3A_5, %arg1, %scan3A_16, %dma_wait3A_55, %dma_wait3A_56] : memref<2x6x16x5x25x80xi32, #tpu.memory_space<hbm>> -> memref<1x1x1x1x25x80xi32, #tpu.memory_space<hbm>>
          %dma_wait3A_58 = tpu.memref_squeeze %dma_wait3A_57 : memref<1x1x1x1x25x80xi32, #tpu.memory_space<hbm>> -> memref<25x80xi32, #tpu.memory_space<hbm>>
          %dma_wait3A_59 = arith.constant 0 : i32
          %dma_wait3A_60 = arith.constant 0 : i32
          %dma_wait3A_61 = tpu.memref_slice %arg3[%arg0, %scan3A_5, %arg1, %scan3A_16, %dma_wait3A_59, %dma_wait3A_60] : memref<2x6x16x5x25x80xi32, #tpu.memory_space<hbm>> -> memref<1x1x1x1x25x80xi32, #tpu.memory_space<hbm>>
          %dma_wait3A_62 = tpu.memref_squeeze %dma_wait3A_61 : memref<1x1x1x1x25x80xi32, #tpu.memory_space<hbm>> -> memref<25x80xi32, #tpu.memory_space<hbm>>
          tpu.wait_dma2 semaphore(%run_scoped3A_46 : memref<!tpu.dma_semaphore, #tpu.memory_space<semaphore_mem>>) src(%dma_wait3A_62 : memref<25x80xi32, #tpu.memory_space<hbm>>) dst(%arg7 : memref<25x80xi32, #tpu.memory_space<vmem>>)
          tpu.yield
        }) : () -> ()
        "tpu.region"() ({
          %run_scoped3A_46 = tpu.sem_alloc : memref<!tpu.dma_semaphore, #tpu.memory_space<semaphore_mem>>
          %dma_start3A_47 = arith.constant 0 : i32
          %dma_start3A_48 = arith.constant 0 : i32
          %dma_start3A_49 = tpu.memref_slice %arg4[%scan3A_5, %arg1, %scan3A_16, %dma_start3A_47, %dma_start3A_48] : memref<6x16x5x25x80xi32, #tpu.memory_space<hbm>> -> memref<1x1x1x25x80xi32, #tpu.memory_space<hbm>>
          %dma_start3A_50 = tpu.memref_squeeze %dma_start3A_49 : memref<1x1x1x25x80xi32, #tpu.memory_space<hbm>> -> memref<25x80xi32, #tpu.memory_space<hbm>>
          %dma_start3A_51 = arith.constant 0 : i32
          %dma_start3A_52 = arith.constant 0 : i32
          %dma_start3A_53 = tpu.memref_slice %arg4[%scan3A_5, %arg1, %scan3A_16, %dma_start3A_51, %dma_start3A_52] : memref<6x16x5x25x80xi32, #tpu.memory_space<hbm>> -> memref<1x1x1x25x80xi32, #tpu.memory_space<hbm>>
          %dma_start3A_54 = tpu.memref_squeeze %dma_start3A_53 : memref<1x1x1x25x80xi32, #tpu.memory_space<hbm>> -> memref<25x80xi32, #tpu.memory_space<hbm>>
          tpu.enqueue_dma source(%dma_start3A_54 : memref<25x80xi32, #tpu.memory_space<hbm>>) target(%arg8 : memref<25x80xi32, #tpu.memory_space<vmem>>) target_semaphore(%run_scoped3A_46 : memref<!tpu.dma_semaphore, #tpu.memory_space<semaphore_mem>>)
          %dma_wait3A_55 = arith.constant 0 : i32
          %dma_wait3A_56 = arith.constant 0 : i32
          %dma_wait3A_57 = tpu.memref_slice %arg4[%scan3A_5, %arg1, %scan3A_16, %dma_wait3A_55, %dma_wait3A_56] : memref<6x16x5x25x80xi32, #tpu.memory_space<hbm>> -> memref<1x1x1x25x80xi32, #tpu.memory_space<hbm>>
          %dma_wait3A_58 = tpu.memref_squeeze %dma_wait3A_57 : memref<1x1x1x25x80xi32, #tpu.memory_space<hbm>> -> memref<25x80xi32, #tpu.memory_space<hbm>>
          %dma_wait3A_59 = arith.constant 0 : i32
          %dma_wait3A_60 = arith.constant 0 : i32
          %dma_wait3A_61 = tpu.memref_slice %arg4[%scan3A_5, %arg1, %scan3A_16, %dma_wait3A_59, %dma_wait3A_60] : memref<6x16x5x25x80xi32, #tpu.memory_space<hbm>> -> memref<1x1x1x25x80xi32, #tpu.memory_space<hbm>>
          %dma_wait3A_62 = tpu.memref_squeeze %dma_wait3A_61 : memref<1x1x1x25x80xi32, #tpu.memory_space<hbm>> -> memref<25x80xi32, #tpu.memory_space<hbm>>
          tpu.wait_dma2 semaphore(%run_scoped3A_46 : memref<!tpu.dma_semaphore, #tpu.memory_space<semaphore_mem>>) src(%dma_wait3A_62 : memref<25x80xi32, #tpu.memory_space<hbm>>) dst(%arg8 : memref<25x80xi32, #tpu.memory_space<vmem>>)
          tpu.yield
        }) : () -> ()
        %dma_start3A = arith.constant 0 : i32
        %dma_start3A_17 = arith.constant 0 : i32
        %dma_start3A_18 = arith.constant 0 : i32
        %dma_start3A_19 = arith.constant 0 : i32
        %dma_start3A_20 = tpu.memref_slice %arg9[%dma_start3A_17, %dma_start3A_18, %dma_start3A_19] : memref<3x80x128xf32, #tpu.memory_space<vmem>> -> memref<1x80x128xf32, #tpu.memory_space<vmem>>
        %dma_start3A_21 = tpu.memref_squeeze %dma_start3A_20 : memref<1x80x128xf32, #tpu.memory_space<vmem>> -> memref<80x128xf32, #tpu.memory_space<vmem>>
        %dma_start3A_22 = arith.constant 0 : i32
        %dma_start3A_23 = tpu.memref_slice %arg7[%dma_start3A, %dma_start3A_22] : memref<25x80xi32, #tpu.memory_space<vmem>> -> memref<1x80xi32, #tpu.memory_space<vmem>>
        %dma_start3A_24 = tpu.memref_squeeze %dma_start3A_23 : memref<1x80xi32, #tpu.memory_space<vmem>> -> memref<80xi32, #tpu.memory_space<vmem>>
        %dma_start3A_25 = arith.constant 0 : i32
        %dma_start3A_26 = arith.constant 0 : i32
        %dma_start3A_27 = tpu.memref_slice %arg2[%dma_start3A_25, %dma_start3A_26] : memref<120000x128xf32, #tpu.memory_space<hbm>> -> memref<120000x128xf32, #tpu.memory_space<hbm>>
        tpu.enqueue_indirect_dma source(%dma_start3A_27 : memref<120000x128xf32, #tpu.memory_space<hbm>>) target(%dma_start3A_21 : memref<80x128xf32, #tpu.memory_space<vmem>>) offsets(%dma_start3A_24 : memref<80xi32, #tpu.memory_space<vmem>>) semaphore(%arg11 : memref<!tpu.dma_semaphore, #tpu.memory_space<semaphore_mem>>)
        %scan3A_28 = arith.constant 0 : i32
        %scan3A_29 = arith.constant 0 : i32
        %scan3A_30 = arith.constant 12 : i32
        %scan3A_31 = arith.addi %scan3A_29, %scan3A_30 : i32
        %scan3A_32 = arith.constant 1 : i32
        scf.for %scan3A_46 = %scan3A_29 to %scan3A_31 step %scan3A_32  : i32 {
          %mul3A_47 = arith.constant 2 : i32
          %mul3A_48 = arith.muli %mul3A_47, %scan3A_46 : i32
          %add3A = arith.constant 1 : i32
          %add3A_49 = arith.addi %mul3A_48, %add3A : i32
          %dma_start3A_50 = arith.constant 1 : i32
          %dma_start3A_51 = arith.constant 0 : i32
          %dma_start3A_52 = arith.constant 0 : i32
          %dma_start3A_53 = tpu.memref_slice %arg9[%dma_start3A_50, %dma_start3A_51, %dma_start3A_52] : memref<3x80x128xf32, #tpu.memory_space<vmem>> -> memref<1x80x128xf32, #tpu.memory_space<vmem>>
          %dma_start3A_54 = tpu.memref_squeeze %dma_start3A_53 : memref<1x80x128xf32, #tpu.memory_space<vmem>> -> memref<80x128xf32, #tpu.memory_space<vmem>>
          %dma_start3A_55 = arith.constant 0 : i32
          %dma_start3A_56 = tpu.memref_slice %arg7[%add3A_49, %dma_start3A_55] : memref<25x80xi32, #tpu.memory_space<vmem>> -> memref<1x80xi32, #tpu.memory_space<vmem>>
          %dma_start3A_57 = tpu.memref_squeeze %dma_start3A_56 : memref<1x80xi32, #tpu.memory_space<vmem>> -> memref<80xi32, #tpu.memory_space<vmem>>
          %dma_start3A_58 = arith.constant 0 : i32
          %dma_start3A_59 = arith.constant 0 : i32
          %dma_start3A_60 = tpu.memref_slice %arg2[%dma_start3A_58, %dma_start3A_59] : memref<120000x128xf32, #tpu.memory_space<hbm>> -> memref<120000x128xf32, #tpu.memory_space<hbm>>
          tpu.enqueue_indirect_dma source(%dma_start3A_60 : memref<120000x128xf32, #tpu.memory_space<hbm>>) target(%dma_start3A_54 : memref<80x128xf32, #tpu.memory_space<vmem>>) offsets(%dma_start3A_57 : memref<80xi32, #tpu.memory_space<vmem>>) semaphore(%arg12 : memref<!tpu.dma_semaphore, #tpu.memory_space<semaphore_mem>>)
          %mul3A_61 = arith.constant 2 : i32
          %mul3A_62 = arith.muli %mul3A_61, %scan3A_46 : i32
          %dma_wait3A_63 = arith.constant 0 : i32
          %dma_wait3A_64 = arith.constant 0 : i32
          %dma_wait3A_65 = arith.constant 0 : i32
          %dma_wait3A_66 = arith.constant 0 : i32
          %dma_wait3A_67 = tpu.memref_slice %arg9[%dma_wait3A_64, %dma_wait3A_65, %dma_wait3A_66] : memref<3x80x128xf32, #tpu.memory_space<vmem>> -> memref<1x80x128xf32, #tpu.memory_space<vmem>>
          %dma_wait3A_68 = tpu.memref_squeeze %dma_wait3A_67 : memref<1x80x128xf32, #tpu.memory_space<vmem>> -> memref<80x128xf32, #tpu.memory_space<vmem>>
          %dma_wait3A_69 = arith.constant 0 : i32
          %dma_wait3A_70 = tpu.memref_slice %arg7[%dma_wait3A_63, %dma_wait3A_69] : memref<25x80xi32, #tpu.memory_space<vmem>> -> memref<1x80xi32, #tpu.memory_space<vmem>>
          %dma_wait3A_71 = tpu.memref_squeeze %dma_wait3A_70 : memref<1x80xi32, #tpu.memory_space<vmem>> -> memref<80xi32, #tpu.memory_space<vmem>>
          %dma_wait3A_72 = arith.constant 0 : i32
          %dma_wait3A_73 = arith.constant 0 : i32
          %dma_wait3A_74 = tpu.memref_slice %arg2[%dma_wait3A_72, %dma_wait3A_73] : memref<120000x128xf32, #tpu.memory_space<hbm>> -> memref<120000x128xf32, #tpu.memory_space<hbm>>
          tpu.wait_indirect_dma semaphore(%arg11 : memref<!tpu.dma_semaphore, #tpu.memory_space<semaphore_mem>>) src(%dma_wait3A_74 : memref<120000x128xf32, #tpu.memory_space<hbm>>) dst(%dma_wait3A_68 : memref<80x128xf32, #tpu.memory_space<vmem>>)
          %run_scoped3A_75 = arith.constant 0 : i32
          "tpu.region"() ({
            %run_scoped3A_108 = tpu.sem_alloc : memref<!tpu.dma_semaphore, #tpu.memory_space<semaphore_mem>>
            %dma_start3A_109 = arith.constant 0 : i32
            %dma_start3A_110 = arith.constant 0 : i32
            %dma_start3A_111 = tpu.memref_slice %arg9[%run_scoped3A_75, %dma_start3A_109, %dma_start3A_110] : memref<3x80x128xf32, #tpu.memory_space<vmem>> -> memref<1x80x128xf32, #tpu.memory_space<vmem>>
            %dma_start3A_112 = tpu.memref_squeeze %dma_start3A_111 : memref<1x80x128xf32, #tpu.memory_space<vmem>> -> memref<80x128xf32, #tpu.memory_space<vmem>>
            %dma_start3A_113 = arith.constant 0 : i32
            %dma_start3A_114 = tpu.memref_slice %arg8[%mul3A_62, %dma_start3A_113] : memref<25x80xi32, #tpu.memory_space<vmem>> -> memref<1x80xi32, #tpu.memory_space<vmem>>
            %dma_start3A_115 = tpu.memref_squeeze %dma_start3A_114 : memref<1x80xi32, #tpu.memory_space<vmem>> -> memref<80xi32, #tpu.memory_space<vmem>>
            %dma_start3A_116 = arith.constant 0 : i32
            %dma_start3A_117 = arith.constant 0 : i32
            %dma_start3A_118 = tpu.memref_slice %arg10[%dma_start3A_116, %dma_start3A_117] : memref<10000x128xf32, #tpu.memory_space<vmem_shared>> -> memref<10000x128xf32, #tpu.memory_space<vmem_shared>>
            tpu.enqueue_indirect_dma source(%dma_start3A_112 : memref<80x128xf32, #tpu.memory_space<vmem>>) target(%dma_start3A_118 : memref<10000x128xf32, #tpu.memory_space<vmem_shared>>) offsets(%dma_start3A_115 : memref<80xi32, #tpu.memory_space<vmem>>) semaphore(%run_scoped3A_108 : memref<!tpu.dma_semaphore, #tpu.memory_space<semaphore_mem>>) {add = true}
            %dma_wait3A_119 = arith.constant 0 : i32
            %dma_wait3A_120 = arith.constant 0 : i32
            %dma_wait3A_121 = tpu.memref_slice %arg9[%run_scoped3A_75, %dma_wait3A_119, %dma_wait3A_120] : memref<3x80x128xf32, #tpu.memory_space<vmem>> -> memref<1x80x128xf32, #tpu.memory_space<vmem>>
            %dma_wait3A_122 = tpu.memref_squeeze %dma_wait3A_121 : memref<1x80x128xf32, #tpu.memory_space<vmem>> -> memref<80x128xf32, #tpu.memory_space<vmem>>
            %dma_wait3A_123 = arith.constant 0 : i32
            %dma_wait3A_124 = tpu.memref_slice %arg8[%mul3A_62, %dma_wait3A_123] : memref<25x80xi32, #tpu.memory_space<vmem>> -> memref<1x80xi32, #tpu.memory_space<vmem>>
            %dma_wait3A_125 = tpu.memref_squeeze %dma_wait3A_124 : memref<1x80xi32, #tpu.memory_space<vmem>> -> memref<80xi32, #tpu.memory_space<vmem>>
            %dma_wait3A_126 = arith.constant 0 : i32
            %dma_wait3A_127 = arith.constant 0 : i32
            %dma_wait3A_128 = tpu.memref_slice %arg10[%dma_wait3A_126, %dma_wait3A_127] : memref<10000x128xf32, #tpu.memory_space<vmem_shared>> -> memref<10000x128xf32, #tpu.memory_space<vmem_shared>>
            tpu.wait_indirect_dma semaphore(%run_scoped3A_108 : memref<!tpu.dma_semaphore, #tpu.memory_space<semaphore_mem>>) src(%dma_wait3A_122 : memref<80x128xf32, #tpu.memory_space<vmem>>) dst(%dma_wait3A_128 : memref<10000x128xf32, #tpu.memory_space<vmem_shared>>)
            tpu.yield
          }) : () -> ()
          %mul3A_76 = arith.constant 2 : i32
          %mul3A_77 = arith.muli %mul3A_76, %scan3A_46 : i32
          %add3A_78 = arith.constant 2 : i32
          %add3A_79 = arith.addi %mul3A_77, %add3A_78 : i32
          %dma_start3A_80 = arith.constant 0 : i32
          %dma_start3A_81 = arith.constant 0 : i32
          %dma_start3A_82 = arith.constant 0 : i32
          %dma_start3A_83 = tpu.memref_slice %arg9[%dma_start3A_80, %dma_start3A_81, %dma_start3A_82] : memref<3x80x128xf32, #tpu.memory_space<vmem>> -> memref<1x80x128xf32, #tpu.memory_space<vmem>>
          %dma_start3A_84 = tpu.memref_squeeze %dma_start3A_83 : memref<1x80x128xf32, #tpu.memory_space<vmem>> -> memref<80x128xf32, #tpu.memory_space<vmem>>
          %dma_start3A_85 = arith.constant 0 : i32
          %dma_start3A_86 = tpu.memref_slice %arg7[%add3A_79, %dma_start3A_85] : memref<25x80xi32, #tpu.memory_space<vmem>> -> memref<1x80xi32, #tpu.memory_space<vmem>>
          %dma_start3A_87 = tpu.memref_squeeze %dma_start3A_86 : memref<1x80xi32, #tpu.memory_space<vmem>> -> memref<80xi32, #tpu.memory_space<vmem>>
          %dma_start3A_88 = arith.constant 0 : i32
          %dma_start3A_89 = arith.constant 0 : i32
          %dma_start3A_90 = tpu.memref_slice %arg2[%dma_start3A_88, %dma_start3A_89] : memref<120000x128xf32, #tpu.memory_space<hbm>> -> memref<120000x128xf32, #tpu.memory_space<hbm>>
          tpu.enqueue_indirect_dma source(%dma_start3A_90 : memref<120000x128xf32, #tpu.memory_space<hbm>>) target(%dma_start3A_84 : memref<80x128xf32, #tpu.memory_space<vmem>>) offsets(%dma_start3A_87 : memref<80xi32, #tpu.memory_space<vmem>>) semaphore(%arg11 : memref<!tpu.dma_semaphore, #tpu.memory_space<semaphore_mem>>)
          %mul3A_91 = arith.constant 2 : i32
          %mul3A_92 = arith.muli %mul3A_91, %scan3A_46 : i32
          %add3A_93 = arith.constant 1 : i32
          %add3A_94 = arith.addi %mul3A_92, %add3A_93 : i32
          %dma_wait3A_95 = arith.constant 0 : i32
          %dma_wait3A_96 = arith.constant 1 : i32
          %dma_wait3A_97 = arith.constant 0 : i32
          %dma_wait3A_98 = arith.constant 0 : i32
          %dma_wait3A_99 = tpu.memref_slice %arg9[%dma_wait3A_96, %dma_wait3A_97, %dma_wait3A_98] : memref<3x80x128xf32, #tpu.memory_space<vmem>> -> memref<1x80x128xf32, #tpu.memory_space<vmem>>
          %dma_wait3A_100 = tpu.memref_squeeze %dma_wait3A_99 : memref<1x80x128xf32, #tpu.memory_space<vmem>> -> memref<80x128xf32, #tpu.memory_space<vmem>>
          %dma_wait3A_101 = arith.constant 0 : i32
          %dma_wait3A_102 = tpu.memref_slice %arg7[%dma_wait3A_95, %dma_wait3A_101] : memref<25x80xi32, #tpu.memory_space<vmem>> -> memref<1x80xi32, #tpu.memory_space<vmem>>
          %dma_wait3A_103 = tpu.memref_squeeze %dma_wait3A_102 : memref<1x80xi32, #tpu.memory_space<vmem>> -> memref<80xi32, #tpu.memory_space<vmem>>
          %dma_wait3A_104 = arith.constant 0 : i32
          %dma_wait3A_105 = arith.constant 0 : i32
          %dma_wait3A_106 = tpu.memref_slice %arg2[%dma_wait3A_104, %dma_wait3A_105] : memref<120000x128xf32, #tpu.memory_space<hbm>> -> memref<120000x128xf32, #tpu.memory_space<hbm>>
          tpu.wait_indirect_dma semaphore(%arg12 : memref<!tpu.dma_semaphore, #tpu.memory_space<semaphore_mem>>) src(%dma_wait3A_106 : memref<120000x128xf32, #tpu.memory_space<hbm>>) dst(%dma_wait3A_100 : memref<80x128xf32, #tpu.memory_space<vmem>>)
          %run_scoped3A_107 = arith.constant 1 : i32
          "tpu.region"() ({
            %run_scoped3A_108 = tpu.sem_alloc : memref<!tpu.dma_semaphore, #tpu.memory_space<semaphore_mem>>
            %dma_start3A_109 = arith.constant 0 : i32
            %dma_start3A_110 = arith.constant 0 : i32
            %dma_start3A_111 = tpu.memref_slice %arg9[%run_scoped3A_107, %dma_start3A_109, %dma_start3A_110] : memref<3x80x128xf32, #tpu.memory_space<vmem>> -> memref<1x80x128xf32, #tpu.memory_space<vmem>>
            %dma_start3A_112 = tpu.memref_squeeze %dma_start3A_111 : memref<1x80x128xf32, #tpu.memory_space<vmem>> -> memref<80x128xf32, #tpu.memory_space<vmem>>
            %dma_start3A_113 = arith.constant 0 : i32
            %dma_start3A_114 = tpu.memref_slice %arg8[%add3A_94, %dma_start3A_113] : memref<25x80xi32, #tpu.memory_space<vmem>> -> memref<1x80xi32, #tpu.memory_space<vmem>>
            %dma_start3A_115 = tpu.memref_squeeze %dma_start3A_114 : memref<1x80xi32, #tpu.memory_space<vmem>> -> memref<80xi32, #tpu.memory_space<vmem>>
            %dma_start3A_116 = arith.constant 0 : i32
            %dma_start3A_117 = arith.constant 0 : i32
            %dma_start3A_118 = tpu.memref_slice %arg10[%dma_start3A_116, %dma_start3A_117] : memref<10000x128xf32, #tpu.memory_space<vmem_shared>> -> memref<10000x128xf32, #tpu.memory_space<vmem_shared>>
            tpu.enqueue_indirect_dma source(%dma_start3A_112 : memref<80x128xf32, #tpu.memory_space<vmem>>) target(%dma_start3A_118 : memref<10000x128xf32, #tpu.memory_space<vmem_shared>>) offsets(%dma_start3A_115 : memref<80xi32, #tpu.memory_space<vmem>>) semaphore(%run_scoped3A_108 : memref<!tpu.dma_semaphore, #tpu.memory_space<semaphore_mem>>) {add = true}
            %dma_wait3A_119 = arith.constant 0 : i32
            %dma_wait3A_120 = arith.constant 0 : i32
            %dma_wait3A_121 = tpu.memref_slice %arg9[%run_scoped3A_107, %dma_wait3A_119, %dma_wait3A_120] : memref<3x80x128xf32, #tpu.memory_space<vmem>> -> memref<1x80x128xf32, #tpu.memory_space<vmem>>
            %dma_wait3A_122 = tpu.memref_squeeze %dma_wait3A_121 : memref<1x80x128xf32, #tpu.memory_space<vmem>> -> memref<80x128xf32, #tpu.memory_space<vmem>>
            %dma_wait3A_123 = arith.constant 0 : i32
            %dma_wait3A_124 = tpu.memref_slice %arg8[%add3A_94, %dma_wait3A_123] : memref<25x80xi32, #tpu.memory_space<vmem>> -> memref<1x80xi32, #tpu.memory_space<vmem>>
            %dma_wait3A_125 = tpu.memref_squeeze %dma_wait3A_124 : memref<1x80xi32, #tpu.memory_space<vmem>> -> memref<80xi32, #tpu.memory_space<vmem>>
            %dma_wait3A_126 = arith.constant 0 : i32
            %dma_wait3A_127 = arith.constant 0 : i32
            %dma_wait3A_128 = tpu.memref_slice %arg10[%dma_wait3A_126, %dma_wait3A_127] : memref<10000x128xf32, #tpu.memory_space<vmem_shared>> -> memref<10000x128xf32, #tpu.memory_space<vmem_shared>>
            tpu.wait_indirect_dma semaphore(%run_scoped3A_108 : memref<!tpu.dma_semaphore, #tpu.memory_space<semaphore_mem>>) src(%dma_wait3A_122 : memref<80x128xf32, #tpu.memory_space<vmem>>) dst(%dma_wait3A_128 : memref<10000x128xf32, #tpu.memory_space<vmem_shared>>)
            tpu.yield
          }) : () -> ()
        }
        %scan3A_33 = arith.constant 12 : i32
        %dma_wait3A = arith.constant 0 : i32
        %dma_wait3A_34 = arith.constant 0 : i32
        %dma_wait3A_35 = arith.constant 0 : i32
        %dma_wait3A_36 = arith.constant 0 : i32
        %dma_wait3A_37 = tpu.memref_slice %arg9[%dma_wait3A_34, %dma_wait3A_35, %dma_wait3A_36] : memref<3x80x128xf32, #tpu.memory_space<vmem>> -> memref<1x80x128xf32, #tpu.memory_space<vmem>>
        %dma_wait3A_38 = tpu.memref_squeeze %dma_wait3A_37 : memref<1x80x128xf32, #tpu.memory_space<vmem>> -> memref<80x128xf32, #tpu.memory_space<vmem>>
        %dma_wait3A_39 = arith.constant 0 : i32
        %dma_wait3A_40 = tpu.memref_slice %arg7[%dma_wait3A, %dma_wait3A_39] : memref<25x80xi32, #tpu.memory_space<vmem>> -> memref<1x80xi32, #tpu.memory_space<vmem>>
        %dma_wait3A_41 = tpu.memref_squeeze %dma_wait3A_40 : memref<1x80xi32, #tpu.memory_space<vmem>> -> memref<80xi32, #tpu.memory_space<vmem>>
        %dma_wait3A_42 = arith.constant 0 : i32
        %dma_wait3A_43 = arith.constant 0 : i32
        %dma_wait3A_44 = tpu.memref_slice %arg2[%dma_wait3A_42, %dma_wait3A_43] : memref<120000x128xf32, #tpu.memory_space<hbm>> -> memref<120000x128xf32, #tpu.memory_space<hbm>>
        tpu.wait_indirect_dma semaphore(%arg11 : memref<!tpu.dma_semaphore, #tpu.memory_space<semaphore_mem>>) src(%dma_wait3A_44 : memref<120000x128xf32, #tpu.memory_space<hbm>>) dst(%dma_wait3A_38 : memref<80x128xf32, #tpu.memory_space<vmem>>)
        %run_scoped3A = arith.constant 0 : i32
        %run_scoped3A_45 = arith.constant 24 : i32
        "tpu.region"() ({
          %run_scoped3A_46 = tpu.sem_alloc : memref<!tpu.dma_semaphore, #tpu.memory_space<semaphore_mem>>
          %dma_start3A_47 = arith.constant 0 : i32
          %dma_start3A_48 = arith.constant 0 : i32
          %dma_start3A_49 = tpu.memref_slice %arg9[%run_scoped3A, %dma_start3A_47, %dma_start3A_48] : memref<3x80x128xf32, #tpu.memory_space<vmem>> -> memref<1x80x128xf32, #tpu.memory_space<vmem>>
          %dma_start3A_50 = tpu.memref_squeeze %dma_start3A_49 : memref<1x80x128xf32, #tpu.memory_space<vmem>> -> memref<80x128xf32, #tpu.memory_space<vmem>>
          %dma_start3A_51 = arith.constant 0 : i32
          %dma_start3A_52 = tpu.memref_slice %arg8[%run_scoped3A_45, %dma_start3A_51] : memref<25x80xi32, #tpu.memory_space<vmem>> -> memref<1x80xi32, #tpu.memory_space<vmem>>
          %dma_start3A_53 = tpu.memref_squeeze %dma_start3A_52 : memref<1x80xi32, #tpu.memory_space<vmem>> -> memref<80xi32, #tpu.memory_space<vmem>>
          %dma_start3A_54 = arith.constant 0 : i32
          %dma_start3A_55 = arith.constant 0 : i32
          %dma_start3A_56 = tpu.memref_slice %arg10[%dma_start3A_54, %dma_start3A_55] : memref<10000x128xf32, #tpu.memory_space<vmem_shared>> -> memref<10000x128xf32, #tpu.memory_space<vmem_shared>>
          tpu.enqueue_indirect_dma source(%dma_start3A_50 : memref<80x128xf32, #tpu.memory_space<vmem>>) target(%dma_start3A_56 : memref<10000x128xf32, #tpu.memory_space<vmem_shared>>) offsets(%dma_start3A_53 : memref<80xi32, #tpu.memory_space<vmem>>) semaphore(%run_scoped3A_46 : memref<!tpu.dma_semaphore, #tpu.memory_space<semaphore_mem>>) {add = true}
          %dma_wait3A_57 = arith.constant 0 : i32
          %dma_wait3A_58 = arith.constant 0 : i32
          %dma_wait3A_59 = tpu.memref_slice %arg9[%run_scoped3A, %dma_wait3A_57, %dma_wait3A_58] : memref<3x80x128xf32, #tpu.memory_space<vmem>> -> memref<1x80x128xf32, #tpu.memory_space<vmem>>
          %dma_wait3A_60 = tpu.memref_squeeze %dma_wait3A_59 : memref<1x80x128xf32, #tpu.memory_space<vmem>> -> memref<80x128xf32, #tpu.memory_space<vmem>>
          %dma_wait3A_61 = arith.constant 0 : i32
          %dma_wait3A_62 = tpu.memref_slice %arg8[%run_scoped3A_45, %dma_wait3A_61] : memref<25x80xi32, #tpu.memory_space<vmem>> -> memref<1x80xi32, #tpu.memory_space<vmem>>
          %dma_wait3A_63 = tpu.memref_squeeze %dma_wait3A_62 : memref<1x80xi32, #tpu.memory_space<vmem>> -> memref<80xi32, #tpu.memory_space<vmem>>
          %dma_wait3A_64 = arith.constant 0 : i32
          %dma_wait3A_65 = arith.constant 0 : i32
          %dma_wait3A_66 = tpu.memref_slice %arg10[%dma_wait3A_64, %dma_wait3A_65] : memref<10000x128xf32, #tpu.memory_space<vmem_shared>> -> memref<10000x128xf32, #tpu.memory_space<vmem_shared>>
          tpu.wait_indirect_dma semaphore(%run_scoped3A_46 : memref<!tpu.dma_semaphore, #tpu.memory_space<semaphore_mem>>) src(%dma_wait3A_60 : memref<80x128xf32, #tpu.memory_space<vmem>>) dst(%dma_wait3A_66 : memref<10000x128xf32, #tpu.memory_space<vmem_shared>>)
          tpu.yield
        }) : () -> ()
      }
      %scan3A_12 = arith.constant 5 : i32
      %barrier3A_13 = arith.constant 0 : index
      tpu.barrier barrier_id(%barrier3A_13)
      %mul3A_14 = arith.constant 625 : i32
      %mul3A_15 = arith.muli %arg1, %mul3A_14 : i32
      "tpu.region"() ({
        %run_scoped3A = tpu.sem_alloc : memref<!tpu.dma_semaphore, #tpu.memory_space<semaphore_mem>>
        %dma_start3A = arith.constant 0 : i32
        %dma_start3A_16 = arith.constant 0 : i32
        %dma_start3A_17 = tpu.memref_slice %arg6[%arg0, %scan3A_5, %arg1, %dma_start3A, %dma_start3A_16] : memref<2x6x16x625x128xf32, #tpu.memory_space<hbm>> -> memref<1x1x1x625x128xf32, #tpu.memory_space<hbm>>
        %dma_start3A_18 = tpu.memref_squeeze %dma_start3A_17 : memref<1x1x1x625x128xf32, #tpu.memory_space<hbm>> -> memref<625x128xf32, #tpu.memory_space<hbm>>
        %dma_start3A_19 = arith.constant 0 : i32
        %dma_start3A_20 = tpu.memref_slice %arg10[%mul3A_15, %dma_start3A_19] : memref<10000x128xf32, #tpu.memory_space<vmem_shared>> -> memref<625x128xf32, #tpu.memory_space<vmem_shared>>
        tpu.enqueue_dma source(%dma_start3A_20 : memref<625x128xf32, #tpu.memory_space<vmem_shared>>) target(%dma_start3A_18 : memref<625x128xf32, #tpu.memory_space<hbm>>) target_semaphore(%run_scoped3A : memref<!tpu.dma_semaphore, #tpu.memory_space<semaphore_mem>>)
        %dma_wait3A = arith.constant 0 : i32
        %dma_wait3A_21 = arith.constant 0 : i32
        %dma_wait3A_22 = tpu.memref_slice %arg6[%arg0, %scan3A_5, %arg1, %dma_wait3A, %dma_wait3A_21] : memref<2x6x16x625x128xf32, #tpu.memory_space<hbm>> -> memref<1x1x1x625x128xf32, #tpu.memory_space<hbm>>
        %dma_wait3A_23 = tpu.memref_squeeze %dma_wait3A_22 : memref<1x1x1x625x128xf32, #tpu.memory_space<hbm>> -> memref<625x128xf32, #tpu.memory_space<hbm>>
        %dma_wait3A_24 = arith.constant 0 : i32
        %dma_wait3A_25 = tpu.memref_slice %arg10[%mul3A_15, %dma_wait3A_24] : memref<10000x128xf32, #tpu.memory_space<vmem_shared>> -> memref<625x128xf32, #tpu.memory_space<vmem_shared>>
        tpu.wait_dma2 semaphore(%run_scoped3A : memref<!tpu.dma_semaphore, #tpu.memory_space<semaphore_mem>>) src(%dma_wait3A_25 : memref<625x128xf32, #tpu.memory_space<vmem_shared>>) dst(%dma_wait3A_23 : memref<625x128xf32, #tpu.memory_space<hbm>>)
        tpu.yield
      }) : () -> ()
    }
    %scan3A_4 = arith.constant 6 : i32
    return
  }
}

#map = affine_map<(d0, d1) -> (0, 0, 0, 0, 0)>
#map1 = affine_map<(d0, d1) -> (0, 0)>
#map2 = affine_map<(d0, d1) -> (0, 0, 0, 0)>
module attributes {stable_mosaic.version = 14 : i64} {
  func.func @deg_k(%arg0: i32, %arg1: i32, %arg2: memref<6x16x5x25x80xi32, #tpu.memory_space<hbm>>, %arg3: memref<80x128xf32, #tpu.memory_space<hbm>>, %arg4: memref<625x128xf32, #tpu.memory_space<hbm>>, %arg5: memref<6x16x625x128xf32, #tpu.memory_space<hbm>>, %arg6: memref<25x80xi32, #tpu.memory_space<vmem>>, %arg7: memref<80x128xf32, #tpu.memory_space<vmem>>, %arg8: memref<10000x128xf32, #tpu.memory_space<vmem_shared>>, %arg9: memref<!tpu.dma_semaphore, #tpu.memory_space<semaphore_mem>>) attributes {dimension_semantics = [#tpu.dimension_semantics<core_parallel>, #tpu.dimension_semantics<subcore_parallel>], iteration_bounds = array<i64: 2, 16>, scalar_prefetch = 0 : i64, scratch_operands = 4 : i64, tpu.core_type = #tpu.core_type<sc_vector_subcore>, window_params = [{transform_indices = #map}, {transform_indices = #map1}, {transform_indices = #map1}, {transform_indices = #map2}]} {
    "tpu.region"() ({
      %run_scoped3A = tpu.sem_alloc : memref<!tpu.dma_semaphore, #tpu.memory_space<semaphore_mem>>
      tpu.enqueue_dma source(%arg3 : memref<80x128xf32, #tpu.memory_space<hbm>>) target(%arg7 : memref<80x128xf32, #tpu.memory_space<vmem>>) target_semaphore(%run_scoped3A : memref<!tpu.dma_semaphore, #tpu.memory_space<semaphore_mem>>)
      tpu.wait_dma2 semaphore(%run_scoped3A : memref<!tpu.dma_semaphore, #tpu.memory_space<semaphore_mem>>) src(%arg3 : memref<80x128xf32, #tpu.memory_space<hbm>>) dst(%arg7 : memref<80x128xf32, #tpu.memory_space<vmem>>)
      tpu.yield
    }) : () -> ()
    %scan3A = arith.constant 0 : i32
    %scan3A_0 = arith.constant 0 : i32
    %scan3A_1 = arith.constant 3 : i32
    %scan3A_2 = arith.addi %scan3A_0, %scan3A_1 : i32
    %scan3A_3 = arith.constant 1 : i32
    scf.for %scan3A_5 = %scan3A_0 to %scan3A_2 step %scan3A_3  : i32 {
      %mul3A = arith.constant 3 : i32
      %mul3A_6 = arith.muli %arg0, %mul3A : i32
      %add3A = arith.addi %mul3A_6, %scan3A_5 : i32
      %mul3A_7 = arith.constant 625 : i32
      %mul3A_8 = arith.muli %arg1, %mul3A_7 : i32
      "tpu.region"() ({
        %run_scoped3A = tpu.sem_alloc : memref<!tpu.dma_semaphore, #tpu.memory_space<semaphore_mem>>
        %dma_start3A = arith.constant 0 : i32
        %dma_start3A_18 = tpu.memref_slice %arg8[%mul3A_8, %dma_start3A] : memref<10000x128xf32, #tpu.memory_space<vmem_shared>> -> memref<625x128xf32, #tpu.memory_space<vmem_shared>>
        tpu.enqueue_dma source(%arg4 : memref<625x128xf32, #tpu.memory_space<hbm>>) target(%dma_start3A_18 : memref<625x128xf32, #tpu.memory_space<vmem_shared>>) target_semaphore(%run_scoped3A : memref<!tpu.dma_semaphore, #tpu.memory_space<semaphore_mem>>)
        %dma_wait3A = arith.constant 0 : i32
        %dma_wait3A_19 = tpu.memref_slice %arg8[%mul3A_8, %dma_wait3A] : memref<10000x128xf32, #tpu.memory_space<vmem_shared>> -> memref<625x128xf32, #tpu.memory_space<vmem_shared>>
        tpu.wait_dma2 semaphore(%run_scoped3A : memref<!tpu.dma_semaphore, #tpu.memory_space<semaphore_mem>>) src(%arg4 : memref<625x128xf32, #tpu.memory_space<hbm>>) dst(%dma_wait3A_19 : memref<625x128xf32, #tpu.memory_space<vmem_shared>>)
        tpu.yield
      }) : () -> ()
      %barrier3A = arith.constant 0 : index
      tpu.barrier barrier_id(%barrier3A)
      %scan3A_9 = arith.constant 0 : i32
      %scan3A_10 = arith.constant 0 : i32
      %scan3A_11 = arith.constant 5 : i32
      %scan3A_12 = arith.addi %scan3A_10, %scan3A_11 : i32
      %scan3A_13 = arith.constant 1 : i32
      scf.for %scan3A_18 = %scan3A_10 to %scan3A_12 step %scan3A_13  : i32 {
        "tpu.region"() ({
          %run_scoped3A = tpu.sem_alloc : memref<!tpu.dma_semaphore, #tpu.memory_space<semaphore_mem>>
          %dma_start3A = arith.constant 0 : i32
          %dma_start3A_31 = arith.constant 0 : i32
          %dma_start3A_32 = tpu.memref_slice %arg2[%add3A, %arg1, %scan3A_18, %dma_start3A, %dma_start3A_31] : memref<6x16x5x25x80xi32, #tpu.memory_space<hbm>> -> memref<1x1x1x25x80xi32, #tpu.memory_space<hbm>>
          %dma_start3A_33 = tpu.memref_squeeze %dma_start3A_32 : memref<1x1x1x25x80xi32, #tpu.memory_space<hbm>> -> memref<25x80xi32, #tpu.memory_space<hbm>>
          %dma_start3A_34 = arith.constant 0 : i32
          %dma_start3A_35 = arith.constant 0 : i32
          %dma_start3A_36 = tpu.memref_slice %arg2[%add3A, %arg1, %scan3A_18, %dma_start3A_34, %dma_start3A_35] : memref<6x16x5x25x80xi32, #tpu.memory_space<hbm>> -> memref<1x1x1x25x80xi32, #tpu.memory_space<hbm>>
          %dma_start3A_37 = tpu.memref_squeeze %dma_start3A_36 : memref<1x1x1x25x80xi32, #tpu.memory_space<hbm>> -> memref<25x80xi32, #tpu.memory_space<hbm>>
          tpu.enqueue_dma source(%dma_start3A_37 : memref<25x80xi32, #tpu.memory_space<hbm>>) target(%arg6 : memref<25x80xi32, #tpu.memory_space<vmem>>) target_semaphore(%run_scoped3A : memref<!tpu.dma_semaphore, #tpu.memory_space<semaphore_mem>>)
          %dma_wait3A = arith.constant 0 : i32
          %dma_wait3A_38 = arith.constant 0 : i32
          %dma_wait3A_39 = tpu.memref_slice %arg2[%add3A, %arg1, %scan3A_18, %dma_wait3A, %dma_wait3A_38] : memref<6x16x5x25x80xi32, #tpu.memory_space<hbm>> -> memref<1x1x1x25x80xi32, #tpu.memory_space<hbm>>
          %dma_wait3A_40 = tpu.memref_squeeze %dma_wait3A_39 : memref<1x1x1x25x80xi32, #tpu.memory_space<hbm>> -> memref<25x80xi32, #tpu.memory_space<hbm>>
          %dma_wait3A_41 = arith.constant 0 : i32
          %dma_wait3A_42 = arith.constant 0 : i32
          %dma_wait3A_43 = tpu.memref_slice %arg2[%add3A, %arg1, %scan3A_18, %dma_wait3A_41, %dma_wait3A_42] : memref<6x16x5x25x80xi32, #tpu.memory_space<hbm>> -> memref<1x1x1x25x80xi32, #tpu.memory_space<hbm>>
          %dma_wait3A_44 = tpu.memref_squeeze %dma_wait3A_43 : memref<1x1x1x25x80xi32, #tpu.memory_space<hbm>> -> memref<25x80xi32, #tpu.memory_space<hbm>>
          tpu.wait_dma2 semaphore(%run_scoped3A : memref<!tpu.dma_semaphore, #tpu.memory_space<semaphore_mem>>) src(%dma_wait3A_44 : memref<25x80xi32, #tpu.memory_space<hbm>>) dst(%arg6 : memref<25x80xi32, #tpu.memory_space<vmem>>)
          tpu.yield
        }) : () -> ()
        %scan3A_19 = arith.constant 0 : i32
        %scan3A_20 = arith.constant 0 : i32
        %scan3A_21 = arith.constant 25 : i32
        %scan3A_22 = arith.addi %scan3A_20, %scan3A_21 : i32
        %scan3A_23 = arith.constant 1 : i32
        scf.for %scan3A_31 = %scan3A_20 to %scan3A_22 step %scan3A_23  : i32 {
          %dma_start3A = arith.constant 0 : i32
          %dma_start3A_32 = tpu.memref_slice %arg6[%scan3A_31, %dma_start3A] : memref<25x80xi32, #tpu.memory_space<vmem>> -> memref<1x80xi32, #tpu.memory_space<vmem>>
          %dma_start3A_33 = tpu.memref_squeeze %dma_start3A_32 : memref<1x80xi32, #tpu.memory_space<vmem>> -> memref<80xi32, #tpu.memory_space<vmem>>
          %dma_start3A_34 = arith.constant 0 : i32
          %dma_start3A_35 = arith.constant 0 : i32
          %dma_start3A_36 = tpu.memref_slice %arg8[%dma_start3A_34, %dma_start3A_35] : memref<10000x128xf32, #tpu.memory_space<vmem_shared>> -> memref<10000x128xf32, #tpu.memory_space<vmem_shared>>
          tpu.enqueue_indirect_dma source(%arg7 : memref<80x128xf32, #tpu.memory_space<vmem>>) target(%dma_start3A_36 : memref<10000x128xf32, #tpu.memory_space<vmem_shared>>) offsets(%dma_start3A_33 : memref<80xi32, #tpu.memory_space<vmem>>) semaphore(%arg9 : memref<!tpu.dma_semaphore, #tpu.memory_space<semaphore_mem>>) {add = true}
        }
        %scan3A_24 = arith.constant 25 : i32
        %scan3A_25 = arith.constant 0 : i32
        %scan3A_26 = arith.constant 0 : i32
        %scan3A_27 = arith.constant 25 : i32
        %scan3A_28 = arith.addi %scan3A_26, %scan3A_27 : i32
        %scan3A_29 = arith.constant 1 : i32
        scf.for %scan3A_31 = %scan3A_26 to %scan3A_28 step %scan3A_29  : i32 {
          %dma_wait3A = arith.constant 0 : i32
          %dma_wait3A_32 = arith.constant 0 : i32
          %dma_wait3A_33 = tpu.memref_slice %arg6[%dma_wait3A, %dma_wait3A_32] : memref<25x80xi32, #tpu.memory_space<vmem>> -> memref<1x80xi32, #tpu.memory_space<vmem>>
          %dma_wait3A_34 = tpu.memref_squeeze %dma_wait3A_33 : memref<1x80xi32, #tpu.memory_space<vmem>> -> memref<80xi32, #tpu.memory_space<vmem>>
          %dma_wait3A_35 = arith.constant 0 : i32
          %dma_wait3A_36 = arith.constant 0 : i32
          %dma_wait3A_37 = tpu.memref_slice %arg8[%dma_wait3A_35, %dma_wait3A_36] : memref<10000x128xf32, #tpu.memory_space<vmem_shared>> -> memref<10000x128xf32, #tpu.memory_space<vmem_shared>>
          tpu.wait_indirect_dma semaphore(%arg9 : memref<!tpu.dma_semaphore, #tpu.memory_space<semaphore_mem>>) src(%arg7 : memref<80x128xf32, #tpu.memory_space<vmem>>) dst(%dma_wait3A_37 : memref<10000x128xf32, #tpu.memory_space<vmem_shared>>)
        }
        %scan3A_30 = arith.constant 25 : i32
      }
      %scan3A_14 = arith.constant 5 : i32
      %barrier3A_15 = arith.constant 0 : index
      tpu.barrier barrier_id(%barrier3A_15)
      %mul3A_16 = arith.constant 625 : i32
      %mul3A_17 = arith.muli %arg1, %mul3A_16 : i32
      "tpu.region"() ({
        %run_scoped3A = tpu.sem_alloc : memref<!tpu.dma_semaphore, #tpu.memory_space<semaphore_mem>>
        %dma_start3A = arith.constant 0 : i32
        %dma_start3A_18 = arith.constant 0 : i32
        %dma_start3A_19 = tpu.memref_slice %arg5[%add3A, %arg1, %dma_start3A, %dma_start3A_18] : memref<6x16x625x128xf32, #tpu.memory_space<hbm>> -> memref<1x1x625x128xf32, #tpu.memory_space<hbm>>
        %dma_start3A_20 = tpu.memref_squeeze %dma_start3A_19 : memref<1x1x625x128xf32, #tpu.memory_space<hbm>> -> memref<625x128xf32, #tpu.memory_space<hbm>>
        %dma_start3A_21 = arith.constant 0 : i32
        %dma_start3A_22 = tpu.memref_slice %arg8[%mul3A_17, %dma_start3A_21] : memref<10000x128xf32, #tpu.memory_space<vmem_shared>> -> memref<625x128xf32, #tpu.memory_space<vmem_shared>>
        tpu.enqueue_dma source(%dma_start3A_22 : memref<625x128xf32, #tpu.memory_space<vmem_shared>>) target(%dma_start3A_20 : memref<625x128xf32, #tpu.memory_space<hbm>>) target_semaphore(%run_scoped3A : memref<!tpu.dma_semaphore, #tpu.memory_space<semaphore_mem>>)
        %dma_wait3A = arith.constant 0 : i32
        %dma_wait3A_23 = arith.constant 0 : i32
        %dma_wait3A_24 = tpu.memref_slice %arg5[%add3A, %arg1, %dma_wait3A, %dma_wait3A_23] : memref<6x16x625x128xf32, #tpu.memory_space<hbm>> -> memref<1x1x625x128xf32, #tpu.memory_space<hbm>>
        %dma_wait3A_25 = tpu.memref_squeeze %dma_wait3A_24 : memref<1x1x625x128xf32, #tpu.memory_space<hbm>> -> memref<625x128xf32, #tpu.memory_space<hbm>>
        %dma_wait3A_26 = arith.constant 0 : i32
        %dma_wait3A_27 = tpu.memref_slice %arg8[%mul3A_17, %dma_wait3A_26] : memref<10000x128xf32, #tpu.memory_space<vmem_shared>> -> memref<625x128xf32, #tpu.memory_space<vmem_shared>>
        tpu.wait_dma2 semaphore(%run_scoped3A : memref<!tpu.dma_semaphore, #tpu.memory_space<semaphore_mem>>) src(%dma_wait3A_27 : memref<625x128xf32, #tpu.memory_space<vmem_shared>>) dst(%dma_wait3A_25 : memref<625x128xf32, #tpu.memory_space<hbm>>)
        tpu.yield
      }) : () -> ()
    }
    %scan3A_4 = arith.constant 3 : i32
    return
  }
}

#map = affine_map<(d0, d1) -> (0, 0)>
#map1 = affine_map<(d0, d1) -> (0, 0, 0, 0, 0, 0)>
#map2 = affine_map<(d0, d1) -> (0, 0, 0, 0, 0)>
module attributes {stable_mosaic.version = 14 : i64} {
  func.func @scat_k(%arg0: i32, %arg1: i32, %arg2: memref<120000x128xf32, #tpu.memory_space<hbm>>, %arg3: memref<2x6x16x5x25x80xi32, #tpu.memory_space<hbm>>, %arg4: memref<6x16x5x25x80xi32, #tpu.memory_space<hbm>>, %arg5: memref<625x128xf32, #tpu.memory_space<hbm>>, %arg6: memref<2x6x16x625x128xf32, #tpu.memory_space<hbm>>, %arg7: memref<25x80xi32, #tpu.memory_space<vmem>>, %arg8: memref<25x80xi32, #tpu.memory_space<vmem>>, %arg9: memref<3x80x128xf32, #tpu.memory_space<vmem>>, %arg10: memref<10000x128xf32, #tpu.memory_space<vmem_shared>>, %arg11: memref<!tpu.dma_semaphore, #tpu.memory_space<semaphore_mem>>, %arg12: memref<!tpu.dma_semaphore, #tpu.memory_space<semaphore_mem>>, %arg13: memref<!tpu.dma_semaphore, #tpu.memory_space<semaphore_mem>>, %arg14: memref<!tpu.dma_semaphore, #tpu.memory_space<semaphore_mem>>, %arg15: memref<!tpu.dma_semaphore, #tpu.memory_space<semaphore_mem>>, %arg16: memref<!tpu.dma_semaphore, #tpu.memory_space<semaphore_mem>>) attributes {dimension_semantics = [#tpu.dimension_semantics<core_parallel>, #tpu.dimension_semantics<subcore_parallel>], iteration_bounds = array<i64: 2, 16>, scalar_prefetch = 0 : i64, scratch_operands = 10 : i64, tpu.core_type = #tpu.core_type<sc_vector_subcore>, window_params = [{transform_indices = #map}, {transform_indices = #map1}, {transform_indices = #map2}, {transform_indices = #map}, {transform_indices = #map2}]} {
    %scan3A = arith.constant 0 : i32
    %scan3A_0 = arith.constant 0 : i32
    %scan3A_1 = arith.constant 6 : i32
    %scan3A_2 = arith.addi %scan3A_0, %scan3A_1 : i32
    %scan3A_3 = arith.constant 1 : i32
    scf.for %scan3A_5 = %scan3A_0 to %scan3A_2 step %scan3A_3  : i32 {
      %mul3A = arith.constant 625 : i32
      %mul3A_6 = arith.muli %arg1, %mul3A : i32
      "tpu.region"() ({
        %run_scoped3A = tpu.sem_alloc : memref<!tpu.dma_semaphore, #tpu.memory_space<semaphore_mem>>
        %dma_start3A = arith.constant 0 : i32
        %dma_start3A_16 = tpu.memref_slice %arg10[%mul3A_6, %dma_start3A] : memref<10000x128xf32, #tpu.memory_space<vmem_shared>> -> memref<625x128xf32, #tpu.memory_space<vmem_shared>>
        tpu.enqueue_dma source(%arg5 : memref<625x128xf32, #tpu.memory_space<hbm>>) target(%dma_start3A_16 : memref<625x128xf32, #tpu.memory_space<vmem_shared>>) target_semaphore(%run_scoped3A : memref<!tpu.dma_semaphore, #tpu.memory_space<semaphore_mem>>)
        %dma_wait3A = arith.constant 0 : i32
        %dma_wait3A_17 = tpu.memref_slice %arg10[%mul3A_6, %dma_wait3A] : memref<10000x128xf32, #tpu.memory_space<vmem_shared>> -> memref<625x128xf32, #tpu.memory_space<vmem_shared>>
        tpu.wait_dma2 semaphore(%run_scoped3A : memref<!tpu.dma_semaphore, #tpu.memory_space<semaphore_mem>>) src(%arg5 : memref<625x128xf32, #tpu.memory_space<hbm>>) dst(%dma_wait3A_17 : memref<625x128xf32, #tpu.memory_space<vmem_shared>>)
        tpu.yield
      }) : () -> ()
      %barrier3A = arith.constant 0 : index
      tpu.barrier barrier_id(%barrier3A)
      %scan3A_7 = arith.constant 0 : i32
      %scan3A_8 = arith.constant 0 : i32
      %scan3A_9 = arith.constant 5 : i32
      %scan3A_10 = arith.addi %scan3A_8, %scan3A_9 : i32
      %scan3A_11 = arith.constant 1 : i32
      scf.for %scan3A_16 = %scan3A_8 to %scan3A_10 step %scan3A_11  : i32 {
        "tpu.region"() ({
          %run_scoped3A_46 = tpu.sem_alloc : memref<!tpu.dma_semaphore, #tpu.memory_space<semaphore_mem>>
          %dma_start3A_47 = arith.constant 0 : i32
          %dma_start3A_48 = arith.constant 0 : i32
          %dma_start3A_49 = tpu.memref_slice %arg3[%arg0, %scan3A_5, %arg1, %scan3A_16, %dma_start3A_47, %dma_start3A_48] : memref<2x6x16x5x25x80xi32, #tpu.memory_space<hbm>> -> memref<1x1x1x1x25x80xi32, #tpu.memory_space<hbm>>
          %dma_start3A_50 = tpu.memref_squeeze %dma_start3A_49 : memref<1x1x1x1x25x80xi32, #tpu.memory_space<hbm>> -> memref<25x80xi32, #tpu.memory_space<hbm>>
          %dma_start3A_51 = arith.constant 0 : i32
          %dma_start3A_52 = arith.constant 0 : i32
          %dma_start3A_53 = tpu.memref_slice %arg3[%arg0, %scan3A_5, %arg1, %scan3A_16, %dma_start3A_51, %dma_start3A_52] : memref<2x6x16x5x25x80xi32, #tpu.memory_space<hbm>> -> memref<1x1x1x1x25x80xi32, #tpu.memory_space<hbm>>
          %dma_start3A_54 = tpu.memref_squeeze %dma_start3A_53 : memref<1x1x1x1x25x80xi32, #tpu.memory_space<hbm>> -> memref<25x80xi32, #tpu.memory_space<hbm>>
          tpu.enqueue_dma source(%dma_start3A_54 : memref<25x80xi32, #tpu.memory_space<hbm>>) target(%arg7 : memref<25x80xi32, #tpu.memory_space<vmem>>) target_semaphore(%run_scoped3A_46 : memref<!tpu.dma_semaphore, #tpu.memory_space<semaphore_mem>>)
          %dma_wait3A_55 = arith.constant 0 : i32
          %dma_wait3A_56 = arith.constant 0 : i32
          %dma_wait3A_57 = tpu.memref_slice %arg3[%arg0, %scan3A_5, %arg1, %scan3A_16, %dma_wait3A_55, %dma_wait3A_56] : memref<2x6x16x5x25x80xi32, #tpu.memory_space<hbm>> -> memref<1x1x1x1x25x80xi32, #tpu.memory_space<hbm>>
          %dma_wait3A_58 = tpu.memref_squeeze %dma_wait3A_57 : memref<1x1x1x1x25x80xi32, #tpu.memory_space<hbm>> -> memref<25x80xi32, #tpu.memory_space<hbm>>
          %dma_wait3A_59 = arith.constant 0 : i32
          %dma_wait3A_60 = arith.constant 0 : i32
          %dma_wait3A_61 = tpu.memref_slice %arg3[%arg0, %scan3A_5, %arg1, %scan3A_16, %dma_wait3A_59, %dma_wait3A_60] : memref<2x6x16x5x25x80xi32, #tpu.memory_space<hbm>> -> memref<1x1x1x1x25x80xi32, #tpu.memory_space<hbm>>
          %dma_wait3A_62 = tpu.memref_squeeze %dma_wait3A_61 : memref<1x1x1x1x25x80xi32, #tpu.memory_space<hbm>> -> memref<25x80xi32, #tpu.memory_space<hbm>>
          tpu.wait_dma2 semaphore(%run_scoped3A_46 : memref<!tpu.dma_semaphore, #tpu.memory_space<semaphore_mem>>) src(%dma_wait3A_62 : memref<25x80xi32, #tpu.memory_space<hbm>>) dst(%arg7 : memref<25x80xi32, #tpu.memory_space<vmem>>)
          tpu.yield
        }) : () -> ()
        "tpu.region"() ({
          %run_scoped3A_46 = tpu.sem_alloc : memref<!tpu.dma_semaphore, #tpu.memory_space<semaphore_mem>>
          %dma_start3A_47 = arith.constant 0 : i32
          %dma_start3A_48 = arith.constant 0 : i32
          %dma_start3A_49 = tpu.memref_slice %arg4[%scan3A_5, %arg1, %scan3A_16, %dma_start3A_47, %dma_start3A_48] : memref<6x16x5x25x80xi32, #tpu.memory_space<hbm>> -> memref<1x1x1x25x80xi32, #tpu.memory_space<hbm>>
          %dma_start3A_50 = tpu.memref_squeeze %dma_start3A_49 : memref<1x1x1x25x80xi32, #tpu.memory_space<hbm>> -> memref<25x80xi32, #tpu.memory_space<hbm>>
          %dma_start3A_51 = arith.constant 0 : i32
          %dma_start3A_52 = arith.constant 0 : i32
          %dma_start3A_53 = tpu.memref_slice %arg4[%scan3A_5, %arg1, %scan3A_16, %dma_start3A_51, %dma_start3A_52] : memref<6x16x5x25x80xi32, #tpu.memory_space<hbm>> -> memref<1x1x1x25x80xi32, #tpu.memory_space<hbm>>
          %dma_start3A_54 = tpu.memref_squeeze %dma_start3A_53 : memref<1x1x1x25x80xi32, #tpu.memory_space<hbm>> -> memref<25x80xi32, #tpu.memory_space<hbm>>
          tpu.enqueue_dma source(%dma_start3A_54 : memref<25x80xi32, #tpu.memory_space<hbm>>) target(%arg8 : memref<25x80xi32, #tpu.memory_space<vmem>>) target_semaphore(%run_scoped3A_46 : memref<!tpu.dma_semaphore, #tpu.memory_space<semaphore_mem>>)
          %dma_wait3A_55 = arith.constant 0 : i32
          %dma_wait3A_56 = arith.constant 0 : i32
          %dma_wait3A_57 = tpu.memref_slice %arg4[%scan3A_5, %arg1, %scan3A_16, %dma_wait3A_55, %dma_wait3A_56] : memref<6x16x5x25x80xi32, #tpu.memory_space<hbm>> -> memref<1x1x1x25x80xi32, #tpu.memory_space<hbm>>
          %dma_wait3A_58 = tpu.memref_squeeze %dma_wait3A_57 : memref<1x1x1x25x80xi32, #tpu.memory_space<hbm>> -> memref<25x80xi32, #tpu.memory_space<hbm>>
          %dma_wait3A_59 = arith.constant 0 : i32
          %dma_wait3A_60 = arith.constant 0 : i32
          %dma_wait3A_61 = tpu.memref_slice %arg4[%scan3A_5, %arg1, %scan3A_16, %dma_wait3A_59, %dma_wait3A_60] : memref<6x16x5x25x80xi32, #tpu.memory_space<hbm>> -> memref<1x1x1x25x80xi32, #tpu.memory_space<hbm>>
          %dma_wait3A_62 = tpu.memref_squeeze %dma_wait3A_61 : memref<1x1x1x25x80xi32, #tpu.memory_space<hbm>> -> memref<25x80xi32, #tpu.memory_space<hbm>>
          tpu.wait_dma2 semaphore(%run_scoped3A_46 : memref<!tpu.dma_semaphore, #tpu.memory_space<semaphore_mem>>) src(%dma_wait3A_62 : memref<25x80xi32, #tpu.memory_space<hbm>>) dst(%arg8 : memref<25x80xi32, #tpu.memory_space<vmem>>)
          tpu.yield
        }) : () -> ()
        %dma_start3A = arith.constant 0 : i32
        %dma_start3A_17 = arith.constant 0 : i32
        %dma_start3A_18 = arith.constant 0 : i32
        %dma_start3A_19 = arith.constant 0 : i32
        %dma_start3A_20 = tpu.memref_slice %arg9[%dma_start3A_17, %dma_start3A_18, %dma_start3A_19] : memref<3x80x128xf32, #tpu.memory_space<vmem>> -> memref<1x80x128xf32, #tpu.memory_space<vmem>>
        %dma_start3A_21 = tpu.memref_squeeze %dma_start3A_20 : memref<1x80x128xf32, #tpu.memory_space<vmem>> -> memref<80x128xf32, #tpu.memory_space<vmem>>
        %dma_start3A_22 = arith.constant 0 : i32
        %dma_start3A_23 = tpu.memref_slice %arg7[%dma_start3A, %dma_start3A_22] : memref<25x80xi32, #tpu.memory_space<vmem>> -> memref<1x80xi32, #tpu.memory_space<vmem>>
        %dma_start3A_24 = tpu.memref_squeeze %dma_start3A_23 : memref<1x80xi32, #tpu.memory_space<vmem>> -> memref<80xi32, #tpu.memory_space<vmem>>
        %dma_start3A_25 = arith.constant 0 : i32
        %dma_start3A_26 = arith.constant 0 : i32
        %dma_start3A_27 = tpu.memref_slice %arg2[%dma_start3A_25, %dma_start3A_26] : memref<120000x128xf32, #tpu.memory_space<hbm>> -> memref<120000x128xf32, #tpu.memory_space<hbm>>
        tpu.enqueue_indirect_dma source(%dma_start3A_27 : memref<120000x128xf32, #tpu.memory_space<hbm>>) target(%dma_start3A_21 : memref<80x128xf32, #tpu.memory_space<vmem>>) offsets(%dma_start3A_24 : memref<80xi32, #tpu.memory_space<vmem>>) semaphore(%arg11 : memref<!tpu.dma_semaphore, #tpu.memory_space<semaphore_mem>>)
        %scan3A_28 = arith.constant 0 : i32
        %scan3A_29 = arith.constant 0 : i32
        %scan3A_30 = arith.constant 12 : i32
        %scan3A_31 = arith.addi %scan3A_29, %scan3A_30 : i32
        %scan3A_32 = arith.constant 1 : i32
        scf.for %scan3A_46 = %scan3A_29 to %scan3A_31 step %scan3A_32  : i32 {
          %mul3A_47 = arith.constant 2 : i32
          %mul3A_48 = arith.muli %mul3A_47, %scan3A_46 : i32
          %add3A = arith.constant 1 : i32
          %add3A_49 = arith.addi %mul3A_48, %add3A : i32
          %dma_start3A_50 = arith.constant 1 : i32
          %dma_start3A_51 = arith.constant 0 : i32
          %dma_start3A_52 = arith.constant 0 : i32
          %dma_start3A_53 = tpu.memref_slice %arg9[%dma_start3A_50, %dma_start3A_51, %dma_start3A_52] : memref<3x80x128xf32, #tpu.memory_space<vmem>> -> memref<1x80x128xf32, #tpu.memory_space<vmem>>
          %dma_start3A_54 = tpu.memref_squeeze %dma_start3A_53 : memref<1x80x128xf32, #tpu.memory_space<vmem>> -> memref<80x128xf32, #tpu.memory_space<vmem>>
          %dma_start3A_55 = arith.constant 0 : i32
          %dma_start3A_56 = tpu.memref_slice %arg7[%add3A_49, %dma_start3A_55] : memref<25x80xi32, #tpu.memory_space<vmem>> -> memref<1x80xi32, #tpu.memory_space<vmem>>
          %dma_start3A_57 = tpu.memref_squeeze %dma_start3A_56 : memref<1x80xi32, #tpu.memory_space<vmem>> -> memref<80xi32, #tpu.memory_space<vmem>>
          %dma_start3A_58 = arith.constant 0 : i32
          %dma_start3A_59 = arith.constant 0 : i32
          %dma_start3A_60 = tpu.memref_slice %arg2[%dma_start3A_58, %dma_start3A_59] : memref<120000x128xf32, #tpu.memory_space<hbm>> -> memref<120000x128xf32, #tpu.memory_space<hbm>>
          tpu.enqueue_indirect_dma source(%dma_start3A_60 : memref<120000x128xf32, #tpu.memory_space<hbm>>) target(%dma_start3A_54 : memref<80x128xf32, #tpu.memory_space<vmem>>) offsets(%dma_start3A_57 : memref<80xi32, #tpu.memory_space<vmem>>) semaphore(%arg12 : memref<!tpu.dma_semaphore, #tpu.memory_space<semaphore_mem>>)
          %mul3A_61 = arith.constant 2 : i32
          %mul3A_62 = arith.muli %mul3A_61, %scan3A_46 : i32
          %dma_wait3A_63 = arith.constant 0 : i32
          %dma_wait3A_64 = arith.constant 0 : i32
          %dma_wait3A_65 = arith.constant 0 : i32
          %dma_wait3A_66 = arith.constant 0 : i32
          %dma_wait3A_67 = tpu.memref_slice %arg9[%dma_wait3A_64, %dma_wait3A_65, %dma_wait3A_66] : memref<3x80x128xf32, #tpu.memory_space<vmem>> -> memref<1x80x128xf32, #tpu.memory_space<vmem>>
          %dma_wait3A_68 = tpu.memref_squeeze %dma_wait3A_67 : memref<1x80x128xf32, #tpu.memory_space<vmem>> -> memref<80x128xf32, #tpu.memory_space<vmem>>
          %dma_wait3A_69 = arith.constant 0 : i32
          %dma_wait3A_70 = tpu.memref_slice %arg7[%dma_wait3A_63, %dma_wait3A_69] : memref<25x80xi32, #tpu.memory_space<vmem>> -> memref<1x80xi32, #tpu.memory_space<vmem>>
          %dma_wait3A_71 = tpu.memref_squeeze %dma_wait3A_70 : memref<1x80xi32, #tpu.memory_space<vmem>> -> memref<80xi32, #tpu.memory_space<vmem>>
          %dma_wait3A_72 = arith.constant 0 : i32
          %dma_wait3A_73 = arith.constant 0 : i32
          %dma_wait3A_74 = tpu.memref_slice %arg2[%dma_wait3A_72, %dma_wait3A_73] : memref<120000x128xf32, #tpu.memory_space<hbm>> -> memref<120000x128xf32, #tpu.memory_space<hbm>>
          tpu.wait_indirect_dma semaphore(%arg11 : memref<!tpu.dma_semaphore, #tpu.memory_space<semaphore_mem>>) src(%dma_wait3A_74 : memref<120000x128xf32, #tpu.memory_space<hbm>>) dst(%dma_wait3A_68 : memref<80x128xf32, #tpu.memory_space<vmem>>)
          %run_scoped3A_75 = arith.constant 0 : i32
          "tpu.region"() ({
            %run_scoped3A_108 = tpu.sem_alloc : memref<!tpu.dma_semaphore, #tpu.memory_space<semaphore_mem>>
            %dma_start3A_109 = arith.constant 0 : i32
            %dma_start3A_110 = arith.constant 0 : i32
            %dma_start3A_111 = tpu.memref_slice %arg9[%run_scoped3A_75, %dma_start3A_109, %dma_start3A_110] : memref<3x80x128xf32, #tpu.memory_space<vmem>> -> memref<1x80x128xf32, #tpu.memory_space<vmem>>
            %dma_start3A_112 = tpu.memref_squeeze %dma_start3A_111 : memref<1x80x128xf32, #tpu.memory_space<vmem>> -> memref<80x128xf32, #tpu.memory_space<vmem>>
            %dma_start3A_113 = arith.constant 0 : i32
            %dma_start3A_114 = tpu.memref_slice %arg8[%mul3A_62, %dma_start3A_113] : memref<25x80xi32, #tpu.memory_space<vmem>> -> memref<1x80xi32, #tpu.memory_space<vmem>>
            %dma_start3A_115 = tpu.memref_squeeze %dma_start3A_114 : memref<1x80xi32, #tpu.memory_space<vmem>> -> memref<80xi32, #tpu.memory_space<vmem>>
            %dma_start3A_116 = arith.constant 0 : i32
            %dma_start3A_117 = arith.constant 0 : i32
            %dma_start3A_118 = tpu.memref_slice %arg10[%dma_start3A_116, %dma_start3A_117] : memref<10000x128xf32, #tpu.memory_space<vmem_shared>> -> memref<10000x128xf32, #tpu.memory_space<vmem_shared>>
            tpu.enqueue_indirect_dma source(%dma_start3A_112 : memref<80x128xf32, #tpu.memory_space<vmem>>) target(%dma_start3A_118 : memref<10000x128xf32, #tpu.memory_space<vmem_shared>>) offsets(%dma_start3A_115 : memref<80xi32, #tpu.memory_space<vmem>>) semaphore(%run_scoped3A_108 : memref<!tpu.dma_semaphore, #tpu.memory_space<semaphore_mem>>) {add = true}
            %dma_wait3A_119 = arith.constant 0 : i32
            %dma_wait3A_120 = arith.constant 0 : i32
            %dma_wait3A_121 = tpu.memref_slice %arg9[%run_scoped3A_75, %dma_wait3A_119, %dma_wait3A_120] : memref<3x80x128xf32, #tpu.memory_space<vmem>> -> memref<1x80x128xf32, #tpu.memory_space<vmem>>
            %dma_wait3A_122 = tpu.memref_squeeze %dma_wait3A_121 : memref<1x80x128xf32, #tpu.memory_space<vmem>> -> memref<80x128xf32, #tpu.memory_space<vmem>>
            %dma_wait3A_123 = arith.constant 0 : i32
            %dma_wait3A_124 = tpu.memref_slice %arg8[%mul3A_62, %dma_wait3A_123] : memref<25x80xi32, #tpu.memory_space<vmem>> -> memref<1x80xi32, #tpu.memory_space<vmem>>
            %dma_wait3A_125 = tpu.memref_squeeze %dma_wait3A_124 : memref<1x80xi32, #tpu.memory_space<vmem>> -> memref<80xi32, #tpu.memory_space<vmem>>
            %dma_wait3A_126 = arith.constant 0 : i32
            %dma_wait3A_127 = arith.constant 0 : i32
            %dma_wait3A_128 = tpu.memref_slice %arg10[%dma_wait3A_126, %dma_wait3A_127] : memref<10000x128xf32, #tpu.memory_space<vmem_shared>> -> memref<10000x128xf32, #tpu.memory_space<vmem_shared>>
            tpu.wait_indirect_dma semaphore(%run_scoped3A_108 : memref<!tpu.dma_semaphore, #tpu.memory_space<semaphore_mem>>) src(%dma_wait3A_122 : memref<80x128xf32, #tpu.memory_space<vmem>>) dst(%dma_wait3A_128 : memref<10000x128xf32, #tpu.memory_space<vmem_shared>>)
            tpu.yield
          }) : () -> ()
          %mul3A_76 = arith.constant 2 : i32
          %mul3A_77 = arith.muli %mul3A_76, %scan3A_46 : i32
          %add3A_78 = arith.constant 2 : i32
          %add3A_79 = arith.addi %mul3A_77, %add3A_78 : i32
          %dma_start3A_80 = arith.constant 0 : i32
          %dma_start3A_81 = arith.constant 0 : i32
          %dma_start3A_82 = arith.constant 0 : i32
          %dma_start3A_83 = tpu.memref_slice %arg9[%dma_start3A_80, %dma_start3A_81, %dma_start3A_82] : memref<3x80x128xf32, #tpu.memory_space<vmem>> -> memref<1x80x128xf32, #tpu.memory_space<vmem>>
          %dma_start3A_84 = tpu.memref_squeeze %dma_start3A_83 : memref<1x80x128xf32, #tpu.memory_space<vmem>> -> memref<80x128xf32, #tpu.memory_space<vmem>>
          %dma_start3A_85 = arith.constant 0 : i32
          %dma_start3A_86 = tpu.memref_slice %arg7[%add3A_79, %dma_start3A_85] : memref<25x80xi32, #tpu.memory_space<vmem>> -> memref<1x80xi32, #tpu.memory_space<vmem>>
          %dma_start3A_87 = tpu.memref_squeeze %dma_start3A_86 : memref<1x80xi32, #tpu.memory_space<vmem>> -> memref<80xi32, #tpu.memory_space<vmem>>
          %dma_start3A_88 = arith.constant 0 : i32
          %dma_start3A_89 = arith.constant 0 : i32
          %dma_start3A_90 = tpu.memref_slice %arg2[%dma_start3A_88, %dma_start3A_89] : memref<120000x128xf32, #tpu.memory_space<hbm>> -> memref<120000x128xf32, #tpu.memory_space<hbm>>
          tpu.enqueue_indirect_dma source(%dma_start3A_90 : memref<120000x128xf32, #tpu.memory_space<hbm>>) target(%dma_start3A_84 : memref<80x128xf32, #tpu.memory_space<vmem>>) offsets(%dma_start3A_87 : memref<80xi32, #tpu.memory_space<vmem>>) semaphore(%arg11 : memref<!tpu.dma_semaphore, #tpu.memory_space<semaphore_mem>>)
          %mul3A_91 = arith.constant 2 : i32
          %mul3A_92 = arith.muli %mul3A_91, %scan3A_46 : i32
          %add3A_93 = arith.constant 1 : i32
          %add3A_94 = arith.addi %mul3A_92, %add3A_93 : i32
          %dma_wait3A_95 = arith.constant 0 : i32
          %dma_wait3A_96 = arith.constant 1 : i32
          %dma_wait3A_97 = arith.constant 0 : i32
          %dma_wait3A_98 = arith.constant 0 : i32
          %dma_wait3A_99 = tpu.memref_slice %arg9[%dma_wait3A_96, %dma_wait3A_97, %dma_wait3A_98] : memref<3x80x128xf32, #tpu.memory_space<vmem>> -> memref<1x80x128xf32, #tpu.memory_space<vmem>>
          %dma_wait3A_100 = tpu.memref_squeeze %dma_wait3A_99 : memref<1x80x128xf32, #tpu.memory_space<vmem>> -> memref<80x128xf32, #tpu.memory_space<vmem>>
          %dma_wait3A_101 = arith.constant 0 : i32
          %dma_wait3A_102 = tpu.memref_slice %arg7[%dma_wait3A_95, %dma_wait3A_101] : memref<25x80xi32, #tpu.memory_space<vmem>> -> memref<1x80xi32, #tpu.memory_space<vmem>>
          %dma_wait3A_103 = tpu.memref_squeeze %dma_wait3A_102 : memref<1x80xi32, #tpu.memory_space<vmem>> -> memref<80xi32, #tpu.memory_space<vmem>>
          %dma_wait3A_104 = arith.constant 0 : i32
          %dma_wait3A_105 = arith.constant 0 : i32
          %dma_wait3A_106 = tpu.memref_slice %arg2[%dma_wait3A_104, %dma_wait3A_105] : memref<120000x128xf32, #tpu.memory_space<hbm>> -> memref<120000x128xf32, #tpu.memory_space<hbm>>
          tpu.wait_indirect_dma semaphore(%arg12 : memref<!tpu.dma_semaphore, #tpu.memory_space<semaphore_mem>>) src(%dma_wait3A_106 : memref<120000x128xf32, #tpu.memory_space<hbm>>) dst(%dma_wait3A_100 : memref<80x128xf32, #tpu.memory_space<vmem>>)
          %run_scoped3A_107 = arith.constant 1 : i32
          "tpu.region"() ({
            %run_scoped3A_108 = tpu.sem_alloc : memref<!tpu.dma_semaphore, #tpu.memory_space<semaphore_mem>>
            %dma_start3A_109 = arith.constant 0 : i32
            %dma_start3A_110 = arith.constant 0 : i32
            %dma_start3A_111 = tpu.memref_slice %arg9[%run_scoped3A_107, %dma_start3A_109, %dma_start3A_110] : memref<3x80x128xf32, #tpu.memory_space<vmem>> -> memref<1x80x128xf32, #tpu.memory_space<vmem>>
            %dma_start3A_112 = tpu.memref_squeeze %dma_start3A_111 : memref<1x80x128xf32, #tpu.memory_space<vmem>> -> memref<80x128xf32, #tpu.memory_space<vmem>>
            %dma_start3A_113 = arith.constant 0 : i32
            %dma_start3A_114 = tpu.memref_slice %arg8[%add3A_94, %dma_start3A_113] : memref<25x80xi32, #tpu.memory_space<vmem>> -> memref<1x80xi32, #tpu.memory_space<vmem>>
            %dma_start3A_115 = tpu.memref_squeeze %dma_start3A_114 : memref<1x80xi32, #tpu.memory_space<vmem>> -> memref<80xi32, #tpu.memory_space<vmem>>
            %dma_start3A_116 = arith.constant 0 : i32
            %dma_start3A_117 = arith.constant 0 : i32
            %dma_start3A_118 = tpu.memref_slice %arg10[%dma_start3A_116, %dma_start3A_117] : memref<10000x128xf32, #tpu.memory_space<vmem_shared>> -> memref<10000x128xf32, #tpu.memory_space<vmem_shared>>
            tpu.enqueue_indirect_dma source(%dma_start3A_112 : memref<80x128xf32, #tpu.memory_space<vmem>>) target(%dma_start3A_118 : memref<10000x128xf32, #tpu.memory_space<vmem_shared>>) offsets(%dma_start3A_115 : memref<80xi32, #tpu.memory_space<vmem>>) semaphore(%run_scoped3A_108 : memref<!tpu.dma_semaphore, #tpu.memory_space<semaphore_mem>>) {add = true}
            %dma_wait3A_119 = arith.constant 0 : i32
            %dma_wait3A_120 = arith.constant 0 : i32
            %dma_wait3A_121 = tpu.memref_slice %arg9[%run_scoped3A_107, %dma_wait3A_119, %dma_wait3A_120] : memref<3x80x128xf32, #tpu.memory_space<vmem>> -> memref<1x80x128xf32, #tpu.memory_space<vmem>>
            %dma_wait3A_122 = tpu.memref_squeeze %dma_wait3A_121 : memref<1x80x128xf32, #tpu.memory_space<vmem>> -> memref<80x128xf32, #tpu.memory_space<vmem>>
            %dma_wait3A_123 = arith.constant 0 : i32
            %dma_wait3A_124 = tpu.memref_slice %arg8[%add3A_94, %dma_wait3A_123] : memref<25x80xi32, #tpu.memory_space<vmem>> -> memref<1x80xi32, #tpu.memory_space<vmem>>
            %dma_wait3A_125 = tpu.memref_squeeze %dma_wait3A_124 : memref<1x80xi32, #tpu.memory_space<vmem>> -> memref<80xi32, #tpu.memory_space<vmem>>
            %dma_wait3A_126 = arith.constant 0 : i32
            %dma_wait3A_127 = arith.constant 0 : i32
            %dma_wait3A_128 = tpu.memref_slice %arg10[%dma_wait3A_126, %dma_wait3A_127] : memref<10000x128xf32, #tpu.memory_space<vmem_shared>> -> memref<10000x128xf32, #tpu.memory_space<vmem_shared>>
            tpu.wait_indirect_dma semaphore(%run_scoped3A_108 : memref<!tpu.dma_semaphore, #tpu.memory_space<semaphore_mem>>) src(%dma_wait3A_122 : memref<80x128xf32, #tpu.memory_space<vmem>>) dst(%dma_wait3A_128 : memref<10000x128xf32, #tpu.memory_space<vmem_shared>>)
            tpu.yield
          }) : () -> ()
        }
        %scan3A_33 = arith.constant 12 : i32
        %dma_wait3A = arith.constant 0 : i32
        %dma_wait3A_34 = arith.constant 0 : i32
        %dma_wait3A_35 = arith.constant 0 : i32
        %dma_wait3A_36 = arith.constant 0 : i32
        %dma_wait3A_37 = tpu.memref_slice %arg9[%dma_wait3A_34, %dma_wait3A_35, %dma_wait3A_36] : memref<3x80x128xf32, #tpu.memory_space<vmem>> -> memref<1x80x128xf32, #tpu.memory_space<vmem>>
        %dma_wait3A_38 = tpu.memref_squeeze %dma_wait3A_37 : memref<1x80x128xf32, #tpu.memory_space<vmem>> -> memref<80x128xf32, #tpu.memory_space<vmem>>
        %dma_wait3A_39 = arith.constant 0 : i32
        %dma_wait3A_40 = tpu.memref_slice %arg7[%dma_wait3A, %dma_wait3A_39] : memref<25x80xi32, #tpu.memory_space<vmem>> -> memref<1x80xi32, #tpu.memory_space<vmem>>
        %dma_wait3A_41 = tpu.memref_squeeze %dma_wait3A_40 : memref<1x80xi32, #tpu.memory_space<vmem>> -> memref<80xi32, #tpu.memory_space<vmem>>
        %dma_wait3A_42 = arith.constant 0 : i32
        %dma_wait3A_43 = arith.constant 0 : i32
        %dma_wait3A_44 = tpu.memref_slice %arg2[%dma_wait3A_42, %dma_wait3A_43] : memref<120000x128xf32, #tpu.memory_space<hbm>> -> memref<120000x128xf32, #tpu.memory_space<hbm>>
        tpu.wait_indirect_dma semaphore(%arg11 : memref<!tpu.dma_semaphore, #tpu.memory_space<semaphore_mem>>) src(%dma_wait3A_44 : memref<120000x128xf32, #tpu.memory_space<hbm>>) dst(%dma_wait3A_38 : memref<80x128xf32, #tpu.memory_space<vmem>>)
        %run_scoped3A = arith.constant 0 : i32
        %run_scoped3A_45 = arith.constant 24 : i32
        "tpu.region"() ({
          %run_scoped3A_46 = tpu.sem_alloc : memref<!tpu.dma_semaphore, #tpu.memory_space<semaphore_mem>>
          %dma_start3A_47 = arith.constant 0 : i32
          %dma_start3A_48 = arith.constant 0 : i32
          %dma_start3A_49 = tpu.memref_slice %arg9[%run_scoped3A, %dma_start3A_47, %dma_start3A_48] : memref<3x80x128xf32, #tpu.memory_space<vmem>> -> memref<1x80x128xf32, #tpu.memory_space<vmem>>
          %dma_start3A_50 = tpu.memref_squeeze %dma_start3A_49 : memref<1x80x128xf32, #tpu.memory_space<vmem>> -> memref<80x128xf32, #tpu.memory_space<vmem>>
          %dma_start3A_51 = arith.constant 0 : i32
          %dma_start3A_52 = tpu.memref_slice %arg8[%run_scoped3A_45, %dma_start3A_51] : memref<25x80xi32, #tpu.memory_space<vmem>> -> memref<1x80xi32, #tpu.memory_space<vmem>>
          %dma_start3A_53 = tpu.memref_squeeze %dma_start3A_52 : memref<1x80xi32, #tpu.memory_space<vmem>> -> memref<80xi32, #tpu.memory_space<vmem>>
          %dma_start3A_54 = arith.constant 0 : i32
          %dma_start3A_55 = arith.constant 0 : i32
          %dma_start3A_56 = tpu.memref_slice %arg10[%dma_start3A_54, %dma_start3A_55] : memref<10000x128xf32, #tpu.memory_space<vmem_shared>> -> memref<10000x128xf32, #tpu.memory_space<vmem_shared>>
          tpu.enqueue_indirect_dma source(%dma_start3A_50 : memref<80x128xf32, #tpu.memory_space<vmem>>) target(%dma_start3A_56 : memref<10000x128xf32, #tpu.memory_space<vmem_shared>>) offsets(%dma_start3A_53 : memref<80xi32, #tpu.memory_space<vmem>>) semaphore(%run_scoped3A_46 : memref<!tpu.dma_semaphore, #tpu.memory_space<semaphore_mem>>) {add = true}
          %dma_wait3A_57 = arith.constant 0 : i32
          %dma_wait3A_58 = arith.constant 0 : i32
          %dma_wait3A_59 = tpu.memref_slice %arg9[%run_scoped3A, %dma_wait3A_57, %dma_wait3A_58] : memref<3x80x128xf32, #tpu.memory_space<vmem>> -> memref<1x80x128xf32, #tpu.memory_space<vmem>>
          %dma_wait3A_60 = tpu.memref_squeeze %dma_wait3A_59 : memref<1x80x128xf32, #tpu.memory_space<vmem>> -> memref<80x128xf32, #tpu.memory_space<vmem>>
          %dma_wait3A_61 = arith.constant 0 : i32
          %dma_wait3A_62 = tpu.memref_slice %arg8[%run_scoped3A_45, %dma_wait3A_61] : memref<25x80xi32, #tpu.memory_space<vmem>> -> memref<1x80xi32, #tpu.memory_space<vmem>>
          %dma_wait3A_63 = tpu.memref_squeeze %dma_wait3A_62 : memref<1x80xi32, #tpu.memory_space<vmem>> -> memref<80xi32, #tpu.memory_space<vmem>>
          %dma_wait3A_64 = arith.constant 0 : i32
          %dma_wait3A_65 = arith.constant 0 : i32
          %dma_wait3A_66 = tpu.memref_slice %arg10[%dma_wait3A_64, %dma_wait3A_65] : memref<10000x128xf32, #tpu.memory_space<vmem_shared>> -> memref<10000x128xf32, #tpu.memory_space<vmem_shared>>
          tpu.wait_indirect_dma semaphore(%run_scoped3A_46 : memref<!tpu.dma_semaphore, #tpu.memory_space<semaphore_mem>>) src(%dma_wait3A_60 : memref<80x128xf32, #tpu.memory_space<vmem>>) dst(%dma_wait3A_66 : memref<10000x128xf32, #tpu.memory_space<vmem_shared>>)
          tpu.yield
        }) : () -> ()
      }
      %scan3A_12 = arith.constant 5 : i32
      %barrier3A_13 = arith.constant 0 : index
      tpu.barrier barrier_id(%barrier3A_13)
      %mul3A_14 = arith.constant 625 : i32
      %mul3A_15 = arith.muli %arg1, %mul3A_14 : i32
      "tpu.region"() ({
        %run_scoped3A = tpu.sem_alloc : memref<!tpu.dma_semaphore, #tpu.memory_space<semaphore_mem>>
        %dma_start3A = arith.constant 0 : i32
        %dma_start3A_16 = arith.constant 0 : i32
        %dma_start3A_17 = tpu.memref_slice %arg6[%arg0, %scan3A_5, %arg1, %dma_start3A, %dma_start3A_16] : memref<2x6x16x625x128xf32, #tpu.memory_space<hbm>> -> memref<1x1x1x625x128xf32, #tpu.memory_space<hbm>>
        %dma_start3A_18 = tpu.memref_squeeze %dma_start3A_17 : memref<1x1x1x625x128xf32, #tpu.memory_space<hbm>> -> memref<625x128xf32, #tpu.memory_space<hbm>>
        %dma_start3A_19 = arith.constant 0 : i32
        %dma_start3A_20 = tpu.memref_slice %arg10[%mul3A_15, %dma_start3A_19] : memref<10000x128xf32, #tpu.memory_space<vmem_shared>> -> memref<625x128xf32, #tpu.memory_space<vmem_shared>>
        tpu.enqueue_dma source(%dma_start3A_20 : memref<625x128xf32, #tpu.memory_space<vmem_shared>>) target(%dma_start3A_18 : memref<625x128xf32, #tpu.memory_space<hbm>>) target_semaphore(%run_scoped3A : memref<!tpu.dma_semaphore, #tpu.memory_space<semaphore_mem>>)
        %dma_wait3A = arith.constant 0 : i32
        %dma_wait3A_21 = arith.constant 0 : i32
        %dma_wait3A_22 = tpu.memref_slice %arg6[%arg0, %scan3A_5, %arg1, %dma_wait3A, %dma_wait3A_21] : memref<2x6x16x625x128xf32, #tpu.memory_space<hbm>> -> memref<1x1x1x625x128xf32, #tpu.memory_space<hbm>>
        %dma_wait3A_23 = tpu.memref_squeeze %dma_wait3A_22 : memref<1x1x1x625x128xf32, #tpu.memory_space<hbm>> -> memref<625x128xf32, #tpu.memory_space<hbm>>
        %dma_wait3A_24 = arith.constant 0 : i32
        %dma_wait3A_25 = tpu.memref_slice %arg10[%mul3A_15, %dma_wait3A_24] : memref<10000x128xf32, #tpu.memory_space<vmem_shared>> -> memref<625x128xf32, #tpu.memory_space<vmem_shared>>
        tpu.wait_dma2 semaphore(%run_scoped3A : memref<!tpu.dma_semaphore, #tpu.memory_space<semaphore_mem>>) src(%dma_wait3A_25 : memref<625x128xf32, #tpu.memory_space<vmem_shared>>) dst(%dma_wait3A_23 : memref<625x128xf32, #tpu.memory_space<hbm>>)
        tpu.yield
      }) : () -> ()
    }
    %scan3A_4 = arith.constant 6 : i32
    return
  }
}

#map = affine_map<(d0, d1) -> (0, 0, 0, 0, 0)>
#map1 = affine_map<(d0, d1) -> (0, 0)>
#map2 = affine_map<(d0, d1) -> (0, 0, 0, 0)>
module attributes {stable_mosaic.version = 14 : i64} {
  func.func @deg_k(%arg0: i32, %arg1: i32, %arg2: memref<6x16x5x25x80xi32, #tpu.memory_space<hbm>>, %arg3: memref<80x128xf32, #tpu.memory_space<hbm>>, %arg4: memref<625x128xf32, #tpu.memory_space<hbm>>, %arg5: memref<6x16x625x128xf32, #tpu.memory_space<hbm>>, %arg6: memref<25x80xi32, #tpu.memory_space<vmem>>, %arg7: memref<80x128xf32, #tpu.memory_space<vmem>>, %arg8: memref<10000x128xf32, #tpu.memory_space<vmem_shared>>, %arg9: memref<!tpu.dma_semaphore, #tpu.memory_space<semaphore_mem>>) attributes {dimension_semantics = [#tpu.dimension_semantics<core_parallel>, #tpu.dimension_semantics<subcore_parallel>], iteration_bounds = array<i64: 2, 16>, scalar_prefetch = 0 : i64, scratch_operands = 4 : i64, tpu.core_type = #tpu.core_type<sc_vector_subcore>, window_params = [{transform_indices = #map}, {transform_indices = #map1}, {transform_indices = #map1}, {transform_indices = #map2}]} {
    "tpu.region"() ({
      %run_scoped3A = tpu.sem_alloc : memref<!tpu.dma_semaphore, #tpu.memory_space<semaphore_mem>>
      tpu.enqueue_dma source(%arg3 : memref<80x128xf32, #tpu.memory_space<hbm>>) target(%arg7 : memref<80x128xf32, #tpu.memory_space<vmem>>) target_semaphore(%run_scoped3A : memref<!tpu.dma_semaphore, #tpu.memory_space<semaphore_mem>>)
      tpu.wait_dma2 semaphore(%run_scoped3A : memref<!tpu.dma_semaphore, #tpu.memory_space<semaphore_mem>>) src(%arg3 : memref<80x128xf32, #tpu.memory_space<hbm>>) dst(%arg7 : memref<80x128xf32, #tpu.memory_space<vmem>>)
      tpu.yield
    }) : () -> ()
    %scan3A = arith.constant 0 : i32
    %scan3A_0 = arith.constant 0 : i32
    %scan3A_1 = arith.constant 3 : i32
    %scan3A_2 = arith.addi %scan3A_0, %scan3A_1 : i32
    %scan3A_3 = arith.constant 1 : i32
    scf.for %scan3A_5 = %scan3A_0 to %scan3A_2 step %scan3A_3  : i32 {
      %mul3A = arith.constant 3 : i32
      %mul3A_6 = arith.muli %arg0, %mul3A : i32
      %add3A = arith.addi %mul3A_6, %scan3A_5 : i32
      %mul3A_7 = arith.constant 625 : i32
      %mul3A_8 = arith.muli %arg1, %mul3A_7 : i32
      "tpu.region"() ({
        %run_scoped3A = tpu.sem_alloc : memref<!tpu.dma_semaphore, #tpu.memory_space<semaphore_mem>>
        %dma_start3A = arith.constant 0 : i32
        %dma_start3A_18 = tpu.memref_slice %arg8[%mul3A_8, %dma_start3A] : memref<10000x128xf32, #tpu.memory_space<vmem_shared>> -> memref<625x128xf32, #tpu.memory_space<vmem_shared>>
        tpu.enqueue_dma source(%arg4 : memref<625x128xf32, #tpu.memory_space<hbm>>) target(%dma_start3A_18 : memref<625x128xf32, #tpu.memory_space<vmem_shared>>) target_semaphore(%run_scoped3A : memref<!tpu.dma_semaphore, #tpu.memory_space<semaphore_mem>>)
        %dma_wait3A = arith.constant 0 : i32
        %dma_wait3A_19 = tpu.memref_slice %arg8[%mul3A_8, %dma_wait3A] : memref<10000x128xf32, #tpu.memory_space<vmem_shared>> -> memref<625x128xf32, #tpu.memory_space<vmem_shared>>
        tpu.wait_dma2 semaphore(%run_scoped3A : memref<!tpu.dma_semaphore, #tpu.memory_space<semaphore_mem>>) src(%arg4 : memref<625x128xf32, #tpu.memory_space<hbm>>) dst(%dma_wait3A_19 : memref<625x128xf32, #tpu.memory_space<vmem_shared>>)
        tpu.yield
      }) : () -> ()
      %barrier3A = arith.constant 0 : index
      tpu.barrier barrier_id(%barrier3A)
      %scan3A_9 = arith.constant 0 : i32
      %scan3A_10 = arith.constant 0 : i32
      %scan3A_11 = arith.constant 5 : i32
      %scan3A_12 = arith.addi %scan3A_10, %scan3A_11 : i32
      %scan3A_13 = arith.constant 1 : i32
      scf.for %scan3A_18 = %scan3A_10 to %scan3A_12 step %scan3A_13  : i32 {
        "tpu.region"() ({
          %run_scoped3A = tpu.sem_alloc : memref<!tpu.dma_semaphore, #tpu.memory_space<semaphore_mem>>
          %dma_start3A = arith.constant 0 : i32
          %dma_start3A_31 = arith.constant 0 : i32
          %dma_start3A_32 = tpu.memref_slice %arg2[%add3A, %arg1, %scan3A_18, %dma_start3A, %dma_start3A_31] : memref<6x16x5x25x80xi32, #tpu.memory_space<hbm>> -> memref<1x1x1x25x80xi32, #tpu.memory_space<hbm>>
          %dma_start3A_33 = tpu.memref_squeeze %dma_start3A_32 : memref<1x1x1x25x80xi32, #tpu.memory_space<hbm>> -> memref<25x80xi32, #tpu.memory_space<hbm>>
          %dma_start3A_34 = arith.constant 0 : i32
          %dma_start3A_35 = arith.constant 0 : i32
          %dma_start3A_36 = tpu.memref_slice %arg2[%add3A, %arg1, %scan3A_18, %dma_start3A_34, %dma_start3A_35] : memref<6x16x5x25x80xi32, #tpu.memory_space<hbm>> -> memref<1x1x1x25x80xi32, #tpu.memory_space<hbm>>
          %dma_start3A_37 = tpu.memref_squeeze %dma_start3A_36 : memref<1x1x1x25x80xi32, #tpu.memory_space<hbm>> -> memref<25x80xi32, #tpu.memory_space<hbm>>
          tpu.enqueue_dma source(%dma_start3A_37 : memref<25x80xi32, #tpu.memory_space<hbm>>) target(%arg6 : memref<25x80xi32, #tpu.memory_space<vmem>>) target_semaphore(%run_scoped3A : memref<!tpu.dma_semaphore, #tpu.memory_space<semaphore_mem>>)
          %dma_wait3A = arith.constant 0 : i32
          %dma_wait3A_38 = arith.constant 0 : i32
          %dma_wait3A_39 = tpu.memref_slice %arg2[%add3A, %arg1, %scan3A_18, %dma_wait3A, %dma_wait3A_38] : memref<6x16x5x25x80xi32, #tpu.memory_space<hbm>> -> memref<1x1x1x25x80xi32, #tpu.memory_space<hbm>>
          %dma_wait3A_40 = tpu.memref_squeeze %dma_wait3A_39 : memref<1x1x1x25x80xi32, #tpu.memory_space<hbm>> -> memref<25x80xi32, #tpu.memory_space<hbm>>
          %dma_wait3A_41 = arith.constant 0 : i32
          %dma_wait3A_42 = arith.constant 0 : i32
          %dma_wait3A_43 = tpu.memref_slice %arg2[%add3A, %arg1, %scan3A_18, %dma_wait3A_41, %dma_wait3A_42] : memref<6x16x5x25x80xi32, #tpu.memory_space<hbm>> -> memref<1x1x1x25x80xi32, #tpu.memory_space<hbm>>
          %dma_wait3A_44 = tpu.memref_squeeze %dma_wait3A_43 : memref<1x1x1x25x80xi32, #tpu.memory_space<hbm>> -> memref<25x80xi32, #tpu.memory_space<hbm>>
          tpu.wait_dma2 semaphore(%run_scoped3A : memref<!tpu.dma_semaphore, #tpu.memory_space<semaphore_mem>>) src(%dma_wait3A_44 : memref<25x80xi32, #tpu.memory_space<hbm>>) dst(%arg6 : memref<25x80xi32, #tpu.memory_space<vmem>>)
          tpu.yield
        }) : () -> ()
        %scan3A_19 = arith.constant 0 : i32
        %scan3A_20 = arith.constant 0 : i32
        %scan3A_21 = arith.constant 25 : i32
        %scan3A_22 = arith.addi %scan3A_20, %scan3A_21 : i32
        %scan3A_23 = arith.constant 1 : i32
        scf.for %scan3A_31 = %scan3A_20 to %scan3A_22 step %scan3A_23  : i32 {
          %dma_start3A = arith.constant 0 : i32
          %dma_start3A_32 = tpu.memref_slice %arg6[%scan3A_31, %dma_start3A] : memref<25x80xi32, #tpu.memory_space<vmem>> -> memref<1x80xi32, #tpu.memory_space<vmem>>
          %dma_start3A_33 = tpu.memref_squeeze %dma_start3A_32 : memref<1x80xi32, #tpu.memory_space<vmem>> -> memref<80xi32, #tpu.memory_space<vmem>>
          %dma_start3A_34 = arith.constant 0 : i32
          %dma_start3A_35 = arith.constant 0 : i32
          %dma_start3A_36 = tpu.memref_slice %arg8[%dma_start3A_34, %dma_start3A_35] : memref<10000x128xf32, #tpu.memory_space<vmem_shared>> -> memref<10000x128xf32, #tpu.memory_space<vmem_shared>>
          tpu.enqueue_indirect_dma source(%arg7 : memref<80x128xf32, #tpu.memory_space<vmem>>) target(%dma_start3A_36 : memref<10000x128xf32, #tpu.memory_space<vmem_shared>>) offsets(%dma_start3A_33 : memref<80xi32, #tpu.memory_space<vmem>>) semaphore(%arg9 : memref<!tpu.dma_semaphore, #tpu.memory_space<semaphore_mem>>) {add = true}
        }
        %scan3A_24 = arith.constant 25 : i32
        %scan3A_25 = arith.constant 0 : i32
        %scan3A_26 = arith.constant 0 : i32
        %scan3A_27 = arith.constant 25 : i32
        %scan3A_28 = arith.addi %scan3A_26, %scan3A_27 : i32
        %scan3A_29 = arith.constant 1 : i32
        scf.for %scan3A_31 = %scan3A_26 to %scan3A_28 step %scan3A_29  : i32 {
          %dma_wait3A = arith.constant 0 : i32
          %dma_wait3A_32 = arith.constant 0 : i32
          %dma_wait3A_33 = tpu.memref_slice %arg6[%dma_wait3A, %dma_wait3A_32] : memref<25x80xi32, #tpu.memory_space<vmem>> -> memref<1x80xi32, #tpu.memory_space<vmem>>
          %dma_wait3A_34 = tpu.memref_squeeze %dma_wait3A_33 : memref<1x80xi32, #tpu.memory_space<vmem>> -> memref<80xi32, #tpu.memory_space<vmem>>
          %dma_wait3A_35 = arith.constant 0 : i32
          %dma_wait3A_36 = arith.constant 0 : i32
          %dma_wait3A_37 = tpu.memref_slice %arg8[%dma_wait3A_35, %dma_wait3A_36] : memref<10000x128xf32, #tpu.memory_space<vmem_shared>> -> memref<10000x128xf32, #tpu.memory_space<vmem_shared>>
          tpu.wait_indirect_dma semaphore(%arg9 : memref<!tpu.dma_semaphore, #tpu.memory_space<semaphore_mem>>) src(%arg7 : memref<80x128xf32, #tpu.memory_space<vmem>>) dst(%dma_wait3A_37 : memref<10000x128xf32, #tpu.memory_space<vmem_shared>>)
        }
        %scan3A_30 = arith.constant 25 : i32
      }
      %scan3A_14 = arith.constant 5 : i32
      %barrier3A_15 = arith.constant 0 : index
      tpu.barrier barrier_id(%barrier3A_15)
      %mul3A_16 = arith.constant 625 : i32
      %mul3A_17 = arith.muli %arg1, %mul3A_16 : i32
      "tpu.region"() ({
        %run_scoped3A = tpu.sem_alloc : memref<!tpu.dma_semaphore, #tpu.memory_space<semaphore_mem>>
        %dma_start3A = arith.constant 0 : i32
        %dma_start3A_18 = arith.constant 0 : i32
        %dma_start3A_19 = tpu.memref_slice %arg5[%add3A, %arg1, %dma_start3A, %dma_start3A_18] : memref<6x16x625x128xf32, #tpu.memory_space<hbm>> -> memref<1x1x625x128xf32, #tpu.memory_space<hbm>>
        %dma_start3A_20 = tpu.memref_squeeze %dma_start3A_19 : memref<1x1x625x128xf32, #tpu.memory_space<hbm>> -> memref<625x128xf32, #tpu.memory_space<hbm>>
        %dma_start3A_21 = arith.constant 0 : i32
        %dma_start3A_22 = tpu.memref_slice %arg8[%mul3A_17, %dma_start3A_21] : memref<10000x128xf32, #tpu.memory_space<vmem_shared>> -> memref<625x128xf32, #tpu.memory_space<vmem_shared>>
        tpu.enqueue_dma source(%dma_start3A_22 : memref<625x128xf32, #tpu.memory_space<vmem_shared>>) target(%dma_start3A_20 : memref<625x128xf32, #tpu.memory_space<hbm>>) target_semaphore(%run_scoped3A : memref<!tpu.dma_semaphore, #tpu.memory_space<semaphore_mem>>)
        %dma_wait3A = arith.constant 0 : i32
        %dma_wait3A_23 = arith.constant 0 : i32
        %dma_wait3A_24 = tpu.memref_slice %arg5[%add3A, %arg1, %dma_wait3A, %dma_wait3A_23] : memref<6x16x625x128xf32, #tpu.memory_space<hbm>> -> memref<1x1x625x128xf32, #tpu.memory_space<hbm>>
        %dma_wait3A_25 = tpu.memref_squeeze %dma_wait3A_24 : memref<1x1x625x128xf32, #tpu.memory_space<hbm>> -> memref<625x128xf32, #tpu.memory_space<hbm>>
        %dma_wait3A_26 = arith.constant 0 : i32
        %dma_wait3A_27 = tpu.memref_slice %arg8[%mul3A_17, %dma_wait3A_26] : memref<10000x128xf32, #tpu.memory_space<vmem_shared>> -> memref<625x128xf32, #tpu.memory_space<vmem_shared>>
        tpu.wait_dma2 semaphore(%run_scoped3A : memref<!tpu.dma_semaphore, #tpu.memory_space<semaphore_mem>>) src(%dma_wait3A_27 : memref<625x128xf32, #tpu.memory_space<vmem_shared>>) dst(%dma_wait3A_25 : memref<625x128xf32, #tpu.memory_space<hbm>>)
        tpu.yield
      }) : () -> ()
    }
    %scan3A_4 = arith.constant 3 : i32
    return
  }
}

#map = affine_map<(d0, d1) -> (0, 0)>
#map1 = affine_map<(d0, d1) -> (0, 0, 0, 0, 0, 0)>
#map2 = affine_map<(d0, d1) -> (0, 0, 0, 0, 0)>
module attributes {stable_mosaic.version = 14 : i64} {
  func.func @scat_k(%arg0: i32, %arg1: i32, %arg2: memref<120000x128xf32, #tpu.memory_space<hbm>>, %arg3: memref<2x6x16x5x25x80xi32, #tpu.memory_space<hbm>>, %arg4: memref<6x16x5x25x80xi32, #tpu.memory_space<hbm>>, %arg5: memref<625x128xf32, #tpu.memory_space<hbm>>, %arg6: memref<2x6x16x625x128xf32, #tpu.memory_space<hbm>>, %arg7: memref<25x80xi32, #tpu.memory_space<vmem>>, %arg8: memref<25x80xi32, #tpu.memory_space<vmem>>, %arg9: memref<3x80x128xf32, #tpu.memory_space<vmem>>, %arg10: memref<10000x128xf32, #tpu.memory_space<vmem_shared>>, %arg11: memref<!tpu.dma_semaphore, #tpu.memory_space<semaphore_mem>>, %arg12: memref<!tpu.dma_semaphore, #tpu.memory_space<semaphore_mem>>, %arg13: memref<!tpu.dma_semaphore, #tpu.memory_space<semaphore_mem>>, %arg14: memref<!tpu.dma_semaphore, #tpu.memory_space<semaphore_mem>>, %arg15: memref<!tpu.dma_semaphore, #tpu.memory_space<semaphore_mem>>, %arg16: memref<!tpu.dma_semaphore, #tpu.memory_space<semaphore_mem>>) attributes {dimension_semantics = [#tpu.dimension_semantics<core_parallel>, #tpu.dimension_semantics<subcore_parallel>], iteration_bounds = array<i64: 2, 16>, scalar_prefetch = 0 : i64, scratch_operands = 10 : i64, tpu.core_type = #tpu.core_type<sc_vector_subcore>, window_params = [{transform_indices = #map}, {transform_indices = #map1}, {transform_indices = #map2}, {transform_indices = #map}, {transform_indices = #map2}]} {
    %scan3A = arith.constant 0 : i32
    %scan3A_0 = arith.constant 0 : i32
    %scan3A_1 = arith.constant 6 : i32
    %scan3A_2 = arith.addi %scan3A_0, %scan3A_1 : i32
    %scan3A_3 = arith.constant 1 : i32
    scf.for %scan3A_5 = %scan3A_0 to %scan3A_2 step %scan3A_3  : i32 {
      %mul3A = arith.constant 625 : i32
      %mul3A_6 = arith.muli %arg1, %mul3A : i32
      "tpu.region"() ({
        %run_scoped3A = tpu.sem_alloc : memref<!tpu.dma_semaphore, #tpu.memory_space<semaphore_mem>>
        %dma_start3A = arith.constant 0 : i32
        %dma_start3A_16 = tpu.memref_slice %arg10[%mul3A_6, %dma_start3A] : memref<10000x128xf32, #tpu.memory_space<vmem_shared>> -> memref<625x128xf32, #tpu.memory_space<vmem_shared>>
        tpu.enqueue_dma source(%arg5 : memref<625x128xf32, #tpu.memory_space<hbm>>) target(%dma_start3A_16 : memref<625x128xf32, #tpu.memory_space<vmem_shared>>) target_semaphore(%run_scoped3A : memref<!tpu.dma_semaphore, #tpu.memory_space<semaphore_mem>>)
        %dma_wait3A = arith.constant 0 : i32
        %dma_wait3A_17 = tpu.memref_slice %arg10[%mul3A_6, %dma_wait3A] : memref<10000x128xf32, #tpu.memory_space<vmem_shared>> -> memref<625x128xf32, #tpu.memory_space<vmem_shared>>
        tpu.wait_dma2 semaphore(%run_scoped3A : memref<!tpu.dma_semaphore, #tpu.memory_space<semaphore_mem>>) src(%arg5 : memref<625x128xf32, #tpu.memory_space<hbm>>) dst(%dma_wait3A_17 : memref<625x128xf32, #tpu.memory_space<vmem_shared>>)
        tpu.yield
      }) : () -> ()
      %barrier3A = arith.constant 0 : index
      tpu.barrier barrier_id(%barrier3A)
      %scan3A_7 = arith.constant 0 : i32
      %scan3A_8 = arith.constant 0 : i32
      %scan3A_9 = arith.constant 5 : i32
      %scan3A_10 = arith.addi %scan3A_8, %scan3A_9 : i32
      %scan3A_11 = arith.constant 1 : i32
      scf.for %scan3A_16 = %scan3A_8 to %scan3A_10 step %scan3A_11  : i32 {
        "tpu.region"() ({
          %run_scoped3A_46 = tpu.sem_alloc : memref<!tpu.dma_semaphore, #tpu.memory_space<semaphore_mem>>
          %dma_start3A_47 = arith.constant 0 : i32
          %dma_start3A_48 = arith.constant 0 : i32
          %dma_start3A_49 = tpu.memref_slice %arg3[%arg0, %scan3A_5, %arg1, %scan3A_16, %dma_start3A_47, %dma_start3A_48] : memref<2x6x16x5x25x80xi32, #tpu.memory_space<hbm>> -> memref<1x1x1x1x25x80xi32, #tpu.memory_space<hbm>>
          %dma_start3A_50 = tpu.memref_squeeze %dma_start3A_49 : memref<1x1x1x1x25x80xi32, #tpu.memory_space<hbm>> -> memref<25x80xi32, #tpu.memory_space<hbm>>
          %dma_start3A_51 = arith.constant 0 : i32
          %dma_start3A_52 = arith.constant 0 : i32
          %dma_start3A_53 = tpu.memref_slice %arg3[%arg0, %scan3A_5, %arg1, %scan3A_16, %dma_start3A_51, %dma_start3A_52] : memref<2x6x16x5x25x80xi32, #tpu.memory_space<hbm>> -> memref<1x1x1x1x25x80xi32, #tpu.memory_space<hbm>>
          %dma_start3A_54 = tpu.memref_squeeze %dma_start3A_53 : memref<1x1x1x1x25x80xi32, #tpu.memory_space<hbm>> -> memref<25x80xi32, #tpu.memory_space<hbm>>
          tpu.enqueue_dma source(%dma_start3A_54 : memref<25x80xi32, #tpu.memory_space<hbm>>) target(%arg7 : memref<25x80xi32, #tpu.memory_space<vmem>>) target_semaphore(%run_scoped3A_46 : memref<!tpu.dma_semaphore, #tpu.memory_space<semaphore_mem>>)
          %dma_wait3A_55 = arith.constant 0 : i32
          %dma_wait3A_56 = arith.constant 0 : i32
          %dma_wait3A_57 = tpu.memref_slice %arg3[%arg0, %scan3A_5, %arg1, %scan3A_16, %dma_wait3A_55, %dma_wait3A_56] : memref<2x6x16x5x25x80xi32, #tpu.memory_space<hbm>> -> memref<1x1x1x1x25x80xi32, #tpu.memory_space<hbm>>
          %dma_wait3A_58 = tpu.memref_squeeze %dma_wait3A_57 : memref<1x1x1x1x25x80xi32, #tpu.memory_space<hbm>> -> memref<25x80xi32, #tpu.memory_space<hbm>>
          %dma_wait3A_59 = arith.constant 0 : i32
          %dma_wait3A_60 = arith.constant 0 : i32
          %dma_wait3A_61 = tpu.memref_slice %arg3[%arg0, %scan3A_5, %arg1, %scan3A_16, %dma_wait3A_59, %dma_wait3A_60] : memref<2x6x16x5x25x80xi32, #tpu.memory_space<hbm>> -> memref<1x1x1x1x25x80xi32, #tpu.memory_space<hbm>>
          %dma_wait3A_62 = tpu.memref_squeeze %dma_wait3A_61 : memref<1x1x1x1x25x80xi32, #tpu.memory_space<hbm>> -> memref<25x80xi32, #tpu.memory_space<hbm>>
          tpu.wait_dma2 semaphore(%run_scoped3A_46 : memref<!tpu.dma_semaphore, #tpu.memory_space<semaphore_mem>>) src(%dma_wait3A_62 : memref<25x80xi32, #tpu.memory_space<hbm>>) dst(%arg7 : memref<25x80xi32, #tpu.memory_space<vmem>>)
          tpu.yield
        }) : () -> ()
        "tpu.region"() ({
          %run_scoped3A_46 = tpu.sem_alloc : memref<!tpu.dma_semaphore, #tpu.memory_space<semaphore_mem>>
          %dma_start3A_47 = arith.constant 0 : i32
          %dma_start3A_48 = arith.constant 0 : i32
          %dma_start3A_49 = tpu.memref_slice %arg4[%scan3A_5, %arg1, %scan3A_16, %dma_start3A_47, %dma_start3A_48] : memref<6x16x5x25x80xi32, #tpu.memory_space<hbm>> -> memref<1x1x1x25x80xi32, #tpu.memory_space<hbm>>
          %dma_start3A_50 = tpu.memref_squeeze %dma_start3A_49 : memref<1x1x1x25x80xi32, #tpu.memory_space<hbm>> -> memref<25x80xi32, #tpu.memory_space<hbm>>
          %dma_start3A_51 = arith.constant 0 : i32
          %dma_start3A_52 = arith.constant 0 : i32
          %dma_start3A_53 = tpu.memref_slice %arg4[%scan3A_5, %arg1, %scan3A_16, %dma_start3A_51, %dma_start3A_52] : memref<6x16x5x25x80xi32, #tpu.memory_space<hbm>> -> memref<1x1x1x25x80xi32, #tpu.memory_space<hbm>>
          %dma_start3A_54 = tpu.memref_squeeze %dma_start3A_53 : memref<1x1x1x25x80xi32, #tpu.memory_space<hbm>> -> memref<25x80xi32, #tpu.memory_space<hbm>>
          tpu.enqueue_dma source(%dma_start3A_54 : memref<25x80xi32, #tpu.memory_space<hbm>>) target(%arg8 : memref<25x80xi32, #tpu.memory_space<vmem>>) target_semaphore(%run_scoped3A_46 : memref<!tpu.dma_semaphore, #tpu.memory_space<semaphore_mem>>)
          %dma_wait3A_55 = arith.constant 0 : i32
          %dma_wait3A_56 = arith.constant 0 : i32
          %dma_wait3A_57 = tpu.memref_slice %arg4[%scan3A_5, %arg1, %scan3A_16, %dma_wait3A_55, %dma_wait3A_56] : memref<6x16x5x25x80xi32, #tpu.memory_space<hbm>> -> memref<1x1x1x25x80xi32, #tpu.memory_space<hbm>>
          %dma_wait3A_58 = tpu.memref_squeeze %dma_wait3A_57 : memref<1x1x1x25x80xi32, #tpu.memory_space<hbm>> -> memref<25x80xi32, #tpu.memory_space<hbm>>
          %dma_wait3A_59 = arith.constant 0 : i32
          %dma_wait3A_60 = arith.constant 0 : i32
          %dma_wait3A_61 = tpu.memref_slice %arg4[%scan3A_5, %arg1, %scan3A_16, %dma_wait3A_59, %dma_wait3A_60] : memref<6x16x5x25x80xi32, #tpu.memory_space<hbm>> -> memref<1x1x1x25x80xi32, #tpu.memory_space<hbm>>
          %dma_wait3A_62 = tpu.memref_squeeze %dma_wait3A_61 : memref<1x1x1x25x80xi32, #tpu.memory_space<hbm>> -> memref<25x80xi32, #tpu.memory_space<hbm>>
          tpu.wait_dma2 semaphore(%run_scoped3A_46 : memref<!tpu.dma_semaphore, #tpu.memory_space<semaphore_mem>>) src(%dma_wait3A_62 : memref<25x80xi32, #tpu.memory_space<hbm>>) dst(%arg8 : memref<25x80xi32, #tpu.memory_space<vmem>>)
          tpu.yield
        }) : () -> ()
        %dma_start3A = arith.constant 0 : i32
        %dma_start3A_17 = arith.constant 0 : i32
        %dma_start3A_18 = arith.constant 0 : i32
        %dma_start3A_19 = arith.constant 0 : i32
        %dma_start3A_20 = tpu.memref_slice %arg9[%dma_start3A_17, %dma_start3A_18, %dma_start3A_19] : memref<3x80x128xf32, #tpu.memory_space<vmem>> -> memref<1x80x128xf32, #tpu.memory_space<vmem>>
        %dma_start3A_21 = tpu.memref_squeeze %dma_start3A_20 : memref<1x80x128xf32, #tpu.memory_space<vmem>> -> memref<80x128xf32, #tpu.memory_space<vmem>>
        %dma_start3A_22 = arith.constant 0 : i32
        %dma_start3A_23 = tpu.memref_slice %arg7[%dma_start3A, %dma_start3A_22] : memref<25x80xi32, #tpu.memory_space<vmem>> -> memref<1x80xi32, #tpu.memory_space<vmem>>
        %dma_start3A_24 = tpu.memref_squeeze %dma_start3A_23 : memref<1x80xi32, #tpu.memory_space<vmem>> -> memref<80xi32, #tpu.memory_space<vmem>>
        %dma_start3A_25 = arith.constant 0 : i32
        %dma_start3A_26 = arith.constant 0 : i32
        %dma_start3A_27 = tpu.memref_slice %arg2[%dma_start3A_25, %dma_start3A_26] : memref<120000x128xf32, #tpu.memory_space<hbm>> -> memref<120000x128xf32, #tpu.memory_space<hbm>>
        tpu.enqueue_indirect_dma source(%dma_start3A_27 : memref<120000x128xf32, #tpu.memory_space<hbm>>) target(%dma_start3A_21 : memref<80x128xf32, #tpu.memory_space<vmem>>) offsets(%dma_start3A_24 : memref<80xi32, #tpu.memory_space<vmem>>) semaphore(%arg11 : memref<!tpu.dma_semaphore, #tpu.memory_space<semaphore_mem>>)
        %scan3A_28 = arith.constant 0 : i32
        %scan3A_29 = arith.constant 0 : i32
        %scan3A_30 = arith.constant 12 : i32
        %scan3A_31 = arith.addi %scan3A_29, %scan3A_30 : i32
        %scan3A_32 = arith.constant 1 : i32
        scf.for %scan3A_46 = %scan3A_29 to %scan3A_31 step %scan3A_32  : i32 {
          %mul3A_47 = arith.constant 2 : i32
          %mul3A_48 = arith.muli %mul3A_47, %scan3A_46 : i32
          %add3A = arith.constant 1 : i32
          %add3A_49 = arith.addi %mul3A_48, %add3A : i32
          %dma_start3A_50 = arith.constant 1 : i32
          %dma_start3A_51 = arith.constant 0 : i32
          %dma_start3A_52 = arith.constant 0 : i32
          %dma_start3A_53 = tpu.memref_slice %arg9[%dma_start3A_50, %dma_start3A_51, %dma_start3A_52] : memref<3x80x128xf32, #tpu.memory_space<vmem>> -> memref<1x80x128xf32, #tpu.memory_space<vmem>>
          %dma_start3A_54 = tpu.memref_squeeze %dma_start3A_53 : memref<1x80x128xf32, #tpu.memory_space<vmem>> -> memref<80x128xf32, #tpu.memory_space<vmem>>
          %dma_start3A_55 = arith.constant 0 : i32
          %dma_start3A_56 = tpu.memref_slice %arg7[%add3A_49, %dma_start3A_55] : memref<25x80xi32, #tpu.memory_space<vmem>> -> memref<1x80xi32, #tpu.memory_space<vmem>>
          %dma_start3A_57 = tpu.memref_squeeze %dma_start3A_56 : memref<1x80xi32, #tpu.memory_space<vmem>> -> memref<80xi32, #tpu.memory_space<vmem>>
          %dma_start3A_58 = arith.constant 0 : i32
          %dma_start3A_59 = arith.constant 0 : i32
          %dma_start3A_60 = tpu.memref_slice %arg2[%dma_start3A_58, %dma_start3A_59] : memref<120000x128xf32, #tpu.memory_space<hbm>> -> memref<120000x128xf32, #tpu.memory_space<hbm>>
          tpu.enqueue_indirect_dma source(%dma_start3A_60 : memref<120000x128xf32, #tpu.memory_space<hbm>>) target(%dma_start3A_54 : memref<80x128xf32, #tpu.memory_space<vmem>>) offsets(%dma_start3A_57 : memref<80xi32, #tpu.memory_space<vmem>>) semaphore(%arg12 : memref<!tpu.dma_semaphore, #tpu.memory_space<semaphore_mem>>)
          %mul3A_61 = arith.constant 2 : i32
          %mul3A_62 = arith.muli %mul3A_61, %scan3A_46 : i32
          %dma_wait3A_63 = arith.constant 0 : i32
          %dma_wait3A_64 = arith.constant 0 : i32
          %dma_wait3A_65 = arith.constant 0 : i32
          %dma_wait3A_66 = arith.constant 0 : i32
          %dma_wait3A_67 = tpu.memref_slice %arg9[%dma_wait3A_64, %dma_wait3A_65, %dma_wait3A_66] : memref<3x80x128xf32, #tpu.memory_space<vmem>> -> memref<1x80x128xf32, #tpu.memory_space<vmem>>
          %dma_wait3A_68 = tpu.memref_squeeze %dma_wait3A_67 : memref<1x80x128xf32, #tpu.memory_space<vmem>> -> memref<80x128xf32, #tpu.memory_space<vmem>>
          %dma_wait3A_69 = arith.constant 0 : i32
          %dma_wait3A_70 = tpu.memref_slice %arg7[%dma_wait3A_63, %dma_wait3A_69] : memref<25x80xi32, #tpu.memory_space<vmem>> -> memref<1x80xi32, #tpu.memory_space<vmem>>
          %dma_wait3A_71 = tpu.memref_squeeze %dma_wait3A_70 : memref<1x80xi32, #tpu.memory_space<vmem>> -> memref<80xi32, #tpu.memory_space<vmem>>
          %dma_wait3A_72 = arith.constant 0 : i32
          %dma_wait3A_73 = arith.constant 0 : i32
          %dma_wait3A_74 = tpu.memref_slice %arg2[%dma_wait3A_72, %dma_wait3A_73] : memref<120000x128xf32, #tpu.memory_space<hbm>> -> memref<120000x128xf32, #tpu.memory_space<hbm>>
          tpu.wait_indirect_dma semaphore(%arg11 : memref<!tpu.dma_semaphore, #tpu.memory_space<semaphore_mem>>) src(%dma_wait3A_74 : memref<120000x128xf32, #tpu.memory_space<hbm>>) dst(%dma_wait3A_68 : memref<80x128xf32, #tpu.memory_space<vmem>>)
          %run_scoped3A_75 = arith.constant 0 : i32
          "tpu.region"() ({
            %run_scoped3A_108 = tpu.sem_alloc : memref<!tpu.dma_semaphore, #tpu.memory_space<semaphore_mem>>
            %dma_start3A_109 = arith.constant 0 : i32
            %dma_start3A_110 = arith.constant 0 : i32
            %dma_start3A_111 = tpu.memref_slice %arg9[%run_scoped3A_75, %dma_start3A_109, %dma_start3A_110] : memref<3x80x128xf32, #tpu.memory_space<vmem>> -> memref<1x80x128xf32, #tpu.memory_space<vmem>>
            %dma_start3A_112 = tpu.memref_squeeze %dma_start3A_111 : memref<1x80x128xf32, #tpu.memory_space<vmem>> -> memref<80x128xf32, #tpu.memory_space<vmem>>
            %dma_start3A_113 = arith.constant 0 : i32
            %dma_start3A_114 = tpu.memref_slice %arg8[%mul3A_62, %dma_start3A_113] : memref<25x80xi32, #tpu.memory_space<vmem>> -> memref<1x80xi32, #tpu.memory_space<vmem>>
            %dma_start3A_115 = tpu.memref_squeeze %dma_start3A_114 : memref<1x80xi32, #tpu.memory_space<vmem>> -> memref<80xi32, #tpu.memory_space<vmem>>
            %dma_start3A_116 = arith.constant 0 : i32
            %dma_start3A_117 = arith.constant 0 : i32
            %dma_start3A_118 = tpu.memref_slice %arg10[%dma_start3A_116, %dma_start3A_117] : memref<10000x128xf32, #tpu.memory_space<vmem_shared>> -> memref<10000x128xf32, #tpu.memory_space<vmem_shared>>
            tpu.enqueue_indirect_dma source(%dma_start3A_112 : memref<80x128xf32, #tpu.memory_space<vmem>>) target(%dma_start3A_118 : memref<10000x128xf32, #tpu.memory_space<vmem_shared>>) offsets(%dma_start3A_115 : memref<80xi32, #tpu.memory_space<vmem>>) semaphore(%run_scoped3A_108 : memref<!tpu.dma_semaphore, #tpu.memory_space<semaphore_mem>>) {add = true}
            %dma_wait3A_119 = arith.constant 0 : i32
            %dma_wait3A_120 = arith.constant 0 : i32
            %dma_wait3A_121 = tpu.memref_slice %arg9[%run_scoped3A_75, %dma_wait3A_119, %dma_wait3A_120] : memref<3x80x128xf32, #tpu.memory_space<vmem>> -> memref<1x80x128xf32, #tpu.memory_space<vmem>>
            %dma_wait3A_122 = tpu.memref_squeeze %dma_wait3A_121 : memref<1x80x128xf32, #tpu.memory_space<vmem>> -> memref<80x128xf32, #tpu.memory_space<vmem>>
            %dma_wait3A_123 = arith.constant 0 : i32
            %dma_wait3A_124 = tpu.memref_slice %arg8[%mul3A_62, %dma_wait3A_123] : memref<25x80xi32, #tpu.memory_space<vmem>> -> memref<1x80xi32, #tpu.memory_space<vmem>>
            %dma_wait3A_125 = tpu.memref_squeeze %dma_wait3A_124 : memref<1x80xi32, #tpu.memory_space<vmem>> -> memref<80xi32, #tpu.memory_space<vmem>>
            %dma_wait3A_126 = arith.constant 0 : i32
            %dma_wait3A_127 = arith.constant 0 : i32
            %dma_wait3A_128 = tpu.memref_slice %arg10[%dma_wait3A_126, %dma_wait3A_127] : memref<10000x128xf32, #tpu.memory_space<vmem_shared>> -> memref<10000x128xf32, #tpu.memory_space<vmem_shared>>
            tpu.wait_indirect_dma semaphore(%run_scoped3A_108 : memref<!tpu.dma_semaphore, #tpu.memory_space<semaphore_mem>>) src(%dma_wait3A_122 : memref<80x128xf32, #tpu.memory_space<vmem>>) dst(%dma_wait3A_128 : memref<10000x128xf32, #tpu.memory_space<vmem_shared>>)
            tpu.yield
          }) : () -> ()
          %mul3A_76 = arith.constant 2 : i32
          %mul3A_77 = arith.muli %mul3A_76, %scan3A_46 : i32
          %add3A_78 = arith.constant 2 : i32
          %add3A_79 = arith.addi %mul3A_77, %add3A_78 : i32
          %dma_start3A_80 = arith.constant 0 : i32
          %dma_start3A_81 = arith.constant 0 : i32
          %dma_start3A_82 = arith.constant 0 : i32
          %dma_start3A_83 = tpu.memref_slice %arg9[%dma_start3A_80, %dma_start3A_81, %dma_start3A_82] : memref<3x80x128xf32, #tpu.memory_space<vmem>> -> memref<1x80x128xf32, #tpu.memory_space<vmem>>
          %dma_start3A_84 = tpu.memref_squeeze %dma_start3A_83 : memref<1x80x128xf32, #tpu.memory_space<vmem>> -> memref<80x128xf32, #tpu.memory_space<vmem>>
          %dma_start3A_85 = arith.constant 0 : i32
          %dma_start3A_86 = tpu.memref_slice %arg7[%add3A_79, %dma_start3A_85] : memref<25x80xi32, #tpu.memory_space<vmem>> -> memref<1x80xi32, #tpu.memory_space<vmem>>
          %dma_start3A_87 = tpu.memref_squeeze %dma_start3A_86 : memref<1x80xi32, #tpu.memory_space<vmem>> -> memref<80xi32, #tpu.memory_space<vmem>>
          %dma_start3A_88 = arith.constant 0 : i32
          %dma_start3A_89 = arith.constant 0 : i32
          %dma_start3A_90 = tpu.memref_slice %arg2[%dma_start3A_88, %dma_start3A_89] : memref<120000x128xf32, #tpu.memory_space<hbm>> -> memref<120000x128xf32, #tpu.memory_space<hbm>>
          tpu.enqueue_indirect_dma source(%dma_start3A_90 : memref<120000x128xf32, #tpu.memory_space<hbm>>) target(%dma_start3A_84 : memref<80x128xf32, #tpu.memory_space<vmem>>) offsets(%dma_start3A_87 : memref<80xi32, #tpu.memory_space<vmem>>) semaphore(%arg11 : memref<!tpu.dma_semaphore, #tpu.memory_space<semaphore_mem>>)
          %mul3A_91 = arith.constant 2 : i32
          %mul3A_92 = arith.muli %mul3A_91, %scan3A_46 : i32
          %add3A_93 = arith.constant 1 : i32
          %add3A_94 = arith.addi %mul3A_92, %add3A_93 : i32
          %dma_wait3A_95 = arith.constant 0 : i32
          %dma_wait3A_96 = arith.constant 1 : i32
          %dma_wait3A_97 = arith.constant 0 : i32
          %dma_wait3A_98 = arith.constant 0 : i32
          %dma_wait3A_99 = tpu.memref_slice %arg9[%dma_wait3A_96, %dma_wait3A_97, %dma_wait3A_98] : memref<3x80x128xf32, #tpu.memory_space<vmem>> -> memref<1x80x128xf32, #tpu.memory_space<vmem>>
          %dma_wait3A_100 = tpu.memref_squeeze %dma_wait3A_99 : memref<1x80x128xf32, #tpu.memory_space<vmem>> -> memref<80x128xf32, #tpu.memory_space<vmem>>
          %dma_wait3A_101 = arith.constant 0 : i32
          %dma_wait3A_102 = tpu.memref_slice %arg7[%dma_wait3A_95, %dma_wait3A_101] : memref<25x80xi32, #tpu.memory_space<vmem>> -> memref<1x80xi32, #tpu.memory_space<vmem>>
          %dma_wait3A_103 = tpu.memref_squeeze %dma_wait3A_102 : memref<1x80xi32, #tpu.memory_space<vmem>> -> memref<80xi32, #tpu.memory_space<vmem>>
          %dma_wait3A_104 = arith.constant 0 : i32
          %dma_wait3A_105 = arith.constant 0 : i32
          %dma_wait3A_106 = tpu.memref_slice %arg2[%dma_wait3A_104, %dma_wait3A_105] : memref<120000x128xf32, #tpu.memory_space<hbm>> -> memref<120000x128xf32, #tpu.memory_space<hbm>>
          tpu.wait_indirect_dma semaphore(%arg12 : memref<!tpu.dma_semaphore, #tpu.memory_space<semaphore_mem>>) src(%dma_wait3A_106 : memref<120000x128xf32, #tpu.memory_space<hbm>>) dst(%dma_wait3A_100 : memref<80x128xf32, #tpu.memory_space<vmem>>)
          %run_scoped3A_107 = arith.constant 1 : i32
          "tpu.region"() ({
            %run_scoped3A_108 = tpu.sem_alloc : memref<!tpu.dma_semaphore, #tpu.memory_space<semaphore_mem>>
            %dma_start3A_109 = arith.constant 0 : i32
            %dma_start3A_110 = arith.constant 0 : i32
            %dma_start3A_111 = tpu.memref_slice %arg9[%run_scoped3A_107, %dma_start3A_109, %dma_start3A_110] : memref<3x80x128xf32, #tpu.memory_space<vmem>> -> memref<1x80x128xf32, #tpu.memory_space<vmem>>
            %dma_start3A_112 = tpu.memref_squeeze %dma_start3A_111 : memref<1x80x128xf32, #tpu.memory_space<vmem>> -> memref<80x128xf32, #tpu.memory_space<vmem>>
            %dma_start3A_113 = arith.constant 0 : i32
            %dma_start3A_114 = tpu.memref_slice %arg8[%add3A_94, %dma_start3A_113] : memref<25x80xi32, #tpu.memory_space<vmem>> -> memref<1x80xi32, #tpu.memory_space<vmem>>
            %dma_start3A_115 = tpu.memref_squeeze %dma_start3A_114 : memref<1x80xi32, #tpu.memory_space<vmem>> -> memref<80xi32, #tpu.memory_space<vmem>>
            %dma_start3A_116 = arith.constant 0 : i32
            %dma_start3A_117 = arith.constant 0 : i32
            %dma_start3A_118 = tpu.memref_slice %arg10[%dma_start3A_116, %dma_start3A_117] : memref<10000x128xf32, #tpu.memory_space<vmem_shared>> -> memref<10000x128xf32, #tpu.memory_space<vmem_shared>>
            tpu.enqueue_indirect_dma source(%dma_start3A_112 : memref<80x128xf32, #tpu.memory_space<vmem>>) target(%dma_start3A_118 : memref<10000x128xf32, #tpu.memory_space<vmem_shared>>) offsets(%dma_start3A_115 : memref<80xi32, #tpu.memory_space<vmem>>) semaphore(%run_scoped3A_108 : memref<!tpu.dma_semaphore, #tpu.memory_space<semaphore_mem>>) {add = true}
            %dma_wait3A_119 = arith.constant 0 : i32
            %dma_wait3A_120 = arith.constant 0 : i32
            %dma_wait3A_121 = tpu.memref_slice %arg9[%run_scoped3A_107, %dma_wait3A_119, %dma_wait3A_120] : memref<3x80x128xf32, #tpu.memory_space<vmem>> -> memref<1x80x128xf32, #tpu.memory_space<vmem>>
            %dma_wait3A_122 = tpu.memref_squeeze %dma_wait3A_121 : memref<1x80x128xf32, #tpu.memory_space<vmem>> -> memref<80x128xf32, #tpu.memory_space<vmem>>
            %dma_wait3A_123 = arith.constant 0 : i32
            %dma_wait3A_124 = tpu.memref_slice %arg8[%add3A_94, %dma_wait3A_123] : memref<25x80xi32, #tpu.memory_space<vmem>> -> memref<1x80xi32, #tpu.memory_space<vmem>>
            %dma_wait3A_125 = tpu.memref_squeeze %dma_wait3A_124 : memref<1x80xi32, #tpu.memory_space<vmem>> -> memref<80xi32, #tpu.memory_space<vmem>>
            %dma_wait3A_126 = arith.constant 0 : i32
            %dma_wait3A_127 = arith.constant 0 : i32
            %dma_wait3A_128 = tpu.memref_slice %arg10[%dma_wait3A_126, %dma_wait3A_127] : memref<10000x128xf32, #tpu.memory_space<vmem_shared>> -> memref<10000x128xf32, #tpu.memory_space<vmem_shared>>
            tpu.wait_indirect_dma semaphore(%run_scoped3A_108 : memref<!tpu.dma_semaphore, #tpu.memory_space<semaphore_mem>>) src(%dma_wait3A_122 : memref<80x128xf32, #tpu.memory_space<vmem>>) dst(%dma_wait3A_128 : memref<10000x128xf32, #tpu.memory_space<vmem_shared>>)
            tpu.yield
          }) : () -> ()
        }
        %scan3A_33 = arith.constant 12 : i32
        %dma_wait3A = arith.constant 0 : i32
        %dma_wait3A_34 = arith.constant 0 : i32
        %dma_wait3A_35 = arith.constant 0 : i32
        %dma_wait3A_36 = arith.constant 0 : i32
        %dma_wait3A_37 = tpu.memref_slice %arg9[%dma_wait3A_34, %dma_wait3A_35, %dma_wait3A_36] : memref<3x80x128xf32, #tpu.memory_space<vmem>> -> memref<1x80x128xf32, #tpu.memory_space<vmem>>
        %dma_wait3A_38 = tpu.memref_squeeze %dma_wait3A_37 : memref<1x80x128xf32, #tpu.memory_space<vmem>> -> memref<80x128xf32, #tpu.memory_space<vmem>>
        %dma_wait3A_39 = arith.constant 0 : i32
        %dma_wait3A_40 = tpu.memref_slice %arg7[%dma_wait3A, %dma_wait3A_39] : memref<25x80xi32, #tpu.memory_space<vmem>> -> memref<1x80xi32, #tpu.memory_space<vmem>>
        %dma_wait3A_41 = tpu.memref_squeeze %dma_wait3A_40 : memref<1x80xi32, #tpu.memory_space<vmem>> -> memref<80xi32, #tpu.memory_space<vmem>>
        %dma_wait3A_42 = arith.constant 0 : i32
        %dma_wait3A_43 = arith.constant 0 : i32
        %dma_wait3A_44 = tpu.memref_slice %arg2[%dma_wait3A_42, %dma_wait3A_43] : memref<120000x128xf32, #tpu.memory_space<hbm>> -> memref<120000x128xf32, #tpu.memory_space<hbm>>
        tpu.wait_indirect_dma semaphore(%arg11 : memref<!tpu.dma_semaphore, #tpu.memory_space<semaphore_mem>>) src(%dma_wait3A_44 : memref<120000x128xf32, #tpu.memory_space<hbm>>) dst(%dma_wait3A_38 : memref<80x128xf32, #tpu.memory_space<vmem>>)
        %run_scoped3A = arith.constant 0 : i32
        %run_scoped3A_45 = arith.constant 24 : i32
        "tpu.region"() ({
          %run_scoped3A_46 = tpu.sem_alloc : memref<!tpu.dma_semaphore, #tpu.memory_space<semaphore_mem>>
          %dma_start3A_47 = arith.constant 0 : i32
          %dma_start3A_48 = arith.constant 0 : i32
          %dma_start3A_49 = tpu.memref_slice %arg9[%run_scoped3A, %dma_start3A_47, %dma_start3A_48] : memref<3x80x128xf32, #tpu.memory_space<vmem>> -> memref<1x80x128xf32, #tpu.memory_space<vmem>>
          %dma_start3A_50 = tpu.memref_squeeze %dma_start3A_49 : memref<1x80x128xf32, #tpu.memory_space<vmem>> -> memref<80x128xf32, #tpu.memory_space<vmem>>
          %dma_start3A_51 = arith.constant 0 : i32
          %dma_start3A_52 = tpu.memref_slice %arg8[%run_scoped3A_45, %dma_start3A_51] : memref<25x80xi32, #tpu.memory_space<vmem>> -> memref<1x80xi32, #tpu.memory_space<vmem>>
          %dma_start3A_53 = tpu.memref_squeeze %dma_start3A_52 : memref<1x80xi32, #tpu.memory_space<vmem>> -> memref<80xi32, #tpu.memory_space<vmem>>
          %dma_start3A_54 = arith.constant 0 : i32
          %dma_start3A_55 = arith.constant 0 : i32
          %dma_start3A_56 = tpu.memref_slice %arg10[%dma_start3A_54, %dma_start3A_55] : memref<10000x128xf32, #tpu.memory_space<vmem_shared>> -> memref<10000x128xf32, #tpu.memory_space<vmem_shared>>
          tpu.enqueue_indirect_dma source(%dma_start3A_50 : memref<80x128xf32, #tpu.memory_space<vmem>>) target(%dma_start3A_56 : memref<10000x128xf32, #tpu.memory_space<vmem_shared>>) offsets(%dma_start3A_53 : memref<80xi32, #tpu.memory_space<vmem>>) semaphore(%run_scoped3A_46 : memref<!tpu.dma_semaphore, #tpu.memory_space<semaphore_mem>>) {add = true}
          %dma_wait3A_57 = arith.constant 0 : i32
          %dma_wait3A_58 = arith.constant 0 : i32
          %dma_wait3A_59 = tpu.memref_slice %arg9[%run_scoped3A, %dma_wait3A_57, %dma_wait3A_58] : memref<3x80x128xf32, #tpu.memory_space<vmem>> -> memref<1x80x128xf32, #tpu.memory_space<vmem>>
          %dma_wait3A_60 = tpu.memref_squeeze %dma_wait3A_59 : memref<1x80x128xf32, #tpu.memory_space<vmem>> -> memref<80x128xf32, #tpu.memory_space<vmem>>
          %dma_wait3A_61 = arith.constant 0 : i32
          %dma_wait3A_62 = tpu.memref_slice %arg8[%run_scoped3A_45, %dma_wait3A_61] : memref<25x80xi32, #tpu.memory_space<vmem>> -> memref<1x80xi32, #tpu.memory_space<vmem>>
          %dma_wait3A_63 = tpu.memref_squeeze %dma_wait3A_62 : memref<1x80xi32, #tpu.memory_space<vmem>> -> memref<80xi32, #tpu.memory_space<vmem>>
          %dma_wait3A_64 = arith.constant 0 : i32
          %dma_wait3A_65 = arith.constant 0 : i32
          %dma_wait3A_66 = tpu.memref_slice %arg10[%dma_wait3A_64, %dma_wait3A_65] : memref<10000x128xf32, #tpu.memory_space<vmem_shared>> -> memref<10000x128xf32, #tpu.memory_space<vmem_shared>>
          tpu.wait_indirect_dma semaphore(%run_scoped3A_46 : memref<!tpu.dma_semaphore, #tpu.memory_space<semaphore_mem>>) src(%dma_wait3A_60 : memref<80x128xf32, #tpu.memory_space<vmem>>) dst(%dma_wait3A_66 : memref<10000x128xf32, #tpu.memory_space<vmem_shared>>)
          tpu.yield
        }) : () -> ()
      }
      %scan3A_12 = arith.constant 5 : i32
      %barrier3A_13 = arith.constant 0 : index
      tpu.barrier barrier_id(%barrier3A_13)
      %mul3A_14 = arith.constant 625 : i32
      %mul3A_15 = arith.muli %arg1, %mul3A_14 : i32
      "tpu.region"() ({
        %run_scoped3A = tpu.sem_alloc : memref<!tpu.dma_semaphore, #tpu.memory_space<semaphore_mem>>
        %dma_start3A = arith.constant 0 : i32
        %dma_start3A_16 = arith.constant 0 : i32
        %dma_start3A_17 = tpu.memref_slice %arg6[%arg0, %scan3A_5, %arg1, %dma_start3A, %dma_start3A_16] : memref<2x6x16x625x128xf32, #tpu.memory_space<hbm>> -> memref<1x1x1x625x128xf32, #tpu.memory_space<hbm>>
        %dma_start3A_18 = tpu.memref_squeeze %dma_start3A_17 : memref<1x1x1x625x128xf32, #tpu.memory_space<hbm>> -> memref<625x128xf32, #tpu.memory_space<hbm>>
        %dma_start3A_19 = arith.constant 0 : i32
        %dma_start3A_20 = tpu.memref_slice %arg10[%mul3A_15, %dma_start3A_19] : memref<10000x128xf32, #tpu.memory_space<vmem_shared>> -> memref<625x128xf32, #tpu.memory_space<vmem_shared>>
        tpu.enqueue_dma source(%dma_start3A_20 : memref<625x128xf32, #tpu.memory_space<vmem_shared>>) target(%dma_start3A_18 : memref<625x128xf32, #tpu.memory_space<hbm>>) target_semaphore(%run_scoped3A : memref<!tpu.dma_semaphore, #tpu.memory_space<semaphore_mem>>)
        %dma_wait3A = arith.constant 0 : i32
        %dma_wait3A_21 = arith.constant 0 : i32
        %dma_wait3A_22 = tpu.memref_slice %arg6[%arg0, %scan3A_5, %arg1, %dma_wait3A, %dma_wait3A_21] : memref<2x6x16x625x128xf32, #tpu.memory_space<hbm>> -> memref<1x1x1x625x128xf32, #tpu.memory_space<hbm>>
        %dma_wait3A_23 = tpu.memref_squeeze %dma_wait3A_22 : memref<1x1x1x625x128xf32, #tpu.memory_space<hbm>> -> memref<625x128xf32, #tpu.memory_space<hbm>>
        %dma_wait3A_24 = arith.constant 0 : i32
        %dma_wait3A_25 = tpu.memref_slice %arg10[%mul3A_15, %dma_wait3A_24] : memref<10000x128xf32, #tpu.memory_space<vmem_shared>> -> memref<625x128xf32, #tpu.memory_space<vmem_shared>>
        tpu.wait_dma2 semaphore(%run_scoped3A : memref<!tpu.dma_semaphore, #tpu.memory_space<semaphore_mem>>) src(%dma_wait3A_25 : memref<625x128xf32, #tpu.memory_space<vmem_shared>>) dst(%dma_wait3A_23 : memref<625x128xf32, #tpu.memory_space<hbm>>)
        tpu.yield
      }) : () -> ()
    }
    %scan3A_4 = arith.constant 6 : i32
    return
  }
}

#map = affine_map<(d0, d1) -> (0, 0)>
#map1 = affine_map<(d0, d1) -> (0, 0, 0, 0, 0, 0)>
#map2 = affine_map<(d0, d1) -> (0, 0, 0, 0, 0)>
module attributes {stable_mosaic.version = 14 : i64} {
  func.func @scat_k(%arg0: i32, %arg1: i32, %arg2: memref<120000x128xf32, #tpu.memory_space<hbm>>, %arg3: memref<2x6x16x5x25x80xi32, #tpu.memory_space<hbm>>, %arg4: memref<6x16x5x25x80xi32, #tpu.memory_space<hbm>>, %arg5: memref<625x128xf32, #tpu.memory_space<hbm>>, %arg6: memref<2x6x16x625x128xf32, #tpu.memory_space<hbm>>, %arg7: memref<25x80xi32, #tpu.memory_space<vmem>>, %arg8: memref<25x80xi32, #tpu.memory_space<vmem>>, %arg9: memref<3x80x128xf32, #tpu.memory_space<vmem>>, %arg10: memref<10000x128xf32, #tpu.memory_space<vmem_shared>>, %arg11: memref<!tpu.dma_semaphore, #tpu.memory_space<semaphore_mem>>, %arg12: memref<!tpu.dma_semaphore, #tpu.memory_space<semaphore_mem>>, %arg13: memref<!tpu.dma_semaphore, #tpu.memory_space<semaphore_mem>>, %arg14: memref<!tpu.dma_semaphore, #tpu.memory_space<semaphore_mem>>, %arg15: memref<!tpu.dma_semaphore, #tpu.memory_space<semaphore_mem>>, %arg16: memref<!tpu.dma_semaphore, #tpu.memory_space<semaphore_mem>>) attributes {dimension_semantics = [#tpu.dimension_semantics<core_parallel>, #tpu.dimension_semantics<subcore_parallel>], iteration_bounds = array<i64: 2, 16>, scalar_prefetch = 0 : i64, scratch_operands = 10 : i64, tpu.core_type = #tpu.core_type<sc_vector_subcore>, window_params = [{transform_indices = #map}, {transform_indices = #map1}, {transform_indices = #map2}, {transform_indices = #map}, {transform_indices = #map2}]} {
    %scan3A = arith.constant 0 : i32
    %scan3A_0 = arith.constant 0 : i32
    %scan3A_1 = arith.constant 6 : i32
    %scan3A_2 = arith.addi %scan3A_0, %scan3A_1 : i32
    %scan3A_3 = arith.constant 1 : i32
    scf.for %scan3A_5 = %scan3A_0 to %scan3A_2 step %scan3A_3  : i32 {
      %mul3A = arith.constant 625 : i32
      %mul3A_6 = arith.muli %arg1, %mul3A : i32
      "tpu.region"() ({
        %run_scoped3A = tpu.sem_alloc : memref<!tpu.dma_semaphore, #tpu.memory_space<semaphore_mem>>
        %dma_start3A = arith.constant 0 : i32
        %dma_start3A_16 = tpu.memref_slice %arg10[%mul3A_6, %dma_start3A] : memref<10000x128xf32, #tpu.memory_space<vmem_shared>> -> memref<625x128xf32, #tpu.memory_space<vmem_shared>>
        tpu.enqueue_dma source(%arg5 : memref<625x128xf32, #tpu.memory_space<hbm>>) target(%dma_start3A_16 : memref<625x128xf32, #tpu.memory_space<vmem_shared>>) target_semaphore(%run_scoped3A : memref<!tpu.dma_semaphore, #tpu.memory_space<semaphore_mem>>)
        %dma_wait3A = arith.constant 0 : i32
        %dma_wait3A_17 = tpu.memref_slice %arg10[%mul3A_6, %dma_wait3A] : memref<10000x128xf32, #tpu.memory_space<vmem_shared>> -> memref<625x128xf32, #tpu.memory_space<vmem_shared>>
        tpu.wait_dma2 semaphore(%run_scoped3A : memref<!tpu.dma_semaphore, #tpu.memory_space<semaphore_mem>>) src(%arg5 : memref<625x128xf32, #tpu.memory_space<hbm>>) dst(%dma_wait3A_17 : memref<625x128xf32, #tpu.memory_space<vmem_shared>>)
        tpu.yield
      }) : () -> ()
      %barrier3A = arith.constant 0 : index
      tpu.barrier barrier_id(%barrier3A)
      %scan3A_7 = arith.constant 0 : i32
      %scan3A_8 = arith.constant 0 : i32
      %scan3A_9 = arith.constant 5 : i32
      %scan3A_10 = arith.addi %scan3A_8, %scan3A_9 : i32
      %scan3A_11 = arith.constant 1 : i32
      scf.for %scan3A_16 = %scan3A_8 to %scan3A_10 step %scan3A_11  : i32 {
        "tpu.region"() ({
          %run_scoped3A_46 = tpu.sem_alloc : memref<!tpu.dma_semaphore, #tpu.memory_space<semaphore_mem>>
          %dma_start3A_47 = arith.constant 0 : i32
          %dma_start3A_48 = arith.constant 0 : i32
          %dma_start3A_49 = tpu.memref_slice %arg3[%arg0, %scan3A_5, %arg1, %scan3A_16, %dma_start3A_47, %dma_start3A_48] : memref<2x6x16x5x25x80xi32, #tpu.memory_space<hbm>> -> memref<1x1x1x1x25x80xi32, #tpu.memory_space<hbm>>
          %dma_start3A_50 = tpu.memref_squeeze %dma_start3A_49 : memref<1x1x1x1x25x80xi32, #tpu.memory_space<hbm>> -> memref<25x80xi32, #tpu.memory_space<hbm>>
          %dma_start3A_51 = arith.constant 0 : i32
          %dma_start3A_52 = arith.constant 0 : i32
          %dma_start3A_53 = tpu.memref_slice %arg3[%arg0, %scan3A_5, %arg1, %scan3A_16, %dma_start3A_51, %dma_start3A_52] : memref<2x6x16x5x25x80xi32, #tpu.memory_space<hbm>> -> memref<1x1x1x1x25x80xi32, #tpu.memory_space<hbm>>
          %dma_start3A_54 = tpu.memref_squeeze %dma_start3A_53 : memref<1x1x1x1x25x80xi32, #tpu.memory_space<hbm>> -> memref<25x80xi32, #tpu.memory_space<hbm>>
          tpu.enqueue_dma source(%dma_start3A_54 : memref<25x80xi32, #tpu.memory_space<hbm>>) target(%arg7 : memref<25x80xi32, #tpu.memory_space<vmem>>) target_semaphore(%run_scoped3A_46 : memref<!tpu.dma_semaphore, #tpu.memory_space<semaphore_mem>>)
          %dma_wait3A_55 = arith.constant 0 : i32
          %dma_wait3A_56 = arith.constant 0 : i32
          %dma_wait3A_57 = tpu.memref_slice %arg3[%arg0, %scan3A_5, %arg1, %scan3A_16, %dma_wait3A_55, %dma_wait3A_56] : memref<2x6x16x5x25x80xi32, #tpu.memory_space<hbm>> -> memref<1x1x1x1x25x80xi32, #tpu.memory_space<hbm>>
          %dma_wait3A_58 = tpu.memref_squeeze %dma_wait3A_57 : memref<1x1x1x1x25x80xi32, #tpu.memory_space<hbm>> -> memref<25x80xi32, #tpu.memory_space<hbm>>
          %dma_wait3A_59 = arith.constant 0 : i32
          %dma_wait3A_60 = arith.constant 0 : i32
          %dma_wait3A_61 = tpu.memref_slice %arg3[%arg0, %scan3A_5, %arg1, %scan3A_16, %dma_wait3A_59, %dma_wait3A_60] : memref<2x6x16x5x25x80xi32, #tpu.memory_space<hbm>> -> memref<1x1x1x1x25x80xi32, #tpu.memory_space<hbm>>
          %dma_wait3A_62 = tpu.memref_squeeze %dma_wait3A_61 : memref<1x1x1x1x25x80xi32, #tpu.memory_space<hbm>> -> memref<25x80xi32, #tpu.memory_space<hbm>>
          tpu.wait_dma2 semaphore(%run_scoped3A_46 : memref<!tpu.dma_semaphore, #tpu.memory_space<semaphore_mem>>) src(%dma_wait3A_62 : memref<25x80xi32, #tpu.memory_space<hbm>>) dst(%arg7 : memref<25x80xi32, #tpu.memory_space<vmem>>)
          tpu.yield
        }) : () -> ()
        "tpu.region"() ({
          %run_scoped3A_46 = tpu.sem_alloc : memref<!tpu.dma_semaphore, #tpu.memory_space<semaphore_mem>>
          %dma_start3A_47 = arith.constant 0 : i32
          %dma_start3A_48 = arith.constant 0 : i32
          %dma_start3A_49 = tpu.memref_slice %arg4[%scan3A_5, %arg1, %scan3A_16, %dma_start3A_47, %dma_start3A_48] : memref<6x16x5x25x80xi32, #tpu.memory_space<hbm>> -> memref<1x1x1x25x80xi32, #tpu.memory_space<hbm>>
          %dma_start3A_50 = tpu.memref_squeeze %dma_start3A_49 : memref<1x1x1x25x80xi32, #tpu.memory_space<hbm>> -> memref<25x80xi32, #tpu.memory_space<hbm>>
          %dma_start3A_51 = arith.constant 0 : i32
          %dma_start3A_52 = arith.constant 0 : i32
          %dma_start3A_53 = tpu.memref_slice %arg4[%scan3A_5, %arg1, %scan3A_16, %dma_start3A_51, %dma_start3A_52] : memref<6x16x5x25x80xi32, #tpu.memory_space<hbm>> -> memref<1x1x1x25x80xi32, #tpu.memory_space<hbm>>
          %dma_start3A_54 = tpu.memref_squeeze %dma_start3A_53 : memref<1x1x1x25x80xi32, #tpu.memory_space<hbm>> -> memref<25x80xi32, #tpu.memory_space<hbm>>
          tpu.enqueue_dma source(%dma_start3A_54 : memref<25x80xi32, #tpu.memory_space<hbm>>) target(%arg8 : memref<25x80xi32, #tpu.memory_space<vmem>>) target_semaphore(%run_scoped3A_46 : memref<!tpu.dma_semaphore, #tpu.memory_space<semaphore_mem>>)
          %dma_wait3A_55 = arith.constant 0 : i32
          %dma_wait3A_56 = arith.constant 0 : i32
          %dma_wait3A_57 = tpu.memref_slice %arg4[%scan3A_5, %arg1, %scan3A_16, %dma_wait3A_55, %dma_wait3A_56] : memref<6x16x5x25x80xi32, #tpu.memory_space<hbm>> -> memref<1x1x1x25x80xi32, #tpu.memory_space<hbm>>
          %dma_wait3A_58 = tpu.memref_squeeze %dma_wait3A_57 : memref<1x1x1x25x80xi32, #tpu.memory_space<hbm>> -> memref<25x80xi32, #tpu.memory_space<hbm>>
          %dma_wait3A_59 = arith.constant 0 : i32
          %dma_wait3A_60 = arith.constant 0 : i32
          %dma_wait3A_61 = tpu.memref_slice %arg4[%scan3A_5, %arg1, %scan3A_16, %dma_wait3A_59, %dma_wait3A_60] : memref<6x16x5x25x80xi32, #tpu.memory_space<hbm>> -> memref<1x1x1x25x80xi32, #tpu.memory_space<hbm>>
          %dma_wait3A_62 = tpu.memref_squeeze %dma_wait3A_61 : memref<1x1x1x25x80xi32, #tpu.memory_space<hbm>> -> memref<25x80xi32, #tpu.memory_space<hbm>>
          tpu.wait_dma2 semaphore(%run_scoped3A_46 : memref<!tpu.dma_semaphore, #tpu.memory_space<semaphore_mem>>) src(%dma_wait3A_62 : memref<25x80xi32, #tpu.memory_space<hbm>>) dst(%arg8 : memref<25x80xi32, #tpu.memory_space<vmem>>)
          tpu.yield
        }) : () -> ()
        %dma_start3A = arith.constant 0 : i32
        %dma_start3A_17 = arith.constant 0 : i32
        %dma_start3A_18 = arith.constant 0 : i32
        %dma_start3A_19 = arith.constant 0 : i32
        %dma_start3A_20 = tpu.memref_slice %arg9[%dma_start3A_17, %dma_start3A_18, %dma_start3A_19] : memref<3x80x128xf32, #tpu.memory_space<vmem>> -> memref<1x80x128xf32, #tpu.memory_space<vmem>>
        %dma_start3A_21 = tpu.memref_squeeze %dma_start3A_20 : memref<1x80x128xf32, #tpu.memory_space<vmem>> -> memref<80x128xf32, #tpu.memory_space<vmem>>
        %dma_start3A_22 = arith.constant 0 : i32
        %dma_start3A_23 = tpu.memref_slice %arg7[%dma_start3A, %dma_start3A_22] : memref<25x80xi32, #tpu.memory_space<vmem>> -> memref<1x80xi32, #tpu.memory_space<vmem>>
        %dma_start3A_24 = tpu.memref_squeeze %dma_start3A_23 : memref<1x80xi32, #tpu.memory_space<vmem>> -> memref<80xi32, #tpu.memory_space<vmem>>
        %dma_start3A_25 = arith.constant 0 : i32
        %dma_start3A_26 = arith.constant 0 : i32
        %dma_start3A_27 = tpu.memref_slice %arg2[%dma_start3A_25, %dma_start3A_26] : memref<120000x128xf32, #tpu.memory_space<hbm>> -> memref<120000x128xf32, #tpu.memory_space<hbm>>
        tpu.enqueue_indirect_dma source(%dma_start3A_27 : memref<120000x128xf32, #tpu.memory_space<hbm>>) target(%dma_start3A_21 : memref<80x128xf32, #tpu.memory_space<vmem>>) offsets(%dma_start3A_24 : memref<80xi32, #tpu.memory_space<vmem>>) semaphore(%arg11 : memref<!tpu.dma_semaphore, #tpu.memory_space<semaphore_mem>>)
        %scan3A_28 = arith.constant 0 : i32
        %scan3A_29 = arith.constant 0 : i32
        %scan3A_30 = arith.constant 12 : i32
        %scan3A_31 = arith.addi %scan3A_29, %scan3A_30 : i32
        %scan3A_32 = arith.constant 1 : i32
        scf.for %scan3A_46 = %scan3A_29 to %scan3A_31 step %scan3A_32  : i32 {
          %mul3A_47 = arith.constant 2 : i32
          %mul3A_48 = arith.muli %mul3A_47, %scan3A_46 : i32
          %add3A = arith.constant 1 : i32
          %add3A_49 = arith.addi %mul3A_48, %add3A : i32
          %dma_start3A_50 = arith.constant 1 : i32
          %dma_start3A_51 = arith.constant 0 : i32
          %dma_start3A_52 = arith.constant 0 : i32
          %dma_start3A_53 = tpu.memref_slice %arg9[%dma_start3A_50, %dma_start3A_51, %dma_start3A_52] : memref<3x80x128xf32, #tpu.memory_space<vmem>> -> memref<1x80x128xf32, #tpu.memory_space<vmem>>
          %dma_start3A_54 = tpu.memref_squeeze %dma_start3A_53 : memref<1x80x128xf32, #tpu.memory_space<vmem>> -> memref<80x128xf32, #tpu.memory_space<vmem>>
          %dma_start3A_55 = arith.constant 0 : i32
          %dma_start3A_56 = tpu.memref_slice %arg7[%add3A_49, %dma_start3A_55] : memref<25x80xi32, #tpu.memory_space<vmem>> -> memref<1x80xi32, #tpu.memory_space<vmem>>
          %dma_start3A_57 = tpu.memref_squeeze %dma_start3A_56 : memref<1x80xi32, #tpu.memory_space<vmem>> -> memref<80xi32, #tpu.memory_space<vmem>>
          %dma_start3A_58 = arith.constant 0 : i32
          %dma_start3A_59 = arith.constant 0 : i32
          %dma_start3A_60 = tpu.memref_slice %arg2[%dma_start3A_58, %dma_start3A_59] : memref<120000x128xf32, #tpu.memory_space<hbm>> -> memref<120000x128xf32, #tpu.memory_space<hbm>>
          tpu.enqueue_indirect_dma source(%dma_start3A_60 : memref<120000x128xf32, #tpu.memory_space<hbm>>) target(%dma_start3A_54 : memref<80x128xf32, #tpu.memory_space<vmem>>) offsets(%dma_start3A_57 : memref<80xi32, #tpu.memory_space<vmem>>) semaphore(%arg12 : memref<!tpu.dma_semaphore, #tpu.memory_space<semaphore_mem>>)
          %mul3A_61 = arith.constant 2 : i32
          %mul3A_62 = arith.muli %mul3A_61, %scan3A_46 : i32
          %dma_wait3A_63 = arith.constant 0 : i32
          %dma_wait3A_64 = arith.constant 0 : i32
          %dma_wait3A_65 = arith.constant 0 : i32
          %dma_wait3A_66 = arith.constant 0 : i32
          %dma_wait3A_67 = tpu.memref_slice %arg9[%dma_wait3A_64, %dma_wait3A_65, %dma_wait3A_66] : memref<3x80x128xf32, #tpu.memory_space<vmem>> -> memref<1x80x128xf32, #tpu.memory_space<vmem>>
          %dma_wait3A_68 = tpu.memref_squeeze %dma_wait3A_67 : memref<1x80x128xf32, #tpu.memory_space<vmem>> -> memref<80x128xf32, #tpu.memory_space<vmem>>
          %dma_wait3A_69 = arith.constant 0 : i32
          %dma_wait3A_70 = tpu.memref_slice %arg7[%dma_wait3A_63, %dma_wait3A_69] : memref<25x80xi32, #tpu.memory_space<vmem>> -> memref<1x80xi32, #tpu.memory_space<vmem>>
          %dma_wait3A_71 = tpu.memref_squeeze %dma_wait3A_70 : memref<1x80xi32, #tpu.memory_space<vmem>> -> memref<80xi32, #tpu.memory_space<vmem>>
          %dma_wait3A_72 = arith.constant 0 : i32
          %dma_wait3A_73 = arith.constant 0 : i32
          %dma_wait3A_74 = tpu.memref_slice %arg2[%dma_wait3A_72, %dma_wait3A_73] : memref<120000x128xf32, #tpu.memory_space<hbm>> -> memref<120000x128xf32, #tpu.memory_space<hbm>>
          tpu.wait_indirect_dma semaphore(%arg11 : memref<!tpu.dma_semaphore, #tpu.memory_space<semaphore_mem>>) src(%dma_wait3A_74 : memref<120000x128xf32, #tpu.memory_space<hbm>>) dst(%dma_wait3A_68 : memref<80x128xf32, #tpu.memory_space<vmem>>)
          %run_scoped3A_75 = arith.constant 0 : i32
          "tpu.region"() ({
            %run_scoped3A_108 = tpu.sem_alloc : memref<!tpu.dma_semaphore, #tpu.memory_space<semaphore_mem>>
            %dma_start3A_109 = arith.constant 0 : i32
            %dma_start3A_110 = arith.constant 0 : i32
            %dma_start3A_111 = tpu.memref_slice %arg9[%run_scoped3A_75, %dma_start3A_109, %dma_start3A_110] : memref<3x80x128xf32, #tpu.memory_space<vmem>> -> memref<1x80x128xf32, #tpu.memory_space<vmem>>
            %dma_start3A_112 = tpu.memref_squeeze %dma_start3A_111 : memref<1x80x128xf32, #tpu.memory_space<vmem>> -> memref<80x128xf32, #tpu.memory_space<vmem>>
            %dma_start3A_113 = arith.constant 0 : i32
            %dma_start3A_114 = tpu.memref_slice %arg8[%mul3A_62, %dma_start3A_113] : memref<25x80xi32, #tpu.memory_space<vmem>> -> memref<1x80xi32, #tpu.memory_space<vmem>>
            %dma_start3A_115 = tpu.memref_squeeze %dma_start3A_114 : memref<1x80xi32, #tpu.memory_space<vmem>> -> memref<80xi32, #tpu.memory_space<vmem>>
            %dma_start3A_116 = arith.constant 0 : i32
            %dma_start3A_117 = arith.constant 0 : i32
            %dma_start3A_118 = tpu.memref_slice %arg10[%dma_start3A_116, %dma_start3A_117] : memref<10000x128xf32, #tpu.memory_space<vmem_shared>> -> memref<10000x128xf32, #tpu.memory_space<vmem_shared>>
            tpu.enqueue_indirect_dma source(%dma_start3A_112 : memref<80x128xf32, #tpu.memory_space<vmem>>) target(%dma_start3A_118 : memref<10000x128xf32, #tpu.memory_space<vmem_shared>>) offsets(%dma_start3A_115 : memref<80xi32, #tpu.memory_space<vmem>>) semaphore(%run_scoped3A_108 : memref<!tpu.dma_semaphore, #tpu.memory_space<semaphore_mem>>) {add = true}
            %dma_wait3A_119 = arith.constant 0 : i32
            %dma_wait3A_120 = arith.constant 0 : i32
            %dma_wait3A_121 = tpu.memref_slice %arg9[%run_scoped3A_75, %dma_wait3A_119, %dma_wait3A_120] : memref<3x80x128xf32, #tpu.memory_space<vmem>> -> memref<1x80x128xf32, #tpu.memory_space<vmem>>
            %dma_wait3A_122 = tpu.memref_squeeze %dma_wait3A_121 : memref<1x80x128xf32, #tpu.memory_space<vmem>> -> memref<80x128xf32, #tpu.memory_space<vmem>>
            %dma_wait3A_123 = arith.constant 0 : i32
            %dma_wait3A_124 = tpu.memref_slice %arg8[%mul3A_62, %dma_wait3A_123] : memref<25x80xi32, #tpu.memory_space<vmem>> -> memref<1x80xi32, #tpu.memory_space<vmem>>
            %dma_wait3A_125 = tpu.memref_squeeze %dma_wait3A_124 : memref<1x80xi32, #tpu.memory_space<vmem>> -> memref<80xi32, #tpu.memory_space<vmem>>
            %dma_wait3A_126 = arith.constant 0 : i32
            %dma_wait3A_127 = arith.constant 0 : i32
            %dma_wait3A_128 = tpu.memref_slice %arg10[%dma_wait3A_126, %dma_wait3A_127] : memref<10000x128xf32, #tpu.memory_space<vmem_shared>> -> memref<10000x128xf32, #tpu.memory_space<vmem_shared>>
            tpu.wait_indirect_dma semaphore(%run_scoped3A_108 : memref<!tpu.dma_semaphore, #tpu.memory_space<semaphore_mem>>) src(%dma_wait3A_122 : memref<80x128xf32, #tpu.memory_space<vmem>>) dst(%dma_wait3A_128 : memref<10000x128xf32, #tpu.memory_space<vmem_shared>>)
            tpu.yield
          }) : () -> ()
          %mul3A_76 = arith.constant 2 : i32
          %mul3A_77 = arith.muli %mul3A_76, %scan3A_46 : i32
          %add3A_78 = arith.constant 2 : i32
          %add3A_79 = arith.addi %mul3A_77, %add3A_78 : i32
          %dma_start3A_80 = arith.constant 0 : i32
          %dma_start3A_81 = arith.constant 0 : i32
          %dma_start3A_82 = arith.constant 0 : i32
          %dma_start3A_83 = tpu.memref_slice %arg9[%dma_start3A_80, %dma_start3A_81, %dma_start3A_82] : memref<3x80x128xf32, #tpu.memory_space<vmem>> -> memref<1x80x128xf32, #tpu.memory_space<vmem>>
          %dma_start3A_84 = tpu.memref_squeeze %dma_start3A_83 : memref<1x80x128xf32, #tpu.memory_space<vmem>> -> memref<80x128xf32, #tpu.memory_space<vmem>>
          %dma_start3A_85 = arith.constant 0 : i32
          %dma_start3A_86 = tpu.memref_slice %arg7[%add3A_79, %dma_start3A_85] : memref<25x80xi32, #tpu.memory_space<vmem>> -> memref<1x80xi32, #tpu.memory_space<vmem>>
          %dma_start3A_87 = tpu.memref_squeeze %dma_start3A_86 : memref<1x80xi32, #tpu.memory_space<vmem>> -> memref<80xi32, #tpu.memory_space<vmem>>
          %dma_start3A_88 = arith.constant 0 : i32
          %dma_start3A_89 = arith.constant 0 : i32
          %dma_start3A_90 = tpu.memref_slice %arg2[%dma_start3A_88, %dma_start3A_89] : memref<120000x128xf32, #tpu.memory_space<hbm>> -> memref<120000x128xf32, #tpu.memory_space<hbm>>
          tpu.enqueue_indirect_dma source(%dma_start3A_90 : memref<120000x128xf32, #tpu.memory_space<hbm>>) target(%dma_start3A_84 : memref<80x128xf32, #tpu.memory_space<vmem>>) offsets(%dma_start3A_87 : memref<80xi32, #tpu.memory_space<vmem>>) semaphore(%arg11 : memref<!tpu.dma_semaphore, #tpu.memory_space<semaphore_mem>>)
          %mul3A_91 = arith.constant 2 : i32
          %mul3A_92 = arith.muli %mul3A_91, %scan3A_46 : i32
          %add3A_93 = arith.constant 1 : i32
          %add3A_94 = arith.addi %mul3A_92, %add3A_93 : i32
          %dma_wait3A_95 = arith.constant 0 : i32
          %dma_wait3A_96 = arith.constant 1 : i32
          %dma_wait3A_97 = arith.constant 0 : i32
          %dma_wait3A_98 = arith.constant 0 : i32
          %dma_wait3A_99 = tpu.memref_slice %arg9[%dma_wait3A_96, %dma_wait3A_97, %dma_wait3A_98] : memref<3x80x128xf32, #tpu.memory_space<vmem>> -> memref<1x80x128xf32, #tpu.memory_space<vmem>>
          %dma_wait3A_100 = tpu.memref_squeeze %dma_wait3A_99 : memref<1x80x128xf32, #tpu.memory_space<vmem>> -> memref<80x128xf32, #tpu.memory_space<vmem>>
          %dma_wait3A_101 = arith.constant 0 : i32
          %dma_wait3A_102 = tpu.memref_slice %arg7[%dma_wait3A_95, %dma_wait3A_101] : memref<25x80xi32, #tpu.memory_space<vmem>> -> memref<1x80xi32, #tpu.memory_space<vmem>>
          %dma_wait3A_103 = tpu.memref_squeeze %dma_wait3A_102 : memref<1x80xi32, #tpu.memory_space<vmem>> -> memref<80xi32, #tpu.memory_space<vmem>>
          %dma_wait3A_104 = arith.constant 0 : i32
          %dma_wait3A_105 = arith.constant 0 : i32
          %dma_wait3A_106 = tpu.memref_slice %arg2[%dma_wait3A_104, %dma_wait3A_105] : memref<120000x128xf32, #tpu.memory_space<hbm>> -> memref<120000x128xf32, #tpu.memory_space<hbm>>
          tpu.wait_indirect_dma semaphore(%arg12 : memref<!tpu.dma_semaphore, #tpu.memory_space<semaphore_mem>>) src(%dma_wait3A_106 : memref<120000x128xf32, #tpu.memory_space<hbm>>) dst(%dma_wait3A_100 : memref<80x128xf32, #tpu.memory_space<vmem>>)
          %run_scoped3A_107 = arith.constant 1 : i32
          "tpu.region"() ({
            %run_scoped3A_108 = tpu.sem_alloc : memref<!tpu.dma_semaphore, #tpu.memory_space<semaphore_mem>>
            %dma_start3A_109 = arith.constant 0 : i32
            %dma_start3A_110 = arith.constant 0 : i32
            %dma_start3A_111 = tpu.memref_slice %arg9[%run_scoped3A_107, %dma_start3A_109, %dma_start3A_110] : memref<3x80x128xf32, #tpu.memory_space<vmem>> -> memref<1x80x128xf32, #tpu.memory_space<vmem>>
            %dma_start3A_112 = tpu.memref_squeeze %dma_start3A_111 : memref<1x80x128xf32, #tpu.memory_space<vmem>> -> memref<80x128xf32, #tpu.memory_space<vmem>>
            %dma_start3A_113 = arith.constant 0 : i32
            %dma_start3A_114 = tpu.memref_slice %arg8[%add3A_94, %dma_start3A_113] : memref<25x80xi32, #tpu.memory_space<vmem>> -> memref<1x80xi32, #tpu.memory_space<vmem>>
            %dma_start3A_115 = tpu.memref_squeeze %dma_start3A_114 : memref<1x80xi32, #tpu.memory_space<vmem>> -> memref<80xi32, #tpu.memory_space<vmem>>
            %dma_start3A_116 = arith.constant 0 : i32
            %dma_start3A_117 = arith.constant 0 : i32
            %dma_start3A_118 = tpu.memref_slice %arg10[%dma_start3A_116, %dma_start3A_117] : memref<10000x128xf32, #tpu.memory_space<vmem_shared>> -> memref<10000x128xf32, #tpu.memory_space<vmem_shared>>
            tpu.enqueue_indirect_dma source(%dma_start3A_112 : memref<80x128xf32, #tpu.memory_space<vmem>>) target(%dma_start3A_118 : memref<10000x128xf32, #tpu.memory_space<vmem_shared>>) offsets(%dma_start3A_115 : memref<80xi32, #tpu.memory_space<vmem>>) semaphore(%run_scoped3A_108 : memref<!tpu.dma_semaphore, #tpu.memory_space<semaphore_mem>>) {add = true}
            %dma_wait3A_119 = arith.constant 0 : i32
            %dma_wait3A_120 = arith.constant 0 : i32
            %dma_wait3A_121 = tpu.memref_slice %arg9[%run_scoped3A_107, %dma_wait3A_119, %dma_wait3A_120] : memref<3x80x128xf32, #tpu.memory_space<vmem>> -> memref<1x80x128xf32, #tpu.memory_space<vmem>>
            %dma_wait3A_122 = tpu.memref_squeeze %dma_wait3A_121 : memref<1x80x128xf32, #tpu.memory_space<vmem>> -> memref<80x128xf32, #tpu.memory_space<vmem>>
            %dma_wait3A_123 = arith.constant 0 : i32
            %dma_wait3A_124 = tpu.memref_slice %arg8[%add3A_94, %dma_wait3A_123] : memref<25x80xi32, #tpu.memory_space<vmem>> -> memref<1x80xi32, #tpu.memory_space<vmem>>
            %dma_wait3A_125 = tpu.memref_squeeze %dma_wait3A_124 : memref<1x80xi32, #tpu.memory_space<vmem>> -> memref<80xi32, #tpu.memory_space<vmem>>
            %dma_wait3A_126 = arith.constant 0 : i32
            %dma_wait3A_127 = arith.constant 0 : i32
            %dma_wait3A_128 = tpu.memref_slice %arg10[%dma_wait3A_126, %dma_wait3A_127] : memref<10000x128xf32, #tpu.memory_space<vmem_shared>> -> memref<10000x128xf32, #tpu.memory_space<vmem_shared>>
            tpu.wait_indirect_dma semaphore(%run_scoped3A_108 : memref<!tpu.dma_semaphore, #tpu.memory_space<semaphore_mem>>) src(%dma_wait3A_122 : memref<80x128xf32, #tpu.memory_space<vmem>>) dst(%dma_wait3A_128 : memref<10000x128xf32, #tpu.memory_space<vmem_shared>>)
            tpu.yield
          }) : () -> ()
        }
        %scan3A_33 = arith.constant 12 : i32
        %dma_wait3A = arith.constant 0 : i32
        %dma_wait3A_34 = arith.constant 0 : i32
        %dma_wait3A_35 = arith.constant 0 : i32
        %dma_wait3A_36 = arith.constant 0 : i32
        %dma_wait3A_37 = tpu.memref_slice %arg9[%dma_wait3A_34, %dma_wait3A_35, %dma_wait3A_36] : memref<3x80x128xf32, #tpu.memory_space<vmem>> -> memref<1x80x128xf32, #tpu.memory_space<vmem>>
        %dma_wait3A_38 = tpu.memref_squeeze %dma_wait3A_37 : memref<1x80x128xf32, #tpu.memory_space<vmem>> -> memref<80x128xf32, #tpu.memory_space<vmem>>
        %dma_wait3A_39 = arith.constant 0 : i32
        %dma_wait3A_40 = tpu.memref_slice %arg7[%dma_wait3A, %dma_wait3A_39] : memref<25x80xi32, #tpu.memory_space<vmem>> -> memref<1x80xi32, #tpu.memory_space<vmem>>
        %dma_wait3A_41 = tpu.memref_squeeze %dma_wait3A_40 : memref<1x80xi32, #tpu.memory_space<vmem>> -> memref<80xi32, #tpu.memory_space<vmem>>
        %dma_wait3A_42 = arith.constant 0 : i32
        %dma_wait3A_43 = arith.constant 0 : i32
        %dma_wait3A_44 = tpu.memref_slice %arg2[%dma_wait3A_42, %dma_wait3A_43] : memref<120000x128xf32, #tpu.memory_space<hbm>> -> memref<120000x128xf32, #tpu.memory_space<hbm>>
        tpu.wait_indirect_dma semaphore(%arg11 : memref<!tpu.dma_semaphore, #tpu.memory_space<semaphore_mem>>) src(%dma_wait3A_44 : memref<120000x128xf32, #tpu.memory_space<hbm>>) dst(%dma_wait3A_38 : memref<80x128xf32, #tpu.memory_space<vmem>>)
        %run_scoped3A = arith.constant 0 : i32
        %run_scoped3A_45 = arith.constant 24 : i32
        "tpu.region"() ({
          %run_scoped3A_46 = tpu.sem_alloc : memref<!tpu.dma_semaphore, #tpu.memory_space<semaphore_mem>>
          %dma_start3A_47 = arith.constant 0 : i32
          %dma_start3A_48 = arith.constant 0 : i32
          %dma_start3A_49 = tpu.memref_slice %arg9[%run_scoped3A, %dma_start3A_47, %dma_start3A_48] : memref<3x80x128xf32, #tpu.memory_space<vmem>> -> memref<1x80x128xf32, #tpu.memory_space<vmem>>
          %dma_start3A_50 = tpu.memref_squeeze %dma_start3A_49 : memref<1x80x128xf32, #tpu.memory_space<vmem>> -> memref<80x128xf32, #tpu.memory_space<vmem>>
          %dma_start3A_51 = arith.constant 0 : i32
          %dma_start3A_52 = tpu.memref_slice %arg8[%run_scoped3A_45, %dma_start3A_51] : memref<25x80xi32, #tpu.memory_space<vmem>> -> memref<1x80xi32, #tpu.memory_space<vmem>>
          %dma_start3A_53 = tpu.memref_squeeze %dma_start3A_52 : memref<1x80xi32, #tpu.memory_space<vmem>> -> memref<80xi32, #tpu.memory_space<vmem>>
          %dma_start3A_54 = arith.constant 0 : i32
          %dma_start3A_55 = arith.constant 0 : i32
          %dma_start3A_56 = tpu.memref_slice %arg10[%dma_start3A_54, %dma_start3A_55] : memref<10000x128xf32, #tpu.memory_space<vmem_shared>> -> memref<10000x128xf32, #tpu.memory_space<vmem_shared>>
          tpu.enqueue_indirect_dma source(%dma_start3A_50 : memref<80x128xf32, #tpu.memory_space<vmem>>) target(%dma_start3A_56 : memref<10000x128xf32, #tpu.memory_space<vmem_shared>>) offsets(%dma_start3A_53 : memref<80xi32, #tpu.memory_space<vmem>>) semaphore(%run_scoped3A_46 : memref<!tpu.dma_semaphore, #tpu.memory_space<semaphore_mem>>) {add = true}
          %dma_wait3A_57 = arith.constant 0 : i32
          %dma_wait3A_58 = arith.constant 0 : i32
          %dma_wait3A_59 = tpu.memref_slice %arg9[%run_scoped3A, %dma_wait3A_57, %dma_wait3A_58] : memref<3x80x128xf32, #tpu.memory_space<vmem>> -> memref<1x80x128xf32, #tpu.memory_space<vmem>>
          %dma_wait3A_60 = tpu.memref_squeeze %dma_wait3A_59 : memref<1x80x128xf32, #tpu.memory_space<vmem>> -> memref<80x128xf32, #tpu.memory_space<vmem>>
          %dma_wait3A_61 = arith.constant 0 : i32
          %dma_wait3A_62 = tpu.memref_slice %arg8[%run_scoped3A_45, %dma_wait3A_61] : memref<25x80xi32, #tpu.memory_space<vmem>> -> memref<1x80xi32, #tpu.memory_space<vmem>>
          %dma_wait3A_63 = tpu.memref_squeeze %dma_wait3A_62 : memref<1x80xi32, #tpu.memory_space<vmem>> -> memref<80xi32, #tpu.memory_space<vmem>>
          %dma_wait3A_64 = arith.constant 0 : i32
          %dma_wait3A_65 = arith.constant 0 : i32
          %dma_wait3A_66 = tpu.memref_slice %arg10[%dma_wait3A_64, %dma_wait3A_65] : memref<10000x128xf32, #tpu.memory_space<vmem_shared>> -> memref<10000x128xf32, #tpu.memory_space<vmem_shared>>
          tpu.wait_indirect_dma semaphore(%run_scoped3A_46 : memref<!tpu.dma_semaphore, #tpu.memory_space<semaphore_mem>>) src(%dma_wait3A_60 : memref<80x128xf32, #tpu.memory_space<vmem>>) dst(%dma_wait3A_66 : memref<10000x128xf32, #tpu.memory_space<vmem_shared>>)
          tpu.yield
        }) : () -> ()
      }
      %scan3A_12 = arith.constant 5 : i32
      %barrier3A_13 = arith.constant 0 : index
      tpu.barrier barrier_id(%barrier3A_13)
      %mul3A_14 = arith.constant 625 : i32
      %mul3A_15 = arith.muli %arg1, %mul3A_14 : i32
      "tpu.region"() ({
        %run_scoped3A = tpu.sem_alloc : memref<!tpu.dma_semaphore, #tpu.memory_space<semaphore_mem>>
        %dma_start3A = arith.constant 0 : i32
        %dma_start3A_16 = arith.constant 0 : i32
        %dma_start3A_17 = tpu.memref_slice %arg6[%arg0, %scan3A_5, %arg1, %dma_start3A, %dma_start3A_16] : memref<2x6x16x625x128xf32, #tpu.memory_space<hbm>> -> memref<1x1x1x625x128xf32, #tpu.memory_space<hbm>>
        %dma_start3A_18 = tpu.memref_squeeze %dma_start3A_17 : memref<1x1x1x625x128xf32, #tpu.memory_space<hbm>> -> memref<625x128xf32, #tpu.memory_space<hbm>>
        %dma_start3A_19 = arith.constant 0 : i32
        %dma_start3A_20 = tpu.memref_slice %arg10[%mul3A_15, %dma_start3A_19] : memref<10000x128xf32, #tpu.memory_space<vmem_shared>> -> memref<625x128xf32, #tpu.memory_space<vmem_shared>>
        tpu.enqueue_dma source(%dma_start3A_20 : memref<625x128xf32, #tpu.memory_space<vmem_shared>>) target(%dma_start3A_18 : memref<625x128xf32, #tpu.memory_space<hbm>>) target_semaphore(%run_scoped3A : memref<!tpu.dma_semaphore, #tpu.memory_space<semaphore_mem>>)
        %dma_wait3A = arith.constant 0 : i32
        %dma_wait3A_21 = arith.constant 0 : i32
        %dma_wait3A_22 = tpu.memref_slice %arg6[%arg0, %scan3A_5, %arg1, %dma_wait3A, %dma_wait3A_21] : memref<2x6x16x625x128xf32, #tpu.memory_space<hbm>> -> memref<1x1x1x625x128xf32, #tpu.memory_space<hbm>>
        %dma_wait3A_23 = tpu.memref_squeeze %dma_wait3A_22 : memref<1x1x1x625x128xf32, #tpu.memory_space<hbm>> -> memref<625x128xf32, #tpu.memory_space<hbm>>
        %dma_wait3A_24 = arith.constant 0 : i32
        %dma_wait3A_25 = tpu.memref_slice %arg10[%mul3A_15, %dma_wait3A_24] : memref<10000x128xf32, #tpu.memory_space<vmem_shared>> -> memref<625x128xf32, #tpu.memory_space<vmem_shared>>
        tpu.wait_dma2 semaphore(%run_scoped3A : memref<!tpu.dma_semaphore, #tpu.memory_space<semaphore_mem>>) src(%dma_wait3A_25 : memref<625x128xf32, #tpu.memory_space<vmem_shared>>) dst(%dma_wait3A_23 : memref<625x128xf32, #tpu.memory_space<hbm>>)
        tpu.yield
      }) : () -> ()
    }
    %scan3A_4 = arith.constant 6 : i32
    return
  }
}

module attributes {stable_mosaic.version = 14 : i64} {
  func.func @_m1_body(%arg0: i32, %arg1: i32, %arg2: memref<1x1000x256xf32, #tpu.memory_space<vmem>>, %arg3: memref<256x256xf32, #tpu.memory_space<vmem>>, %arg4: memref<1x1000x128xf32, #tpu.memory_space<vmem>>, %arg5: memref<2x1x1000x128xf32, #tpu.memory_space<vmem>>) attributes {dimension_semantics = [#tpu.dimension_semantics<arbitrary>, #tpu.dimension_semantics<arbitrary>], iteration_bounds = array<i64: 6, 10>, scalar_prefetch = 0 : i64, scratch_operands = 0 : i64, tpu.core_type = #tpu.core_type<tc>, window_params = [{transform_indices = @transform_0, window_bounds = array<i64: 1, 1000, 256>}, {pipeline_mode = #tpu.pipeline_mode<synchronous>, transform_indices = @transform_1, window_bounds = array<i64: 256, 256>}, {transform_indices = @transform_2, window_bounds = array<i64: 1, 1000, 128>}, {transform_indices = @transform_3, window_bounds = array<i64: 2, 1, 1000, 128>}]} {
    %get3A = arith.constant 0 : index
    %get3A_0 = arith.constant 0 : index
    %get3A_1 = arith.constant 0 : index
    %get3A_2 = vector.load %arg2[%get3A, %get3A_0, %get3A_1] : memref<1x1000x256xf32, #tpu.memory_space<vmem>>, vector<1x1000x256xf32>
    %get3A_3 = vector.shape_cast %get3A_2 : vector<1x1000x256xf32> to vector<1000x256xf32>
    %get3A_4 = arith.constant 0 : index
    %get3A_5 = arith.constant 0 : index
    %get3A_6 = vector.load %arg3[%get3A_4, %get3A_5] : memref<256x256xf32, #tpu.memory_space<vmem>>, vector<256x256xf32>
    %dot_general3A = arith.constant dense<0.000000e+00> : vector<1000x256xf32>
    %dot_general3A_7 = tpu.matmul %get3A_3, %get3A_6, %dot_general3A {dimension_numbers = #tpu.dot_dimension_numbers<[1], [0], [0], [1], [0, 0, 1, 1], [], []>, precision = #tpu.contract_precision<fp32>, transpose_lhs_hint = false} : vector<1000x256xf32>, vector<256x256xf32>, vector<1000x256xf32> -> vector<1000x256xf32>
    %get3A_8 = arith.constant 0 : index
    %get3A_9 = arith.constant 0 : index
    %get3A_10 = arith.constant 0 : index
    %get3A_11 = vector.load %arg4[%get3A_8, %get3A_9, %get3A_10] : memref<1x1000x128xf32, #tpu.memory_space<vmem>>, vector<1x1000x1xf32>
    %get3A_12 = vector.shape_cast %get3A_11 : vector<1x1000x1xf32> to vector<1000x1xf32>
    %add3A = arith.constant 1.000000e+00 : f32
    %add3A_13 = vector.broadcast %add3A : f32 to vector<1000x1xf32>
    %add3A_14 = arith.addf %get3A_12, %add3A_13 : vector<1000x1xf32>
    %rsqrt3A = math.rsqrt %add3A_14 : vector<1000x1xf32>
    %mul3A = vector.broadcast %rsqrt3A : vector<1000x1xf32> to vector<1000x256xf32>
    %mul3A_15 = arith.mulf %dot_general3A_7, %mul3A : vector<1000x256xf32>
    %slice3A = vector.extract_strided_slice %mul3A_15 {offsets = [0, 0], sizes = [1000, 128], strides = [1, 1]} : vector<1000x256xf32> to vector<1000x128xf32>
    %swap3A = arith.constant 0 : index
    %swap3A_16 = arith.constant 0 : index
    %swap3A_17 = arith.constant 0 : index
    %swap3A_18 = arith.constant 0 : index
    %swap3A_19 = vector.load %arg5[%swap3A, %swap3A_16, %swap3A_17, %swap3A_18] : memref<2x1x1000x128xf32, #tpu.memory_space<vmem>>, vector<1x1x1000x128xf32>
    %swap3A_20 = vector.shape_cast %swap3A_19 : vector<1x1x1000x128xf32> to vector<1000x128xf32>
    %swap3A_21 = vector.shape_cast %slice3A : vector<1000x128xf32> to vector<1x1x1000x128xf32>
    tpu.vector_store %arg5[%swap3A, %swap3A_16, %swap3A_17, %swap3A_18], %swap3A_21 {strides = array<i32>} : memref<2x1x1000x128xf32, #tpu.memory_space<vmem>>, vector<1x1x1000x128xf32>,
    %slice3A_22 = vector.extract_strided_slice %mul3A_15 {offsets = [0, 128], sizes = [1000, 128], strides = [1, 1]} : vector<1000x256xf32> to vector<1000x128xf32>
    %swap3A_23 = arith.constant 1 : index
    %swap3A_24 = arith.constant 0 : index
    %swap3A_25 = arith.constant 0 : index
    %swap3A_26 = arith.constant 0 : index
    %swap3A_27 = vector.load %arg5[%swap3A_23, %swap3A_24, %swap3A_25, %swap3A_26] : memref<2x1x1000x128xf32, #tpu.memory_space<vmem>>, vector<1x1x1000x128xf32>
    %swap3A_28 = vector.shape_cast %swap3A_27 : vector<1x1x1000x128xf32> to vector<1000x128xf32>
    %swap3A_29 = vector.shape_cast %slice3A_22 : vector<1000x128xf32> to vector<1x1x1000x128xf32>
    tpu.vector_store %arg5[%swap3A_23, %swap3A_24, %swap3A_25, %swap3A_26], %swap3A_29 {strides = array<i32>} : memref<2x1x1000x128xf32, #tpu.memory_space<vmem>>, vector<1x1x1000x128xf32>,
    return
  }
  func.func @transform_0(%arg0: i32, %arg1: i32) -> (i32, i32, i32) {
    %c0_i32 = arith.constant 0 : i32
    %c0_i32_0 = arith.constant 0 : i32
    return %arg0, %arg1, %c0_i32 : i32, i32, i32
  }
  func.func @transform_1(%arg0: i32, %arg1: i32) -> (i32, i32) {
    %c0_i32 = arith.constant 0 : i32
    %c0_i32_0 = arith.constant 0 : i32
    %c0_i32_1 = arith.constant 0 : i32
    return %c0_i32, %c0_i32_0 : i32, i32
  }
  func.func @transform_2(%arg0: i32, %arg1: i32) -> (i32, i32, i32) {
    %c0_i32 = arith.constant 0 : i32
    %c0_i32_0 = arith.constant 0 : i32
    return %arg0, %arg1, %c0_i32 : i32, i32, i32
  }
  func.func @transform_3(%arg0: i32, %arg1: i32) -> (i32, i32, i32, i32) {
    %c0_i32 = arith.constant 0 : i32
    %c0_i32_0 = arith.constant 0 : i32
    %c0_i32_1 = arith.constant 0 : i32
    return %c0_i32, %arg0, %arg1, %c0_i32_0 : i32, i32, i32, i32
  }
}

module attributes {stable_mosaic.version = 14 : i64} {
  func.func @_m2_body(%arg0: i32, %arg1: i32, %arg2: memref<2x1x1000x128xf32, #tpu.memory_space<vmem>>, %arg3: memref<2x1x1000x128xf32, #tpu.memory_space<vmem>>, %arg4: memref<1x1000x128xf32, #tpu.memory_space<vmem>>, %arg5: memref<1x256xf32, #tpu.memory_space<vmem>>, %arg6: memref<256x256xf32, #tpu.memory_space<vmem>>, %arg7: memref<2x1x1000x128xf32, #tpu.memory_space<vmem>>) attributes {dimension_semantics = [#tpu.dimension_semantics<arbitrary>, #tpu.dimension_semantics<arbitrary>], iteration_bounds = array<i64: 6, 10>, scalar_prefetch = 0 : i64, scratch_operands = 0 : i64, tpu.core_type = #tpu.core_type<tc>, window_params = [{transform_indices = @transform_0, window_bounds = array<i64: 2, 1, 1000, 128>}, {transform_indices = @transform_1, window_bounds = array<i64: 2, 1, 1000, 128>}, {transform_indices = @transform_2, window_bounds = array<i64: 1, 1000, 128>}, {pipeline_mode = #tpu.pipeline_mode<synchronous>, transform_indices = @transform_3, window_bounds = array<i64: 1, 256>}, {pipeline_mode = #tpu.pipeline_mode<synchronous>, transform_indices = @transform_4, window_bounds = array<i64: 256, 256>}, {transform_indices = @transform_5, window_bounds = array<i64: 2, 1, 1000, 128>}]} {
    %get3A = arith.constant 0 : index
    %get3A_0 = arith.constant 0 : index
    %get3A_1 = arith.constant 0 : index
    %get3A_2 = vector.load %arg4[%get3A, %get3A_0, %get3A_1] : memref<1x1000x128xf32, #tpu.memory_space<vmem>>, vector<1x1000x1xf32>
    %get3A_3 = vector.shape_cast %get3A_2 : vector<1x1000x1xf32> to vector<1000x1xf32>
    %add3A = arith.constant 1.000000e+00 : f32
    %add3A_4 = vector.broadcast %add3A : f32 to vector<1000x1xf32>
    %add3A_5 = arith.addf %get3A_3, %add3A_4 : vector<1000x1xf32>
    %rsqrt3A = math.rsqrt %add3A_5 : vector<1000x1xf32>
    %get3A_6 = arith.constant 0 : index
    %get3A_7 = arith.constant 0 : index
    %get3A_8 = arith.constant 0 : index
    %get3A_9 = arith.constant 0 : index
    %get3A_10 = vector.load %arg2[%get3A_6, %get3A_7, %get3A_8, %get3A_9] : memref<2x1x1000x128xf32, #tpu.memory_space<vmem>>, vector<1x1x1000x128xf32>
    %get3A_11 = vector.shape_cast %get3A_10 : vector<1x1x1000x128xf32> to vector<1000x128xf32>
    %get3A_12 = arith.constant 1 : index
    %get3A_13 = arith.constant 0 : index
    %get3A_14 = arith.constant 0 : index
    %get3A_15 = arith.constant 0 : index
    %get3A_16 = vector.load %arg2[%get3A_12, %get3A_13, %get3A_14, %get3A_15] : memref<2x1x1000x128xf32, #tpu.memory_space<vmem>>, vector<1x1x1000x128xf32>
    %get3A_17 = vector.shape_cast %get3A_16 : vector<1x1x1000x128xf32> to vector<1000x128xf32>
    %concatenate3A = tpu.concatenate %get3A_11, %get3A_17 in 1 : vector<1000x128xf32>, vector<1000x128xf32> -> vector<1000x256xf32>
    %get3A_18 = arith.constant 0 : index
    %get3A_19 = arith.constant 0 : index
    %get3A_20 = arith.constant 0 : index
    %get3A_21 = arith.constant 0 : index
    %get3A_22 = vector.load %arg3[%get3A_18, %get3A_19, %get3A_20, %get3A_21] : memref<2x1x1000x128xf32, #tpu.memory_space<vmem>>, vector<1x1x1000x128xf32>
    %get3A_23 = vector.shape_cast %get3A_22 : vector<1x1x1000x128xf32> to vector<1000x128xf32>
    %get3A_24 = arith.constant 1 : index
    %get3A_25 = arith.constant 0 : index
    %get3A_26 = arith.constant 0 : index
    %get3A_27 = arith.constant 0 : index
    %get3A_28 = vector.load %arg3[%get3A_24, %get3A_25, %get3A_26, %get3A_27] : memref<2x1x1000x128xf32, #tpu.memory_space<vmem>>, vector<1x1x1000x128xf32>
    %get3A_29 = vector.shape_cast %get3A_28 : vector<1x1x1000x128xf32> to vector<1000x128xf32>
    %concatenate3A_30 = tpu.concatenate %get3A_23, %get3A_29 in 1 : vector<1000x128xf32>, vector<1000x128xf32> -> vector<1000x256xf32>
    %add3A_31 = arith.addf %concatenate3A, %concatenate3A_30 : vector<1000x256xf32>
    %mul3A = vector.broadcast %rsqrt3A : vector<1000x1xf32> to vector<1000x256xf32>
    %mul3A_32 = arith.mulf %mul3A, %add3A_31 : vector<1000x256xf32>
    %get3A_33 = arith.constant 0 : index
    %get3A_34 = arith.constant 0 : index
    %get3A_35 = vector.load %arg5[%get3A_33, %get3A_34] : memref<1x256xf32, #tpu.memory_space<vmem>>, vector<1x256xf32>
    %add3A_36 = vector.broadcast %get3A_35 : vector<1x256xf32> to vector<1000x256xf32>
    %add3A_37 = arith.addf %mul3A_32, %add3A_36 : vector<1000x256xf32>
    %max3A = arith.constant 0.000000e+00 : f32
    %max3A_38 = vector.broadcast %max3A : f32 to vector<1000x256xf32>
    %max3A_39 = arith.maximumf %add3A_37, %max3A_38 : vector<1000x256xf32>
    %get3A_40 = arith.constant 0 : index
    %get3A_41 = arith.constant 0 : index
    %get3A_42 = vector.load %arg6[%get3A_40, %get3A_41] : memref<256x256xf32, #tpu.memory_space<vmem>>, vector<256x256xf32>
    %dot_general3A = arith.constant dense<0.000000e+00> : vector<1000x256xf32>
    %dot_general3A_43 = tpu.matmul %max3A_39, %get3A_42, %dot_general3A {dimension_numbers = #tpu.dot_dimension_numbers<[1], [0], [0], [1], [0, 0, 1, 1], [], []>, precision = #tpu.contract_precision<fp32>, transpose_lhs_hint = false} : vector<1000x256xf32>, vector<256x256xf32>, vector<1000x256xf32> -> vector<1000x256xf32>
    %mul3A_44 = vector.broadcast %rsqrt3A : vector<1000x1xf32> to vector<1000x256xf32>
    %mul3A_45 = arith.mulf %dot_general3A_43, %mul3A_44 : vector<1000x256xf32>
    %slice3A = vector.extract_strided_slice %mul3A_45 {offsets = [0, 0], sizes = [1000, 128], strides = [1, 1]} : vector<1000x256xf32> to vector<1000x128xf32>
    %swap3A = arith.constant 0 : index
    %swap3A_46 = arith.constant 0 : index
    %swap3A_47 = arith.constant 0 : index
    %swap3A_48 = arith.constant 0 : index
    %swap3A_49 = vector.load %arg7[%swap3A, %swap3A_46, %swap3A_47, %swap3A_48] : memref<2x1x1000x128xf32, #tpu.memory_space<vmem>>, vector<1x1x1000x128xf32>
    %swap3A_50 = vector.shape_cast %swap3A_49 : vector<1x1x1000x128xf32> to vector<1000x128xf32>
    %swap3A_51 = vector.shape_cast %slice3A : vector<1000x128xf32> to vector<1x1x1000x128xf32>
    tpu.vector_store %arg7[%swap3A, %swap3A_46, %swap3A_47, %swap3A_48], %swap3A_51 {strides = array<i32>} : memref<2x1x1000x128xf32, #tpu.memory_space<vmem>>, vector<1x1x1000x128xf32>,
    %slice3A_52 = vector.extract_strided_slice %mul3A_45 {offsets = [0, 128], sizes = [1000, 128], strides = [1, 1]} : vector<1000x256xf32> to vector<1000x128xf32>
    %swap3A_53 = arith.constant 1 : index
    %swap3A_54 = arith.constant 0 : index
    %swap3A_55 = arith.constant 0 : index
    %swap3A_56 = arith.constant 0 : index
    %swap3A_57 = vector.load %arg7[%swap3A_53, %swap3A_54, %swap3A_55, %swap3A_56] : memref<2x1x1000x128xf32, #tpu.memory_space<vmem>>, vector<1x1x1000x128xf32>
    %swap3A_58 = vector.shape_cast %swap3A_57 : vector<1x1x1000x128xf32> to vector<1000x128xf32>
    %swap3A_59 = vector.shape_cast %slice3A_52 : vector<1000x128xf32> to vector<1x1x1000x128xf32>
    tpu.vector_store %arg7[%swap3A_53, %swap3A_54, %swap3A_55, %swap3A_56], %swap3A_59 {strides = array<i32>} : memref<2x1x1000x128xf32, #tpu.memory_space<vmem>>, vector<1x1x1000x128xf32>,
    return
  }
  func.func @transform_0(%arg0: i32, %arg1: i32) -> (i32, i32, i32, i32) {
    %c0_i32 = arith.constant 0 : i32
    %c0_i32_0 = arith.constant 0 : i32
    %c0_i32_1 = arith.constant 0 : i32
    return %c0_i32, %arg0, %arg1, %c0_i32_0 : i32, i32, i32, i32
  }
  func.func @transform_1(%arg0: i32, %arg1: i32) -> (i32, i32, i32, i32) {
    %c0_i32 = arith.constant 0 : i32
    %c0_i32_0 = arith.constant 0 : i32
    %c0_i32_1 = arith.constant 0 : i32
    return %c0_i32, %arg0, %arg1, %c0_i32_0 : i32, i32, i32, i32
  }
  func.func @transform_2(%arg0: i32, %arg1: i32) -> (i32, i32, i32) {
    %c0_i32 = arith.constant 0 : i32
    %c0_i32_0 = arith.constant 0 : i32
    return %arg0, %arg1, %c0_i32 : i32, i32, i32
  }
  func.func @transform_3(%arg0: i32, %arg1: i32) -> (i32, i32) {
    %c0_i32 = arith.constant 0 : i32
    %c0_i32_0 = arith.constant 0 : i32
    %c0_i32_1 = arith.constant 0 : i32
    return %c0_i32, %c0_i32_0 : i32, i32
  }
  func.func @transform_4(%arg0: i32, %arg1: i32) -> (i32, i32) {
    %c0_i32 = arith.constant 0 : i32
    %c0_i32_0 = arith.constant 0 : i32
    %c0_i32_1 = arith.constant 0 : i32
    return %c0_i32, %c0_i32_0 : i32, i32
  }
  func.func @transform_5(%arg0: i32, %arg1: i32) -> (i32, i32, i32, i32) {
    %c0_i32 = arith.constant 0 : i32
    %c0_i32_0 = arith.constant 0 : i32
    %c0_i32_1 = arith.constant 0 : i32
    return %c0_i32, %arg0, %arg1, %c0_i32_0 : i32, i32, i32, i32
  }
}

module attributes {stable_mosaic.version = 14 : i64} {
  func.func @_m3_body(%arg0: i32, %arg1: i32, %arg2: memref<2x1x1000x128xf32, #tpu.memory_space<vmem>>, %arg3: memref<2x1x1000x128xf32, #tpu.memory_space<vmem>>, %arg4: memref<1x1000x128xf32, #tpu.memory_space<vmem>>, %arg5: memref<1x256xf32, #tpu.memory_space<vmem>>, %arg6: memref<1x1x256xf32, #tpu.memory_space<vmem>>) attributes {dimension_semantics = [#tpu.dimension_semantics<arbitrary>, #tpu.dimension_semantics<arbitrary>], iteration_bounds = array<i64: 6, 10>, scalar_prefetch = 0 : i64, scratch_operands = 0 : i64, tpu.core_type = #tpu.core_type<tc>, window_params = [{transform_indices = @transform_0, window_bounds = array<i64: 2, 1, 1000, 128>}, {transform_indices = @transform_1, window_bounds = array<i64: 2, 1, 1000, 128>}, {transform_indices = @transform_2, window_bounds = array<i64: 1, 1000, 128>}, {pipeline_mode = #tpu.pipeline_mode<synchronous>, transform_indices = @transform_3, window_bounds = array<i64: 1, 256>}, {transform_indices = @transform_4, window_bounds = array<i64: 1, 1, 256>}]} {
    %get3A = arith.constant 0 : index
    %get3A_0 = arith.constant 0 : index
    %get3A_1 = arith.constant 0 : index
    %get3A_2 = vector.load %arg4[%get3A, %get3A_0, %get3A_1] : memref<1x1000x128xf32, #tpu.memory_space<vmem>>, vector<1x1000x1xf32>
    %get3A_3 = vector.shape_cast %get3A_2 : vector<1x1000x1xf32> to vector<1000x1xf32>
    %add3A = arith.constant 1.000000e+00 : f32
    %add3A_4 = vector.broadcast %add3A : f32 to vector<1000x1xf32>
    %add3A_5 = arith.addf %get3A_3, %add3A_4 : vector<1000x1xf32>
    %rsqrt3A = math.rsqrt %add3A_5 : vector<1000x1xf32>
    %get3A_6 = arith.constant 0 : index
    %get3A_7 = arith.constant 0 : index
    %get3A_8 = arith.constant 0 : index
    %get3A_9 = arith.constant 0 : index
    %get3A_10 = vector.load %arg2[%get3A_6, %get3A_7, %get3A_8, %get3A_9] : memref<2x1x1000x128xf32, #tpu.memory_space<vmem>>, vector<1x1x1000x128xf32>
    %get3A_11 = vector.shape_cast %get3A_10 : vector<1x1x1000x128xf32> to vector<1000x128xf32>
    %get3A_12 = arith.constant 1 : index
    %get3A_13 = arith.constant 0 : index
    %get3A_14 = arith.constant 0 : index
    %get3A_15 = arith.constant 0 : index
    %get3A_16 = vector.load %arg2[%get3A_12, %get3A_13, %get3A_14, %get3A_15] : memref<2x1x1000x128xf32, #tpu.memory_space<vmem>>, vector<1x1x1000x128xf32>
    %get3A_17 = vector.shape_cast %get3A_16 : vector<1x1x1000x128xf32> to vector<1000x128xf32>
    %concatenate3A = tpu.concatenate %get3A_11, %get3A_17 in 1 : vector<1000x128xf32>, vector<1000x128xf32> -> vector<1000x256xf32>
    %get3A_18 = arith.constant 0 : index
    %get3A_19 = arith.constant 0 : index
    %get3A_20 = arith.constant 0 : index
    %get3A_21 = arith.constant 0 : index
    %get3A_22 = vector.load %arg3[%get3A_18, %get3A_19, %get3A_20, %get3A_21] : memref<2x1x1000x128xf32, #tpu.memory_space<vmem>>, vector<1x1x1000x128xf32>
    %get3A_23 = vector.shape_cast %get3A_22 : vector<1x1x1000x128xf32> to vector<1000x128xf32>
    %get3A_24 = arith.constant 1 : index
    %get3A_25 = arith.constant 0 : index
    %get3A_26 = arith.constant 0 : index
    %get3A_27 = arith.constant 0 : index
    %get3A_28 = vector.load %arg3[%get3A_24, %get3A_25, %get3A_26, %get3A_27] : memref<2x1x1000x128xf32, #tpu.memory_space<vmem>>, vector<1x1x1000x128xf32>
    %get3A_29 = vector.shape_cast %get3A_28 : vector<1x1x1000x128xf32> to vector<1000x128xf32>
    %concatenate3A_30 = tpu.concatenate %get3A_23, %get3A_29 in 1 : vector<1000x128xf32>, vector<1000x128xf32> -> vector<1000x256xf32>
    %add3A_31 = arith.addf %concatenate3A, %concatenate3A_30 : vector<1000x256xf32>
    %mul3A = vector.broadcast %rsqrt3A : vector<1000x1xf32> to vector<1000x256xf32>
    %mul3A_32 = arith.mulf %mul3A, %add3A_31 : vector<1000x256xf32>
    %get3A_33 = arith.constant 0 : index
    %get3A_34 = arith.constant 0 : index
    %get3A_35 = vector.load %arg5[%get3A_33, %get3A_34] : memref<1x256xf32, #tpu.memory_space<vmem>>, vector<1x256xf32>
    %add3A_36 = vector.broadcast %get3A_35 : vector<1x256xf32> to vector<1000x256xf32>
    %add3A_37 = arith.addf %mul3A_32, %add3A_36 : vector<1000x256xf32>
    %max3A = arith.constant 0.000000e+00 : f32
    %max3A_38 = vector.broadcast %max3A : f32 to vector<1000x256xf32>
    %max3A_39 = arith.maximumf %add3A_37, %max3A_38 : vector<1000x256xf32>
    %reduce_sum3A = arith.constant dense<0.000000e+00> : vector<256xf32>
    %reduce_sum3A_40 = vector.multi_reduction <add>, %max3A_39, %reduce_sum3A [0] : vector<1000x256xf32> to vector<256xf32>
    %broadcast_in_dim3A = vector.shape_cast %reduce_sum3A_40 : vector<256xf32> to vector<1x256xf32>
    %mul3A_41 = arith.constant 9.99999974E-5 : f32
    %mul3A_42 = vector.broadcast %mul3A_41 : f32 to vector<1x256xf32>
    %mul3A_43 = arith.mulf %broadcast_in_dim3A, %mul3A_42 : vector<1x256xf32>
    %broadcast_in_dim3A_44 = vector.shape_cast %mul3A_43 : vector<1x256xf32> to vector<1x1x256xf32>
    %eq3A = arith.constant 0 : i32
    %eq3A_45 = arith.cmpi eq, %arg1, %eq3A : i32
    %convert_element_type3A = arith.extui %eq3A_45 : i1 to i32
    %cond3A = arith.constant 0 : i32
    %cond3A_46 = arith.cmpi ne, %convert_element_type3A, %cond3A : i32
    scf.if %cond3A_46 {
      %swap3A = arith.constant 0 : index
      %swap3A_51 = arith.constant 0 : index
      %swap3A_52 = arith.constant 0 : index
      %swap3A_53 = vector.load %arg6[%swap3A, %swap3A_51, %swap3A_52] : memref<1x1x256xf32, #tpu.memory_space<vmem>>, vector<1x1x256xf32>
      tpu.vector_store %arg6[%swap3A, %swap3A_51, %swap3A_52], %broadcast_in_dim3A_44 {strides = array<i32>} : memref<1x1x256xf32, #tpu.memory_space<vmem>>, vector<1x1x256xf32>,
    } else {
    }
    %gt3A = arith.constant 0 : i32
    %gt3A_47 = arith.cmpi sgt, %arg1, %gt3A : i32
    %convert_element_type3A_48 = arith.extui %gt3A_47 : i1 to i32
    %cond3A_49 = arith.constant 0 : i32
    %cond3A_50 = arith.cmpi ne, %convert_element_type3A_48, %cond3A_49 : i32
    scf.if %cond3A_50 {
      %get3A_51 = arith.constant 0 : index
      %get3A_52 = arith.constant 0 : index
      %get3A_53 = arith.constant 0 : index
      %get3A_54 = vector.load %arg6[%get3A_51, %get3A_52, %get3A_53] : memref<1x1x256xf32, #tpu.memory_space<vmem>>, vector<1x1x256xf32>
      %add3A_55 = arith.addf %get3A_54, %broadcast_in_dim3A_44 : vector<1x1x256xf32>
      %swap3A = arith.constant 0 : index
      %swap3A_56 = arith.constant 0 : index
      %swap3A_57 = arith.constant 0 : index
      %swap3A_58 = vector.load %arg6[%swap3A, %swap3A_56, %swap3A_57] : memref<1x1x256xf32, #tpu.memory_space<vmem>>, vector<1x1x256xf32>
      tpu.vector_store %arg6[%swap3A, %swap3A_56, %swap3A_57], %add3A_55 {strides = array<i32>} : memref<1x1x256xf32, #tpu.memory_space<vmem>>, vector<1x1x256xf32>,
    } else {
    }
    return
  }
  func.func @transform_0(%arg0: i32, %arg1: i32) -> (i32, i32, i32, i32) {
    %c0_i32 = arith.constant 0 : i32
    %c0_i32_0 = arith.constant 0 : i32
    %c0_i32_1 = arith.constant 0 : i32
    return %c0_i32, %arg0, %arg1, %c0_i32_0 : i32, i32, i32, i32
  }
  func.func @transform_1(%arg0: i32, %arg1: i32) -> (i32, i32, i32, i32) {
    %c0_i32 = arith.constant 0 : i32
    %c0_i32_0 = arith.constant 0 : i32
    %c0_i32_1 = arith.constant 0 : i32
    return %c0_i32, %arg0, %arg1, %c0_i32_0 : i32, i32, i32, i32
  }
  func.func @transform_2(%arg0: i32, %arg1: i32) -> (i32, i32, i32) {
    %c0_i32 = arith.constant 0 : i32
    %c0_i32_0 = arith.constant 0 : i32
    return %arg0, %arg1, %c0_i32 : i32, i32, i32
  }
  func.func @transform_3(%arg0: i32, %arg1: i32) -> (i32, i32) {
    %c0_i32 = arith.constant 0 : i32
    %c0_i32_0 = arith.constant 0 : i32
    %c0_i32_1 = arith.constant 0 : i32
    return %c0_i32, %c0_i32_0 : i32, i32
  }
  func.func @transform_4(%arg0: i32, %arg1: i32) -> (i32, i32, i32) {
    %c0_i32 = arith.constant 0 : i32
    %c0_i32_0 = arith.constant 0 : i32
    %c0_i32_1 = arith.constant 0 : i32
    return %arg0, %c0_i32, %c0_i32_0 : i32, i32, i32
  }
}

module attributes {stable_mosaic.version = 14 : i64} {
  func.func @_tcn_body(%arg0: memref<12x256xf32, #tpu.memory_space<vmem>>, %arg1: memref<3x3x256x256xf32, #tpu.memory_space<vmem>>, %arg2: memref<3x256xf32, #tpu.memory_space<vmem>>, %arg3: memref<3x256xf32, #tpu.memory_space<vmem>>, %arg4: memref<3x256xf32, #tpu.memory_space<vmem>>, %arg5: memref<256x256xf32, #tpu.memory_space<vmem>>, %arg6: memref<256xf32, #tpu.memory_space<vmem>>, %arg7: memref<1x256xf32, #tpu.memory_space<vmem>>) attributes {dimension_semantics = [], scalar_prefetch = 0 : i64, scratch_operands = 0 : i64, tpu.core_type = #tpu.core_type<tc>} {
    %get3A = arith.constant 0 : index
    %get3A_0 = arith.constant 0 : index
    %get3A_1 = vector.load %arg0[%get3A, %get3A_0] : memref<12x256xf32, #tpu.memory_space<vmem>>, vector<12x256xf32>
    %broadcast_in_dim3A = arith.constant 0.000000e+00 : f32
    %broadcast_in_dim3A_2 = vector.broadcast %broadcast_in_dim3A : f32 to vector<2x256xf32>
    %concatenate3A = tpu.concatenate %broadcast_in_dim3A_2, %get3A_1, %broadcast_in_dim3A_2 in 0 : vector<2x256xf32>, vector<12x256xf32>, vector<2x256xf32> -> vector<16x256xf32>
    %get3A_3 = arith.constant 0 : index
    %get3A_4 = arith.constant 0 : index
    %get3A_5 = vector.load %arg2[%get3A_3, %get3A_4] : memref<3x256xf32, #tpu.memory_space<vmem>>, vector<1x256xf32>
    %get3A_6 = vector.shape_cast %get3A_5 : vector<1x256xf32> to vector<256xf32>
    %broadcast_in_dim3A_7 = vector.shape_cast %get3A_6 : vector<256xf32> to vector<1x256xf32>
    %slice3A = vector.extract_strided_slice %concatenate3A {offsets = [0, 0], sizes = [14, 256], strides = [1, 1]} : vector<16x256xf32> to vector<14x256xf32>
    %get3A_8 = arith.constant 0 : index
    %get3A_9 = arith.constant 0 : index
    %get3A_10 = arith.constant 0 : index
    %get3A_11 = arith.constant 0 : index
    %get3A_12 = vector.load %arg1[%get3A_8, %get3A_9, %get3A_10, %get3A_11] : memref<3x3x256x256xf32, #tpu.memory_space<vmem>>, vector<1x1x256x256xf32>
    %get3A_13 = vector.shape_cast %get3A_12 : vector<1x1x256x256xf32> to vector<256x256xf32>
    %dot_general3A = arith.constant dense<0.000000e+00> : vector<14x256xf32>
    %dot_general3A_14 = tpu.matmul %slice3A, %get3A_13, %dot_general3A {dimension_numbers = #tpu.dot_dimension_numbers<[1], [1], [0], [0], [0, 0, 1, 0], [], []>, precision = #tpu.contract_precision<fp32>, transpose_lhs_hint = false} : vector<14x256xf32>, vector<256x256xf32>, vector<14x256xf32> -> vector<14x256xf32>
    %add3A = vector.broadcast %broadcast_in_dim3A_7 : vector<1x256xf32> to vector<14x256xf32>
    %add3A_15 = arith.addf %add3A, %dot_general3A_14 : vector<14x256xf32>
    %slice3A_16 = vector.extract_strided_slice %concatenate3A {offsets = [1, 0], sizes = [14, 256], strides = [1, 1]} : vector<16x256xf32> to vector<14x256xf32>
    %get3A_17 = arith.constant 0 : index
    %get3A_18 = arith.constant 1 : index
    %get3A_19 = arith.constant 0 : index
    %get3A_20 = arith.constant 0 : index
    %get3A_21 = vector.load %arg1[%get3A_17, %get3A_18, %get3A_19, %get3A_20] : memref<3x3x256x256xf32, #tpu.memory_space<vmem>>, vector<1x1x256x256xf32>
    %get3A_22 = vector.shape_cast %get3A_21 : vector<1x1x256x256xf32> to vector<256x256xf32>
    %dot_general3A_23 = arith.constant dense<0.000000e+00> : vector<14x256xf32>
    %dot_general3A_24 = tpu.matmul %slice3A_16, %get3A_22, %dot_general3A_23 {dimension_numbers = #tpu.dot_dimension_numbers<[1], [1], [0], [0], [0, 0, 1, 0], [], []>, precision = #tpu.contract_precision<fp32>, transpose_lhs_hint = false} : vector<14x256xf32>, vector<256x256xf32>, vector<14x256xf32> -> vector<14x256xf32>
    %add3A_25 = arith.addf %add3A_15, %dot_general3A_24 : vector<14x256xf32>
    %slice3A_26 = vector.extract_strided_slice %concatenate3A {offsets = [2, 0], sizes = [14, 256], strides = [1, 1]} : vector<16x256xf32> to vector<14x256xf32>
    %get3A_27 = arith.constant 0 : index
    %get3A_28 = arith.constant 2 : index
    %get3A_29 = arith.constant 0 : index
    %get3A_30 = arith.constant 0 : index
    %get3A_31 = vector.load %arg1[%get3A_27, %get3A_28, %get3A_29, %get3A_30] : memref<3x3x256x256xf32, #tpu.memory_space<vmem>>, vector<1x1x256x256xf32>
    %get3A_32 = vector.shape_cast %get3A_31 : vector<1x1x256x256xf32> to vector<256x256xf32>
    %dot_general3A_33 = arith.constant dense<0.000000e+00> : vector<14x256xf32>
    %dot_general3A_34 = tpu.matmul %slice3A_26, %get3A_32, %dot_general3A_33 {dimension_numbers = #tpu.dot_dimension_numbers<[1], [1], [0], [0], [0, 0, 1, 0], [], []>, precision = #tpu.contract_precision<fp32>, transpose_lhs_hint = false} : vector<14x256xf32>, vector<256x256xf32>, vector<14x256xf32> -> vector<14x256xf32>
    %add3A_35 = arith.addf %add3A_25, %dot_general3A_34 : vector<14x256xf32>
    %reduce_sum3A = arith.constant dense<0.000000e+00> : vector<256xf32>
    %reduce_sum3A_36 = vector.multi_reduction <add>, %add3A_35, %reduce_sum3A [0] : vector<14x256xf32> to vector<256xf32>
    %broadcast_in_dim3A_37 = vector.shape_cast %reduce_sum3A_36 : vector<256xf32> to vector<1x256xf32>
    %div3A = arith.constant 1.400000e+01 : f32
    %div3A_38 = vector.broadcast %div3A : f32 to vector<1x256xf32>
    %div3A_39 = arith.divf %broadcast_in_dim3A_37, %div3A_38 : vector<1x256xf32>
    %sub3A = vector.broadcast %div3A_39 : vector<1x256xf32> to vector<14x256xf32>
    %sub3A_40 = arith.subf %add3A_35, %sub3A : vector<14x256xf32>
    %integer_pow3A = arith.mulf %sub3A_40, %sub3A_40 : vector<14x256xf32>
    %reduce_sum3A_41 = arith.constant dense<0.000000e+00> : vector<256xf32>
    %reduce_sum3A_42 = vector.multi_reduction <add>, %integer_pow3A, %reduce_sum3A_41 [0] : vector<14x256xf32> to vector<256xf32>
    %broadcast_in_dim3A_43 = vector.shape_cast %reduce_sum3A_42 : vector<256xf32> to vector<1x256xf32>
    %div3A_44 = arith.constant 1.400000e+01 : f32
    %div3A_45 = vector.broadcast %div3A_44 : f32 to vector<1x256xf32>
    %div3A_46 = arith.divf %broadcast_in_dim3A_43, %div3A_45 : vector<1x256xf32>
    %get3A_47 = arith.constant 0 : index
    %get3A_48 = arith.constant 0 : index
    %get3A_49 = vector.load %arg3[%get3A_47, %get3A_48] : memref<3x256xf32, #tpu.memory_space<vmem>>, vector<1x256xf32>
    %get3A_50 = vector.shape_cast %get3A_49 : vector<1x256xf32> to vector<256xf32>
    %broadcast_in_dim3A_51 = vector.shape_cast %get3A_50 : vector<256xf32> to vector<1x256xf32>
    %sub3A_52 = vector.broadcast %div3A_39 : vector<1x256xf32> to vector<14x256xf32>
    %sub3A_53 = arith.subf %add3A_35, %sub3A_52 : vector<14x256xf32>
    %mul3A = vector.broadcast %broadcast_in_dim3A_51 : vector<1x256xf32> to vector<14x256xf32>
    %mul3A_54 = arith.mulf %mul3A, %sub3A_53 : vector<14x256xf32>
    %add3A_55 = arith.constant 9.99999974E-6 : f32
    %add3A_56 = vector.broadcast %add3A_55 : f32 to vector<1x256xf32>
    %add3A_57 = arith.addf %div3A_46, %add3A_56 : vector<1x256xf32>
    %rsqrt3A = math.rsqrt %add3A_57 : vector<1x256xf32>
    %mul3A_58 = vector.broadcast %rsqrt3A : vector<1x256xf32> to vector<14x256xf32>
    %mul3A_59 = arith.mulf %mul3A_54, %mul3A_58 : vector<14x256xf32>
    %get3A_60 = arith.constant 0 : index
    %get3A_61 = arith.constant 0 : index
    %get3A_62 = vector.load %arg4[%get3A_60, %get3A_61] : memref<3x256xf32, #tpu.memory_space<vmem>>, vector<1x256xf32>
    %get3A_63 = vector.shape_cast %get3A_62 : vector<1x256xf32> to vector<256xf32>
    %broadcast_in_dim3A_64 = vector.shape_cast %get3A_63 : vector<256xf32> to vector<1x256xf32>
    %add3A_65 = vector.broadcast %broadcast_in_dim3A_64 : vector<1x256xf32> to vector<14x256xf32>
    %add3A_66 = arith.addf %mul3A_59, %add3A_65 : vector<14x256xf32>
    %max3A = arith.constant 0.000000e+00 : f32
    %max3A_67 = vector.broadcast %max3A : f32 to vector<14x256xf32>
    %max3A_68 = arith.maximumf %add3A_66, %max3A_67 : vector<14x256xf32>
    %broadcast_in_dim3A_69 = arith.constant 0.000000e+00 : f32
    %broadcast_in_dim3A_70 = vector.broadcast %broadcast_in_dim3A_69 : f32 to vector<4x256xf32>
    %concatenate3A_71 = tpu.concatenate %broadcast_in_dim3A_70, %max3A_68, %broadcast_in_dim3A_70 in 0 : vector<4x256xf32>, vector<14x256xf32>, vector<4x256xf32> -> vector<22x256xf32>
    %get3A_72 = arith.constant 1 : index
    %get3A_73 = arith.constant 0 : index
    %get3A_74 = vector.load %arg2[%get3A_72, %get3A_73] : memref<3x256xf32, #tpu.memory_space<vmem>>, vector<1x256xf32>
    %get3A_75 = vector.shape_cast %get3A_74 : vector<1x256xf32> to vector<256xf32>
    %broadcast_in_dim3A_76 = vector.shape_cast %get3A_75 : vector<256xf32> to vector<1x256xf32>
    %slice3A_77 = vector.extract_strided_slice %concatenate3A_71 {offsets = [0, 0], sizes = [18, 256], strides = [1, 1]} : vector<22x256xf32> to vector<18x256xf32>
    %get3A_78 = arith.constant 1 : index
    %get3A_79 = arith.constant 0 : index
    %get3A_80 = arith.constant 0 : index
    %get3A_81 = arith.constant 0 : index
    %get3A_82 = vector.load %arg1[%get3A_78, %get3A_79, %get3A_80, %get3A_81] : memref<3x3x256x256xf32, #tpu.memory_space<vmem>>, vector<1x1x256x256xf32>
    %get3A_83 = vector.shape_cast %get3A_82 : vector<1x1x256x256xf32> to vector<256x256xf32>
    %dot_general3A_84 = arith.constant dense<0.000000e+00> : vector<18x256xf32>
    %dot_general3A_85 = tpu.matmul %slice3A_77, %get3A_83, %dot_general3A_84 {dimension_numbers = #tpu.dot_dimension_numbers<[1], [1], [0], [0], [0, 0, 1, 0], [], []>, precision = #tpu.contract_precision<fp32>, transpose_lhs_hint = false} : vector<18x256xf32>, vector<256x256xf32>, vector<18x256xf32> -> vector<18x256xf32>
    %add3A_86 = vector.broadcast %broadcast_in_dim3A_76 : vector<1x256xf32> to vector<18x256xf32>
    %add3A_87 = arith.addf %add3A_86, %dot_general3A_85 : vector<18x256xf32>
    %slice3A_88 = vector.extract_strided_slice %concatenate3A_71 {offsets = [2, 0], sizes = [18, 256], strides = [1, 1]} : vector<22x256xf32> to vector<18x256xf32>
    %get3A_89 = arith.constant 1 : index
    %get3A_90 = arith.constant 1 : index
    %get3A_91 = arith.constant 0 : index
    %get3A_92 = arith.constant 0 : index
    %get3A_93 = vector.load %arg1[%get3A_89, %get3A_90, %get3A_91, %get3A_92] : memref<3x3x256x256xf32, #tpu.memory_space<vmem>>, vector<1x1x256x256xf32>
    %get3A_94 = vector.shape_cast %get3A_93 : vector<1x1x256x256xf32> to vector<256x256xf32>
    %dot_general3A_95 = arith.constant dense<0.000000e+00> : vector<18x256xf32>
    %dot_general3A_96 = tpu.matmul %slice3A_88, %get3A_94, %dot_general3A_95 {dimension_numbers = #tpu.dot_dimension_numbers<[1], [1], [0], [0], [0, 0, 1, 0], [], []>, precision = #tpu.contract_precision<fp32>, transpose_lhs_hint = false} : vector<18x256xf32>, vector<256x256xf32>, vector<18x256xf32> -> vector<18x256xf32>
    %add3A_97 = arith.addf %add3A_87, %dot_general3A_96 : vector<18x256xf32>
    %slice3A_98 = vector.extract_strided_slice %concatenate3A_71 {offsets = [4, 0], sizes = [18, 256], strides = [1, 1]} : vector<22x256xf32> to vector<18x256xf32>
    %get3A_99 = arith.constant 1 : index
    %get3A_100 = arith.constant 2 : index
    %get3A_101 = arith.constant 0 : index
    %get3A_102 = arith.constant 0 : index
    %get3A_103 = vector.load %arg1[%get3A_99, %get3A_100, %get3A_101, %get3A_102] : memref<3x3x256x256xf32, #tpu.memory_space<vmem>>, vector<1x1x256x256xf32>
    %get3A_104 = vector.shape_cast %get3A_103 : vector<1x1x256x256xf32> to vector<256x256xf32>
    %dot_general3A_105 = arith.constant dense<0.000000e+00> : vector<18x256xf32>
    %dot_general3A_106 = tpu.matmul %slice3A_98, %get3A_104, %dot_general3A_105 {dimension_numbers = #tpu.dot_dimension_numbers<[1], [1], [0], [0], [0, 0, 1, 0], [], []>, precision = #tpu.contract_precision<fp32>, transpose_lhs_hint = false} : vector<18x256xf32>, vector<256x256xf32>, vector<18x256xf32> -> vector<18x256xf32>
    %add3A_107 = arith.addf %add3A_97, %dot_general3A_106 : vector<18x256xf32>
    %reduce_sum3A_108 = arith.constant dense<0.000000e+00> : vector<256xf32>
    %reduce_sum3A_109 = vector.multi_reduction <add>, %add3A_107, %reduce_sum3A_108 [0] : vector<18x256xf32> to vector<256xf32>
    %broadcast_in_dim3A_110 = vector.shape_cast %reduce_sum3A_109 : vector<256xf32> to vector<1x256xf32>
    %div3A_111 = arith.constant 1.800000e+01 : f32
    %div3A_112 = vector.broadcast %div3A_111 : f32 to vector<1x256xf32>
    %div3A_113 = arith.divf %broadcast_in_dim3A_110, %div3A_112 : vector<1x256xf32>
    %sub3A_114 = vector.broadcast %div3A_113 : vector<1x256xf32> to vector<18x256xf32>
    %sub3A_115 = arith.subf %add3A_107, %sub3A_114 : vector<18x256xf32>
    %integer_pow3A_116 = arith.mulf %sub3A_115, %sub3A_115 : vector<18x256xf32>
    %reduce_sum3A_117 = arith.constant dense<0.000000e+00> : vector<256xf32>
    %reduce_sum3A_118 = vector.multi_reduction <add>, %integer_pow3A_116, %reduce_sum3A_117 [0] : vector<18x256xf32> to vector<256xf32>
    %broadcast_in_dim3A_119 = vector.shape_cast %reduce_sum3A_118 : vector<256xf32> to vector<1x256xf32>
    %div3A_120 = arith.constant 1.800000e+01 : f32
    %div3A_121 = vector.broadcast %div3A_120 : f32 to vector<1x256xf32>
    %div3A_122 = arith.divf %broadcast_in_dim3A_119, %div3A_121 : vector<1x256xf32>
    %get3A_123 = arith.constant 1 : index
    %get3A_124 = arith.constant 0 : index
    %get3A_125 = vector.load %arg3[%get3A_123, %get3A_124] : memref<3x256xf32, #tpu.memory_space<vmem>>, vector<1x256xf32>
    %get3A_126 = vector.shape_cast %get3A_125 : vector<1x256xf32> to vector<256xf32>
    %broadcast_in_dim3A_127 = vector.shape_cast %get3A_126 : vector<256xf32> to vector<1x256xf32>
    %sub3A_128 = vector.broadcast %div3A_113 : vector<1x256xf32> to vector<18x256xf32>
    %sub3A_129 = arith.subf %add3A_107, %sub3A_128 : vector<18x256xf32>
    %mul3A_130 = vector.broadcast %broadcast_in_dim3A_127 : vector<1x256xf32> to vector<18x256xf32>
    %mul3A_131 = arith.mulf %mul3A_130, %sub3A_129 : vector<18x256xf32>
    %add3A_132 = arith.constant 9.99999974E-6 : f32
    %add3A_133 = vector.broadcast %add3A_132 : f32 to vector<1x256xf32>
    %add3A_134 = arith.addf %div3A_122, %add3A_133 : vector<1x256xf32>
    %rsqrt3A_135 = math.rsqrt %add3A_134 : vector<1x256xf32>
    %mul3A_136 = vector.broadcast %rsqrt3A_135 : vector<1x256xf32> to vector<18x256xf32>
    %mul3A_137 = arith.mulf %mul3A_131, %mul3A_136 : vector<18x256xf32>
    %get3A_138 = arith.constant 1 : index
    %get3A_139 = arith.constant 0 : index
    %get3A_140 = vector.load %arg4[%get3A_138, %get3A_139] : memref<3x256xf32, #tpu.memory_space<vmem>>, vector<1x256xf32>
    %get3A_141 = vector.shape_cast %get3A_140 : vector<1x256xf32> to vector<256xf32>
    %broadcast_in_dim3A_142 = vector.shape_cast %get3A_141 : vector<256xf32> to vector<1x256xf32>
    %add3A_143 = vector.broadcast %broadcast_in_dim3A_142 : vector<1x256xf32> to vector<18x256xf32>
    %add3A_144 = arith.addf %mul3A_137, %add3A_143 : vector<18x256xf32>
    %max3A_145 = arith.constant 0.000000e+00 : f32
    %max3A_146 = vector.broadcast %max3A_145 : f32 to vector<18x256xf32>
    %max3A_147 = arith.maximumf %add3A_144, %max3A_146 : vector<18x256xf32>
    %broadcast_in_dim3A_148 = arith.constant 0.000000e+00 : f32
    %broadcast_in_dim3A_149 = vector.broadcast %broadcast_in_dim3A_148 : f32 to vector<8x256xf32>
    %concatenate3A_150 = tpu.concatenate %broadcast_in_dim3A_149, %max3A_147, %broadcast_in_dim3A_149 in 0 : vector<8x256xf32>, vector<18x256xf32>, vector<8x256xf32> -> vector<34x256xf32>
    %get3A_151 = arith.constant 2 : index
    %get3A_152 = arith.constant 0 : index
    %get3A_153 = vector.load %arg2[%get3A_151, %get3A_152] : memref<3x256xf32, #tpu.memory_space<vmem>>, vector<1x256xf32>
    %get3A_154 = vector.shape_cast %get3A_153 : vector<1x256xf32> to vector<256xf32>
    %broadcast_in_dim3A_155 = vector.shape_cast %get3A_154 : vector<256xf32> to vector<1x256xf32>
    %slice3A_156 = vector.extract_strided_slice %concatenate3A_150 {offsets = [0, 0], sizes = [26, 256], strides = [1, 1]} : vector<34x256xf32> to vector<26x256xf32>
    %get3A_157 = arith.constant 2 : index
    %get3A_158 = arith.constant 0 : index
    %get3A_159 = arith.constant 0 : index
    %get3A_160 = arith.constant 0 : index
    %get3A_161 = vector.load %arg1[%get3A_157, %get3A_158, %get3A_159, %get3A_160] : memref<3x3x256x256xf32, #tpu.memory_space<vmem>>, vector<1x1x256x256xf32>
    %get3A_162 = vector.shape_cast %get3A_161 : vector<1x1x256x256xf32> to vector<256x256xf32>
    %dot_general3A_163 = arith.constant dense<0.000000e+00> : vector<26x256xf32>
    %dot_general3A_164 = tpu.matmul %slice3A_156, %get3A_162, %dot_general3A_163 {dimension_numbers = #tpu.dot_dimension_numbers<[1], [1], [0], [0], [0, 0, 1, 0], [], []>, precision = #tpu.contract_precision<fp32>, transpose_lhs_hint = false} : vector<26x256xf32>, vector<256x256xf32>, vector<26x256xf32> -> vector<26x256xf32>
    %add3A_165 = vector.broadcast %broadcast_in_dim3A_155 : vector<1x256xf32> to vector<26x256xf32>
    %add3A_166 = arith.addf %add3A_165, %dot_general3A_164 : vector<26x256xf32>
    %slice3A_167 = vector.extract_strided_slice %concatenate3A_150 {offsets = [4, 0], sizes = [26, 256], strides = [1, 1]} : vector<34x256xf32> to vector<26x256xf32>
    %get3A_168 = arith.constant 2 : index
    %get3A_169 = arith.constant 1 : index
    %get3A_170 = arith.constant 0 : index
    %get3A_171 = arith.constant 0 : index
    %get3A_172 = vector.load %arg1[%get3A_168, %get3A_169, %get3A_170, %get3A_171] : memref<3x3x256x256xf32, #tpu.memory_space<vmem>>, vector<1x1x256x256xf32>
    %get3A_173 = vector.shape_cast %get3A_172 : vector<1x1x256x256xf32> to vector<256x256xf32>
    %dot_general3A_174 = arith.constant dense<0.000000e+00> : vector<26x256xf32>
    %dot_general3A_175 = tpu.matmul %slice3A_167, %get3A_173, %dot_general3A_174 {dimension_numbers = #tpu.dot_dimension_numbers<[1], [1], [0], [0], [0, 0, 1, 0], [], []>, precision = #tpu.contract_precision<fp32>, transpose_lhs_hint = false} : vector<26x256xf32>, vector<256x256xf32>, vector<26x256xf32> -> vector<26x256xf32>
    %add3A_176 = arith.addf %add3A_166, %dot_general3A_175 : vector<26x256xf32>
    %slice3A_177 = vector.extract_strided_slice %concatenate3A_150 {offsets = [8, 0], sizes = [26, 256], strides = [1, 1]} : vector<34x256xf32> to vector<26x256xf32>
    %get3A_178 = arith.constant 2 : index
    %get3A_179 = arith.constant 2 : index
    %get3A_180 = arith.constant 0 : index
    %get3A_181 = arith.constant 0 : index
    %get3A_182 = vector.load %arg1[%get3A_178, %get3A_179, %get3A_180, %get3A_181] : memref<3x3x256x256xf32, #tpu.memory_space<vmem>>, vector<1x1x256x256xf32>
    %get3A_183 = vector.shape_cast %get3A_182 : vector<1x1x256x256xf32> to vector<256x256xf32>
    %dot_general3A_184 = arith.constant dense<0.000000e+00> : vector<26x256xf32>
    %dot_general3A_185 = tpu.matmul %slice3A_177, %get3A_183, %dot_general3A_184 {dimension_numbers = #tpu.dot_dimension_numbers<[1], [1], [0], [0], [0, 0, 1, 0], [], []>, precision = #tpu.contract_precision<fp32>, transpose_lhs_hint = false} : vector<26x256xf32>, vector<256x256xf32>, vector<26x256xf32> -> vector<26x256xf32>
    %add3A_186 = arith.addf %add3A_176, %dot_general3A_185 : vector<26x256xf32>
    %reduce_sum3A_187 = arith.constant dense<0.000000e+00> : vector<256xf32>
    %reduce_sum3A_188 = vector.multi_reduction <add>, %add3A_186, %reduce_sum3A_187 [0] : vector<26x256xf32> to vector<256xf32>
    %broadcast_in_dim3A_189 = vector.shape_cast %reduce_sum3A_188 : vector<256xf32> to vector<1x256xf32>
    %div3A_190 = arith.constant 2.600000e+01 : f32
    %div3A_191 = vector.broadcast %div3A_190 : f32 to vector<1x256xf32>
    %div3A_192 = arith.divf %broadcast_in_dim3A_189, %div3A_191 : vector<1x256xf32>
    %sub3A_193 = vector.broadcast %div3A_192 : vector<1x256xf32> to vector<26x256xf32>
    %sub3A_194 = arith.subf %add3A_186, %sub3A_193 : vector<26x256xf32>
    %integer_pow3A_195 = arith.mulf %sub3A_194, %sub3A_194 : vector<26x256xf32>
    %reduce_sum3A_196 = arith.constant dense<0.000000e+00> : vector<256xf32>
    %reduce_sum3A_197 = vector.multi_reduction <add>, %integer_pow3A_195, %reduce_sum3A_196 [0] : vector<26x256xf32> to vector<256xf32>
    %broadcast_in_dim3A_198 = vector.shape_cast %reduce_sum3A_197 : vector<256xf32> to vector<1x256xf32>
    %div3A_199 = arith.constant 2.600000e+01 : f32
    %div3A_200 = vector.broadcast %div3A_199 : f32 to vector<1x256xf32>
    %div3A_201 = arith.divf %broadcast_in_dim3A_198, %div3A_200 : vector<1x256xf32>
    %get3A_202 = arith.constant 2 : index
    %get3A_203 = arith.constant 0 : index
    %get3A_204 = vector.load %arg3[%get3A_202, %get3A_203] : memref<3x256xf32, #tpu.memory_space<vmem>>, vector<1x256xf32>
    %get3A_205 = vector.shape_cast %get3A_204 : vector<1x256xf32> to vector<256xf32>
    %broadcast_in_dim3A_206 = vector.shape_cast %get3A_205 : vector<256xf32> to vector<1x256xf32>
    %sub3A_207 = vector.broadcast %div3A_192 : vector<1x256xf32> to vector<26x256xf32>
    %sub3A_208 = arith.subf %add3A_186, %sub3A_207 : vector<26x256xf32>
    %mul3A_209 = vector.broadcast %broadcast_in_dim3A_206 : vector<1x256xf32> to vector<26x256xf32>
    %mul3A_210 = arith.mulf %mul3A_209, %sub3A_208 : vector<26x256xf32>
    %add3A_211 = arith.constant 9.99999974E-6 : f32
    %add3A_212 = vector.broadcast %add3A_211 : f32 to vector<1x256xf32>
    %add3A_213 = arith.addf %div3A_201, %add3A_212 : vector<1x256xf32>
    %rsqrt3A_214 = math.rsqrt %add3A_213 : vector<1x256xf32>
    %mul3A_215 = vector.broadcast %rsqrt3A_214 : vector<1x256xf32> to vector<26x256xf32>
    %mul3A_216 = arith.mulf %mul3A_210, %mul3A_215 : vector<26x256xf32>
    %get3A_217 = arith.constant 2 : index
    %get3A_218 = arith.constant 0 : index
    %get3A_219 = vector.load %arg4[%get3A_217, %get3A_218] : memref<3x256xf32, #tpu.memory_space<vmem>>, vector<1x256xf32>
    %get3A_220 = vector.shape_cast %get3A_219 : vector<1x256xf32> to vector<256xf32>
    %broadcast_in_dim3A_221 = vector.shape_cast %get3A_220 : vector<256xf32> to vector<1x256xf32>
    %add3A_222 = vector.broadcast %broadcast_in_dim3A_221 : vector<1x256xf32> to vector<26x256xf32>
    %add3A_223 = arith.addf %mul3A_216, %add3A_222 : vector<26x256xf32>
    %max3A_224 = arith.constant 0.000000e+00 : f32
    %max3A_225 = vector.broadcast %max3A_224 : f32 to vector<26x256xf32>
    %max3A_226 = arith.maximumf %add3A_223, %max3A_225 : vector<26x256xf32>
    %slice3A_227 = vector.extract_strided_slice %max3A_226 {offsets = [25, 0], sizes = [1, 256], strides = [1, 1]} : vector<26x256xf32> to vector<1x256xf32>
    %get3A_228 = arith.constant 0 : index
    %get3A_229 = arith.constant 0 : index
    %get3A_230 = vector.load %arg5[%get3A_228, %get3A_229] : memref<256x256xf32, #tpu.memory_space<vmem>>, vector<256x256xf32>
    %dot_general3A_231 = arith.constant dense<0.000000e+00> : vector<1x256xf32>
    %dot_general3A_232 = tpu.matmul %slice3A_227, %get3A_230, %dot_general3A_231 {dimension_numbers = #tpu.dot_dimension_numbers<[1], [1], [0], [0], [0, 0, 1, 0], [], []>, precision = #tpu.contract_precision<fp32>, transpose_lhs_hint = false} : vector<1x256xf32>, vector<256x256xf32>, vector<1x256xf32> -> vector<1x256xf32>
    %get3A_233 = arith.constant 0 : index
    %get3A_234 = vector.load %arg6[%get3A_233] : memref<256xf32, #tpu.memory_space<vmem>>, vector<256xf32>
    %broadcast_in_dim3A_235 = vector.shape_cast %get3A_234 : vector<256xf32> to vector<1x256xf32>
    %add3A_236 = arith.addf %dot_general3A_232, %broadcast_in_dim3A_235 : vector<1x256xf32>
    %swap3A = arith.constant 0 : index
    %swap3A_237 = arith.constant 0 : index
    %swap3A_238 = vector.load %arg7[%swap3A, %swap3A_237] : memref<1x256xf32, #tpu.memory_space<vmem>>, vector<1x256xf32>
    tpu.vector_store %arg7[%swap3A, %swap3A_237], %add3A_236 {strides = array<i32>} : memref<1x256xf32, #tpu.memory_space<vmem>>, vector<1x256xf32>,
    return
  }
}

</mosaic_0001>

<sc_bundles>
// kernel: kernel.15.cloned.1.call-start
scs
__scs_entry_jumppad:
0x0: {  	(pc) =	sbr.rel $0x88, $3  }
0x1: {  	(tag) =	ssettag $0x0;
	lr =	simm.s32 $0x1  }
0x2: {  	[smem:$0x3F95] =	sst lr;
	_ =	strace $0xD0000000  }
0x3: {  	_ = 	snop  }
0x4: {  	_ = 	snop  }
0x5: {  	_ = 	snop  }
0x6: {  	_ = 	snop  }
0x7: {  	_ = 	snop  }
__scs_overlays_trampoline_lowered:
0x8: {  	[smem:$0x3FA4] =	sst s0  }
0x9: {  	[smem:$0x3FA5] =	sst s1  }
0xa: {  	[smem:$0x3FA6] =	sst s2  }
0xb: {  	[smem:$0x3FA7] =	sst s3  }
0xc: {  	[smem:$0x3FA8] =	sst s4  }
0xd: {  	[smem:$0x3FA9] =	sst s5  }
0xe: {  	[smem:$0x3FAA] =	sst s6  }
0xf: {  	[smem:$0x3FAB] =	sst s7  }
0x10: {  	[smem:$0x3FAC] =	sst s8  }
0x11: {  	[smem:$0x3FAD] =	sst s9;
	s0 =	simm.s32 @!p0 $0x0  }
0x12: {  	s1 =	sld [smem:$0x3F93];
	s0 =	simm.s32 @p0 $0x1  }
0x13: {  	[smem:$0x3FAE] =	sst s0;
	s0 =	simm.s32 @!p1 $0x0  }
0x14: {  	s2 =	sld [smem:$0x3F92];
	s0 =	simm.s32 @p1 $0x1  }
0x15: {  	[smem:$0x3FAF] =	sst s0;
	s0 =	simm.s32 @!p2 $0x0  }
0x16: {  	s3 =	sld [smem:$0x3FDB];
	s0 =	simm.s32 @p2 $0x1  }
0x17: {  	s4 =	simm.s32 $0x1BF5;
	[smem:$0x3FB1] =	sst s0  }
0x18: {  	s0 =	sld [smem:$0x3F94];
	_ =	swait.ge [sflag:s4], $0x0  }
0x19: {  	s7 =	sld [smem:$0x3F95]  }
0x1a: {  	s8 =	sadd.s32 $0xFFFFE003, lr  }
0x1b: {  	s9 =	sadd.s32 $0xFFFFFEF7, lr;
	s5 =	simm.s32 $0xFFFFFFFF;
	p2 =	slt.u32 s8, $0xFFFFF086  }
0x1c: {  	p1 =	slt.u32 s9, $0xF7A;
	s5 =	simm.s32 @!p2 $0x0  }
0x1d: {  	s5 =	simm.s32 @p1 $0x1;
	p0 =	seq.s32 s7, s2  }
0x1e: {  	s7 =	smul.u32 @!p0 $0xF7A, s2;
	p2 =	seq.s32 @!p0 s5, $0x0  }
0x1f: {  	s9 =	smul.u32 $0xF7A, s1;
	s8 =	simm.s32 @!p0 $0x1BF5;
	p2 =	por !p2, p0  }
0x20: {  	[sflag:s8] =	ssyncset.s32 @!p0 $0xFFFFF086;
	s6 =	sadd.s32 @!p0 s3, s7;
	s7 =	simm.s32 @!p0 $0x108  }
0x21: {  	s3 =	sadd.s32 s3, s9;
	s6 =	sadd.s32 @!p0 $0x88, s6;
	s7 =	simm.s32 @p2 $0x1082  }
0x22: {  	[simem:s7], [sflag:s8] =	dma.local @!p0 [hbm:s6], $0xF7A  }
0x23: {  	s9 =	sor.u32 $0xD0000000, s2;
	s6 =	simm.s32 $0x108;
	_ =	swait.ge @!p0 [sflag:s8], $0x0  }
0x24: {  	s3 =	sadd.s32 $0x88, s3;
	s6 =	simm.s32 @!p1 $0x1082;
	[sflag:s4] =	ssyncset.s32 $0xFFFFF086  }
0x25: {  	[simem:s6], [sflag:s4] =	dma.local [hbm:s3], $0xF7A  }
0x26: {  	[smem:$0x3F95] =	sst s1;
	(tag) =	ssettag s2;
	_ =	strace s9  }
0x27: {  	s1 =	sld [smem:$0x3FA5]  }
0x28: {  	s2 =	sld [smem:$0x3FA6]  }
0x29: {  	s4 =	sld [smem:$0x3FA8]  }
0x2a: {  	p0 =	seq.s32 s5, $0x0;
	s5 =	sld [smem:$0x3FA9]  }
0x2b: {  	s6 =	sld [smem:$0x3FAA]  }
0x2c: {  	s7 =	sld [smem:$0x3FAB]  }
0x2d: {  	s3 =	simm.s32 $0x108;
	s8 =	sld [smem:$0x3FAC]  }
0x2e: {  	s3 =	simm.s32 @!p0 $0x1082;
	s9 =	sld [smem:$0x3FAD]  }
0x2f: {  	lr =	sadd.s32 s0, s3;
	s0 =	sld [smem:$0x3FA4]  }
0x30: {  	s3 =	sld [smem:$0x3FA7]  }
0x31: {  	[smem:$0x3FB0] =	sst s10  }
0x32: {  	s10 =	sld [smem:$0x3FAE];
	_ =	sdelay $0x3  }
0x33: {  	p0 =	seq.s32 s10, $0x1;
	s10 =	sld [smem:$0x3FB0];
	_ =	sdelay $0x3  }
0x34: {  	[smem:$0x3FB0] =	sst s10  }
0x35: {  	s10 =	sld [smem:$0x3FAF];
	_ =	sdelay $0x3  }
0x36: {  	p1 =	seq.s32 s10, $0x1;
	s10 =	sld [smem:$0x3FB0];
	_ =	sdelay $0x3  }
0x37: {  	[smem:$0x3FB0] =	sst s10  }
0x38: {  	s10 =	sld [smem:$0x3FB1]  }
0x39: {  	_ = 	snop;
	(pc) =	sbr.ind lr, $3  }
0x3a: {  	_ = 	snop  }
0x3b: {  	_ = 	snop  }
0x3c: {  	p2 =	seq.s32 s10, $0x1;
	s10 =	sld [smem:$0x3FB0]  }
0x3d: {  	_ =	shalt  }
0x3e: {  	_ =	shalt  }
0x3f: {  	_ =	shalt  }
0x40: {  	_ =	shalt  }
0x41: {  	_ =	shalt  }
0x42: {  	_ =	shalt  }
0x43: {  	_ =	shalt  }
0x44: {  	_ =	shalt  }
0x45: {  	_ =	shalt  }
0x46: {  	_ =	shalt  }
0x47: {  	_ =	shalt  }
0x48: {  	_ =	shalt  }
0x49: {  	_ =	shalt  }
0x4a: {  	_ =	shalt  }
0x4b: {  	_ =	shalt  }
0x4c: {  	_ =	shalt  }
0x4d: {  	_ =	shalt  }
0x4e: {  	_ =	shalt  }
0x4f: {  	_ =	shalt  }
0x50: {  	_ =	shalt  }
0x51: {  	_ =	shalt  }
0x52: {  	_ =	shalt  }
0x53: {  	_ =	shalt  }
0x54: {  	_ =	shalt  }
0x55: {  	_ =	shalt  }
0x56: {  	_ =	shalt  }
0x57: {  	_ =	shalt  }
0x58: {  	_ =	shalt  }
0x59: {  	_ =	shalt  }
0x5a: {  	_ =	shalt  }
0x5b: {  	_ =	shalt  }
0x5c: {  	_ =	shalt  }
0x5d: {  	_ =	shalt  }
0x5e: {  	_ =	shalt  }
0x5f: {  	_ =	shalt  }
0x60: {  	_ =	shalt  }
0x61: {  	_ =	shalt  }
0x62: {  	_ =	shalt  }
0x63: {  	_ =	shalt  }
0x64: {  	_ =	shalt  }
0x65: {  	_ =	shalt  }
0x66: {  	_ =	shalt  }
0x67: {  	_ =	shalt  }
0x68: {  	_ =	shalt  }
0x69: {  	_ =	shalt  }
0x6a: {  	_ =	shalt  }
0x6b: {  	_ =	shalt  }
0x6c: {  	_ =	shalt  }
0x6d: {  	_ =	shalt  }
0x6e: {  	_ =	shalt  }
0x6f: {  	_ =	shalt  }
0x70: {  	_ =	shalt  }
0x71: {  	_ =	shalt  }
0x72: {  	_ =	shalt  }
0x73: {  	_ =	shalt  }
0x74: {  	_ =	shalt  }
0x75: {  	_ =	shalt  }
0x76: {  	_ =	shalt  }
0x77: {  	_ =	shalt  }
0x78: {  	_ =	shalt  }
0x79: {  	_ =	shalt  }
0x7a: {  	_ =	shalt  }
0x7b: {  	_ =	shalt  }
0x7c: {  	_ =	shalt  }
0x7d: {  	_ =	shalt  }
0x7e: {  	_ =	shalt  }
0x7f: {  	_ =	shalt  }
0x80: {  	_ =	shalt  }
0x81: {  	_ =	shalt  }
0x82: {  	_ =	shalt  }
0x83: {  	_ =	shalt  }
0x84: {  	_ =	shalt  }
0x85: {  	_ =	shalt  }
0x86: {  	_ =	shalt  }
0x87: {  	_ =	shalt  }
.Lfunc_end0:
.L_simem_size_0:
called_computation_lowered:
.L_overlay_start_0:
0x88: {  	s2 =	sld [smem:$0x3FD9]  }
0x89: {  	s3 =	sld [smem:$0x3FFE];
	_ =	sdelay $0x1  }
0x8a: {  	s1 =	srdreg.scid  }
0x8b: {  	s0 =	sand.u32 $0x1, s1  }
0x8c: {  	s16 =	sshll.u32 s0, $0xA;
	s2 =	sadd.s32 s3, s2  }
0x8d: {  	s2 =	sadd.s32 s2, s16  }
0x8e: {  	[smem:$0x3FBC] =	sst s2  }
0x8f: {  	_ = 	snop  }
0x90: {  	(tm) =	ssettm $0x1  }
0x91: {  	s17 =	sld [smem:$0x3FFB];
	_ =	sdelay $0x3  }
0x92: {  	_ =	strace s17  }
0x93: {  	s2 =	sld [smem:$0x3FFC];
	_ =	sdelay $0x3  }
0x94: {  	_ =	strace s2  }
0x95: {  	s2 =	sld [smem:$0x3FFD];
	_ =	sdelay $0x3  }
0x96: {  	_ =	strace s2  }
0x97: {  	_ =	strace $0x8FFFFFFF  }
0x98: {  	s18 =	sld [smem:$0x3FDB];
	_ =	sdelay $0x1  }
0x99: {  	s19 =	simm.s32 $_scs_section_size  }
0x9a: {  	s4 =	simm.s32 $_size__tile_overlayer_lowered;
	s5 =	simm.s32 $_tile_overlayer_lowered  }
0x9b: {  	s22 =	simm.s32 $0x1BFF;
	s21 =	sshll.u32 s5, $0x1;
	s2 =	sadd.s32 s19, s18  }
0x9c: {  	s6 =	simm.s32 $0x0;
	s20 =	sshll.u32 s4, $0x1;
	s4 =	sadd.s32 s21, s2  }
0x9d: {  	[timem:s6], [sflag:s22] =	dma.local [hbm:s4], s20  }
0x9e: {  	_ =	swait.ge [sflag:s22], s20  }
0x9f: {  	s3 =	ssub.s32 $0x0, s20;
	[sflag:s22] =	ssyncset.done $0x0  }
0xa0: {  	[sflag:s22] =	ssyncadd.s32 s3;
	_ =	sdelay $0x1  }
0xa1: {  	s23 =	simm.s32 $0x1B8B  }
0xa2: {  	_ =	swait.ge [sflag:s23], $0x1  }
0xa3: {  	[sflag:s23] =	ssyncset.done $0x0  }
0xa4: {  	s25 =	simm.s32 $0x1B8E;
	s24 =	sld [smem:$0x3FFE];
	[sflag:s23] =	ssyncadd.s32 $0xFFFFFFFF  }
0xa5: {  	s26 =	simm.s32 $execute0_lowered;
	[smem:$0x3FD2] =	sst s25  }
0xa6: {  	s4 =	sshll.u32 s26, $0x1;
	_ =	strace $0x80000046;
	[dreg:$0x1] =	wrdreg $0xFFFFFFFF  }
0xa7: {  	s28 =	simm.s32 $_size_execute0_lowered;
	s2 =	sadd.s32 s2, s4;
	[dreg:$0x0] =	wrdreg $0x0  }
0xa8: {  	s4 =	sshll.u32 s28, $0x1;
	[dreg:$0x2] =	wrdreg s2  }
0xa9: {  	[dreg:$0x3] =	wrdreg s4  }
0xaa: {  	[dreg:$0x4] =	wrdreg $0xC0  }
0xab: {  	_ =	task [dreg:s6], $0x5FFFF  }
0xac: {  	[dreg:$0x1] =	wrdreg $0xFFFFFFFF  }
0xad: {  	[dreg:$0x0] =	wrdreg $0x60  }
0xae: {  	[dreg:$0x2] =	wrdreg s24  }
0xaf: {  	[dreg:$0x3] =	wrdreg $0x38000  }
0xb0: {  	[dreg:$0x4] =	wrdreg $0x9  }
0xb1: {  	_ =	task.clear_ibuf [dreg:s6], $0x5FFFF;
	_ =	strace $0x90000046  }
0xb2: {  	s29 =	simm.s32 $0x9;
	_ =	strace $0x80000048  }
0xb3: {  	_ =	swait.ge [sflag:s29], $0x1  }
0xb4: {  	[sflag:s29] =	ssyncadd.s32 $0xFFFFFFFF  }
0xb5: {  	_ =	strace $0x90000048  }
0xb6: {  	_ =	sfence  }
0xb7: {  	s30 =	sld [smem:$0x0];
	_ =	sdelay $0x2  }
0xb8: {  	s31 =	sshll.u32 s1, $0xD;
	s1 =	sshrl.u32 s1, $0x2  }
0xb9: {  	s3 =	sand.u32 $0x4000, s31;
	s1 =	sadd.s32 s1, s30  }
0xba: {  	s0 =	sor.u32 s3, s0;
	s1 =	sshll.u32 s1, $0x11  }
0xbb: {  	s0 =	sor.u32 s1, s0  }
0xbc: {  	s0 =	sadd.s32 $0x8F2B, s0  }
0xbd: {  	[sflag:s0] =	ssyncadd.remote.s32 $0x1  }
0xbe: {  	_ =	sfence.sel $0xFFFF  }
0xbf: {  	[dreg:$0x0] =	wrdreg $0xFFFFFFFF;
	(pc) =	sbr.abs _section_cstart, $3  }
0xc0: {  	[dreg:$0x1] =	wrdreg $0xFFFFFFFF  }
0xc1: {  	_ =	task.clear_ibuf [dreg:s6], $0x2FFFF;
	_ =	strace $0x9FFFFFFF  }
0xc2: {  	(tm) =	ssettm $0x7FFFFFFF  }
0xc3: {  	_ =	shalt  }
tec
execute0_lowered:
.L_overlay_start_1:
0x0: {  	(tag) =	ssettag $0x1  }
0x1: {  	s0 =	srdreg.scid;
	s4 =	rddreg [dreg:$0x0]  }
0x2: {  	s7 =	stileid.u32;
	s2 =	rddreg [dreg:$0x1]  }
0x3: {  	s3 =	simm.s32 $0x0;
	s11 =	simm.s32 $0x1000;
	s12 =	simm.s32 $0x2  }
0x4: {  	s24 =	simm.s32 $0x80;
	s25 =	simm.s32 $0x100;
	s15 =	simm.s32 $0x50  }
0x5: {  	s26 =	simm.s32 $0x180;
	s16 =	simm.s32 $0x200;
	s17 =	simm.s32 $0x280  }
0x6: {  	s28 =	simm.s32 $0x780;
	s29 =	simm.s32 $0x800;
	s30 =	simm.s32 $0x880  }
0x7: {  	s31 =	simm.s32 $0x900;
	s9 =	simm.s32 $0xB00;
	s10 =	simm.s32 $0xB80  }
0x8: {  	s1 =	smul.u32 $0x5000, s7;
	[smem:$0x7FF] =	sst s3;
	s18 =	sadd.s32 $0x40C00, s4  }
0x9: {  	s8 =	sadd.s32 $0x3E400, s4;
	_ =	strace $0x80000047;
	[dreg:$0x6] =	wrdreg s18  }
0xa: {  	s0 =	sand.u32 $0x1, s0;
	s6 =	smul.u32 $0x4E200, s7;
	[dreg:$0x7] =	wrdreg s8  }
0xb: {  	s22 =	smul.u32 $0x13C00, s7;
	s23 =	sshll.u32 s7, $0x6;
	[dreg:$0x3] =	wrdreg s24  }
0xc: {  	s5 =	smul.u32 $0xF0000, s0;
	s19 =	ssub.s32 $0x2, s0;
	[dreg:$0x4] =	wrdreg s25  }
0xd: {  	s0 =	smul.u32 $0x3, s0;
	s13 =	sor.u32 $0x1C02, s23;
	[dreg:$0x5] =	wrdreg s26  }
0xe: {  	s18 =	simm.s32 $0x300;
	s23 =	simm.s32 $0x580;
	s24 =	simm.s32 $0x600  }
0xf: {  	s25 =	simm.s32 $0x680;
	s26 =	simm.s32 $0x700;
	s8 =	simm.s32 $0x0  }
0x10: {  	s20 =	sshrl.u32 s19, $0x1;
	s21 =	sshrl.u32 s6, $0x2;
	[dreg:$0xa] =	wrdreg s22  }
0x11: {  	s22 =	simm.s32 $0x500;
	s6 =	simm.s32 $0x1;
	[dreg:$0xd] =	wrdreg s13  }
0x12: {  	s1 =	sadd.s32 s1, s5;
	[dreg:$0x9] =	wrdreg s0;
	s0 =	sadd.s32 s21, s2  }
0x13: {  	s21 =	simm.s32 $0x480;
	s1 =	sshrl.u32 s1, $0x3;
	s14 =	sshrl.u32 s0, $0x3  }
0x14: {  	s1 =	sadd.s32 s1, s4;
	s4 =	sadd.s32 $0x41200, s4;
	[dreg:$0xe] =	wrdreg s14  }
0x15: {  	s5 =	simm.s32 $0xC00;
	s0 =	simm.s32 $0xA00;
	[dreg:$0x8] =	wrdreg s4  }
0x16: {  	s4 =	ssub.s32 s19, s20;
	s1 =	sadd.s32 $0x2400, s1;
	s19 =	simm.s32 $0x380  }
0x17: {  	s20 =	simm.s32 $0x400;
	s4 =	smax.u32 s4, $0x1;
	[dreg:$0xc] =	wrdreg s1  }
0x18: {  	s1 =	simm.s32 $0x980;
	[dreg:$0xb] =	wrdreg s4;
	s4 =	simm.s32 $0xA80  }
.LBB2_1:
0x19: {  	[dreg:$0xf] =	wrdreg s8  }
0x1a: {  	s7 =	rddreg [dreg:$0x6]  }
0x1b: {  	[tilespmem:s11], [sflag:$0x2] =	stream.linear.gather [hbm4b:s7+s3], $0x2800, $0x38;
	[tilespmem:$0x17080] =	vst v63  }
0x1c: {  	_ =	swait.ge [sflag:s12], $0x2800  }
0x1d: {  	[sflag:s12] =	ssyncset.done $0x0  }
0x1e: {  	s8 =	simm.s32 $0x0;
	s7 =	rddreg [dreg:$0xc];
	[sflag:s12] =	ssyncadd.s32 $0xFFFFD800  }
.LBB2_2:
0x1f: {  	[dreg:$0x10] =	wrdreg s8  }
0x20: {  	s8 =	rddreg [dreg:$0x7]  }
0x21: {  	[spmem:s14], [sflag:s13] =	dma.local [hbm:s8], $0x2710  }
0x22: {  	_ =	swait.ge [sflag:s12], $0x2710  }
0x23: {  	[sflag:s12] =	ssyncset.done $0x0  }
0x24: {  	[sflag:s12] =	ssyncadd.s32 $0xFFFFD8F0  }
0x25: {  	s13 =	sadd.s32 $0x0, s7;
	[bflag:$0x0] =	sbarrier.arrive $0xFFFF  }
0x26: {  	[tilespmem:s3], [sflag:$0x2] =	stream.linear.gather [hbm4b:s13+s3], $0xC80, $0x38;
	[tilespmem:$0x17080] =	vst v63  }
0x27: {  	_ =	swait.ge [sflag:s12], $0xC80  }
0x28: {  	[sflag:s12] =	ssyncset.done $0x0  }
0x29: {  	[sflag:s12] =	ssyncadd.s32 $0xFFFFF380  }
0x2a: {  	[spmem:s2] =	stream.indirect.scatter.add.f32 [tilespmem:s11], [sflag:$0x1], $0x80, s3, s15, $0xb8;
	[tilespmem:$0x17080] =	vst v63  }
0x2b: {  	s14 =	rddreg [dreg:$0x3]  }
0x2c: {  	[spmem:s2] =	stream.indirect.scatter.add.f32 [tilespmem:s11], [sflag:$0x1], $0x80, s14, s15, $0xb8;
	[tilespmem:$0x17080] =	vst v63  }
0x2d: {  	s13 =	rddreg [dreg:$0x4]  }
0x2e: {  	[spmem:s2] =	stream.indirect.scatter.add.f32 [tilespmem:s11], [sflag:$0x1], $0x80, s13, s15, $0xb8;
	[tilespmem:$0x17080] =	vst v63  }
0x2f: {  	s14 =	rddreg [dreg:$0x5]  }
0x30: {  	[spmem:s2] =	stream.indirect.scatter.add.f32 [tilespmem:s11], [sflag:$0x1], $0x80, s14, s15, $0xb8;
	[tilespmem:$0x17080] =	vst v63  }
0x31: {  	_ = 	snop  }
0x32: {  	[spmem:s2] =	stream.indirect.scatter.add.f32 [tilespmem:s11], [sflag:$0x1], $0x80, s16, s15, $0xb8;
	[tilespmem:$0x17080] =	vst v63  }
0x33: {  	_ = 	snop  }
0x34: {  	[spmem:s2] =	stream.indirect.scatter.add.f32 [tilespmem:s11], [sflag:$0x1], $0x80, s17, s15, $0xb8;
	[tilespmem:$0x17080] =	vst v63  }
0x35: {  	_ = 	snop  }
0x36: {  	[spmem:s2] =	stream.indirect.scatter.add.f32 [tilespmem:s11], [sflag:$0x1], $0x80, s18, s15, $0xb8;
	[tilespmem:$0x17080] =	vst v63  }
0x37: {  	_ = 	snop  }
0x38: {  	[spmem:s2] =	stream.indirect.scatter.add.f32 [tilespmem:s11], [sflag:$0x1], $0x80, s19, s15, $0xb8;
	[tilespmem:$0x17080] =	vst v63  }
0x39: {  	_ = 	snop  }
0x3a: {  	[spmem:s2] =	stream.indirect.scatter.add.f32 [tilespmem:s11], [sflag:$0x1], $0x80, s20, s15, $0xb8;
	[tilespmem:$0x17080] =	vst v63  }
0x3b: {  	_ = 	snop  }
0x3c: {  	[spmem:s2] =	stream.indirect.scatter.add.f32 [tilespmem:s11], [sflag:$0x1], $0x80, s21, s15, $0xb8;
	[tilespmem:$0x17080] =	vst v63  }
0x3d: {  	_ = 	snop  }
0x3e: {  	[spmem:s2] =	stream.indirect.scatter.add.f32 [tilespmem:s11], [sflag:$0x1], $0x80, s22, s15, $0xb8;
	[tilespmem:$0x17080] =	vst v63  }
0x3f: {  	_ = 	snop  }
0x40: {  	[spmem:s2] =	stream.indirect.scatter.add.f32 [tilespmem:s11], [sflag:$0x1], $0x80, s23, s15, $0xb8;
	[tilespmem:$0x17080] =	vst v63  }
0x41: {  	_ = 	snop  }
0x42: {  	[spmem:s2] =	stream.indirect.scatter.add.f32 [tilespmem:s11], [sflag:$0x1], $0x80, s24, s15, $0xb8;
	[tilespmem:$0x17080] =	vst v63  }
0x43: {  	_ = 	snop  }
0x44: {  	[spmem:s2] =	stream.indirect.scatter.add.f32 [tilespmem:s11], [sflag:$0x1], $0x80, s25, s15, $0xb8;
	[tilespmem:$0x17080] =	vst v63  }
0x45: {  	_ = 	snop  }
0x46: {  	[spmem:s2] =	stream.indirect.scatter.add.f32 [tilespmem:s11], [sflag:$0x1], $0x80, s26, s15, $0xb8;
	[tilespmem:$0x17080] =	vst v63  }
0x47: {  	_ = 	snop  }
0x48: {  	[spmem:s2] =	stream.indirect.scatter.add.f32 [tilespmem:s11], [sflag:$0x1], $0x80, s28, s15, $0xb8;
	[tilespmem:$0x17080] =	vst v63  }
0x49: {  	_ = 	snop  }
0x4a: {  	[spmem:s2] =	stream.indirect.scatter.add.f32 [tilespmem:s11], [sflag:$0x1], $0x80, s29, s15, $0xb8;
	[tilespmem:$0x17080] =	vst v63  }
0x4b: {  	_ = 	snop  }
0x4c: {  	[spmem:s2] =	stream.indirect.scatter.add.f32 [tilespmem:s11], [sflag:$0x1], $0x80, s30, s15, $0xb8;
	[tilespmem:$0x17080] =	vst v63  }
0x4d: {  	_ = 	snop  }
0x4e: {  	[spmem:s2] =	stream.indirect.scatter.add.f32 [tilespmem:s11], [sflag:$0x1], $0x80, s31, s15, $0xb8;
	[tilespmem:$0x17080] =	vst v63  }
0x4f: {  	_ = 	snop  }
0x50: {  	[spmem:s2] =	stream.indirect.scatter.add.f32 [tilespmem:s11], [sflag:$0x1], $0x80, s1, s15, $0xb8;
	[tilespmem:$0x17080] =	vst v63  }
0x51: {  	_ = 	snop  }
0x52: {  	[spmem:s2] =	stream.indirect.scatter.add.f32 [tilespmem:s11], [sflag:$0x1], $0x80, s0, s15, $0xb8;
	[tilespmem:$0x17080] =	vst v63  }
0x53: {  	_ = 	snop  }
0x54: {  	[spmem:s2] =	stream.indirect.scatter.add.f32 [tilespmem:s11], [sflag:$0x1], $0x80, s4, s15, $0xb8;
	[tilespmem:$0x17080] =	vst v63  }
0x55: {  	_ = 	snop  }
0x56: {  	[spmem:s2] =	stream.indirect.scatter.add.f32 [tilespmem:s11], [sflag:$0x1], $0x80, s9, s15, $0xb8;
	[tilespmem:$0x17080] =	vst v63  }
0x57: {  	_ = 	snop  }
0x58: {  	[spmem:s2] =	stream.indirect.scatter.add.f32 [tilespmem:s11], [sflag:$0x1], $0x80, s10, s15, $0xb8;
	[tilespmem:$0x17080] =	vst v63  }
0x59: {  	_ = 	snop  }
0x5a: {  	[spmem:s2] =	stream.indirect.scatter.add.f32 [tilespmem:s11], [sflag:$0x1], $0x80, s5, s15, $0xb8;
	[tilespmem:$0x17080] =	vst v63  }
0x5b: {  	_ =	swait.ge [sflag:s6], $0x2800  }
0x5c: {  	[sflag:s6] =	ssyncset.done $0x0  }
0x5d: {  	[sflag:s6] =	ssyncadd.s32 $0xFFFFD800  }
0x5e: {  	_ =	swait.ge [sflag:s6], $0x2800  }
0x5f: {  	[sflag:s6] =	ssyncset.done $0x0  }
0x60: {  	[sflag:s6] =	ssyncadd.s32 $0xFFFFD800  }
0x61: {  	_ =	swait.ge [sflag:s6], $0x2800  }
0x62: {  	[sflag:s6] =	ssyncset.done $0x0  }
0x63: {  	[sflag:s6] =	ssyncadd.s32 $0xFFFFD800  }
0x64: {  	_ =	swait.ge [sflag:s6], $0x2800  }
0x65: {  	[sflag:s6] =	ssyncset.done $0x0  }
0x66: {  	[sflag:s6] =	ssyncadd.s32 $0xFFFFD800  }
0x67: {  	_ =	swait.ge [sflag:s6], $0x2800  }
0x68: {  	[sflag:s6] =	ssyncset.done $0x0  }
0x69: {  	[sflag:s6] =	ssyncadd.s32 $0xFFFFD800  }
0x6a: {  	_ =	swait.ge [sflag:s6], $0x2800  }
0x6b: {  	[sflag:s6] =	ssyncset.done $0x0  }
0x6c: {  	[sflag:s6] =	ssyncadd.s32 $0xFFFFD800  }
0x6d: {  	_ =	swait.ge [sflag:s6], $0x2800  }
0x6e: {  	[sflag:s6] =	ssyncset.done $0x0  }
0x6f: {  	[sflag:s6] =	ssyncadd.s32 $0xFFFFD800  }
0x70: {  	_ =	swait.ge [sflag:s6], $0x2800  }
0x71: {  	[sflag:s6] =	ssyncset.done $0x0  }
0x72: {  	[sflag:s6] =	ssyncadd.s32 $0xFFFFD800  }
0x73: {  	_ =	swait.ge [sflag:s6], $0x2800  }
0x74: {  	[sflag:s6] =	ssyncset.done $0x0  }
0x75: {  	[sflag:s6] =	ssyncadd.s32 $0xFFFFD800  }
0x76: {  	_ =	swait.ge [sflag:s6], $0x2800  }
0x77: {  	[sflag:s6] =	ssyncset.done $0x0  }
0x78: {  	[sflag:s6] =	ssyncadd.s32 $0xFFFFD800  }
0x79: {  	_ =	swait.ge [sflag:s6], $0x2800  }
0x7a: {  	[sflag:s6] =	ssyncset.done $0x0  }
0x7b: {  	[sflag:s6] =	ssyncadd.s32 $0xFFFFD800  }
0x7c: {  	_ =	swait.ge [sflag:s6], $0x2800  }
0x7d: {  	[sflag:s6] =	ssyncset.done $0x0  }
0x7e: {  	[sflag:s6] =	ssyncadd.s32 $0xFFFFD800  }
0x7f: {  	_ =	swait.ge [sflag:s6], $0x2800  }
0x80: {  	[sflag:s6] =	ssyncset.done $0x0  }
0x81: {  	[sflag:s6] =	ssyncadd.s32 $0xFFFFD800  }
0x82: {  	_ =	swait.ge [sflag:s6], $0x2800  }
0x83: {  	[sflag:s6] =	ssyncset.done $0x0  }
0x84: {  	[sflag:s6] =	ssyncadd.s32 $0xFFFFD800  }
0x85: {  	_ =	swait.ge [sflag:s6], $0x2800  }
0x86: {  	[sflag:s6] =	ssyncset.done $0x0  }
0x87: {  	[sflag:s6] =	ssyncadd.s32 $0xFFFFD800  }
0x88: {  	_ =	swait.ge [sflag:s6], $0x2800  }
0x89: {  	[sflag:s6] =	ssyncset.done $0x0  }
0x8a: {  	[sflag:s6] =	ssyncadd.s32 $0xFFFFD800  }
0x8b: {  	_ =	swait.ge [sflag:s6], $0x2800  }
0x8c: {  	[sflag:s6] =	ssyncset.done $0x0  }
0x8d: {  	[sflag:s6] =	ssyncadd.s32 $0xFFFFD800  }
0x8e: {  	_ =	swait.ge [sflag:s6], $0x2800  }
0x8f: {  	[sflag:s6] =	ssyncset.done $0x0  }
0x90: {  	[sflag:s6] =	ssyncadd.s32 $0xFFFFD800  }
0x91: {  	_ =	swait.ge [sflag:s6], $0x2800  }
0x92: {  	[sflag:s6] =	ssyncset.done $0x0  }
0x93: {  	[sflag:s6] =	ssyncadd.s32 $0xFFFFD800  }
0x94: {  	_ =	swait.ge [sflag:s6], $0x2800  }
0x95: {  	[sflag:s6] =	ssyncset.done $0x0  }
0x96: {  	[sflag:s6] =	ssyncadd.s32 $0xFFFFD800  }
0x97: {  	_ =	swait.ge [sflag:s6], $0x2800  }
0x98: {  	[sflag:s6] =	ssyncset.done $0x0  }
0x99: {  	[sflag:s6] =	ssyncadd.s32 $0xFFFFD800  }
0x9a: {  	_ =	swait.ge [sflag:s6], $0x2800  }
0x9b: {  	[sflag:s6] =	ssyncset.done $0x0  }
0x9c: {  	[sflag:s6] =	ssyncadd.s32 $0xFFFFD800  }
0x9d: {  	_ =	swait.ge [sflag:s6], $0x2800  }
0x9e: {  	[sflag:s6] =	ssyncset.done $0x0  }
0x9f: {  	[sflag:s6] =	ssyncadd.s32 $0xFFFFD800  }
0xa0: {  	_ =	swait.ge [sflag:s6], $0x2800  }
0xa1: {  	s14 =	rddreg [dreg:$0x9]  }
0xa2: {  	s16 =	rddreg [dreg:$0x10]  }
0xa3: {  	[sflag:s6] =	ssyncset.done $0x0;
	s8 =	sadd.s32 s14, s16  }
0xa4: {  	[sflag:s6] =	ssyncadd.s32 $0xFFFFD800;
	[dreg:$0x11] =	wrdreg s8  }
0xa5: {  	_ =	swait.ge [sflag:s6], $0x2800  }
0xa6: {  	s13 =	simm.s32 $0x400;
	s14 =	simm.s32 $0x200;
	[sflag:s6] =	ssyncset.done $0x0  }
.LBB2_3:
0xa7: {  	s16 =	sadd.s32 s14, s7;
	[sflag:s6] =	ssyncadd.s32 $0xFFFFD800  }
0xa8: {  	[tilespmem:s3], [sflag:$0x2] =	stream.linear.gather [hbm4b:s16+s3], $0xC80, $0x38;
	[tilespmem:$0x17080] =	vst v63  }
0xa9: {  	_ =	swait.ge [sflag:s12], $0xC80  }
0xaa: {  	[sflag:s12] =	ssyncset.done $0x0  }
0xab: {  	s14 =	smov.u32 s13;
	[sflag:s12] =	ssyncadd.s32 $0xFFFFF380  }
0xac: {  	[spmem:s2] =	stream.indirect.scatter.add.f32 [tilespmem:s11], [sflag:$0x1], $0x80, s3, s15, $0xb8;
	[tilespmem:$0x17080] =	vst v63  }
0xad: {  	s8 =	sadd.s32 $0x200, s13;
	p0 =	sne.s32 s13, $0x800;
	s13 =	rddreg [dreg:$0x3]  }
0xae: {  	[spmem:s2] =	stream.indirect.scatter.add.f32 [tilespmem:s11], [sflag:$0x1], $0x80, s13, s15, $0xb8;
	[tilespmem:$0x17080] =	vst v63  }
0xaf: {  	s16 =	rddreg [dreg:$0x4]  }
0xb0: {  	[spmem:s2] =	stream.indirect.scatter.add.f32 [tilespmem:s11], [sflag:$0x1], $0x80, s16, s15, $0xb8;
	[tilespmem:$0x17080] =	vst v63  }
0xb1: {  	s13 =	rddreg [dreg:$0x5]  }
0xb2: {  	[spmem:s2] =	stream.indirect.scatter.add.f32 [tilespmem:s11], [sflag:$0x1], $0x80, s13, s15, $0xb8;
	[tilespmem:$0x17080] =	vst v63  }
0xb3: {  	s16 =	simm.s32 $0x200  }
0xb4: {  	[spmem:s2] =	stream.indirect.scatter.add.f32 [tilespmem:s11], [sflag:$0x1], $0x80, s16, s15, $0xb8;
	[tilespmem:$0x17080] =	vst v63  }
0xb5: {  	_ = 	snop  }
0xb6: {  	[spmem:s2] =	stream.indirect.scatter.add.f32 [tilespmem:s11], [sflag:$0x1], $0x80, s17, s15, $0xb8;
	[tilespmem:$0x17080] =	vst v63  }
0xb7: {  	_ = 	snop  }
0xb8: {  	[spmem:s2] =	stream.indirect.scatter.add.f32 [tilespmem:s11], [sflag:$0x1], $0x80, s18, s15, $0xb8;
	[tilespmem:$0x17080] =	vst v63  }
0xb9: {  	_ = 	snop  }
0xba: {  	[spmem:s2] =	stream.indirect.scatter.add.f32 [tilespmem:s11], [sflag:$0x1], $0x80, s19, s15, $0xb8;
	[tilespmem:$0x17080] =	vst v63  }
0xbb: {  	_ = 	snop  }
0xbc: {  	[spmem:s2] =	stream.indirect.scatter.add.f32 [tilespmem:s11], [sflag:$0x1], $0x80, s20, s15, $0xb8;
	[tilespmem:$0x17080] =	vst v63  }
0xbd: {  	_ = 	snop  }
0xbe: {  	[spmem:s2] =	stream.indirect.scatter.add.f32 [tilespmem:s11], [sflag:$0x1], $0x80, s21, s15, $0xb8;
	[tilespmem:$0x17080] =	vst v63  }
0xbf: {  	_ = 	snop  }
0xc0: {  	[spmem:s2] =	stream.indirect.scatter.add.f32 [tilespmem:s11], [sflag:$0x1], $0x80, s22, s15, $0xb8;
	[tilespmem:$0x17080] =	vst v63  }
0xc1: {  	_ = 	snop  }
0xc2: {  	[spmem:s2] =	stream.indirect.scatter.add.f32 [tilespmem:s11], [sflag:$0x1], $0x80, s23, s15, $0xb8;
	[tilespmem:$0x17080] =	vst v63  }
0xc3: {  	_ = 	snop  }
0xc4: {  	[spmem:s2] =	stream.indirect.scatter.add.f32 [tilespmem:s11], [sflag:$0x1], $0x80, s24, s15, $0xb8;
	[tilespmem:$0x17080] =	vst v63  }
0xc5: {  	_ = 	snop  }
0xc6: {  	[spmem:s2] =	stream.indirect.scatter.add.f32 [tilespmem:s11], [sflag:$0x1], $0x80, s25, s15, $0xb8;
	[tilespmem:$0x17080] =	vst v63  }
0xc7: {  	_ = 	snop  }
0xc8: {  	[spmem:s2] =	stream.indirect.scatter.add.f32 [tilespmem:s11], [sflag:$0x1], $0x80, s26, s15, $0xb8;
	[tilespmem:$0x17080] =	vst v63  }
0xc9: {  	_ = 	snop  }
0xca: {  	[spmem:s2] =	stream.indirect.scatter.add.f32 [tilespmem:s11], [sflag:$0x1], $0x80, s28, s15, $0xb8;
	[tilespmem:$0x17080] =	vst v63  }
0xcb: {  	_ = 	snop  }
0xcc: {  	[spmem:s2] =	stream.indirect.scatter.add.f32 [tilespmem:s11], [sflag:$0x1], $0x80, s29, s15, $0xb8;
	[tilespmem:$0x17080] =	vst v63  }
0xcd: {  	_ = 	snop  }
0xce: {  	[spmem:s2] =	stream.indirect.scatter.add.f32 [tilespmem:s11], [sflag:$0x1], $0x80, s30, s15, $0xb8;
	[tilespmem:$0x17080] =	vst v63  }
0xcf: {  	_ = 	snop  }
0xd0: {  	[spmem:s2] =	stream.indirect.scatter.add.f32 [tilespmem:s11], [sflag:$0x1], $0x80, s31, s15, $0xb8;
	[tilespmem:$0x17080] =	vst v63  }
0xd1: {  	_ = 	snop  }
0xd2: {  	[spmem:s2] =	stream.indirect.scatter.add.f32 [tilespmem:s11], [sflag:$0x1], $0x80, s1, s15, $0xb8;
	[tilespmem:$0x17080] =	vst v63  }
0xd3: {  	_ = 	snop  }
0xd4: {  	[spmem:s2] =	stream.indirect.scatter.add.f32 [tilespmem:s11], [sflag:$0x1], $0x80, s0, s15, $0xb8;
	[tilespmem:$0x17080] =	vst v63  }
0xd5: {  	_ = 	snop  }
0xd6: {  	[spmem:s2] =	stream.indirect.scatter.add.f32 [tilespmem:s11], [sflag:$0x1], $0x80, s4, s15, $0xb8;
	[tilespmem:$0x17080] =	vst v63  }
0xd7: {  	_ = 	snop  }
0xd8: {  	[spmem:s2] =	stream.indirect.scatter.add.f32 [tilespmem:s11], [sflag:$0x1], $0x80, s9, s15, $0xb8;
	[tilespmem:$0x17080] =	vst v63  }
0xd9: {  	_ = 	snop  }
0xda: {  	[spmem:s2] =	stream.indirect.scatter.add.f32 [tilespmem:s11], [sflag:$0x1], $0x80, s10, s15, $0xb8;
	[tilespmem:$0x17080] =	vst v63  }
0xdb: {  	_ = 	snop  }
0xdc: {  	[spmem:s2] =	stream.indirect.scatter.add.f32 [tilespmem:s11], [sflag:$0x1], $0x80, s5, s15, $0xb8;
	[tilespmem:$0x17080] =	vst v63  }
0xdd: {  	_ =	swait.ge [sflag:s6], $0x2800  }
0xde: {  	[sflag:s6] =	ssyncset.done $0x0  }
0xdf: {  	[sflag:s6] =	ssyncadd.s32 $0xFFFFD800  }
0xe0: {  	_ =	swait.ge [sflag:s6], $0x2800  }
0xe1: {  	[sflag:s6] =	ssyncset.done $0x0  }
0xe2: {  	[sflag:s6] =	ssyncadd.s32 $0xFFFFD800  }
0xe3: {  	_ =	swait.ge [sflag:s6], $0x2800  }
0xe4: {  	[sflag:s6] =	ssyncset.done $0x0  }
0xe5: {  	[sflag:s6] =	ssyncadd.s32 $0xFFFFD800  }
0xe6: {  	_ =	swait.ge [sflag:s6], $0x2800  }
0xe7: {  	[sflag:s6] =	ssyncset.done $0x0  }
0xe8: {  	[sflag:s6] =	ssyncadd.s32 $0xFFFFD800  }
0xe9: {  	_ =	swait.ge [sflag:s6], $0x2800  }
0xea: {  	[sflag:s6] =	ssyncset.done $0x0  }
0xeb: {  	[sflag:s6] =	ssyncadd.s32 $0xFFFFD800  }
0xec: {  	_ =	swait.ge [sflag:s6], $0x2800  }
0xed: {  	[sflag:s6] =	ssyncset.done $0x0  }
0xee: {  	[sflag:s6] =	ssyncadd.s32 $0xFFFFD800  }
0xef: {  	_ =	swait.ge [sflag:s6], $0x2800  }
0xf0: {  	[sflag:s6] =	ssyncset.done $0x0  }
0xf1: {  	[sflag:s6] =	ssyncadd.s32 $0xFFFFD800  }
0xf2: {  	_ =	swait.ge [sflag:s6], $0x2800  }
0xf3: {  	[sflag:s6] =	ssyncset.done $0x0  }
0xf4: {  	[sflag:s6] =	ssyncadd.s32 $0xFFFFD800  }
0xf5: {  	_ =	swait.ge [sflag:s6], $0x2800  }
0xf6: {  	[sflag:s6] =	ssyncset.done $0x0  }
0xf7: {  	[sflag:s6] =	ssyncadd.s32 $0xFFFFD800  }
0xf8: {  	_ =	swait.ge [sflag:s6], $0x2800  }
0xf9: {  	[sflag:s6] =	ssyncset.done $0x0  }
0xfa: {  	[sflag:s6] =	ssyncadd.s32 $0xFFFFD800  }
0xfb: {  	_ =	swait.ge [sflag:s6], $0x2800  }
0xfc: {  	[sflag:s6] =	ssyncset.done $0x0  }
0xfd: {  	[sflag:s6] =	ssyncadd.s32 $0xFFFFD800  }
0xfe: {  	_ =	swait.ge [sflag:s6], $0x2800  }
0xff: {  	[sflag:s6] =	ssyncset.done $0x0  }
0x100: {  	[sflag:s6] =	ssyncadd.s32 $0xFFFFD800  }
0x101: {  	_ =	swait.ge [sflag:s6], $0x2800  }
0x102: {  	[sflag:s6] =	ssyncset.done $0x0  }
0x103: {  	[sflag:s6] =	ssyncadd.s32 $0xFFFFD800  }
0x104: {  	_ =	swait.ge [sflag:s6], $0x2800  }
0x105: {  	[sflag:s6] =	ssyncset.done $0x0  }
0x106: {  	[sflag:s6] =	ssyncadd.s32 $0xFFFFD800  }
0x107: {  	_ =	swait.ge [sflag:s6], $0x2800  }
0x108: {  	[sflag:s6] =	ssyncset.done $0x0  }
0x109: {  	[sflag:s6] =	ssyncadd.s32 $0xFFFFD800  }
0x10a: {  	_ =	swait.ge [sflag:s6], $0x2800  }
0x10b: {  	[sflag:s6] =	ssyncset.done $0x0  }
0x10c: {  	[sflag:s6] =	ssyncadd.s32 $0xFFFFD800  }
0x10d: {  	_ =	swait.ge [sflag:s6], $0x2800  }
0x10e: {  	[sflag:s6] =	ssyncset.done $0x0  }
0x10f: {  	[sflag:s6] =	ssyncadd.s32 $0xFFFFD800  }
0x110: {  	_ =	swait.ge [sflag:s6], $0x2800  }
0x111: {  	[sflag:s6] =	ssyncset.done $0x0  }
0x112: {  	[sflag:s6] =	ssyncadd.s32 $0xFFFFD800  }
0x113: {  	_ =	swait.ge [sflag:s6], $0x2800  }
0x114: {  	[sflag:s6] =	ssyncset.done $0x0  }
0x115: {  	[sflag:s6] =	ssyncadd.s32 $0xFFFFD800  }
0x116: {  	_ =	swait.ge [sflag:s6], $0x2800  }
0x117: {  	[sflag:s6] =	ssyncset.done $0x0  }
0x118: {  	[sflag:s6] =	ssyncadd.s32 $0xFFFFD800  }
0x119: {  	_ =	swait.ge [sflag:s6], $0x2800  }
0x11a: {  	[sflag:s6] =	ssyncset.done $0x0  }
0x11b: {  	[sflag:s6] =	ssyncadd.s32 $0xFFFFD800  }
0x11c: {  	_ =	swait.ge [sflag:s6], $0x2800  }
0x11d: {  	[sflag:s6] =	ssyncset.done $0x0  }
0x11e: {  	[sflag:s6] =	ssyncadd.s32 $0xFFFFD800  }
0x11f: {  	_ =	swait.ge [sflag:s6], $0x2800  }
0x120: {  	[sflag:s6] =	ssyncset.done $0x0  }
0x121: {  	[sflag:s6] =	ssyncadd.s32 $0xFFFFD800  }
.Ltmp0:
0x122: {  	_ =	swait.ge [sflag:s6], $0x2800;
	(pc) =	sbr.rel @p0 .LBB2_3-.Ltmp0, $4  }
0x123: {  	[sflag:s6] =	ssyncset.done $0x0  }
0x124: {  	[sflag:s6] =	ssyncadd.s32 $0xFFFFD800  }
0x125: {  	_ =	swait.ge [sflag:s6], $0x2800  }
0x126: {  	s13 =	smov.u32 s8;
	[sflag:s6] =	ssyncset.done $0x0  }
0x127: {  	s8 =	sadd.s32 s14, s7;
	[sflag:s6] =	ssyncadd.s32 $0xFFFFD800  }
0x128: {  	[tilespmem:s3], [sflag:$0x2] =	stream.linear.gather [hbm4b:s8+s3], $0xC80, $0x38;
	[tilespmem:$0x17080] =	vst v63  }
0x129: {  	_ =	swait.ge [sflag:s12], $0xC80  }
0x12a: {  	[sflag:s12] =	ssyncset.done $0x0  }
0x12b: {  	[sflag:s12] =	ssyncadd.s32 $0xFFFFF380  }
0x12c: {  	[spmem:s2] =	stream.indirect.scatter.add.f32 [tilespmem:s11], [sflag:$0x1], $0x80, s3, s15, $0xb8;
	[tilespmem:$0x17080] =	vst v63  }
0x12d: {  	s14 =	rddreg [dreg:$0x3]  }
0x12e: {  	[spmem:s2] =	stream.indirect.scatter.add.f32 [tilespmem:s11], [sflag:$0x1], $0x80, s14, s15, $0xb8;
	[tilespmem:$0x17080] =	vst v63  }
0x12f: {  	s13 =	rddreg [dreg:$0x4]  }
0x130: {  	[spmem:s2] =	stream.indirect.scatter.add.f32 [tilespmem:s11], [sflag:$0x1], $0x80, s13, s15, $0xb8;
	[tilespmem:$0x17080] =	vst v63  }
0x131: {  	s14 =	rddreg [dreg:$0x5]  }
0x132: {  	[spmem:s2] =	stream.indirect.scatter.add.f32 [tilespmem:s11], [sflag:$0x1], $0x80, s14, s15, $0xb8;
	[tilespmem:$0x17080] =	vst v63  }
0x133: {  	_ = 	snop  }
0x134: {  	[spmem:s2] =	stream.indirect.scatter.add.f32 [tilespmem:s11], [sflag:$0x1], $0x80, s16, s15, $0xb8;
	[tilespmem:$0x17080] =	vst v63  }
0x135: {  	_ = 	snop  }
0x136: {  	[spmem:s2] =	stream.indirect.scatter.add.f32 [tilespmem:s11], [sflag:$0x1], $0x80, s17, s15, $0xb8;
	[tilespmem:$0x17080] =	vst v63  }
0x137: {  	_ = 	snop  }
0x138: {  	[spmem:s2] =	stream.indirect.scatter.add.f32 [tilespmem:s11], [sflag:$0x1], $0x80, s18, s15, $0xb8;
	[tilespmem:$0x17080] =	vst v63  }
0x139: {  	_ = 	snop  }
0x13a: {  	[spmem:s2] =	stream.indirect.scatter.add.f32 [tilespmem:s11], [sflag:$0x1], $0x80, s19, s15, $0xb8;
	[tilespmem:$0x17080] =	vst v63  }
0x13b: {  	_ = 	snop  }
0x13c: {  	[spmem:s2] =	stream.indirect.scatter.add.f32 [tilespmem:s11], [sflag:$0x1], $0x80, s20, s15, $0xb8;
	[tilespmem:$0x17080] =	vst v63  }
0x13d: {  	_ = 	snop  }
0x13e: {  	[spmem:s2] =	stream.indirect.scatter.add.f32 [tilespmem:s11], [sflag:$0x1], $0x80, s21, s15, $0xb8;
	[tilespmem:$0x17080] =	vst v63  }
0x13f: {  	_ = 	snop  }
0x140: {  	[spmem:s2] =	stream.indirect.scatter.add.f32 [tilespmem:s11], [sflag:$0x1], $0x80, s22, s15, $0xb8;
	[tilespmem:$0x17080] =	vst v63  }
0x141: {  	_ = 	snop  }
0x142: {  	[spmem:s2] =	stream.indirect.scatter.add.f32 [tilespmem:s11], [sflag:$0x1], $0x80, s23, s15, $0xb8;
	[tilespmem:$0x17080] =	vst v63  }
0x143: {  	_ = 	snop  }
0x144: {  	[spmem:s2] =	stream.indirect.scatter.add.f32 [tilespmem:s11], [sflag:$0x1], $0x80, s24, s15, $0xb8;
	[tilespmem:$0x17080] =	vst v63  }
0x145: {  	_ = 	snop  }
0x146: {  	[spmem:s2] =	stream.indirect.scatter.add.f32 [tilespmem:s11], [sflag:$0x1], $0x80, s25, s15, $0xb8;
	[tilespmem:$0x17080] =	vst v63  }
0x147: {  	_ = 	snop  }
0x148: {  	[spmem:s2] =	stream.indirect.scatter.add.f32 [tilespmem:s11], [sflag:$0x1], $0x80, s26, s15, $0xb8;
	[tilespmem:$0x17080] =	vst v63  }
0x149: {  	_ = 	snop  }
0x14a: {  	[spmem:s2] =	stream.indirect.scatter.add.f32 [tilespmem:s11], [sflag:$0x1], $0x80, s28, s15, $0xb8;
	[tilespmem:$0x17080] =	vst v63  }
0x14b: {  	_ = 	snop  }
0x14c: {  	[spmem:s2] =	stream.indirect.scatter.add.f32 [tilespmem:s11], [sflag:$0x1], $0x80, s29, s15, $0xb8;
	[tilespmem:$0x17080] =	vst v63  }
0x14d: {  	_ = 	snop  }
0x14e: {  	[spmem:s2] =	stream.indirect.scatter.add.f32 [tilespmem:s11], [sflag:$0x1], $0x80, s30, s15, $0xb8;
	[tilespmem:$0x17080] =	vst v63  }
0x14f: {  	_ = 	snop  }
0x150: {  	[spmem:s2] =	stream.indirect.scatter.add.f32 [tilespmem:s11], [sflag:$0x1], $0x80, s31, s15, $0xb8;
	[tilespmem:$0x17080] =	vst v63  }
0x151: {  	_ = 	snop  }
0x152: {  	[spmem:s2] =	stream.indirect.scatter.add.f32 [tilespmem:s11], [sflag:$0x1], $0x80, s1, s15, $0xb8;
	[tilespmem:$0x17080] =	vst v63  }
0x153: {  	_ = 	snop  }
0x154: {  	[spmem:s2] =	stream.indirect.scatter.add.f32 [tilespmem:s11], [sflag:$0x1], $0x80, s0, s15, $0xb8;
	[tilespmem:$0x17080] =	vst v63  }
0x155: {  	_ = 	snop  }
0x156: {  	[spmem:s2] =	stream.indirect.scatter.add.f32 [tilespmem:s11], [sflag:$0x1], $0x80, s4, s15, $0xb8;
	[tilespmem:$0x17080] =	vst v63  }
0x157: {  	_ = 	snop  }
0x158: {  	[spmem:s2] =	stream.indirect.scatter.add.f32 [tilespmem:s11], [sflag:$0x1], $0x80, s9, s15, $0xb8;
	[tilespmem:$0x17080] =	vst v63  }
0x159: {  	_ = 	snop  }
0x15a: {  	[spmem:s2] =	stream.indirect.scatter.add.f32 [tilespmem:s11], [sflag:$0x1], $0x80, s10, s15, $0xb8;
	[tilespmem:$0x17080] =	vst v63  }
0x15b: {  	_ = 	snop  }
0x15c: {  	[spmem:s2] =	stream.indirect.scatter.add.f32 [tilespmem:s11], [sflag:$0x1], $0x80, s5, s15, $0xb8;
	[tilespmem:$0x17080] =	vst v63  }
0x15d: {  	_ =	swait.ge [sflag:s6], $0x2800  }
0x15e: {  	[sflag:s6] =	ssyncset.done $0x0  }
0x15f: {  	[sflag:s6] =	ssyncadd.s32 $0xFFFFD800  }
0x160: {  	_ =	swait.ge [sflag:s6], $0x2800  }
0x161: {  	[sflag:s6] =	ssyncset.done $0x0  }
0x162: {  	[sflag:s6] =	ssyncadd.s32 $0xFFFFD800  }
0x163: {  	_ =	swait.ge [sflag:s6], $0x2800  }
0x164: {  	[sflag:s6] =	ssyncset.done $0x0  }
0x165: {  	[sflag:s6] =	ssyncadd.s32 $0xFFFFD800  }
0x166: {  	_ =	swait.ge [sflag:s6], $0x2800  }
0x167: {  	[sflag:s6] =	ssyncset.done $0x0  }
0x168: {  	[sflag:s6] =	ssyncadd.s32 $0xFFFFD800  }
0x169: {  	_ =	swait.ge [sflag:s6], $0x2800  }
0x16a: {  	[sflag:s6] =	ssyncset.done $0x0  }
0x16b: {  	[sflag:s6] =	ssyncadd.s32 $0xFFFFD800  }
0x16c: {  	_ =	swait.ge [sflag:s6], $0x2800  }
0x16d: {  	[sflag:s6] =	ssyncset.done $0x0  }
0x16e: {  	[sflag:s6] =	ssyncadd.s32 $0xFFFFD800  }
0x16f: {  	_ =	swait.ge [sflag:s6], $0x2800  }
0x170: {  	[sflag:s6] =	ssyncset.done $0x0  }
0x171: {  	[sflag:s6] =	ssyncadd.s32 $0xFFFFD800  }
0x172: {  	_ =	swait.ge [sflag:s6], $0x2800  }
0x173: {  	[sflag:s6] =	ssyncset.done $0x0  }
0x174: {  	[sflag:s6] =	ssyncadd.s32 $0xFFFFD800  }
0x175: {  	_ =	swait.ge [sflag:s6], $0x2800  }
0x176: {  	[sflag:s6] =	ssyncset.done $0x0  }
0x177: {  	[sflag:s6] =	ssyncadd.s32 $0xFFFFD800  }
0x178: {  	_ =	swait.ge [sflag:s6], $0x2800  }
0x179: {  	[sflag:s6] =	ssyncset.done $0x0  }
0x17a: {  	[sflag:s6] =	ssyncadd.s32 $0xFFFFD800  }
0x17b: {  	_ =	swait.ge [sflag:s6], $0x2800  }
0x17c: {  	[sflag:s6] =	ssyncset.done $0x0  }
0x17d: {  	[sflag:s6] =	ssyncadd.s32 $0xFFFFD800  }
0x17e: {  	_ =	swait.ge [sflag:s6], $0x2800  }
0x17f: {  	[sflag:s6] =	ssyncset.done $0x0  }
0x180: {  	[sflag:s6] =	ssyncadd.s32 $0xFFFFD800  }
0x181: {  	_ =	swait.ge [sflag:s6], $0x2800  }
0x182: {  	[sflag:s6] =	ssyncset.done $0x0  }
0x183: {  	[sflag:s6] =	ssyncadd.s32 $0xFFFFD800  }
0x184: {  	_ =	swait.ge [sflag:s6], $0x2800  }
0x185: {  	[sflag:s6] =	ssyncset.done $0x0  }
0x186: {  	[sflag:s6] =	ssyncadd.s32 $0xFFFFD800  }
0x187: {  	_ =	swait.ge [sflag:s6], $0x2800  }
0x188: {  	[sflag:s6] =	ssyncset.done $0x0  }
0x189: {  	[sflag:s6] =	ssyncadd.s32 $0xFFFFD800  }
0x18a: {  	_ =	swait.ge [sflag:s6], $0x2800  }
0x18b: {  	[sflag:s6] =	ssyncset.done $0x0  }
0x18c: {  	[sflag:s6] =	ssyncadd.s32 $0xFFFFD800  }
0x18d: {  	_ =	swait.ge [sflag:s6], $0x2800  }
0x18e: {  	[sflag:s6] =	ssyncset.done $0x0  }
0x18f: {  	[sflag:s6] =	ssyncadd.s32 $0xFFFFD800  }
0x190: {  	_ =	swait.ge [sflag:s6], $0x2800  }
0x191: {  	[sflag:s6] =	ssyncset.done $0x0  }
0x192: {  	[sflag:s6] =	ssyncadd.s32 $0xFFFFD800  }
0x193: {  	_ =	swait.ge [sflag:s6], $0x2800  }
0x194: {  	[sflag:s6] =	ssyncset.done $0x0  }
0x195: {  	[sflag:s6] =	ssyncadd.s32 $0xFFFFD800  }
0x196: {  	_ =	swait.ge [sflag:s6], $0x2800  }
0x197: {  	[sflag:s6] =	ssyncset.done $0x0  }
0x198: {  	[sflag:s6] =	ssyncadd.s32 $0xFFFFD800  }
0x199: {  	_ =	swait.ge [sflag:s6], $0x2800  }
0x19a: {  	[sflag:s6] =	ssyncset.done $0x0  }
0x19b: {  	[sflag:s6] =	ssyncadd.s32 $0xFFFFD800  }
0x19c: {  	_ =	swait.ge [sflag:s6], $0x2800  }
0x19d: {  	[sflag:s6] =	ssyncset.done $0x0  }
0x19e: {  	[sflag:s6] =	ssyncadd.s32 $0xFFFFD800  }
0x19f: {  	_ =	swait.ge [sflag:s6], $0x2800  }
0x1a0: {  	[sflag:s6] =	ssyncset.done $0x0  }
0x1a1: {  	[sflag:s6] =	ssyncadd.s32 $0xFFFFD800  }
0x1a2: {  	_ =	swait.ge [sflag:s6], $0x2800  }
0x1a3: {  	[sflag:s6] =	ssyncset.done $0x0  }
0x1a4: {  	[sflag:s6] =	ssyncadd.s32 $0xFFFFD800  }
0x1a5: {  	s13 =	rddreg [dreg:$0x11];
	_ =	swait.ge [sflag:s6], $0x2800  }
0x1a6: {  	[sflag:s6] =	ssyncset.done $0x0  }
0x1a7: {  	s8 =	smul.u32 $0x13C000, s13;
	[sflag:s6] =	ssyncadd.s32 $0xFFFFD800  }
0x1a8: {  	s14 =	rddreg [dreg:$0xa];
	[bflag:$0x0] =	sbarrier.arrive $0xFFFF  }
0x1a9: {  	s8 =	sadd.s32 s14, s8;
	s14 =	rddreg [dreg:$0x8]  }
0x1aa: {  	s8 =	sshrl.u32 s8, $0x3;
	s13 =	rddreg [dreg:$0xd]  }
0x1ab: {  	s8 =	sadd.s32 s14, s8;
	s14 =	rddreg [dreg:$0xe]  }
0x1ac: {  	[hbm:s8], [sflag:s13] =	dma.local [spmem:s14], $0x2710  }
0x1ad: {  	_ =	swait.ge [sflag:s12], $0x2710  }
0x1ae: {  	s8 =	rddreg [dreg:$0x10]  }
0x1af: {  	s8 =	sadd.s32 $0x1, s8  }
0x1b0: {  	p0 =	sne.s32 s8, $0x3  }
.Ltmp1:
0x1b1: {  	_ = 	snop;
	(pc) =	sbr.rel @p0 .LBB2_2-.Ltmp1, $3  }
0x1b2: {  	_ =	sdelay $0x1  }
0x1b3: {  	[sflag:s12] =	ssyncset.done $0x0  }
0x1b4: {  	s7 =	sadd.s32 $0xA000, s7;
	[sflag:s12] =	ssyncadd.s32 $0xFFFFD8F0  }
0x1b5: {  	s8 =	rddreg [dreg:$0xf]  }
0x1b6: {  	s7 =	rddreg [dreg:$0xb];
	s8 =	sadd.s32 $0x1, s8  }
0x1b7: {  	p0 =	sne.s32 s8, s7  }
.Ltmp2:
0x1b8: {  	_ = 	snop;
	(pc) =	sbr.rel @p0 .LBB2_1-.Ltmp2, $1  }
0x1b9: {  	_ =	sdelay $0x3  }
0x1ba: {  	_ =	sfence.sel $0x180000  }
0x1bb: {  	[bflag:$0x0] =	sbarrier.arrive $0xFFFF  }
0x1bc: {  	_ =	strace $0x90000047  }
0x1bd: {  	s0 =	stileid.u32;
	[bflag:$0x2] =	sbarrier.arrive $0xFFFF  }
0x1be: {  	p0 =	sne.s32 s0, $0x0;
	s0 =	rddreg [dreg:$0x2]  }
0x1bf: {  	s0 =	sadd.s32 @!p0 $0x100000, s0  }
0x1c0: {  	[sflag:s0] =	ssyncadd.tile.s32 @!p0 $0x1;
	_ =	shalt  }
.Lfunc_end2:
_tile_overlayer_lowered:
.L_overlay_start_2:
0x1c1: {  	(tag) =	ssettag $0x2  }
0x1c2: {  	s0 =	rddreg [dreg:$0x0];
	s2 =	stileid.u32  }
0x1c3: {  	s1 =	rddreg [dreg:$0x1];
	p0 =	sne.s32 s2, $0x0  }
0x1c4: {  	s3 =	rddreg [dreg:$0x2];
	[bflag:$0x3] =	sbarrier.arrive $0xFFFF;
	s2 =	simm.s32 @!p0 $0x1C02  }
0x1c5: {  	[timem:s3], [sflag:s2] =	dma.local @!p0 [hbm:s0], s1  }
0x1c6: {  	s0 =	simm.s32 @!p0 $0x2  }
0x1c7: {  	_ =	swait.ge @!p0 [sflag:s0], s1  }
0x1c8: {  	s1 =	ssub.s32 @!p0 $0x0, s1;
	[sflag:s0] =	ssyncset.done @!p0 $0x0  }
0x1c9: {  	[sflag:s0] =	ssyncadd.s32 @!p0 s1  }
0x1ca: {  	[bflag:$0x3] =	sbarrier.arrive $0xFFFF  }
0x1cb: {  	_ =	shalt  }

// kernel: kernel.18.cloned.1.call-start
scs
__scs_entry_jumppad:
0x0: {  	(pc) =	sbr.rel $0x88, $3  }
0x1: {  	(tag) =	ssettag $0x0;
	lr =	simm.s32 $0x1  }
0x2: {  	[smem:$0x3F95] =	sst lr;
	_ =	strace $0xD0000000  }
0x3: {  	_ = 	snop  }
0x4: {  	_ = 	snop  }
0x5: {  	_ = 	snop  }
0x6: {  	_ = 	snop  }
0x7: {  	_ = 	snop  }
__scs_overlays_trampoline_lowered:
0x8: {  	[smem:$0x3FA4] =	sst s0  }
0x9: {  	[smem:$0x3FA5] =	sst s1  }
0xa: {  	[smem:$0x3FA6] =	sst s2  }
0xb: {  	[smem:$0x3FA7] =	sst s3  }
0xc: {  	[smem:$0x3FA8] =	sst s4  }
0xd: {  	[smem:$0x3FA9] =	sst s5  }
0xe: {  	[smem:$0x3FAA] =	sst s6  }
0xf: {  	[smem:$0x3FAB] =	sst s7  }
0x10: {  	[smem:$0x3FAC] =	sst s8  }
0x11: {  	[smem:$0x3FAD] =	sst s9;
	s0 =	simm.s32 @!p0 $0x0  }
0x12: {  	s1 =	sld [smem:$0x3F93];
	s0 =	simm.s32 @p0 $0x1  }
0x13: {  	[smem:$0x3FAE] =	sst s0;
	s0 =	simm.s32 @!p1 $0x0  }
0x14: {  	s2 =	sld [smem:$0x3F92];
	s0 =	simm.s32 @p1 $0x1  }
0x15: {  	[smem:$0x3FAF] =	sst s0;
	s0 =	simm.s32 @!p2 $0x0  }
0x16: {  	s3 =	sld [smem:$0x3FDB];
	s0 =	simm.s32 @p2 $0x1  }
0x17: {  	s4 =	simm.s32 $0x1BF5;
	[smem:$0x3FB1] =	sst s0  }
0x18: {  	s0 =	sld [smem:$0x3F94];
	_ =	swait.ge [sflag:s4], $0x0  }
0x19: {  	s7 =	sld [smem:$0x3F95]  }
0x1a: {  	s8 =	sadd.s32 $0xFFFFE003, lr  }
0x1b: {  	s9 =	sadd.s32 $0xFFFFFEF7, lr;
	s5 =	simm.s32 $0xFFFFFFFF;
	p2 =	slt.u32 s8, $0xFFFFF086  }
0x1c: {  	p1 =	slt.u32 s9, $0xF7A;
	s5 =	simm.s32 @!p2 $0x0  }
0x1d: {  	s5 =	simm.s32 @p1 $0x1;
	p0 =	seq.s32 s7, s2  }
0x1e: {  	s7 =	smul.u32 @!p0 $0xF7A, s2;
	p2 =	seq.s32 @!p0 s5, $0x0  }
0x1f: {  	s9 =	smul.u32 $0xF7A, s1;
	s8 =	simm.s32 @!p0 $0x1BF5;
	p2 =	por !p2, p0  }
0x20: {  	[sflag:s8] =	ssyncset.s32 @!p0 $0xFFFFF086;
	s6 =	sadd.s32 @!p0 s3, s7;
	s7 =	simm.s32 @!p0 $0x108  }
0x21: {  	s3 =	sadd.s32 s3, s9;
	s6 =	sadd.s32 @!p0 $0x88, s6;
	s7 =	simm.s32 @p2 $0x1082  }
0x22: {  	[simem:s7], [sflag:s8] =	dma.local @!p0 [hbm:s6], $0xF7A  }
0x23: {  	s9 =	sor.u32 $0xD0000000, s2;
	s6 =	simm.s32 $0x108;
	_ =	swait.ge @!p0 [sflag:s8], $0x0  }
0x24: {  	s3 =	sadd.s32 $0x88, s3;
	s6 =	simm.s32 @!p1 $0x1082;
	[sflag:s4] =	ssyncset.s32 $0xFFFFF086  }
0x25: {  	[simem:s6], [sflag:s4] =	dma.local [hbm:s3], $0xF7A  }
0x26: {  	[smem:$0x3F95] =	sst s1;
	(tag) =	ssettag s2;
	_ =	strace s9  }
0x27: {  	s1 =	sld [smem:$0x3FA5]  }
0x28: {  	s2 =	sld [smem:$0x3FA6]  }
0x29: {  	s4 =	sld [smem:$0x3FA8]  }
0x2a: {  	p0 =	seq.s32 s5, $0x0;
	s5 =	sld [smem:$0x3FA9]  }
0x2b: {  	s6 =	sld [smem:$0x3FAA]  }
0x2c: {  	s7 =	sld [smem:$0x3FAB]  }
0x2d: {  	s3 =	simm.s32 $0x108;
	s8 =	sld [smem:$0x3FAC]  }
0x2e: {  	s3 =	simm.s32 @!p0 $0x1082;
	s9 =	sld [smem:$0x3FAD]  }
0x2f: {  	lr =	sadd.s32 s0, s3;
	s0 =	sld [smem:$0x3FA4]  }
0x30: {  	s3 =	sld [smem:$0x3FA7]  }
0x31: {  	[smem:$0x3FB0] =	sst s10  }
0x32: {  	s10 =	sld [smem:$0x3FAE];
	_ =	sdelay $0x3  }
0x33: {  	p0 =	seq.s32 s10, $0x1;
	s10 =	sld [smem:$0x3FB0];
	_ =	sdelay $0x3  }
0x34: {  	[smem:$0x3FB0] =	sst s10  }
0x35: {  	s10 =	sld [smem:$0x3FAF];
	_ =	sdelay $0x3  }
0x36: {  	p1 =	seq.s32 s10, $0x1;
	s10 =	sld [smem:$0x3FB0];
	_ =	sdelay $0x3  }
0x37: {  	[smem:$0x3FB0] =	sst s10  }
0x38: {  	s10 =	sld [smem:$0x3FB1]  }
0x39: {  	_ = 	snop;
	(pc) =	sbr.ind lr, $3  }
0x3a: {  	_ = 	snop  }
0x3b: {  	_ = 	snop  }
0x3c: {  	p2 =	seq.s32 s10, $0x1;
	s10 =	sld [smem:$0x3FB0]  }
0x3d: {  	_ =	shalt  }
0x3e: {  	_ =	shalt  }
0x3f: {  	_ =	shalt  }
0x40: {  	_ =	shalt  }
0x41: {  	_ =	shalt  }
0x42: {  	_ =	shalt  }
0x43: {  	_ =	shalt  }
0x44: {  	_ =	shalt  }
0x45: {  	_ =	shalt  }
0x46: {  	_ =	shalt  }
0x47: {  	_ =	shalt  }
0x48: {  	_ =	shalt  }
0x49: {  	_ =	shalt  }
0x4a: {  	_ =	shalt  }
0x4b: {  	_ =	shalt  }
0x4c: {  	_ =	shalt  }
0x4d: {  	_ =	shalt  }
0x4e: {  	_ =	shalt  }
0x4f: {  	_ =	shalt  }
0x50: {  	_ =	shalt  }
0x51: {  	_ =	shalt  }
0x52: {  	_ =	shalt  }
0x53: {  	_ =	shalt  }
0x54: {  	_ =	shalt  }
0x55: {  	_ =	shalt  }
0x56: {  	_ =	shalt  }
0x57: {  	_ =	shalt  }
0x58: {  	_ =	shalt  }
0x59: {  	_ =	shalt  }
0x5a: {  	_ =	shalt  }
0x5b: {  	_ =	shalt  }
0x5c: {  	_ =	shalt  }
0x5d: {  	_ =	shalt  }
0x5e: {  	_ =	shalt  }
0x5f: {  	_ =	shalt  }
0x60: {  	_ =	shalt  }
0x61: {  	_ =	shalt  }
0x62: {  	_ =	shalt  }
0x63: {  	_ =	shalt  }
0x64: {  	_ =	shalt  }
0x65: {  	_ =	shalt  }
0x66: {  	_ =	shalt  }
0x67: {  	_ =	shalt  }
0x68: {  	_ =	shalt  }
0x69: {  	_ =	shalt  }
0x6a: {  	_ =	shalt  }
0x6b: {  	_ =	shalt  }
0x6c: {  	_ =	shalt  }
0x6d: {  	_ =	shalt  }
0x6e: {  	_ =	shalt  }
0x6f: {  	_ =	shalt  }
0x70: {  	_ =	shalt  }
0x71: {  	_ =	shalt  }
0x72: {  	_ =	shalt  }
0x73: {  	_ =	shalt  }
0x74: {  	_ =	shalt  }
0x75: {  	_ =	shalt  }
0x76: {  	_ =	shalt  }
0x77: {  	_ =	shalt  }
0x78: {  	_ =	shalt  }
0x79: {  	_ =	shalt  }
0x7a: {  	_ =	shalt  }
0x7b: {  	_ =	shalt  }
0x7c: {  	_ =	shalt  }
0x7d: {  	_ =	shalt  }
0x7e: {  	_ =	shalt  }
0x7f: {  	_ =	shalt  }
0x80: {  	_ =	shalt  }
0x81: {  	_ =	shalt  }
0x82: {  	_ =	shalt  }
0x83: {  	_ =	shalt  }
0x84: {  	_ =	shalt  }
0x85: {  	_ =	shalt  }
0x86: {  	_ =	shalt  }
0x87: {  	_ =	shalt  }
.Lfunc_end0:
.L_simem_size_0:
called_computation.1_lowered:
.L_overlay_start_0:
0x88: {  	s2 =	sld [smem:$0x3FD9]  }
0x89: {  	s3 =	sld [smem:$0x3FFE];
	_ =	sdelay $0x1  }
0x8a: {  	s1 =	srdreg.scid  }
0x8b: {  	s0 =	sand.u32 $0x1, s1  }
0x8c: {  	s17 =	sshll.u32 s0, $0xA;
	s2 =	sadd.s32 s3, s2  }
0x8d: {  	s2 =	sadd.s32 s2, s17  }
0x8e: {  	[smem:$0x3FBC] =	sst s2  }
0x8f: {  	_ = 	snop  }
0x90: {  	(tm) =	ssettm $0x1  }
0x91: {  	s18 =	sld [smem:$0x3FFB];
	_ =	sdelay $0x3  }
0x92: {  	_ =	strace s18  }
0x93: {  	s2 =	sld [smem:$0x3FFC];
	_ =	sdelay $0x3  }
0x94: {  	_ =	strace s2  }
0x95: {  	s2 =	sld [smem:$0x3FFD];
	_ =	sdelay $0x3  }
0x96: {  	_ =	strace s2  }
0x97: {  	_ =	strace $0x8FFFFFFF  }
0x98: {  	s19 =	sld [smem:$0x3FDB];
	_ =	sdelay $0x1  }
0x99: {  	s20 =	simm.s32 $_scs_section_size  }
0x9a: {  	s4 =	simm.s32 $_size__tile_overlayer_lowered;
	s5 =	simm.s32 $_tile_overlayer_lowered  }
0x9b: {  	s6 =	simm.s32 $0x1BFF;
	s21 =	sshll.u32 s5, $0x1;
	s3 =	sadd.s32 s20, s19  }
0x9c: {  	s22 =	simm.s32 $0x0;
	s4 =	sshll.u32 s4, $0x1;
	s5 =	sadd.s32 s21, s3  }
0x9d: {  	[timem:s22], [sflag:s6] =	dma.local [hbm:s5], s4  }
0x9e: {  	_ =	swait.ge [sflag:s6], s4  }
0x9f: {  	s4 =	ssub.s32 $0x0, s4;
	[sflag:s6] =	ssyncset.done $0x0  }
0xa0: {  	[sflag:s6] =	ssyncadd.s32 s4;
	_ =	sdelay $0x1  }
0xa1: {  	s23 =	simm.s32 $0x1B8B  }
0xa2: {  	_ =	swait.ge [sflag:s23], $0x1  }
0xa3: {  	[sflag:s23] =	ssyncset.done $0x0  }
0xa4: {  	[sflag:s23] =	ssyncadd.s32 $0xFFFFFFFF  }
0xa5: {  	s4 =	sld [smem:$0x0]  }
0xa6: {  	s5 =	sand.u32 $0xFFFFFFFE, s1  }
0xa7: {  	p0 =	sne.s32 s1, s5  }
0xa8: {  	s5 =	sshll.u32 @p0 s5, $0xE  }
0xa9: {  	s5 =	sadd.s32 @p0 $0x11B8D, s5;
	s6 =	sshll.u32 @p0 s4, $0x11  }
0xaa: {  	s5 =	sor.u32 @p0 s6, s5  }
0xab: {  	[sflag:s5] =	ssyncadd.remote.s32 @p0 $0x1;
	_ =	sdelay $0x1  }
0xac: {  	s5 =	simm.s32 @p0 $0x1B8D  }
0xad: {  	_ =	swait.eq @p0 [sflag:s5], $0x1  }
0xae: {  	[sflag:s5] =	ssyncadd.s32 @p0 $0xFFFFFFFF  }
0xaf: {  	s6 =	sshll.u32 @!p0 s1, $0xE  }
0xb0: {  	s6 =	sor.u32 @!p0 $0x4000, s6;
	s5 =	simm.s32 @!p0 $0x1B8D  }
0xb1: {  	s4 =	sshll.u32 @!p0 s4, $0x11;
	s6 =	sadd.s32 @!p0 $0x11B8D, s6;
	_ =	swait.eq @!p0 [sflag:s5], $0x1  }
0xb2: {  	s4 =	sor.u32 @!p0 s4, s6;
	[sflag:s5] =	ssyncadd.s32 @!p0 $0xFFFFFFFF  }
0xb3: {  	s25 =	simm.s32 $0x1B8E;
	s24 =	sld [smem:$0x3FFE];
	[sflag:s4] =	ssyncadd.remote.s32 @!p0 $0x1  }
0xb4: {  	s26 =	simm.s32 $execute0_lowered;
	[smem:$0x3FD2] =	sst s25  }
0xb5: {  	s5 =	sshll.u32 s26, $0x1;
	_ =	strace $0x8000004C;
	[dreg:$0x1] =	wrdreg $0xFFFFFFFF  }
0xb6: {  	s28 =	simm.s32 $_size_execute0_lowered;
	s3 =	sadd.s32 s3, s5;
	[dreg:$0x0] =	wrdreg $0x0  }
0xb7: {  	s5 =	sshll.u32 s28, $0x1;
	[dreg:$0x2] =	wrdreg s3  }
0xb8: {  	[dreg:$0x3] =	wrdreg s5  }
0xb9: {  	[dreg:$0x4] =	wrdreg $0xC0  }
0xba: {  	_ =	task [dreg:s22], $0x5FFFF  }
0xbb: {  	[dreg:$0x1] =	wrdreg $0xFFFFFFFF  }
0xbc: {  	[dreg:$0x0] =	wrdreg $0x60  }
0xbd: {  	[dreg:$0x2] =	wrdreg s24  }
0xbe: {  	[dreg:$0x3] =	wrdreg $0x98000  }
0xbf: {  	[dreg:$0x4] =	wrdreg $0x9  }
0xc0: {  	_ =	task.clear_ibuf [dreg:s22], $0x5FFFF;
	_ =	strace $0x9000004C  }
0xc1: {  	s29 =	simm.s32 $0x9;
	_ =	strace $0x8000004E  }
0xc2: {  	_ =	swait.ge [sflag:s29], $0x1  }
0xc3: {  	[sflag:s29] =	ssyncadd.s32 $0xFFFFFFFF  }
0xc4: {  	_ =	strace $0x9000004E  }
0xc5: {  	_ =	sfence  }
0xc6: {  	s30 =	sld [smem:$0x0];
	_ =	sdelay $0x2  }
0xc7: {  	s31 =	sshll.u32 s1, $0xD;
	s1 =	sshrl.u32 s1, $0x2  }
0xc8: {  	s4 =	sand.u32 $0x4000, s31;
	s1 =	sadd.s32 s1, s30  }
0xc9: {  	s0 =	sor.u32 s4, s0;
	s1 =	sshll.u32 s1, $0x11  }
0xca: {  	s0 =	sor.u32 s1, s0  }
0xcb: {  	s0 =	sadd.s32 $0x8F2B, s0  }
0xcc: {  	[sflag:s0] =	ssyncadd.remote.s32 $0x1  }
0xcd: {  	_ =	sfence.sel $0xFFFF  }
0xce: {  	[dreg:$0x0] =	wrdreg $0xFFFFFFFF;
	(pc) =	sbr.abs _section_cstart, $3  }
0xcf: {  	[dreg:$0x1] =	wrdreg $0xFFFFFFFF  }
0xd0: {  	_ =	task.clear_ibuf [dreg:s22], $0x2FFFF;
	_ =	strace $0x9FFFFFFF  }
0xd1: {  	(tm) =	ssettm $0x7FFFFFFF  }
tec
execute0_lowered:
.L_overlay_start_1:
0x0: {  	(tag) =	ssettag $0x1  }
0x1: {  	s9 =	rddreg [dreg:$0x0]  }
0x2: {  	s1 =	rddreg [dreg:$0x1]  }
0x3: {  	s3 =	simm.s32 $0x0;
	s5 =	srdreg.scid;
	s0 =	stileid.u32  }
0x4: {  	s17 =	simm.s32 $0x50;
	s18 =	simm.s32 $0x2000;
	s19 =	simm.s32 $0x4800  }
0x5: {  	s20 =	simm.s32 $0x1;
	s21 =	simm.s32 $0x2;
	s22 =	simm.s32 $0x1C00  }
0x6: {  	s26 =	simm.s32 $0x0;
	[smem:$0x7FF] =	sst s3;
	s4 =	sadd.s32 $0x817000, s9  }
0x7: {  	s10 =	sand.u32 $0x1, s5;
	s11 =	smul.u32 $0x4E200, s0;
	s5 =	sadd.s32 $0x293200, s9  }
0x8: {  	s6 =	sadd.s32 $0x2400, s9;
	s7 =	sadd.s32 $0x3E400, s9;
	s8 =	smul.u32 $0x5000, s0  }
0x9: {  	s9 =	sadd.s32 $0x9EBC00, s9;
	s30 =	sshll.u32 s0, $0x6;
	s16 =	smul.u32 $0x13C00, s0  }
0xa: {  	_ =	strace $0x8000004D;
	s12 =	smul.u32 $0x1E0000, s10;
	s13 =	ssub.s32 $0x2, s10  }
0xb: {  	s15 =	smul.u32 $0x768000, s10;
	s14 =	sshrl.u32 s13, $0x1;
	s29 =	sshrl.u32 s11, $0x2  }
0xc: {  	s10 =	sor.u32 $0x1C03, s30;
	s13 =	ssub.s32 s13, s14;
	s31 =	sadd.s32 s29, s1  }
0xd: {  	s11 =	sadd.s32 s12, s8;
	s12 =	sadd.s32 s15, s16;
	s15 =	simm.s32 $0x3  }
0xe: {  	s16 =	simm.s32 $0x1000;
	s13 =	smax.u32 s13, $0x1;
	s14 =	sshrl.u32 s31, $0x3  }
.LBB2_1:
0xf: {  	s23 =	simm.s32 $0x0  }
.LBB2_2:
0x10: {  	[spmem:s14], [sflag:s10] =	dma.local [hbm:s7], $0x2710  }
0x11: {  	_ =	swait.ge [sflag:s15], $0x2710  }
0x12: {  	s25 =	smul.u32 $0x50000, s23;
	[sflag:s15] =	ssyncset.done $0x0  }
0x13: {  	s28 =	simm.s32 $0x0;
	[sflag:s15] =	ssyncadd.s32 $0xFFFFD8F0  }
0x14: {  	s24 =	sadd.s32 s11, s25;
	s25 =	sadd.s32 s8, s25;
	[bflag:$0x0] =	sbarrier.arrive $0xFFFF  }
.LBB2_3:
0x15: {  	s29 =	sshll.u32 s28, $0xC  }
0x16: {  	s30 =	sadd.s32 s29, s24  }
0x17: {  	s30 =	sshrl.u32 s30, $0x3  }
0x18: {  	s30 =	sadd.s32 s5, s30  }
0x19: {  	[tilespmem:s26], [sflag:$0x3] =	stream.linear.gather [hbm4b:s30+s26], $0xC80, $0x38;
	[tilespmem:$0x1D080] =	vst v63  }
0x1a: {  	s29 =	sadd.s32 s29, s25;
	_ =	swait.ge [sflag:s15], $0xC80  }
0x1b: {  	s29 =	sshrl.u32 s29, $0x3;
	[sflag:s15] =	ssyncset.done $0x0  }
0x1c: {  	s29 =	sadd.s32 s6, s29;
	[sflag:s15] =	ssyncadd.s32 $0xFFFFF380  }
0x1d: {  	[tilespmem:s16], [sflag:$0x3] =	stream.linear.gather [hbm4b:s29+s26], $0xC80, $0x38;
	[tilespmem:$0x1D080] =	vst v63  }
0x1e: {  	_ =	swait.ge [sflag:s15], $0xC80  }
0x1f: {  	[sflag:s15] =	ssyncset.done $0x0  }
0x20: {  	[sflag:s15] =	ssyncadd.s32 $0xFFFFF380  }
0x21: {  	[tilespmem:s18], [sflag:$0x1] =	stream.indirect.gather [hbm4b:s4+s17], $0x80, s26, s17, $0xb8;
	[tilespmem:$0x1D080] =	vst v63  }
0x22: {  	s29 =	simm.s32 $0x80  }
0x23: {  	[tilespmem:s19], [sflag:$0x2] =	stream.indirect.gather [hbm4b:s4+s17], $0x80, s29, s17, $0xb8;
	[tilespmem:$0x1D080] =	vst v63  }
0x24: {  	_ =	swait.ge [sflag:s20], $0x2800  }
0x25: {  	[sflag:s20] =	ssyncset.done $0x0  }
0x26: {  	s29 =	simm.s32 $0x1000;
	[sflag:s20] =	ssyncadd.s32 $0xFFFFD800  }
0x27: {  	[spmem:s1] =	stream.indirect.scatter.add.f32 [tilespmem:s18], [sflag:$0x3], $0x80, s29, s17, $0xb8;
	[tilespmem:$0x1D080] =	vst v63  }
0x28: {  	_ =	swait.ge [sflag:s15], $0x2800  }
0x29: {  	[sflag:s15] =	ssyncset.done $0x0  }
0x2a: {  	s29 =	simm.s32 $0x100;
	[sflag:s15] =	ssyncadd.s32 $0xFFFFD800  }
0x2b: {  	[tilespmem:s18], [sflag:$0x1] =	stream.indirect.gather [hbm4b:s4+s17], $0x80, s29, s17, $0xb8;
	[tilespmem:$0x1D080] =	vst v63  }
0x2c: {  	_ =	swait.ge [sflag:s21], $0x2800  }
0x2d: {  	[sflag:s21] =	ssyncset.done $0x0  }
0x2e: {  	s29 =	simm.s32 $0x1080;
	[sflag:s21] =	ssyncadd.s32 $0xFFFFD800  }
0x2f: {  	[spmem:s1] =	stream.indirect.scatter.add.f32 [tilespmem:s19], [sflag:$0x3], $0x80, s29, s17, $0xb8;
	[tilespmem:$0x1D080] =	vst v63  }
0x30: {  	_ =	swait.ge [sflag:s15], $0x2800  }
0x31: {  	s30 =	simm.s32 $0x800;
	s29 =	simm.s32 $0x100;
	[sflag:s15] =	ssyncset.done $0x0  }
.LBB2_4:
0x32: {  	s31 =	sadd.s32 $0x80, s29  }
0x33: {  	[sflag:s15] =	ssyncadd.s32 $0xFFFFD800;
	s0 =	smov.u32 s30;
	s2 =	sadd.s32 $0x400, s30  }
0x34: {  	[tilespmem:s19], [sflag:$0x2] =	stream.indirect.gather [hbm4b:s4+s17], $0x80, s31, s17, $0xb8;
	[tilespmem:$0x1D080] =	vst v63  }
0x35: {  	p0 =	sne.s32 s30, $0x2C00;
	_ =	swait.ge [sflag:s20], $0x2800  }
0x36: {  	[sflag:s20] =	ssyncset.done $0x0  }
0x37: {  	s30 =	sadd.s32 $0x1000, s29;
	[sflag:s20] =	ssyncadd.s32 $0xFFFFD800  }
0x38: {  	[spmem:s1] =	stream.indirect.scatter.add.f32 [tilespmem:s18], [sflag:$0x3], $0x80, s30, s17, $0xb8;
	[tilespmem:$0x1D080] =	vst v63  }
0x39: {  	_ =	swait.ge [sflag:s15], $0x2800  }
0x3a: {  	[sflag:s15] =	ssyncset.done $0x0  }
0x3b: {  	s30 =	sadd.s32 $0x100, s29;
	[sflag:s15] =	ssyncadd.s32 $0xFFFFD800  }
0x3c: {  	[tilespmem:s18], [sflag:$0x1] =	stream.indirect.gather [hbm4b:s4+s17], $0x80, s30, s17, $0xb8;
	[tilespmem:$0x1D080] =	vst v63  }
0x3d: {  	_ =	swait.ge [sflag:s21], $0x2800  }
.Ltmp0:
0x3e: {  	[sflag:s21] =	ssyncset.done $0x0;
	(pc) =	sbr.rel @p0 .LBB2_4-.Ltmp0, $4  }
0x3f: {  	s29 =	sadd.s32 $0x1080, s29;
	[sflag:s21] =	ssyncadd.s32 $0xFFFFD800  }
0x40: {  	[spmem:s1] =	stream.indirect.scatter.add.f32 [tilespmem:s19], [sflag:$0x3], $0x80, s29, s17, $0xb8;
	[tilespmem:$0x1D080] =	vst v63  }
0x41: {  	_ =	swait.ge [sflag:s15], $0x2800  }
0x42: {  	s30 =	smov.u32 s2;
	s29 =	sshra.s32 s0, $0x2;
	[sflag:s15] =	ssyncset.done $0x0  }
0x43: {  	s0 =	sadd.s32 $0x80, s29;
	[sflag:s15] =	ssyncadd.s32 $0xFFFFD800  }
0x44: {  	[tilespmem:s19], [sflag:$0x2] =	stream.indirect.gather [hbm4b:s4+s17], $0x80, s0, s17, $0xb8;
	[tilespmem:$0x1D080] =	vst v63  }
0x45: {  	_ =	swait.ge [sflag:s20], $0x2800  }
0x46: {  	[sflag:s20] =	ssyncset.done $0x0  }
0x47: {  	s2 =	sadd.s32 $0x1000, s29;
	[sflag:s20] =	ssyncadd.s32 $0xFFFFD800  }
0x48: {  	[spmem:s1] =	stream.indirect.scatter.add.f32 [tilespmem:s18], [sflag:$0x3], $0x80, s2, s17, $0xb8;
	[tilespmem:$0x1D080] =	vst v63  }
0x49: {  	_ =	swait.ge [sflag:s15], $0x2800  }
0x4a: {  	[sflag:s15] =	ssyncset.done $0x0  }
0x4b: {  	s30 =	sadd.s32 $0x100, s29;
	[sflag:s15] =	ssyncadd.s32 $0xFFFFD800  }
0x4c: {  	[tilespmem:s18], [sflag:$0x1] =	stream.indirect.gather [hbm4b:s4+s17], $0x80, s30, s17, $0xb8;
	[tilespmem:$0x1D080] =	vst v63  }
0x4d: {  	_ =	swait.ge [sflag:s21], $0x2800  }
0x4e: {  	[sflag:s21] =	ssyncset.done $0x0  }
0x4f: {  	s31 =	sadd.s32 $0x1080, s29;
	[sflag:s21] =	ssyncadd.s32 $0xFFFFD800  }
0x50: {  	[spmem:s1] =	stream.indirect.scatter.add.f32 [tilespmem:s19], [sflag:$0x3], $0x80, s31, s17, $0xb8;
	[tilespmem:$0x1D080] =	vst v63  }
0x51: {  	_ =	swait.ge [sflag:s15], $0x2800  }
0x52: {  	[sflag:s15] =	ssyncset.done $0x0  }
0x53: {  	[sflag:s15] =	ssyncadd.s32 $0xFFFFD800  }
0x54: {  	s28 =	sadd.s32 $0x1, s28;
	_ =	swait.ge [sflag:s20], $0x2800  }
0x55: {  	p0 =	sne.s32 s28, $0x5;
	[sflag:s20] =	ssyncset.done $0x0  }
.Ltmp1:
0x56: {  	[sflag:s20] =	ssyncadd.s32 $0xFFFFD800;
	(pc) =	sbr.rel @p0 .LBB2_3-.Ltmp1, $4  }
0x57: {  	[spmem:s1] =	stream.indirect.scatter.add.f32 [tilespmem:s18], [sflag:$0x3], $0x80, s22, s17, $0xb8;
	[tilespmem:$0x1D080] =	vst v63  }
0x58: {  	_ =	swait.ge [sflag:s15], $0x2800  }
0x59: {  	[sflag:s15] =	ssyncset.done $0x0  }
0x5a: {  	[sflag:s15] =	ssyncadd.s32 $0xFFFFD800  }
0x5b: {  	s0 =	smul.u32 $0x13C000, s23;
	_ =	sdelay $0x1  }
0x5c: {  	s23 =	sadd.s32 $0x1, s23;
	s0 =	sadd.s32 s0, s12  }
0x5d: {  	p0 =	sne.s32 s23, $0x6;
	s0 =	sshrl.u32 s0, $0x3  }
.Ltmp2:
0x5e: {  	[bflag:$0x0] =	sbarrier.arrive $0xFFFF;
	s0 =	sadd.s32 s9, s0;
	(pc) =	sbr.rel @p0 .LBB2_2-.Ltmp2, $4  }
0x5f: {  	[hbm:s0], [sflag:s10] =	dma.local [spmem:s14], $0x2710  }
0x60: {  	_ =	swait.ge [sflag:s15], $0x2710  }
0x61: {  	[sflag:s15] =	ssyncset.done $0x0  }
0x62: {  	[sflag:s15] =	ssyncadd.s32 $0xFFFFD8F0  }
0x63: {  	s3 =	sadd.s32 $0x1, s3  }
0x64: {  	p0 =	sne.s32 s3, s13  }
.Ltmp3:
0x65: {  	_ = 	snop;
	(pc) =	sbr.rel @p0 .LBB2_1-.Ltmp3, $1  }
0x66: {  	_ =	sdelay $0x3  }
0x67: {  	_ =	sfence.sel $0x180000  }
0x68: {  	[bflag:$0x0] =	sbarrier.arrive $0xFFFF  }
0x69: {  	_ =	strace $0x9000004D  }
0x6a: {  	s0 =	stileid.u32;
	[bflag:$0x2] =	sbarrier.arrive $0xFFFF  }
0x6b: {  	p0 =	sne.s32 s0, $0x0;
	s0 =	rddreg [dreg:$0x2]  }
0x6c: {  	s0 =	sadd.s32 @!p0 $0x100000, s0  }
0x6d: {  	[sflag:s0] =	ssyncadd.tile.s32 @!p0 $0x1;
	_ =	shalt  }
.Lfunc_end2:
_tile_overlayer_lowered:
.L_overlay_start_2:
0x6e: {  	(tag) =	ssettag $0x2  }
0x6f: {  	s0 =	rddreg [dreg:$0x0];
	s2 =	stileid.u32  }
0x70: {  	s1 =	rddreg [dreg:$0x1];
	p0 =	sne.s32 s2, $0x0  }
0x71: {  	s3 =	rddreg [dreg:$0x2];
	[bflag:$0x3] =	sbarrier.arrive $0xFFFF;
	s2 =	simm.s32 @!p0 $0x1C03  }
0x72: {  	[timem:s3], [sflag:s2] =	dma.local @!p0 [hbm:s0], s1  }
0x73: {  	s0 =	simm.s32 @!p0 $0x3  }
0x74: {  	_ =	swait.ge @!p0 [sflag:s0], s1  }
0x75: {  	s1 =	ssub.s32 @!p0 $0x0, s1;
	[sflag:s0] =	ssyncset.done @!p0 $0x0  }
0x76: {  	[sflag:s0] =	ssyncadd.s32 @!p0 s1  }
0x77: {  	[bflag:$0x3] =	sbarrier.arrive $0xFFFF  }
0x78: {  	_ =	shalt  }

// kernel: kernel.21.cloned.1.call-start
scs
__scs_entry_jumppad:
0x0: {  	(pc) =	sbr.rel $0x88, $3  }
0x1: {  	(tag) =	ssettag $0x0;
	lr =	simm.s32 $0x1  }
0x2: {  	[smem:$0x3F95] =	sst lr;
	_ =	strace $0xD0000000  }
0x3: {  	_ = 	snop  }
0x4: {  	_ = 	snop  }
0x5: {  	_ = 	snop  }
0x6: {  	_ = 	snop  }
0x7: {  	_ = 	snop  }
__scs_overlays_trampoline_lowered:
0x8: {  	[smem:$0x3FA4] =	sst s0  }
0x9: {  	[smem:$0x3FA5] =	sst s1  }
0xa: {  	[smem:$0x3FA6] =	sst s2  }
0xb: {  	[smem:$0x3FA7] =	sst s3  }
0xc: {  	[smem:$0x3FA8] =	sst s4  }
0xd: {  	[smem:$0x3FA9] =	sst s5  }
0xe: {  	[smem:$0x3FAA] =	sst s6  }
0xf: {  	[smem:$0x3FAB] =	sst s7  }
0x10: {  	[smem:$0x3FAC] =	sst s8  }
0x11: {  	[smem:$0x3FAD] =	sst s9;
	s0 =	simm.s32 @!p0 $0x0  }
0x12: {  	s1 =	sld [smem:$0x3F93];
	s0 =	simm.s32 @p0 $0x1  }
0x13: {  	[smem:$0x3FAE] =	sst s0;
	s0 =	simm.s32 @!p1 $0x0  }
0x14: {  	s2 =	sld [smem:$0x3F92];
	s0 =	simm.s32 @p1 $0x1  }
0x15: {  	[smem:$0x3FAF] =	sst s0;
	s0 =	simm.s32 @!p2 $0x0  }
0x16: {  	s3 =	sld [smem:$0x3FDB];
	s0 =	simm.s32 @p2 $0x1  }
0x17: {  	s4 =	simm.s32 $0x1BF5;
	[smem:$0x3FB1] =	sst s0  }
0x18: {  	s0 =	sld [smem:$0x3F94];
	_ =	swait.ge [sflag:s4], $0x0  }
0x19: {  	s7 =	sld [smem:$0x3F95]  }
0x1a: {  	s8 =	sadd.s32 $0xFFFFE003, lr  }
0x1b: {  	s9 =	sadd.s32 $0xFFFFFEF7, lr;
	s5 =	simm.s32 $0xFFFFFFFF;
	p2 =	slt.u32 s8, $0xFFFFF086  }
0x1c: {  	p1 =	slt.u32 s9, $0xF7A;
	s5 =	simm.s32 @!p2 $0x0  }
0x1d: {  	s5 =	simm.s32 @p1 $0x1;
	p0 =	seq.s32 s7, s2  }
0x1e: {  	s7 =	smul.u32 @!p0 $0xF7A, s2;
	p2 =	seq.s32 @!p0 s5, $0x0  }
0x1f: {  	s9 =	smul.u32 $0xF7A, s1;
	s8 =	simm.s32 @!p0 $0x1BF5;
	p2 =	por !p2, p0  }
0x20: {  	[sflag:s8] =	ssyncset.s32 @!p0 $0xFFFFF086;
	s6 =	sadd.s32 @!p0 s3, s7;
	s7 =	simm.s32 @!p0 $0x108  }
0x21: {  	s3 =	sadd.s32 s3, s9;
	s6 =	sadd.s32 @!p0 $0x88, s6;
	s7 =	simm.s32 @p2 $0x1082  }
0x22: {  	[simem:s7], [sflag:s8] =	dma.local @!p0 [hbm:s6], $0xF7A  }
0x23: {  	s9 =	sor.u32 $0xD0000000, s2;
	s6 =	simm.s32 $0x108;
	_ =	swait.ge @!p0 [sflag:s8], $0x0  }
0x24: {  	s3 =	sadd.s32 $0x88, s3;
	s6 =	simm.s32 @!p1 $0x1082;
	[sflag:s4] =	ssyncset.s32 $0xFFFFF086  }
0x25: {  	[simem:s6], [sflag:s4] =	dma.local [hbm:s3], $0xF7A  }
0x26: {  	[smem:$0x3F95] =	sst s1;
	(tag) =	ssettag s2;
	_ =	strace s9  }
0x27: {  	s1 =	sld [smem:$0x3FA5]  }
0x28: {  	s2 =	sld [smem:$0x3FA6]  }
0x29: {  	s4 =	sld [smem:$0x3FA8]  }
0x2a: {  	p0 =	seq.s32 s5, $0x0;
	s5 =	sld [smem:$0x3FA9]  }
0x2b: {  	s6 =	sld [smem:$0x3FAA]  }
0x2c: {  	s7 =	sld [smem:$0x3FAB]  }
0x2d: {  	s3 =	simm.s32 $0x108;
	s8 =	sld [smem:$0x3FAC]  }
0x2e: {  	s3 =	simm.s32 @!p0 $0x1082;
	s9 =	sld [smem:$0x3FAD]  }
0x2f: {  	lr =	sadd.s32 s0, s3;
	s0 =	sld [smem:$0x3FA4]  }
0x30: {  	s3 =	sld [smem:$0x3FA7]  }
0x31: {  	[smem:$0x3FB0] =	sst s10  }
0x32: {  	s10 =	sld [smem:$0x3FAE];
	_ =	sdelay $0x3  }
0x33: {  	p0 =	seq.s32 s10, $0x1;
	s10 =	sld [smem:$0x3FB0];
	_ =	sdelay $0x3  }
0x34: {  	[smem:$0x3FB0] =	sst s10  }
0x35: {  	s10 =	sld [smem:$0x3FAF];
	_ =	sdelay $0x3  }
0x36: {  	p1 =	seq.s32 s10, $0x1;
	s10 =	sld [smem:$0x3FB0];
	_ =	sdelay $0x3  }
0x37: {  	[smem:$0x3FB0] =	sst s10  }
0x38: {  	s10 =	sld [smem:$0x3FB1]  }
0x39: {  	_ = 	snop;
	(pc) =	sbr.ind lr, $3  }
0x3a: {  	_ = 	snop  }
0x3b: {  	_ = 	snop  }
0x3c: {  	p2 =	seq.s32 s10, $0x1;
	s10 =	sld [smem:$0x3FB0]  }
0x3d: {  	_ =	shalt  }
0x3e: {  	_ =	shalt  }
0x3f: {  	_ =	shalt  }
0x40: {  	_ =	shalt  }
0x41: {  	_ =	shalt  }
0x42: {  	_ =	shalt  }
0x43: {  	_ =	shalt  }
0x44: {  	_ =	shalt  }
0x45: {  	_ =	shalt  }
0x46: {  	_ =	shalt  }
0x47: {  	_ =	shalt  }
0x48: {  	_ =	shalt  }
0x49: {  	_ =	shalt  }
0x4a: {  	_ =	shalt  }
0x4b: {  	_ =	shalt  }
0x4c: {  	_ =	shalt  }
0x4d: {  	_ =	shalt  }
0x4e: {  	_ =	shalt  }
0x4f: {  	_ =	shalt  }
0x50: {  	_ =	shalt  }
0x51: {  	_ =	shalt  }
0x52: {  	_ =	shalt  }
0x53: {  	_ =	shalt  }
0x54: {  	_ =	shalt  }
0x55: {  	_ =	shalt  }
0x56: {  	_ =	shalt  }
0x57: {  	_ =	shalt  }
0x58: {  	_ =	shalt  }
0x59: {  	_ =	shalt  }
0x5a: {  	_ =	shalt  }
0x5b: {  	_ =	shalt  }
0x5c: {  	_ =	shalt  }
0x5d: {  	_ =	shalt  }
0x5e: {  	_ =	shalt  }
0x5f: {  	_ =	shalt  }
0x60: {  	_ =	shalt  }
0x61: {  	_ =	shalt  }
0x62: {  	_ =	shalt  }
0x63: {  	_ =	shalt  }
0x64: {  	_ =	shalt  }
0x65: {  	_ =	shalt  }
0x66: {  	_ =	shalt  }
0x67: {  	_ =	shalt  }
0x68: {  	_ =	shalt  }
0x69: {  	_ =	shalt  }
0x6a: {  	_ =	shalt  }
0x6b: {  	_ =	shalt  }
0x6c: {  	_ =	shalt  }
0x6d: {  	_ =	shalt  }
0x6e: {  	_ =	shalt  }
0x6f: {  	_ =	shalt  }
0x70: {  	_ =	shalt  }
0x71: {  	_ =	shalt  }
0x72: {  	_ =	shalt  }
0x73: {  	_ =	shalt  }
0x74: {  	_ =	shalt  }
0x75: {  	_ =	shalt  }
0x76: {  	_ =	shalt  }
0x77: {  	_ =	shalt  }
0x78: {  	_ =	shalt  }
0x79: {  	_ =	shalt  }
0x7a: {  	_ =	shalt  }
0x7b: {  	_ =	shalt  }
0x7c: {  	_ =	shalt  }
0x7d: {  	_ =	shalt  }
0x7e: {  	_ =	shalt  }
0x7f: {  	_ =	shalt  }
0x80: {  	_ =	shalt  }
0x81: {  	_ =	shalt  }
0x82: {  	_ =	shalt  }
0x83: {  	_ =	shalt  }
0x84: {  	_ =	shalt  }
0x85: {  	_ =	shalt  }
0x86: {  	_ =	shalt  }
0x87: {  	_ =	shalt  }
.Lfunc_end0:
.L_simem_size_0:
called_computation.2_lowered:
.L_overlay_start_0:
0x88: {  	s2 =	sld [smem:$0x3FD9]  }
0x89: {  	s3 =	sld [smem:$0x3FFE];
	_ =	sdelay $0x1  }
0x8a: {  	s1 =	srdreg.scid  }
0x8b: {  	s0 =	sand.u32 $0x1, s1  }
0x8c: {  	s17 =	sshll.u32 s0, $0xA;
	s2 =	sadd.s32 s3, s2  }
0x8d: {  	s2 =	sadd.s32 s2, s17  }
0x8e: {  	[smem:$0x3FBC] =	sst s2  }
0x8f: {  	_ = 	snop  }
0x90: {  	(tm) =	ssettm $0x1  }
0x91: {  	s18 =	sld [smem:$0x3FFB];
	_ =	sdelay $0x3  }
0x92: {  	_ =	strace s18  }
0x93: {  	s2 =	sld [smem:$0x3FFC];
	_ =	sdelay $0x3  }
0x94: {  	_ =	strace s2  }
0x95: {  	s2 =	sld [smem:$0x3FFD];
	_ =	sdelay $0x3  }
0x96: {  	_ =	strace s2  }
0x97: {  	_ =	strace $0x8FFFFFFF  }
0x98: {  	s19 =	sld [smem:$0x3FDB];
	_ =	sdelay $0x1  }
0x99: {  	s20 =	simm.s32 $_scs_section_size  }
0x9a: {  	s4 =	simm.s32 $_size__tile_overlayer_lowered;
	s5 =	simm.s32 $_tile_overlayer_lowered  }
0x9b: {  	s6 =	simm.s32 $0x1BFF;
	s21 =	sshll.u32 s5, $0x1;
	s3 =	sadd.s32 s20, s19  }
0x9c: {  	s22 =	simm.s32 $0x0;
	s4 =	sshll.u32 s4, $0x1;
	s5 =	sadd.s32 s21, s3  }
0x9d: {  	[timem:s22], [sflag:s6] =	dma.local [hbm:s5], s4  }
0x9e: {  	_ =	swait.ge [sflag:s6], s4  }
0x9f: {  	s4 =	ssub.s32 $0x0, s4;
	[sflag:s6] =	ssyncset.done $0x0  }
0xa0: {  	[sflag:s6] =	ssyncadd.s32 s4;
	_ =	sdelay $0x1  }
0xa1: {  	s23 =	simm.s32 $0x1B8B  }
0xa2: {  	_ =	swait.ge [sflag:s23], $0x1  }
0xa3: {  	[sflag:s23] =	ssyncset.done $0x0  }
0xa4: {  	[sflag:s23] =	ssyncadd.s32 $0xFFFFFFFF  }
0xa5: {  	s4 =	sld [smem:$0x0]  }
0xa6: {  	s5 =	sand.u32 $0xFFFFFFFE, s1  }
0xa7: {  	p0 =	sne.s32 s1, s5  }
0xa8: {  	s5 =	sshll.u32 @p0 s5, $0xE  }
0xa9: {  	s5 =	sadd.s32 @p0 $0x11B8D, s5;
	s6 =	sshll.u32 @p0 s4, $0x11  }
0xaa: {  	s5 =	sor.u32 @p0 s6, s5  }
0xab: {  	[sflag:s5] =	ssyncadd.remote.s32 @p0 $0x1;
	_ =	sdelay $0x1  }
0xac: {  	s5 =	simm.s32 @p0 $0x1B8D  }
0xad: {  	_ =	swait.eq @p0 [sflag:s5], $0x1  }
0xae: {  	[sflag:s5] =	ssyncadd.s32 @p0 $0xFFFFFFFF  }
0xaf: {  	s6 =	sshll.u32 @!p0 s1, $0xE  }
0xb0: {  	s6 =	sor.u32 @!p0 $0x4000, s6;
	s5 =	simm.s32 @!p0 $0x1B8D  }
0xb1: {  	s4 =	sshll.u32 @!p0 s4, $0x11;
	s6 =	sadd.s32 @!p0 $0x11B8D, s6;
	_ =	swait.eq @!p0 [sflag:s5], $0x1  }
0xb2: {  	s4 =	sor.u32 @!p0 s4, s6;
	[sflag:s5] =	ssyncadd.s32 @!p0 $0xFFFFFFFF  }
0xb3: {  	s25 =	simm.s32 $0x1B8E;
	s24 =	sld [smem:$0x3FFE];
	[sflag:s4] =	ssyncadd.remote.s32 @!p0 $0x1  }
0xb4: {  	s26 =	simm.s32 $execute0_lowered;
	[smem:$0x3FD2] =	sst s25  }
0xb5: {  	s5 =	sshll.u32 s26, $0x1;
	_ =	strace $0x80000052;
	[dreg:$0x1] =	wrdreg $0xFFFFFFFF  }
0xb6: {  	s28 =	simm.s32 $_size_execute0_lowered;
	s3 =	sadd.s32 s3, s5;
	[dreg:$0x0] =	wrdreg $0x0  }
0xb7: {  	s5 =	sshll.u32 s28, $0x1;
	[dreg:$0x2] =	wrdreg s3  }
0xb8: {  	[dreg:$0x3] =	wrdreg s5  }
0xb9: {  	[dreg:$0x4] =	wrdreg $0xC0  }
0xba: {  	_ =	task [dreg:s22], $0x5FFFF  }
0xbb: {  	[dreg:$0x1] =	wrdreg $0xFFFFFFFF  }
0xbc: {  	[dreg:$0x0] =	wrdreg $0x60  }
0xbd: {  	[dreg:$0x2] =	wrdreg s24  }
0xbe: {  	[dreg:$0x3] =	wrdreg $0x98000  }
0xbf: {  	[dreg:$0x4] =	wrdreg $0x9  }
0xc0: {  	_ =	task.clear_ibuf [dreg:s22], $0x5FFFF;
	_ =	strace $0x90000052  }
0xc1: {  	s29 =	simm.s32 $0x9;
	_ =	strace $0x80000054  }
0xc2: {  	_ =	swait.ge [sflag:s29], $0x1  }
0xc3: {  	[sflag:s29] =	ssyncadd.s32 $0xFFFFFFFF  }
0xc4: {  	_ =	strace $0x90000054  }
0xc5: {  	_ =	sfence  }
0xc6: {  	s30 =	sld [smem:$0x0];
	_ =	sdelay $0x2  }
0xc7: {  	s31 =	sshll.u32 s1, $0xD;
	s1 =	sshrl.u32 s1, $0x2  }
0xc8: {  	s4 =	sand.u32 $0x4000, s31;
	s1 =	sadd.s32 s1, s30  }
0xc9: {  	s0 =	sor.u32 s4, s0;
	s1 =	sshll.u32 s1, $0x11  }
0xca: {  	s0 =	sor.u32 s1, s0  }
0xcb: {  	s0 =	sadd.s32 $0x8F2B, s0  }
0xcc: {  	[sflag:s0] =	ssyncadd.remote.s32 $0x1  }
0xcd: {  	_ =	sfence.sel $0xFFFF  }
0xce: {  	[dreg:$0x0] =	wrdreg $0xFFFFFFFF;
	(pc) =	sbr.abs _section_cstart, $3  }
0xcf: {  	[dreg:$0x1] =	wrdreg $0xFFFFFFFF  }
0xd0: {  	_ =	task.clear_ibuf [dreg:s22], $0x2FFFF;
	_ =	strace $0x9FFFFFFF  }
0xd1: {  	(tm) =	ssettm $0x7FFFFFFF  }
tec
execute0_lowered:
.L_overlay_start_1:
0x0: {  	(tag) =	ssettag $0x1  }
0x1: {  	s9 =	rddreg [dreg:$0x0]  }
0x2: {  	s1 =	rddreg [dreg:$0x1]  }
0x3: {  	s3 =	simm.s32 $0x0;
	s5 =	srdreg.scid;
	s0 =	stileid.u32  }
0x4: {  	s17 =	simm.s32 $0x50;
	s18 =	simm.s32 $0x2000;
	s19 =	simm.s32 $0x4800  }
0x5: {  	s20 =	simm.s32 $0x1;
	s21 =	simm.s32 $0x2;
	s22 =	simm.s32 $0x1C00  }
0x6: {  	s26 =	simm.s32 $0x0;
	[smem:$0x7FF] =	sst s3;
	s4 =	sadd.s32 $0x9EBC00, s9  }
0x7: {  	s10 =	sand.u32 $0x1, s5;
	s11 =	smul.u32 $0x4E200, s0;
	s5 =	sadd.s32 $0x293200, s9  }
0x8: {  	s6 =	sadd.s32 $0x2400, s9;
	s7 =	sadd.s32 $0x3E400, s9;
	s8 =	smul.u32 $0x5000, s0  }
0x9: {  	s9 =	sadd.s32 $0xD9FC00, s9;
	s30 =	sshll.u32 s0, $0x6;
	s16 =	smul.u32 $0x13C00, s0  }
0xa: {  	_ =	strace $0x80000053;
	s12 =	smul.u32 $0x1E0000, s10;
	s13 =	ssub.s32 $0x2, s10  }
0xb: {  	s15 =	smul.u32 $0x768000, s10;
	s14 =	sshrl.u32 s13, $0x1;
	s29 =	sshrl.u32 s11, $0x2  }
0xc: {  	s10 =	sor.u32 $0x1C03, s30;
	s13 =	ssub.s32 s13, s14;
	s31 =	sadd.s32 s29, s1  }
0xd: {  	s11 =	sadd.s32 s12, s8;
	s12 =	sadd.s32 s15, s16;
	s15 =	simm.s32 $0x3  }
0xe: {  	s16 =	simm.s32 $0x1000;
	s13 =	smax.u32 s13, $0x1;
	s14 =	sshrl.u32 s31, $0x3  }
.LBB2_1:
0xf: {  	s23 =	simm.s32 $0x0  }
.LBB2_2:
0x10: {  	[spmem:s14], [sflag:s10] =	dma.local [hbm:s7], $0x2710  }
0x11: {  	_ =	swait.ge [sflag:s15], $0x2710  }
0x12: {  	s25 =	smul.u32 $0x50000, s23;
	[sflag:s15] =	ssyncset.done $0x0  }
0x13: {  	s28 =	simm.s32 $0x0;
	[sflag:s15] =	ssyncadd.s32 $0xFFFFD8F0  }
0x14: {  	s24 =	sadd.s32 s11, s25;
	s25 =	sadd.s32 s8, s25;
	[bflag:$0x0] =	sbarrier.arrive $0xFFFF  }
.LBB2_3:
0x15: {  	s29 =	sshll.u32 s28, $0xC  }
0x16: {  	s30 =	sadd.s32 s29, s24  }
0x17: {  	s30 =	sshrl.u32 s30, $0x3  }
0x18: {  	s30 =	sadd.s32 s5, s30  }
0x19: {  	[tilespmem:s26], [sflag:$0x3] =	stream.linear.gather [hbm4b:s30+s26], $0xC80, $0x38;
	[tilespmem:$0x1D080] =	vst v63  }
0x1a: {  	s29 =	sadd.s32 s29, s25;
	_ =	swait.ge [sflag:s15], $0xC80  }
0x1b: {  	s29 =	sshrl.u32 s29, $0x3;
	[sflag:s15] =	ssyncset.done $0x0  }
0x1c: {  	s29 =	sadd.s32 s6, s29;
	[sflag:s15] =	ssyncadd.s32 $0xFFFFF380  }
0x1d: {  	[tilespmem:s16], [sflag:$0x3] =	stream.linear.gather [hbm4b:s29+s26], $0xC80, $0x38;
	[tilespmem:$0x1D080] =	vst v63  }
0x1e: {  	_ =	swait.ge [sflag:s15], $0xC80  }
0x1f: {  	[sflag:s15] =	ssyncset.done $0x0  }
0x20: {  	[sflag:s15] =	ssyncadd.s32 $0xFFFFF380  }
0x21: {  	[tilespmem:s18], [sflag:$0x1] =	stream.indirect.gather [hbm4b:s4+s17], $0x80, s26, s17, $0xb8;
	[tilespmem:$0x1D080] =	vst v63  }
0x22: {  	s29 =	simm.s32 $0x80  }
0x23: {  	[tilespmem:s19], [sflag:$0x2] =	stream.indirect.gather [hbm4b:s4+s17], $0x80, s29, s17, $0xb8;
	[tilespmem:$0x1D080] =	vst v63  }
0x24: {  	_ =	swait.ge [sflag:s20], $0x2800  }
0x25: {  	[sflag:s20] =	ssyncset.done $0x0  }
0x26: {  	s29 =	simm.s32 $0x1000;
	[sflag:s20] =	ssyncadd.s32 $0xFFFFD800  }
0x27: {  	[spmem:s1] =	stream.indirect.scatter.add.f32 [tilespmem:s18], [sflag:$0x3], $0x80, s29, s17, $0xb8;
	[tilespmem:$0x1D080] =	vst v63  }
0x28: {  	_ =	swait.ge [sflag:s15], $0x2800  }
0x29: {  	[sflag:s15] =	ssyncset.done $0x0  }
0x2a: {  	s29 =	simm.s32 $0x100;
	[sflag:s15] =	ssyncadd.s32 $0xFFFFD800  }
0x2b: {  	[tilespmem:s18], [sflag:$0x1] =	stream.indirect.gather [hbm4b:s4+s17], $0x80, s29, s17, $0xb8;
	[tilespmem:$0x1D080] =	vst v63  }
0x2c: {  	_ =	swait.ge [sflag:s21], $0x2800  }
0x2d: {  	[sflag:s21] =	ssyncset.done $0x0  }
0x2e: {  	s29 =	simm.s32 $0x1080;
	[sflag:s21] =	ssyncadd.s32 $0xFFFFD800  }
0x2f: {  	[spmem:s1] =	stream.indirect.scatter.add.f32 [tilespmem:s19], [sflag:$0x3], $0x80, s29, s17, $0xb8;
	[tilespmem:$0x1D080] =	vst v63  }
0x30: {  	_ =	swait.ge [sflag:s15], $0x2800  }
0x31: {  	s30 =	simm.s32 $0x800;
	s29 =	simm.s32 $0x100;
	[sflag:s15] =	ssyncset.done $0x0  }
.LBB2_4:
0x32: {  	s31 =	sadd.s32 $0x80, s29  }
0x33: {  	[sflag:s15] =	ssyncadd.s32 $0xFFFFD800;
	s0 =	smov.u32 s30;
	s2 =	sadd.s32 $0x400, s30  }
0x34: {  	[tilespmem:s19], [sflag:$0x2] =	stream.indirect.gather [hbm4b:s4+s17], $0x80, s31, s17, $0xb8;
	[tilespmem:$0x1D080] =	vst v63  }
0x35: {  	p0 =	sne.s32 s30, $0x2C00;
	_ =	swait.ge [sflag:s20], $0x2800  }
0x36: {  	[sflag:s20] =	ssyncset.done $0x0  }
0x37: {  	s30 =	sadd.s32 $0x1000, s29;
	[sflag:s20] =	ssyncadd.s32 $0xFFFFD800  }
0x38: {  	[spmem:s1] =	stream.indirect.scatter.add.f32 [tilespmem:s18], [sflag:$0x3], $0x80, s30, s17, $0xb8;
	[tilespmem:$0x1D080] =	vst v63  }
0x39: {  	_ =	swait.ge [sflag:s15], $0x2800  }
0x3a: {  	[sflag:s15] =	ssyncset.done $0x0  }
0x3b: {  	s30 =	sadd.s32 $0x100, s29;
	[sflag:s15] =	ssyncadd.s32 $0xFFFFD800  }
0x3c: {  	[tilespmem:s18], [sflag:$0x1] =	stream.indirect.gather [hbm4b:s4+s17], $0x80, s30, s17, $0xb8;
	[tilespmem:$0x1D080] =	vst v63  }
0x3d: {  	_ =	swait.ge [sflag:s21], $0x2800  }
.Ltmp0:
0x3e: {  	[sflag:s21] =	ssyncset.done $0x0;
	(pc) =	sbr.rel @p0 .LBB2_4-.Ltmp0, $4  }
0x3f: {  	s29 =	sadd.s32 $0x1080, s29;
	[sflag:s21] =	ssyncadd.s32 $0xFFFFD800  }
0x40: {  	[spmem:s1] =	stream.indirect.scatter.add.f32 [tilespmem:s19], [sflag:$0x3], $0x80, s29, s17, $0xb8;
	[tilespmem:$0x1D080] =	vst v63  }
0x41: {  	_ =	swait.ge [sflag:s15], $0x2800  }
0x42: {  	s30 =	smov.u32 s2;
	s29 =	sshra.s32 s0, $0x2;
	[sflag:s15] =	ssyncset.done $0x0  }
0x43: {  	s0 =	sadd.s32 $0x80, s29;
	[sflag:s15] =	ssyncadd.s32 $0xFFFFD800  }
0x44: {  	[tilespmem:s19], [sflag:$0x2] =	stream.indirect.gather [hbm4b:s4+s17], $0x80, s0, s17, $0xb8;
	[tilespmem:$0x1D080] =	vst v63  }
0x45: {  	_ =	swait.ge [sflag:s20], $0x2800  }
0x46: {  	[sflag:s20] =	ssyncset.done $0x0  }
0x47: {  	s2 =	sadd.s32 $0x1000, s29;
	[sflag:s20] =	ssyncadd.s32 $0xFFFFD800  }
0x48: {  	[spmem:s1] =	stream.indirect.scatter.add.f32 [tilespmem:s18], [sflag:$0x3], $0x80, s2, s17, $0xb8;
	[tilespmem:$0x1D080] =	vst v63  }
0x49: {  	_ =	swait.ge [sflag:s15], $0x2800  }
0x4a: {  	[sflag:s15] =	ssyncset.done $0x0  }
0x4b: {  	s30 =	sadd.s32 $0x100, s29;
	[sflag:s15] =	ssyncadd.s32 $0xFFFFD800  }
0x4c: {  	[tilespmem:s18], [sflag:$0x1] =	stream.indirect.gather [hbm4b:s4+s17], $0x80, s30, s17, $0xb8;
	[tilespmem:$0x1D080] =	vst v63  }
0x4d: {  	_ =	swait.ge [sflag:s21], $0x2800  }
0x4e: {  	[sflag:s21] =	ssyncset.done $0x0  }
0x4f: {  	s31 =	sadd.s32 $0x1080, s29;
	[sflag:s21] =	ssyncadd.s32 $0xFFFFD800  }
0x50: {  	[spmem:s1] =	stream.indirect.scatter.add.f32 [tilespmem:s19], [sflag:$0x3], $0x80, s31, s17, $0xb8;
	[tilespmem:$0x1D080] =	vst v63  }
0x51: {  	_ =	swait.ge [sflag:s15], $0x2800  }
0x52: {  	[sflag:s15] =	ssyncset.done $0x0  }
0x53: {  	[sflag:s15] =	ssyncadd.s32 $0xFFFFD800  }
0x54: {  	s28 =	sadd.s32 $0x1, s28;
	_ =	swait.ge [sflag:s20], $0x2800  }
0x55: {  	p0 =	sne.s32 s28, $0x5;
	[sflag:s20] =	ssyncset.done $0x0  }
.Ltmp1:
0x56: {  	[sflag:s20] =	ssyncadd.s32 $0xFFFFD800;
	(pc) =	sbr.rel @p0 .LBB2_3-.Ltmp1, $4  }
0x57: {  	[spmem:s1] =	stream.indirect.scatter.add.f32 [tilespmem:s18], [sflag:$0x3], $0x80, s22, s17, $0xb8;
	[tilespmem:$0x1D080] =	vst v63  }
0x58: {  	_ =	swait.ge [sflag:s15], $0x2800  }
0x59: {  	[sflag:s15] =	ssyncset.done $0x0  }
0x5a: {  	[sflag:s15] =	ssyncadd.s32 $0xFFFFD800  }
0x5b: {  	s0 =	smul.u32 $0x13C000, s23;
	_ =	sdelay $0x1  }
0x5c: {  	s23 =	sadd.s32 $0x1, s23;
	s0 =	sadd.s32 s0, s12  }
0x5d: {  	p0 =	sne.s32 s23, $0x6;
	s0 =	sshrl.u32 s0, $0x3  }
.Ltmp2:
0x5e: {  	[bflag:$0x0] =	sbarrier.arrive $0xFFFF;
	s0 =	sadd.s32 s9, s0;
	(pc) =	sbr.rel @p0 .LBB2_2-.Ltmp2, $4  }
0x5f: {  	[hbm:s0], [sflag:s10] =	dma.local [spmem:s14], $0x2710  }
0x60: {  	_ =	swait.ge [sflag:s15], $0x2710  }
0x61: {  	[sflag:s15] =	ssyncset.done $0x0  }
0x62: {  	[sflag:s15] =	ssyncadd.s32 $0xFFFFD8F0  }
0x63: {  	s3 =	sadd.s32 $0x1, s3  }
0x64: {  	p0 =	sne.s32 s3, s13  }
.Ltmp3:
0x65: {  	_ = 	snop;
	(pc) =	sbr.rel @p0 .LBB2_1-.Ltmp3, $1  }
0x66: {  	_ =	sdelay $0x3  }
0x67: {  	_ =	sfence.sel $0x180000  }
0x68: {  	[bflag:$0x0] =	sbarrier.arrive $0xFFFF  }
0x69: {  	_ =	strace $0x90000053  }
0x6a: {  	s0 =	stileid.u32;
	[bflag:$0x2] =	sbarrier.arrive $0xFFFF  }
0x6b: {  	p0 =	sne.s32 s0, $0x0;
	s0 =	rddreg [dreg:$0x2]  }
0x6c: {  	s0 =	sadd.s32 @!p0 $0x100000, s0  }
0x6d: {  	[sflag:s0] =	ssyncadd.tile.s32 @!p0 $0x1;
	_ =	shalt  }
.Lfunc_end2:
_tile_overlayer_lowered:
.L_overlay_start_2:
0x6e: {  	(tag) =	ssettag $0x2  }
0x6f: {  	s0 =	rddreg [dreg:$0x0];
	s2 =	stileid.u32  }
0x70: {  	s1 =	rddreg [dreg:$0x1];
	p0 =	sne.s32 s2, $0x0  }
0x71: {  	s3 =	rddreg [dreg:$0x2];
	[bflag:$0x3] =	sbarrier.arrive $0xFFFF;
	s2 =	simm.s32 @!p0 $0x1C03  }
0x72: {  	[timem:s3], [sflag:s2] =	dma.local @!p0 [hbm:s0], s1  }
0x73: {  	s0 =	simm.s32 @!p0 $0x3  }
0x74: {  	_ =	swait.ge @!p0 [sflag:s0], s1  }
0x75: {  	s1 =	ssub.s32 @!p0 $0x0, s1;
	[sflag:s0] =	ssyncset.done @!p0 $0x0  }
0x76: {  	[sflag:s0] =	ssyncadd.s32 @!p0 s1  }
0x77: {  	[bflag:$0x3] =	sbarrier.arrive $0xFFFF  }
0x78: {  	_ =	shalt  }

// kernel: kernel.24.cloned.1.call-start
scs
__scs_entry_jumppad:
0x0: {  	(pc) =	sbr.rel $0x88, $3  }
0x1: {  	(tag) =	ssettag $0x0;
	lr =	simm.s32 $0x1  }
0x2: {  	[smem:$0x3F95] =	sst lr;
	_ =	strace $0xD0000000  }
0x3: {  	_ = 	snop  }
0x4: {  	_ = 	snop  }
0x5: {  	_ = 	snop  }
0x6: {  	_ = 	snop  }
0x7: {  	_ = 	snop  }
__scs_overlays_trampoline_lowered:
0x8: {  	[smem:$0x3FA4] =	sst s0  }
0x9: {  	[smem:$0x3FA5] =	sst s1  }
0xa: {  	[smem:$0x3FA6] =	sst s2  }
0xb: {  	[smem:$0x3FA7] =	sst s3  }
0xc: {  	[smem:$0x3FA8] =	sst s4  }
0xd: {  	[smem:$0x3FA9] =	sst s5  }
0xe: {  	[smem:$0x3FAA] =	sst s6  }
0xf: {  	[smem:$0x3FAB] =	sst s7  }
0x10: {  	[smem:$0x3FAC] =	sst s8  }
0x11: {  	[smem:$0x3FAD] =	sst s9;
	s0 =	simm.s32 @!p0 $0x0  }
0x12: {  	s1 =	sld [smem:$0x3F93];
	s0 =	simm.s32 @p0 $0x1  }
0x13: {  	[smem:$0x3FAE] =	sst s0;
	s0 =	simm.s32 @!p1 $0x0  }
0x14: {  	s2 =	sld [smem:$0x3F92];
	s0 =	simm.s32 @p1 $0x1  }
0x15: {  	[smem:$0x3FAF] =	sst s0;
	s0 =	simm.s32 @!p2 $0x0  }
0x16: {  	s3 =	sld [smem:$0x3FDB];
	s0 =	simm.s32 @p2 $0x1  }
0x17: {  	s4 =	simm.s32 $0x1BF5;
	[smem:$0x3FB1] =	sst s0  }
0x18: {  	s0 =	sld [smem:$0x3F94];
	_ =	swait.ge [sflag:s4], $0x0  }
0x19: {  	s7 =	sld [smem:$0x3F95]  }
0x1a: {  	s8 =	sadd.s32 $0xFFFFE003, lr  }
0x1b: {  	s9 =	sadd.s32 $0xFFFFFEF7, lr;
	s5 =	simm.s32 $0xFFFFFFFF;
	p2 =	slt.u32 s8, $0xFFFFF086  }
0x1c: {  	p1 =	slt.u32 s9, $0xF7A;
	s5 =	simm.s32 @!p2 $0x0  }
0x1d: {  	s5 =	simm.s32 @p1 $0x1;
	p0 =	seq.s32 s7, s2  }
0x1e: {  	s7 =	smul.u32 @!p0 $0xF7A, s2;
	p2 =	seq.s32 @!p0 s5, $0x0  }
0x1f: {  	s9 =	smul.u32 $0xF7A, s1;
	s8 =	simm.s32 @!p0 $0x1BF5;
	p2 =	por !p2, p0  }
0x20: {  	[sflag:s8] =	ssyncset.s32 @!p0 $0xFFFFF086;
	s6 =	sadd.s32 @!p0 s3, s7;
	s7 =	simm.s32 @!p0 $0x108  }
0x21: {  	s3 =	sadd.s32 s3, s9;
	s6 =	sadd.s32 @!p0 $0x88, s6;
	s7 =	simm.s32 @p2 $0x1082  }
0x22: {  	[simem:s7], [sflag:s8] =	dma.local @!p0 [hbm:s6], $0xF7A  }
0x23: {  	s9 =	sor.u32 $0xD0000000, s2;
	s6 =	simm.s32 $0x108;
	_ =	swait.ge @!p0 [sflag:s8], $0x0  }
0x24: {  	s3 =	sadd.s32 $0x88, s3;
	s6 =	simm.s32 @!p1 $0x1082;
	[sflag:s4] =	ssyncset.s32 $0xFFFFF086  }
0x25: {  	[simem:s6], [sflag:s4] =	dma.local [hbm:s3], $0xF7A  }
0x26: {  	[smem:$0x3F95] =	sst s1;
	(tag) =	ssettag s2;
	_ =	strace s9  }
0x27: {  	s1 =	sld [smem:$0x3FA5]  }
0x28: {  	s2 =	sld [smem:$0x3FA6]  }
0x29: {  	s4 =	sld [smem:$0x3FA8]  }
0x2a: {  	p0 =	seq.s32 s5, $0x0;
	s5 =	sld [smem:$0x3FA9]  }
0x2b: {  	s6 =	sld [smem:$0x3FAA]  }
0x2c: {  	s7 =	sld [smem:$0x3FAB]  }
0x2d: {  	s3 =	simm.s32 $0x108;
	s8 =	sld [smem:$0x3FAC]  }
0x2e: {  	s3 =	simm.s32 @!p0 $0x1082;
	s9 =	sld [smem:$0x3FAD]  }
0x2f: {  	lr =	sadd.s32 s0, s3;
	s0 =	sld [smem:$0x3FA4]  }
0x30: {  	s3 =	sld [smem:$0x3FA7]  }
0x31: {  	[smem:$0x3FB0] =	sst s10  }
0x32: {  	s10 =	sld [smem:$0x3FAE];
	_ =	sdelay $0x3  }
0x33: {  	p0 =	seq.s32 s10, $0x1;
	s10 =	sld [smem:$0x3FB0];
	_ =	sdelay $0x3  }
0x34: {  	[smem:$0x3FB0] =	sst s10  }
0x35: {  	s10 =	sld [smem:$0x3FAF];
	_ =	sdelay $0x3  }
0x36: {  	p1 =	seq.s32 s10, $0x1;
	s10 =	sld [smem:$0x3FB0];
	_ =	sdelay $0x3  }
0x37: {  	[smem:$0x3FB0] =	sst s10  }
0x38: {  	s10 =	sld [smem:$0x3FB1]  }
0x39: {  	_ = 	snop;
	(pc) =	sbr.ind lr, $3  }
0x3a: {  	_ = 	snop  }
0x3b: {  	_ = 	snop  }
0x3c: {  	p2 =	seq.s32 s10, $0x1;
	s10 =	sld [smem:$0x3FB0]  }
0x3d: {  	_ =	shalt  }
0x3e: {  	_ =	shalt  }
0x3f: {  	_ =	shalt  }
0x40: {  	_ =	shalt  }
0x41: {  	_ =	shalt  }
0x42: {  	_ =	shalt  }
0x43: {  	_ =	shalt  }
0x44: {  	_ =	shalt  }
0x45: {  	_ =	shalt  }
0x46: {  	_ =	shalt  }
0x47: {  	_ =	shalt  }
0x48: {  	_ =	shalt  }
0x49: {  	_ =	shalt  }
0x4a: {  	_ =	shalt  }
0x4b: {  	_ =	shalt  }
0x4c: {  	_ =	shalt  }
0x4d: {  	_ =	shalt  }
0x4e: {  	_ =	shalt  }
0x4f: {  	_ =	shalt  }
0x50: {  	_ =	shalt  }
0x51: {  	_ =	shalt  }
0x52: {  	_ =	shalt  }
0x53: {  	_ =	shalt  }
0x54: {  	_ =	shalt  }
0x55: {  	_ =	shalt  }
0x56: {  	_ =	shalt  }
0x57: {  	_ =	shalt  }
0x58: {  	_ =	shalt  }
0x59: {  	_ =	shalt  }
0x5a: {  	_ =	shalt  }
0x5b: {  	_ =	shalt  }
0x5c: {  	_ =	shalt  }
0x5d: {  	_ =	shalt  }
0x5e: {  	_ =	shalt  }
0x5f: {  	_ =	shalt  }
0x60: {  	_ =	shalt  }
0x61: {  	_ =	shalt  }
0x62: {  	_ =	shalt  }
0x63: {  	_ =	shalt  }
0x64: {  	_ =	shalt  }
0x65: {  	_ =	shalt  }
0x66: {  	_ =	shalt  }
0x67: {  	_ =	shalt  }
0x68: {  	_ =	shalt  }
0x69: {  	_ =	shalt  }
0x6a: {  	_ =	shalt  }
0x6b: {  	_ =	shalt  }
0x6c: {  	_ =	shalt  }
0x6d: {  	_ =	shalt  }
0x6e: {  	_ =	shalt  }
0x6f: {  	_ =	shalt  }
0x70: {  	_ =	shalt  }
0x71: {  	_ =	shalt  }
0x72: {  	_ =	shalt  }
0x73: {  	_ =	shalt  }
0x74: {  	_ =	shalt  }
0x75: {  	_ =	shalt  }
0x76: {  	_ =	shalt  }
0x77: {  	_ =	shalt  }
0x78: {  	_ =	shalt  }
0x79: {  	_ =	shalt  }
0x7a: {  	_ =	shalt  }
0x7b: {  	_ =	shalt  }
0x7c: {  	_ =	shalt  }
0x7d: {  	_ =	shalt  }
0x7e: {  	_ =	shalt  }
0x7f: {  	_ =	shalt  }
0x80: {  	_ =	shalt  }
0x81: {  	_ =	shalt  }
0x82: {  	_ =	shalt  }
0x83: {  	_ =	shalt  }
0x84: {  	_ =	shalt  }
0x85: {  	_ =	shalt  }
0x86: {  	_ =	shalt  }
0x87: {  	_ =	shalt  }
.Lfunc_end0:
.L_simem_size_0:
called_computation.3_lowered:
.L_overlay_start_0:
0x88: {  	s2 =	sld [smem:$0x3FD9]  }
0x89: {  	s3 =	sld [smem:$0x3FFE];
	_ =	sdelay $0x1  }
0x8a: {  	s1 =	srdreg.scid  }
0x8b: {  	s0 =	sand.u32 $0x1, s1  }
0x8c: {  	s17 =	sshll.u32 s0, $0xA;
	s2 =	sadd.s32 s3, s2  }
0x8d: {  	s2 =	sadd.s32 s2, s17  }
0x8e: {  	[smem:$0x3FBC] =	sst s2  }
0x8f: {  	_ = 	snop  }
0x90: {  	(tm) =	ssettm $0x1  }
0x91: {  	s18 =	sld [smem:$0x3FFB];
	_ =	sdelay $0x3  }
0x92: {  	_ =	strace s18  }
0x93: {  	s2 =	sld [smem:$0x3FFC];
	_ =	sdelay $0x3  }
0x94: {  	_ =	strace s2  }
0x95: {  	s2 =	sld [smem:$0x3FFD];
	_ =	sdelay $0x3  }
0x96: {  	_ =	strace s2  }
0x97: {  	_ =	strace $0x8FFFFFFF  }
0x98: {  	s19 =	sld [smem:$0x3FDB];
	_ =	sdelay $0x1  }
0x99: {  	s20 =	simm.s32 $_scs_section_size  }
0x9a: {  	s4 =	simm.s32 $_size__tile_overlayer_lowered;
	s5 =	simm.s32 $_tile_overlayer_lowered  }
0x9b: {  	s6 =	simm.s32 $0x1BFF;
	s21 =	sshll.u32 s5, $0x1;
	s3 =	sadd.s32 s20, s19  }
0x9c: {  	s22 =	simm.s32 $0x0;
	s4 =	sshll.u32 s4, $0x1;
	s5 =	sadd.s32 s21, s3  }
0x9d: {  	[timem:s22], [sflag:s6] =	dma.local [hbm:s5], s4  }
0x9e: {  	_ =	swait.ge [sflag:s6], s4  }
0x9f: {  	s4 =	ssub.s32 $0x0, s4;
	[sflag:s6] =	ssyncset.done $0x0  }
0xa0: {  	[sflag:s6] =	ssyncadd.s32 s4;
	_ =	sdelay $0x1  }
0xa1: {  	s23 =	simm.s32 $0x1B8B  }
0xa2: {  	_ =	swait.ge [sflag:s23], $0x1  }
0xa3: {  	[sflag:s23] =	ssyncset.done $0x0  }
0xa4: {  	[sflag:s23] =	ssyncadd.s32 $0xFFFFFFFF  }
0xa5: {  	s4 =	sld [smem:$0x0]  }
0xa6: {  	s5 =	sand.u32 $0xFFFFFFFE, s1  }
0xa7: {  	p0 =	sne.s32 s1, s5  }
0xa8: {  	s5 =	sshll.u32 @p0 s5, $0xE  }
0xa9: {  	s5 =	sadd.s32 @p0 $0x11B8D, s5;
	s6 =	sshll.u32 @p0 s4, $0x11  }
0xaa: {  	s5 =	sor.u32 @p0 s6, s5  }
0xab: {  	[sflag:s5] =	ssyncadd.remote.s32 @p0 $0x1;
	_ =	sdelay $0x1  }
0xac: {  	s5 =	simm.s32 @p0 $0x1B8D  }
0xad: {  	_ =	swait.eq @p0 [sflag:s5], $0x1  }
0xae: {  	[sflag:s5] =	ssyncadd.s32 @p0 $0xFFFFFFFF  }
0xaf: {  	s6 =	sshll.u32 @!p0 s1, $0xE  }
0xb0: {  	s6 =	sor.u32 @!p0 $0x4000, s6;
	s5 =	simm.s32 @!p0 $0x1B8D  }
0xb1: {  	s4 =	sshll.u32 @!p0 s4, $0x11;
	s6 =	sadd.s32 @!p0 $0x11B8D, s6;
	_ =	swait.eq @!p0 [sflag:s5], $0x1  }
0xb2: {  	s4 =	sor.u32 @!p0 s4, s6;
	[sflag:s5] =	ssyncadd.s32 @!p0 $0xFFFFFFFF  }
0xb3: {  	s25 =	simm.s32 $0x1B8E;
	s24 =	sld [smem:$0x3FFE];
	[sflag:s4] =	ssyncadd.remote.s32 @!p0 $0x1  }
0xb4: {  	s26 =	simm.s32 $execute0_lowered;
	[smem:$0x3FD2] =	sst s25  }
0xb5: {  	s5 =	sshll.u32 s26, $0x1;
	_ =	strace $0x80000049;
	[dreg:$0x1] =	wrdreg $0xFFFFFFFF  }
0xb6: {  	s28 =	simm.s32 $_size_execute0_lowered;
	s3 =	sadd.s32 s3, s5;
	[dreg:$0x0] =	wrdreg $0x0  }
0xb7: {  	s5 =	sshll.u32 s28, $0x1;
	[dreg:$0x2] =	wrdreg s3  }
0xb8: {  	[dreg:$0x3] =	wrdreg s5  }
0xb9: {  	[dreg:$0x4] =	wrdreg $0xC0  }
0xba: {  	_ =	task [dreg:s22], $0x5FFFF  }
0xbb: {  	[dreg:$0x1] =	wrdreg $0xFFFFFFFF  }
0xbc: {  	[dreg:$0x0] =	wrdreg $0x60  }
0xbd: {  	[dreg:$0x2] =	wrdreg s24  }
0xbe: {  	[dreg:$0x3] =	wrdreg $0x38000  }
0xbf: {  	[dreg:$0x4] =	wrdreg $0xA  }
0xc0: {  	_ =	task.clear_ibuf [dreg:s22], $0x5FFFF;
	_ =	strace $0x90000049  }
0xc1: {  	s29 =	simm.s32 $0xA;
	_ =	strace $0x8000004B  }
0xc2: {  	_ =	swait.ge [sflag:s29], $0x1  }
0xc3: {  	[sflag:s29] =	ssyncadd.s32 $0xFFFFFFFF  }
0xc4: {  	_ =	strace $0x9000004B  }
0xc5: {  	_ =	sfence  }
0xc6: {  	s30 =	sld [smem:$0x0];
	_ =	sdelay $0x2  }
0xc7: {  	s31 =	sshll.u32 s1, $0xD;
	s1 =	sshrl.u32 s1, $0x2  }
0xc8: {  	s4 =	sand.u32 $0x4000, s31;
	s1 =	sadd.s32 s1, s30  }
0xc9: {  	s0 =	sor.u32 s4, s0;
	s1 =	sshll.u32 s1, $0x11  }
0xca: {  	s0 =	sor.u32 s1, s0  }
0xcb: {  	s0 =	sadd.s32 $0x8F2B, s0  }
0xcc: {  	[sflag:s0] =	ssyncadd.remote.s32 $0x1  }
0xcd: {  	_ =	sfence.sel $0xFFFF  }
0xce: {  	[dreg:$0x0] =	wrdreg $0xFFFFFFFF;
	(pc) =	sbr.abs _section_cstart, $3  }
0xcf: {  	[dreg:$0x1] =	wrdreg $0xFFFFFFFF  }
0xd0: {  	_ =	task.clear_ibuf [dreg:s22], $0x2FFFF;
	_ =	strace $0x9FFFFFFF  }
0xd1: {  	(tm) =	ssettm $0x7FFFFFFF  }
tec
execute0_lowered:
.L_overlay_start_1:
0x0: {  	(tag) =	ssettag $0x1  }
0x1: {  	s0 =	srdreg.scid;
	s4 =	rddreg [dreg:$0x0]  }
0x2: {  	s7 =	stileid.u32;
	s2 =	rddreg [dreg:$0x1]  }
0x3: {  	s3 =	simm.s32 $0x0;
	s11 =	simm.s32 $0x1000;
	s12 =	simm.s32 $0x2  }
0x4: {  	s24 =	simm.s32 $0x80;
	s25 =	simm.s32 $0x100;
	s15 =	simm.s32 $0x50  }
0x5: {  	s26 =	simm.s32 $0x180;
	s16 =	simm.s32 $0x200;
	s17 =	simm.s32 $0x280  }
0x6: {  	s28 =	simm.s32 $0x780;
	s29 =	simm.s32 $0x800;
	s30 =	simm.s32 $0x880  }
0x7: {  	s31 =	simm.s32 $0x900;
	s9 =	simm.s32 $0xB00;
	s10 =	simm.s32 $0xB80  }
0x8: {  	s1 =	smul.u32 $0x5000, s7;
	[smem:$0x7FF] =	sst s3;
	s18 =	sadd.s32 $0x40C00, s4  }
0x9: {  	s8 =	sadd.s32 $0x3E400, s4;
	_ =	strace $0x8000004A;
	[dreg:$0x6] =	wrdreg s18  }
0xa: {  	s0 =	sand.u32 $0x1, s0;
	s6 =	smul.u32 $0x4E200, s7;
	[dreg:$0x7] =	wrdreg s8  }
0xb: {  	s22 =	smul.u32 $0x13C00, s7;
	s23 =	sshll.u32 s7, $0x6;
	[dreg:$0x3] =	wrdreg s24  }
0xc: {  	s5 =	smul.u32 $0xF0000, s0;
	s19 =	ssub.s32 $0x2, s0;
	[dreg:$0x4] =	wrdreg s25  }
0xd: {  	s0 =	smul.u32 $0x3, s0;
	s13 =	sor.u32 $0x1C02, s23;
	[dreg:$0x5] =	wrdreg s26  }
0xe: {  	s18 =	simm.s32 $0x300;
	s23 =	simm.s32 $0x580;
	s24 =	simm.s32 $0x600  }
0xf: {  	s25 =	simm.s32 $0x680;
	s26 =	simm.s32 $0x700;
	s8 =	simm.s32 $0x0  }
0x10: {  	s20 =	sshrl.u32 s19, $0x1;
	s21 =	sshrl.u32 s6, $0x2;
	[dreg:$0xa] =	wrdreg s22  }
0x11: {  	s22 =	simm.s32 $0x500;
	s6 =	simm.s32 $0x1;
	[dreg:$0xd] =	wrdreg s13  }
0x12: {  	s1 =	sadd.s32 s1, s5;
	[dreg:$0x9] =	wrdreg s0;
	s0 =	sadd.s32 s21, s2  }
0x13: {  	s21 =	simm.s32 $0x480;
	s1 =	sshrl.u32 s1, $0x3;
	s14 =	sshrl.u32 s0, $0x3  }
0x14: {  	s1 =	sadd.s32 s1, s4;
	s4 =	sadd.s32 $0x16A200, s4;
	[dreg:$0xe] =	wrdreg s14  }
0x15: {  	s5 =	simm.s32 $0xC00;
	s0 =	simm.s32 $0xA00;
	[dreg:$0x8] =	wrdreg s4  }
0x16: {  	s4 =	ssub.s32 s19, s20;
	s1 =	sadd.s32 $0x12E200, s1;
	s19 =	simm.s32 $0x380  }
0x17: {  	s20 =	simm.s32 $0x400;
	s4 =	smax.u32 s4, $0x1;
	[dreg:$0xc] =	wrdreg s1  }
0x18: {  	s1 =	simm.s32 $0x980;
	[dreg:$0xb] =	wrdreg s4;
	s4 =	simm.s32 $0xA80  }
.LBB2_1:
0x19: {  	[dreg:$0xf] =	wrdreg s8  }
0x1a: {  	s7 =	rddreg [dreg:$0x6]  }
0x1b: {  	[tilespmem:s11], [sflag:$0x2] =	stream.linear.gather [hbm4b:s7+s3], $0x2800, $0x38;
	[tilespmem:$0x17080] =	vst v63  }
0x1c: {  	_ =	swait.ge [sflag:s12], $0x2800  }
0x1d: {  	[sflag:s12] =	ssyncset.done $0x0  }
0x1e: {  	s8 =	simm.s32 $0x0;
	s7 =	rddreg [dreg:$0xc];
	[sflag:s12] =	ssyncadd.s32 $0xFFFFD800  }
.LBB2_2:
0x1f: {  	[dreg:$0x10] =	wrdreg s8  }
0x20: {  	s8 =	rddreg [dreg:$0x7]  }
0x21: {  	[spmem:s14], [sflag:s13] =	dma.local [hbm:s8], $0x2710  }
0x22: {  	_ =	swait.ge [sflag:s12], $0x2710  }
0x23: {  	[sflag:s12] =	ssyncset.done $0x0  }
0x24: {  	[sflag:s12] =	ssyncadd.s32 $0xFFFFD8F0  }
0x25: {  	s13 =	sadd.s32 $0x0, s7;
	[bflag:$0x0] =	sbarrier.arrive $0xFFFF  }
0x26: {  	[tilespmem:s3], [sflag:$0x2] =	stream.linear.gather [hbm4b:s13+s3], $0xC80, $0x38;
	[tilespmem:$0x17080] =	vst v63  }
0x27: {  	_ =	swait.ge [sflag:s12], $0xC80  }
0x28: {  	[sflag:s12] =	ssyncset.done $0x0  }
0x29: {  	[sflag:s12] =	ssyncadd.s32 $0xFFFFF380  }
0x2a: {  	[spmem:s2] =	stream.indirect.scatter.add.f32 [tilespmem:s11], [sflag:$0x1], $0x80, s3, s15, $0xb8;
	[tilespmem:$0x17080] =	vst v63  }
0x2b: {  	s14 =	rddreg [dreg:$0x3]  }
0x2c: {  	[spmem:s2] =	stream.indirect.scatter.add.f32 [tilespmem:s11], [sflag:$0x1], $0x80, s14, s15, $0xb8;
	[tilespmem:$0x17080] =	vst v63  }
0x2d: {  	s13 =	rddreg [dreg:$0x4]  }
0x2e: {  	[spmem:s2] =	stream.indirect.scatter.add.f32 [tilespmem:s11], [sflag:$0x1], $0x80, s13, s15, $0xb8;
	[tilespmem:$0x17080] =	vst v63  }
0x2f: {  	s14 =	rddreg [dreg:$0x5]  }
0x30: {  	[spmem:s2] =	stream.indirect.scatter.add.f32 [tilespmem:s11], [sflag:$0x1], $0x80, s14, s15, $0xb8;
	[tilespmem:$0x17080] =	vst v63  }
0x31: {  	_ = 	snop  }
0x32: {  	[spmem:s2] =	stream.indirect.scatter.add.f32 [tilespmem:s11], [sflag:$0x1], $0x80, s16, s15, $0xb8;
	[tilespmem:$0x17080] =	vst v63  }
0x33: {  	_ = 	snop  }
0x34: {  	[spmem:s2] =	stream.indirect.scatter.add.f32 [tilespmem:s11], [sflag:$0x1], $0x80, s17, s15, $0xb8;
	[tilespmem:$0x17080] =	vst v63  }
0x35: {  	_ = 	snop  }
0x36: {  	[spmem:s2] =	stream.indirect.scatter.add.f32 [tilespmem:s11], [sflag:$0x1], $0x80, s18, s15, $0xb8;
	[tilespmem:$0x17080] =	vst v63  }
0x37: {  	_ = 	snop  }
0x38: {  	[spmem:s2] =	stream.indirect.scatter.add.f32 [tilespmem:s11], [sflag:$0x1], $0x80, s19, s15, $0xb8;
	[tilespmem:$0x17080] =	vst v63  }
0x39: {  	_ = 	snop  }
0x3a: {  	[spmem:s2] =	stream.indirect.scatter.add.f32 [tilespmem:s11], [sflag:$0x1], $0x80, s20, s15, $0xb8;
	[tilespmem:$0x17080] =	vst v63  }
0x3b: {  	_ = 	snop  }
0x3c: {  	[spmem:s2] =	stream.indirect.scatter.add.f32 [tilespmem:s11], [sflag:$0x1], $0x80, s21, s15, $0xb8;
	[tilespmem:$0x17080] =	vst v63  }
0x3d: {  	_ = 	snop  }
0x3e: {  	[spmem:s2] =	stream.indirect.scatter.add.f32 [tilespmem:s11], [sflag:$0x1], $0x80, s22, s15, $0xb8;
	[tilespmem:$0x17080] =	vst v63  }
0x3f: {  	_ = 	snop  }
0x40: {  	[spmem:s2] =	stream.indirect.scatter.add.f32 [tilespmem:s11], [sflag:$0x1], $0x80, s23, s15, $0xb8;
	[tilespmem:$0x17080] =	vst v63  }
0x41: {  	_ = 	snop  }
0x42: {  	[spmem:s2] =	stream.indirect.scatter.add.f32 [tilespmem:s11], [sflag:$0x1], $0x80, s24, s15, $0xb8;
	[tilespmem:$0x17080] =	vst v63  }
0x43: {  	_ = 	snop  }
0x44: {  	[spmem:s2] =	stream.indirect.scatter.add.f32 [tilespmem:s11], [sflag:$0x1], $0x80, s25, s15, $0xb8;
	[tilespmem:$0x17080] =	vst v63  }
0x45: {  	_ = 	snop  }
0x46: {  	[spmem:s2] =	stream.indirect.scatter.add.f32 [tilespmem:s11], [sflag:$0x1], $0x80, s26, s15, $0xb8;
	[tilespmem:$0x17080] =	vst v63  }
0x47: {  	_ = 	snop  }
0x48: {  	[spmem:s2] =	stream.indirect.scatter.add.f32 [tilespmem:s11], [sflag:$0x1], $0x80, s28, s15, $0xb8;
	[tilespmem:$0x17080] =	vst v63  }
0x49: {  	_ = 	snop  }
0x4a: {  	[spmem:s2] =	stream.indirect.scatter.add.f32 [tilespmem:s11], [sflag:$0x1], $0x80, s29, s15, $0xb8;
	[tilespmem:$0x17080] =	vst v63  }
0x4b: {  	_ = 	snop  }
0x4c: {  	[spmem:s2] =	stream.indirect.scatter.add.f32 [tilespmem:s11], [sflag:$0x1], $0x80, s30, s15, $0xb8;
	[tilespmem:$0x17080] =	vst v63  }
0x4d: {  	_ = 	snop  }
0x4e: {  	[spmem:s2] =	stream.indirect.scatter.add.f32 [tilespmem:s11], [sflag:$0x1], $0x80, s31, s15, $0xb8;
	[tilespmem:$0x17080] =	vst v63  }
0x4f: {  	_ = 	snop  }
0x50: {  	[spmem:s2] =	stream.indirect.scatter.add.f32 [tilespmem:s11], [sflag:$0x1], $0x80, s1, s15, $0xb8;
	[tilespmem:$0x17080] =	vst v63  }
0x51: {  	_ = 	snop  }
0x52: {  	[spmem:s2] =	stream.indirect.scatter.add.f32 [tilespmem:s11], [sflag:$0x1], $0x80, s0, s15, $0xb8;
	[tilespmem:$0x17080] =	vst v63  }
0x53: {  	_ = 	snop  }
0x54: {  	[spmem:s2] =	stream.indirect.scatter.add.f32 [tilespmem:s11], [sflag:$0x1], $0x80, s4, s15, $0xb8;
	[tilespmem:$0x17080] =	vst v63  }
0x55: {  	_ = 	snop  }
0x56: {  	[spmem:s2] =	stream.indirect.scatter.add.f32 [tilespmem:s11], [sflag:$0x1], $0x80, s9, s15, $0xb8;
	[tilespmem:$0x17080] =	vst v63  }
0x57: {  	_ = 	snop  }
0x58: {  	[spmem:s2] =	stream.indirect.scatter.add.f32 [tilespmem:s11], [sflag:$0x1], $0x80, s10, s15, $0xb8;
	[tilespmem:$0x17080] =	vst v63  }
0x59: {  	_ = 	snop  }
0x5a: {  	[spmem:s2] =	stream.indirect.scatter.add.f32 [tilespmem:s11], [sflag:$0x1], $0x80, s5, s15, $0xb8;
	[tilespmem:$0x17080] =	vst v63  }
0x5b: {  	_ =	swait.ge [sflag:s6], $0x2800  }
0x5c: {  	[sflag:s6] =	ssyncset.done $0x0  }
0x5d: {  	[sflag:s6] =	ssyncadd.s32 $0xFFFFD800  }
0x5e: {  	_ =	swait.ge [sflag:s6], $0x2800  }
0x5f: {  	[sflag:s6] =	ssyncset.done $0x0  }
0x60: {  	[sflag:s6] =	ssyncadd.s32 $0xFFFFD800  }
0x61: {  	_ =	swait.ge [sflag:s6], $0x2800  }
0x62: {  	[sflag:s6] =	ssyncset.done $0x0  }
0x63: {  	[sflag:s6] =	ssyncadd.s32 $0xFFFFD800  }
0x64: {  	_ =	swait.ge [sflag:s6], $0x2800  }
0x65: {  	[sflag:s6] =	ssyncset.done $0x0  }
0x66: {  	[sflag:s6] =	ssyncadd.s32 $0xFFFFD800  }
0x67: {  	_ =	swait.ge [sflag:s6], $0x2800  }
0x68: {  	[sflag:s6] =	ssyncset.done $0x0  }
0x69: {  	[sflag:s6] =	ssyncadd.s32 $0xFFFFD800  }
0x6a: {  	_ =	swait.ge [sflag:s6], $0x2800  }
0x6b: {  	[sflag:s6] =	ssyncset.done $0x0  }
0x6c: {  	[sflag:s6] =	ssyncadd.s32 $0xFFFFD800  }
0x6d: {  	_ =	swait.ge [sflag:s6], $0x2800  }
0x6e: {  	[sflag:s6] =	ssyncset.done $0x0  }
0x6f: {  	[sflag:s6] =	ssyncadd.s32 $0xFFFFD800  }
0x70: {  	_ =	swait.ge [sflag:s6], $0x2800  }
0x71: {  	[sflag:s6] =	ssyncset.done $0x0  }
0x72: {  	[sflag:s6] =	ssyncadd.s32 $0xFFFFD800  }
0x73: {  	_ =	swait.ge [sflag:s6], $0x2800  }
0x74: {  	[sflag:s6] =	ssyncset.done $0x0  }
0x75: {  	[sflag:s6] =	ssyncadd.s32 $0xFFFFD800  }
0x76: {  	_ =	swait.ge [sflag:s6], $0x2800  }
0x77: {  	[sflag:s6] =	ssyncset.done $0x0  }
0x78: {  	[sflag:s6] =	ssyncadd.s32 $0xFFFFD800  }
0x79: {  	_ =	swait.ge [sflag:s6], $0x2800  }
0x7a: {  	[sflag:s6] =	ssyncset.done $0x0  }
0x7b: {  	[sflag:s6] =	ssyncadd.s32 $0xFFFFD800  }
0x7c: {  	_ =	swait.ge [sflag:s6], $0x2800  }
0x7d: {  	[sflag:s6] =	ssyncset.done $0x0  }
0x7e: {  	[sflag:s6] =	ssyncadd.s32 $0xFFFFD800  }
0x7f: {  	_ =	swait.ge [sflag:s6], $0x2800  }
0x80: {  	[sflag:s6] =	ssyncset.done $0x0  }
0x81: {  	[sflag:s6] =	ssyncadd.s32 $0xFFFFD800  }
0x82: {  	_ =	swait.ge [sflag:s6], $0x2800  }
0x83: {  	[sflag:s6] =	ssyncset.done $0x0  }
0x84: {  	[sflag:s6] =	ssyncadd.s32 $0xFFFFD800  }
0x85: {  	_ =	swait.ge [sflag:s6], $0x2800  }
0x86: {  	[sflag:s6] =	ssyncset.done $0x0  }
0x87: {  	[sflag:s6] =	ssyncadd.s32 $0xFFFFD800  }
0x88: {  	_ =	swait.ge [sflag:s6], $0x2800  }
0x89: {  	[sflag:s6] =	ssyncset.done $0x0  }
0x8a: {  	[sflag:s6] =	ssyncadd.s32 $0xFFFFD800  }
0x8b: {  	_ =	swait.ge [sflag:s6], $0x2800  }
0x8c: {  	[sflag:s6] =	ssyncset.done $0x0  }
0x8d: {  	[sflag:s6] =	ssyncadd.s32 $0xFFFFD800  }
0x8e: {  	_ =	swait.ge [sflag:s6], $0x2800  }
0x8f: {  	[sflag:s6] =	ssyncset.done $0x0  }
0x90: {  	[sflag:s6] =	ssyncadd.s32 $0xFFFFD800  }
0x91: {  	_ =	swait.ge [sflag:s6], $0x2800  }
0x92: {  	[sflag:s6] =	ssyncset.done $0x0  }
0x93: {  	[sflag:s6] =	ssyncadd.s32 $0xFFFFD800  }
0x94: {  	_ =	swait.ge [sflag:s6], $0x2800  }
0x95: {  	[sflag:s6] =	ssyncset.done $0x0  }
0x96: {  	[sflag:s6] =	ssyncadd.s32 $0xFFFFD800  }
0x97: {  	_ =	swait.ge [sflag:s6], $0x2800  }
0x98: {  	[sflag:s6] =	ssyncset.done $0x0  }
0x99: {  	[sflag:s6] =	ssyncadd.s32 $0xFFFFD800  }
0x9a: {  	_ =	swait.ge [sflag:s6], $0x2800  }
0x9b: {  	[sflag:s6] =	ssyncset.done $0x0  }
0x9c: {  	[sflag:s6] =	ssyncadd.s32 $0xFFFFD800  }
0x9d: {  	_ =	swait.ge [sflag:s6], $0x2800  }
0x9e: {  	[sflag:s6] =	ssyncset.done $0x0  }
0x9f: {  	[sflag:s6] =	ssyncadd.s32 $0xFFFFD800  }
0xa0: {  	_ =	swait.ge [sflag:s6], $0x2800  }
0xa1: {  	s14 =	rddreg [dreg:$0x9]  }
0xa2: {  	s16 =	rddreg [dreg:$0x10]  }
0xa3: {  	[sflag:s6] =	ssyncset.done $0x0;
	s8 =	sadd.s32 s14, s16  }
0xa4: {  	[sflag:s6] =	ssyncadd.s32 $0xFFFFD800;
	[dreg:$0x11] =	wrdreg s8  }
0xa5: {  	_ =	swait.ge [sflag:s6], $0x2800  }
0xa6: {  	s13 =	simm.s32 $0x400;
	s14 =	simm.s32 $0x200;
	[sflag:s6] =	ssyncset.done $0x0  }
.LBB2_3:
0xa7: {  	s16 =	sadd.s32 s14, s7;
	[sflag:s6] =	ssyncadd.s32 $0xFFFFD800  }
0xa8: {  	[tilespmem:s3], [sflag:$0x2] =	stream.linear.gather [hbm4b:s16+s3], $0xC80, $0x38;
	[tilespmem:$0x17080] =	vst v63  }
0xa9: {  	_ =	swait.ge [sflag:s12], $0xC80  }
0xaa: {  	[sflag:s12] =	ssyncset.done $0x0  }
0xab: {  	s14 =	smov.u32 s13;
	[sflag:s12] =	ssyncadd.s32 $0xFFFFF380  }
0xac: {  	[spmem:s2] =	stream.indirect.scatter.add.f32 [tilespmem:s11], [sflag:$0x1], $0x80, s3, s15, $0xb8;
	[tilespmem:$0x17080] =	vst v63  }
0xad: {  	s8 =	sadd.s32 $0x200, s13;
	p0 =	sne.s32 s13, $0x800;
	s13 =	rddreg [dreg:$0x3]  }
0xae: {  	[spmem:s2] =	stream.indirect.scatter.add.f32 [tilespmem:s11], [sflag:$0x1], $0x80, s13, s15, $0xb8;
	[tilespmem:$0x17080] =	vst v63  }
0xaf: {  	s16 =	rddreg [dreg:$0x4]  }
0xb0: {  	[spmem:s2] =	stream.indirect.scatter.add.f32 [tilespmem:s11], [sflag:$0x1], $0x80, s16, s15, $0xb8;
	[tilespmem:$0x17080] =	vst v63  }
0xb1: {  	s13 =	rddreg [dreg:$0x5]  }
0xb2: {  	[spmem:s2] =	stream.indirect.scatter.add.f32 [tilespmem:s11], [sflag:$0x1], $0x80, s13, s15, $0xb8;
	[tilespmem:$0x17080] =	vst v63  }
0xb3: {  	s16 =	simm.s32 $0x200  }
0xb4: {  	[spmem:s2] =	stream.indirect.scatter.add.f32 [tilespmem:s11], [sflag:$0x1], $0x80, s16, s15, $0xb8;
	[tilespmem:$0x17080] =	vst v63  }
0xb5: {  	_ = 	snop  }
0xb6: {  	[spmem:s2] =	stream.indirect.scatter.add.f32 [tilespmem:s11], [sflag:$0x1], $0x80, s17, s15, $0xb8;
	[tilespmem:$0x17080] =	vst v63  }
0xb7: {  	_ = 	snop  }
0xb8: {  	[spmem:s2] =	stream.indirect.scatter.add.f32 [tilespmem:s11], [sflag:$0x1], $0x80, s18, s15, $0xb8;
	[tilespmem:$0x17080] =	vst v63  }
0xb9: {  	_ = 	snop  }
0xba: {  	[spmem:s2] =	stream.indirect.scatter.add.f32 [tilespmem:s11], [sflag:$0x1], $0x80, s19, s15, $0xb8;
	[tilespmem:$0x17080] =	vst v63  }
0xbb: {  	_ = 	snop  }
0xbc: {  	[spmem:s2] =	stream.indirect.scatter.add.f32 [tilespmem:s11], [sflag:$0x1], $0x80, s20, s15, $0xb8;
	[tilespmem:$0x17080] =	vst v63  }
0xbd: {  	_ = 	snop  }
0xbe: {  	[spmem:s2] =	stream.indirect.scatter.add.f32 [tilespmem:s11], [sflag:$0x1], $0x80, s21, s15, $0xb8;
	[tilespmem:$0x17080] =	vst v63  }
0xbf: {  	_ = 	snop  }
0xc0: {  	[spmem:s2] =	stream.indirect.scatter.add.f32 [tilespmem:s11], [sflag:$0x1], $0x80, s22, s15, $0xb8;
	[tilespmem:$0x17080] =	vst v63  }
0xc1: {  	_ = 	snop  }
0xc2: {  	[spmem:s2] =	stream.indirect.scatter.add.f32 [tilespmem:s11], [sflag:$0x1], $0x80, s23, s15, $0xb8;
	[tilespmem:$0x17080] =	vst v63  }
0xc3: {  	_ = 	snop  }
0xc4: {  	[spmem:s2] =	stream.indirect.scatter.add.f32 [tilespmem:s11], [sflag:$0x1], $0x80, s24, s15, $0xb8;
	[tilespmem:$0x17080] =	vst v63  }
0xc5: {  	_ = 	snop  }
0xc6: {  	[spmem:s2] =	stream.indirect.scatter.add.f32 [tilespmem:s11], [sflag:$0x1], $0x80, s25, s15, $0xb8;
	[tilespmem:$0x17080] =	vst v63  }
0xc7: {  	_ = 	snop  }
0xc8: {  	[spmem:s2] =	stream.indirect.scatter.add.f32 [tilespmem:s11], [sflag:$0x1], $0x80, s26, s15, $0xb8;
	[tilespmem:$0x17080] =	vst v63  }
0xc9: {  	_ = 	snop  }
0xca: {  	[spmem:s2] =	stream.indirect.scatter.add.f32 [tilespmem:s11], [sflag:$0x1], $0x80, s28, s15, $0xb8;
	[tilespmem:$0x17080] =	vst v63  }
0xcb: {  	_ = 	snop  }
0xcc: {  	[spmem:s2] =	stream.indirect.scatter.add.f32 [tilespmem:s11], [sflag:$0x1], $0x80, s29, s15, $0xb8;
	[tilespmem:$0x17080] =	vst v63  }
0xcd: {  	_ = 	snop  }
0xce: {  	[spmem:s2] =	stream.indirect.scatter.add.f32 [tilespmem:s11], [sflag:$0x1], $0x80, s30, s15, $0xb8;
	[tilespmem:$0x17080] =	vst v63  }
0xcf: {  	_ = 	snop  }
0xd0: {  	[spmem:s2] =	stream.indirect.scatter.add.f32 [tilespmem:s11], [sflag:$0x1], $0x80, s31, s15, $0xb8;
	[tilespmem:$0x17080] =	vst v63  }
0xd1: {  	_ = 	snop  }
0xd2: {  	[spmem:s2] =	stream.indirect.scatter.add.f32 [tilespmem:s11], [sflag:$0x1], $0x80, s1, s15, $0xb8;
	[tilespmem:$0x17080] =	vst v63  }
0xd3: {  	_ = 	snop  }
0xd4: {  	[spmem:s2] =	stream.indirect.scatter.add.f32 [tilespmem:s11], [sflag:$0x1], $0x80, s0, s15, $0xb8;
	[tilespmem:$0x17080] =	vst v63  }
0xd5: {  	_ = 	snop  }
0xd6: {  	[spmem:s2] =	stream.indirect.scatter.add.f32 [tilespmem:s11], [sflag:$0x1], $0x80, s4, s15, $0xb8;
	[tilespmem:$0x17080] =	vst v63  }
0xd7: {  	_ = 	snop  }
0xd8: {  	[spmem:s2] =	stream.indirect.scatter.add.f32 [tilespmem:s11], [sflag:$0x1], $0x80, s9, s15, $0xb8;
	[tilespmem:$0x17080] =	vst v63  }
0xd9: {  	_ = 	snop  }
0xda: {  	[spmem:s2] =	stream.indirect.scatter.add.f32 [tilespmem:s11], [sflag:$0x1], $0x80, s10, s15, $0xb8;
	[tilespmem:$0x17080] =	vst v63  }
0xdb: {  	_ = 	snop  }
0xdc: {  	[spmem:s2] =	stream.indirect.scatter.add.f32 [tilespmem:s11], [sflag:$0x1], $0x80, s5, s15, $0xb8;
	[tilespmem:$0x17080] =	vst v63  }
0xdd: {  	_ =	swait.ge [sflag:s6], $0x2800  }
0xde: {  	[sflag:s6] =	ssyncset.done $0x0  }
0xdf: {  	[sflag:s6] =	ssyncadd.s32 $0xFFFFD800  }
0xe0: {  	_ =	swait.ge [sflag:s6], $0x2800  }
0xe1: {  	[sflag:s6] =	ssyncset.done $0x0  }
0xe2: {  	[sflag:s6] =	ssyncadd.s32 $0xFFFFD800  }
0xe3: {  	_ =	swait.ge [sflag:s6], $0x2800  }
0xe4: {  	[sflag:s6] =	ssyncset.done $0x0  }
0xe5: {  	[sflag:s6] =	ssyncadd.s32 $0xFFFFD800  }
0xe6: {  	_ =	swait.ge [sflag:s6], $0x2800  }
0xe7: {  	[sflag:s6] =	ssyncset.done $0x0  }
0xe8: {  	[sflag:s6] =	ssyncadd.s32 $0xFFFFD800  }
0xe9: {  	_ =	swait.ge [sflag:s6], $0x2800  }
0xea: {  	[sflag:s6] =	ssyncset.done $0x0  }
0xeb: {  	[sflag:s6] =	ssyncadd.s32 $0xFFFFD800  }
0xec: {  	_ =	swait.ge [sflag:s6], $0x2800  }
0xed: {  	[sflag:s6] =	ssyncset.done $0x0  }
0xee: {  	[sflag:s6] =	ssyncadd.s32 $0xFFFFD800  }
0xef: {  	_ =	swait.ge [sflag:s6], $0x2800  }
0xf0: {  	[sflag:s6] =	ssyncset.done $0x0  }
0xf1: {  	[sflag:s6] =	ssyncadd.s32 $0xFFFFD800  }
0xf2: {  	_ =	swait.ge [sflag:s6], $0x2800  }
0xf3: {  	[sflag:s6] =	ssyncset.done $0x0  }
0xf4: {  	[sflag:s6] =	ssyncadd.s32 $0xFFFFD800  }
0xf5: {  	_ =	swait.ge [sflag:s6], $0x2800  }
0xf6: {  	[sflag:s6] =	ssyncset.done $0x0  }
0xf7: {  	[sflag:s6] =	ssyncadd.s32 $0xFFFFD800  }
0xf8: {  	_ =	swait.ge [sflag:s6], $0x2800  }
0xf9: {  	[sflag:s6] =	ssyncset.done $0x0  }
0xfa: {  	[sflag:s6] =	ssyncadd.s32 $0xFFFFD800  }
0xfb: {  	_ =	swait.ge [sflag:s6], $0x2800  }
0xfc: {  	[sflag:s6] =	ssyncset.done $0x0  }
0xfd: {  	[sflag:s6] =	ssyncadd.s32 $0xFFFFD800  }
0xfe: {  	_ =	swait.ge [sflag:s6], $0x2800  }
0xff: {  	[sflag:s6] =	ssyncset.done $0x0  }
0x100: {  	[sflag:s6] =	ssyncadd.s32 $0xFFFFD800  }
0x101: {  	_ =	swait.ge [sflag:s6], $0x2800  }
0x102: {  	[sflag:s6] =	ssyncset.done $0x0  }
0x103: {  	[sflag:s6] =	ssyncadd.s32 $0xFFFFD800  }
0x104: {  	_ =	swait.ge [sflag:s6], $0x2800  }
0x105: {  	[sflag:s6] =	ssyncset.done $0x0  }
0x106: {  	[sflag:s6] =	ssyncadd.s32 $0xFFFFD800  }
0x107: {  	_ =	swait.ge [sflag:s6], $0x2800  }
0x108: {  	[sflag:s6] =	ssyncset.done $0x0  }
0x109: {  	[sflag:s6] =	ssyncadd.s32 $0xFFFFD800  }
0x10a: {  	_ =	swait.ge [sflag:s6], $0x2800  }
0x10b: {  	[sflag:s6] =	ssyncset.done $0x0  }
0x10c: {  	[sflag:s6] =	ssyncadd.s32 $0xFFFFD800  }
0x10d: {  	_ =	swait.ge [sflag:s6], $0x2800  }
0x10e: {  	[sflag:s6] =	ssyncset.done $0x0  }
0x10f: {  	[sflag:s6] =	ssyncadd.s32 $0xFFFFD800  }
0x110: {  	_ =	swait.ge [sflag:s6], $0x2800  }
0x111: {  	[sflag:s6] =	ssyncset.done $0x0  }
0x112: {  	[sflag:s6] =	ssyncadd.s32 $0xFFFFD800  }
0x113: {  	_ =	swait.ge [sflag:s6], $0x2800  }
0x114: {  	[sflag:s6] =	ssyncset.done $0x0  }
0x115: {  	[sflag:s6] =	ssyncadd.s32 $0xFFFFD800  }
0x116: {  	_ =	swait.ge [sflag:s6], $0x2800  }
0x117: {  	[sflag:s6] =	ssyncset.done $0x0  }
0x118: {  	[sflag:s6] =	ssyncadd.s32 $0xFFFFD800  }
0x119: {  	_ =	swait.ge [sflag:s6], $0x2800  }
0x11a: {  	[sflag:s6] =	ssyncset.done $0x0  }
0x11b: {  	[sflag:s6] =	ssyncadd.s32 $0xFFFFD800  }
0x11c: {  	_ =	swait.ge [sflag:s6], $0x2800  }
0x11d: {  	[sflag:s6] =	ssyncset.done $0x0  }
0x11e: {  	[sflag:s6] =	ssyncadd.s32 $0xFFFFD800  }
0x11f: {  	_ =	swait.ge [sflag:s6], $0x2800  }
0x120: {  	[sflag:s6] =	ssyncset.done $0x0  }
0x121: {  	[sflag:s6] =	ssyncadd.s32 $0xFFFFD800  }
.Ltmp0:
0x122: {  	_ =	swait.ge [sflag:s6], $0x2800;
	(pc) =	sbr.rel @p0 .LBB2_3-.Ltmp0, $4  }
0x123: {  	[sflag:s6] =	ssyncset.done $0x0  }
0x124: {  	[sflag:s6] =	ssyncadd.s32 $0xFFFFD800  }
0x125: {  	_ =	swait.ge [sflag:s6], $0x2800  }
0x126: {  	s13 =	smov.u32 s8;
	[sflag:s6] =	ssyncset.done $0x0  }
0x127: {  	s8 =	sadd.s32 s14, s7;
	[sflag:s6] =	ssyncadd.s32 $0xFFFFD800  }
0x128: {  	[tilespmem:s3], [sflag:$0x2] =	stream.linear.gather [hbm4b:s8+s3], $0xC80, $0x38;
	[tilespmem:$0x17080] =	vst v63  }
0x129: {  	_ =	swait.ge [sflag:s12], $0xC80  }
0x12a: {  	[sflag:s12] =	ssyncset.done $0x0  }
0x12b: {  	[sflag:s12] =	ssyncadd.s32 $0xFFFFF380  }
0x12c: {  	[spmem:s2] =	stream.indirect.scatter.add.f32 [tilespmem:s11], [sflag:$0x1], $0x80, s3, s15, $0xb8;
	[tilespmem:$0x17080] =	vst v63  }
0x12d: {  	s14 =	rddreg [dreg:$0x3]  }
0x12e: {  	[spmem:s2] =	stream.indirect.scatter.add.f32 [tilespmem:s11], [sflag:$0x1], $0x80, s14, s15, $0xb8;
	[tilespmem:$0x17080] =	vst v63  }
0x12f: {  	s13 =	rddreg [dreg:$0x4]  }
0x130: {  	[spmem:s2] =	stream.indirect.scatter.add.f32 [tilespmem:s11], [sflag:$0x1], $0x80, s13, s15, $0xb8;
	[tilespmem:$0x17080] =	vst v63  }
0x131: {  	s14 =	rddreg [dreg:$0x5]  }
0x132: {  	[spmem:s2] =	stream.indirect.scatter.add.f32 [tilespmem:s11], [sflag:$0x1], $0x80, s14, s15, $0xb8;
	[tilespmem:$0x17080] =	vst v63  }
0x133: {  	_ = 	snop  }
0x134: {  	[spmem:s2] =	stream.indirect.scatter.add.f32 [tilespmem:s11], [sflag:$0x1], $0x80, s16, s15, $0xb8;
	[tilespmem:$0x17080] =	vst v63  }
0x135: {  	_ = 	snop  }
0x136: {  	[spmem:s2] =	stream.indirect.scatter.add.f32 [tilespmem:s11], [sflag:$0x1], $0x80, s17, s15, $0xb8;
	[tilespmem:$0x17080] =	vst v63  }
0x137: {  	_ = 	snop  }
0x138: {  	[spmem:s2] =	stream.indirect.scatter.add.f32 [tilespmem:s11], [sflag:$0x1], $0x80, s18, s15, $0xb8;
	[tilespmem:$0x17080] =	vst v63  }
0x139: {  	_ = 	snop  }
0x13a: {  	[spmem:s2] =	stream.indirect.scatter.add.f32 [tilespmem:s11], [sflag:$0x1], $0x80, s19, s15, $0xb8;
	[tilespmem:$0x17080] =	vst v63  }
0x13b: {  	_ = 	snop  }
0x13c: {  	[spmem:s2] =	stream.indirect.scatter.add.f32 [tilespmem:s11], [sflag:$0x1], $0x80, s20, s15, $0xb8;
	[tilespmem:$0x17080] =	vst v63  }
0x13d: {  	_ = 	snop  }
0x13e: {  	[spmem:s2] =	stream.indirect.scatter.add.f32 [tilespmem:s11], [sflag:$0x1], $0x80, s21, s15, $0xb8;
	[tilespmem:$0x17080] =	vst v63  }
0x13f: {  	_ = 	snop  }
0x140: {  	[spmem:s2] =	stream.indirect.scatter.add.f32 [tilespmem:s11], [sflag:$0x1], $0x80, s22, s15, $0xb8;
	[tilespmem:$0x17080] =	vst v63  }
0x141: {  	_ = 	snop  }
0x142: {  	[spmem:s2] =	stream.indirect.scatter.add.f32 [tilespmem:s11], [sflag:$0x1], $0x80, s23, s15, $0xb8;
	[tilespmem:$0x17080] =	vst v63  }
0x143: {  	_ = 	snop  }
0x144: {  	[spmem:s2] =	stream.indirect.scatter.add.f32 [tilespmem:s11], [sflag:$0x1], $0x80, s24, s15, $0xb8;
	[tilespmem:$0x17080] =	vst v63  }
0x145: {  	_ = 	snop  }
0x146: {  	[spmem:s2] =	stream.indirect.scatter.add.f32 [tilespmem:s11], [sflag:$0x1], $0x80, s25, s15, $0xb8;
	[tilespmem:$0x17080] =	vst v63  }
0x147: {  	_ = 	snop  }
0x148: {  	[spmem:s2] =	stream.indirect.scatter.add.f32 [tilespmem:s11], [sflag:$0x1], $0x80, s26, s15, $0xb8;
	[tilespmem:$0x17080] =	vst v63  }
0x149: {  	_ = 	snop  }
0x14a: {  	[spmem:s2] =	stream.indirect.scatter.add.f32 [tilespmem:s11], [sflag:$0x1], $0x80, s28, s15, $0xb8;
	[tilespmem:$0x17080] =	vst v63  }
0x14b: {  	_ = 	snop  }
0x14c: {  	[spmem:s2] =	stream.indirect.scatter.add.f32 [tilespmem:s11], [sflag:$0x1], $0x80, s29, s15, $0xb8;
	[tilespmem:$0x17080] =	vst v63  }
0x14d: {  	_ = 	snop  }
0x14e: {  	[spmem:s2] =	stream.indirect.scatter.add.f32 [tilespmem:s11], [sflag:$0x1], $0x80, s30, s15, $0xb8;
	[tilespmem:$0x17080] =	vst v63  }
0x14f: {  	_ = 	snop  }
0x150: {  	[spmem:s2] =	stream.indirect.scatter.add.f32 [tilespmem:s11], [sflag:$0x1], $0x80, s31, s15, $0xb8;
	[tilespmem:$0x17080] =	vst v63  }
0x151: {  	_ = 	snop  }
0x152: {  	[spmem:s2] =	stream.indirect.scatter.add.f32 [tilespmem:s11], [sflag:$0x1], $0x80, s1, s15, $0xb8;
	[tilespmem:$0x17080] =	vst v63  }
0x153: {  	_ = 	snop  }
0x154: {  	[spmem:s2] =	stream.indirect.scatter.add.f32 [tilespmem:s11], [sflag:$0x1], $0x80, s0, s15, $0xb8;
	[tilespmem:$0x17080] =	vst v63  }
0x155: {  	_ = 	snop  }
0x156: {  	[spmem:s2] =	stream.indirect.scatter.add.f32 [tilespmem:s11], [sflag:$0x1], $0x80, s4, s15, $0xb8;
	[tilespmem:$0x17080] =	vst v63  }
0x157: {  	_ = 	snop  }
0x158: {  	[spmem:s2] =	stream.indirect.scatter.add.f32 [tilespmem:s11], [sflag:$0x1], $0x80, s9, s15, $0xb8;
	[tilespmem:$0x17080] =	vst v63  }
0x159: {  	_ = 	snop  }
0x15a: {  	[spmem:s2] =	stream.indirect.scatter.add.f32 [tilespmem:s11], [sflag:$0x1], $0x80, s10, s15, $0xb8;
	[tilespmem:$0x17080] =	vst v63  }
0x15b: {  	_ = 	snop  }
0x15c: {  	[spmem:s2] =	stream.indirect.scatter.add.f32 [tilespmem:s11], [sflag:$0x1], $0x80, s5, s15, $0xb8;
	[tilespmem:$0x17080] =	vst v63  }
0x15d: {  	_ =	swait.ge [sflag:s6], $0x2800  }
0x15e: {  	[sflag:s6] =	ssyncset.done $0x0  }
0x15f: {  	[sflag:s6] =	ssyncadd.s32 $0xFFFFD800  }
0x160: {  	_ =	swait.ge [sflag:s6], $0x2800  }
0x161: {  	[sflag:s6] =	ssyncset.done $0x0  }
0x162: {  	[sflag:s6] =	ssyncadd.s32 $0xFFFFD800  }
0x163: {  	_ =	swait.ge [sflag:s6], $0x2800  }
0x164: {  	[sflag:s6] =	ssyncset.done $0x0  }
0x165: {  	[sflag:s6] =	ssyncadd.s32 $0xFFFFD800  }
0x166: {  	_ =	swait.ge [sflag:s6], $0x2800  }
0x167: {  	[sflag:s6] =	ssyncset.done $0x0  }
0x168: {  	[sflag:s6] =	ssyncadd.s32 $0xFFFFD800  }
0x169: {  	_ =	swait.ge [sflag:s6], $0x2800  }
0x16a: {  	[sflag:s6] =	ssyncset.done $0x0  }
0x16b: {  	[sflag:s6] =	ssyncadd.s32 $0xFFFFD800  }
0x16c: {  	_ =	swait.ge [sflag:s6], $0x2800  }
0x16d: {  	[sflag:s6] =	ssyncset.done $0x0  }
0x16e: {  	[sflag:s6] =	ssyncadd.s32 $0xFFFFD800  }
0x16f: {  	_ =	swait.ge [sflag:s6], $0x2800  }
0x170: {  	[sflag:s6] =	ssyncset.done $0x0  }
0x171: {  	[sflag:s6] =	ssyncadd.s32 $0xFFFFD800  }
0x172: {  	_ =	swait.ge [sflag:s6], $0x2800  }
0x173: {  	[sflag:s6] =	ssyncset.done $0x0  }
0x174: {  	[sflag:s6] =	ssyncadd.s32 $0xFFFFD800  }
0x175: {  	_ =	swait.ge [sflag:s6], $0x2800  }
0x176: {  	[sflag:s6] =	ssyncset.done $0x0  }
0x177: {  	[sflag:s6] =	ssyncadd.s32 $0xFFFFD800  }
0x178: {  	_ =	swait.ge [sflag:s6], $0x2800  }
0x179: {  	[sflag:s6] =	ssyncset.done $0x0  }
0x17a: {  	[sflag:s6] =	ssyncadd.s32 $0xFFFFD800  }
0x17b: {  	_ =	swait.ge [sflag:s6], $0x2800  }
0x17c: {  	[sflag:s6] =	ssyncset.done $0x0  }
0x17d: {  	[sflag:s6] =	ssyncadd.s32 $0xFFFFD800  }
0x17e: {  	_ =	swait.ge [sflag:s6], $0x2800  }
0x17f: {  	[sflag:s6] =	ssyncset.done $0x0  }
0x180: {  	[sflag:s6] =	ssyncadd.s32 $0xFFFFD800  }
0x181: {  	_ =	swait.ge [sflag:s6], $0x2800  }
0x182: {  	[sflag:s6] =	ssyncset.done $0x0  }
0x183: {  	[sflag:s6] =	ssyncadd.s32 $0xFFFFD800  }
0x184: {  	_ =	swait.ge [sflag:s6], $0x2800  }
0x185: {  	[sflag:s6] =	ssyncset.done $0x0  }
0x186: {  	[sflag:s6] =	ssyncadd.s32 $0xFFFFD800  }
0x187: {  	_ =	swait.ge [sflag:s6], $0x2800  }
0x188: {  	[sflag:s6] =	ssyncset.done $0x0  }
0x189: {  	[sflag:s6] =	ssyncadd.s32 $0xFFFFD800  }
0x18a: {  	_ =	swait.ge [sflag:s6], $0x2800  }
0x18b: {  	[sflag:s6] =	ssyncset.done $0x0  }
0x18c: {  	[sflag:s6] =	ssyncadd.s32 $0xFFFFD800  }
0x18d: {  	_ =	swait.ge [sflag:s6], $0x2800  }
0x18e: {  	[sflag:s6] =	ssyncset.done $0x0  }
0x18f: {  	[sflag:s6] =	ssyncadd.s32 $0xFFFFD800  }
0x190: {  	_ =	swait.ge [sflag:s6], $0x2800  }
0x191: {  	[sflag:s6] =	ssyncset.done $0x0  }
0x192: {  	[sflag:s6] =	ssyncadd.s32 $0xFFFFD800  }
0x193: {  	_ =	swait.ge [sflag:s6], $0x2800  }
0x194: {  	[sflag:s6] =	ssyncset.done $0x0  }
0x195: {  	[sflag:s6] =	ssyncadd.s32 $0xFFFFD800  }
0x196: {  	_ =	swait.ge [sflag:s6], $0x2800  }
0x197: {  	[sflag:s6] =	ssyncset.done $0x0  }
0x198: {  	[sflag:s6] =	ssyncadd.s32 $0xFFFFD800  }
0x199: {  	_ =	swait.ge [sflag:s6], $0x2800  }
0x19a: {  	[sflag:s6] =	ssyncset.done $0x0  }
0x19b: {  	[sflag:s6] =	ssyncadd.s32 $0xFFFFD800  }
0x19c: {  	_ =	swait.ge [sflag:s6], $0x2800  }
0x19d: {  	[sflag:s6] =	ssyncset.done $0x0  }
0x19e: {  	[sflag:s6] =	ssyncadd.s32 $0xFFFFD800  }
0x19f: {  	_ =	swait.ge [sflag:s6], $0x2800  }
0x1a0: {  	[sflag:s6] =	ssyncset.done $0x0  }
0x1a1: {  	[sflag:s6] =	ssyncadd.s32 $0xFFFFD800  }
0x1a2: {  	_ =	swait.ge [sflag:s6], $0x2800  }
0x1a3: {  	[sflag:s6] =	ssyncset.done $0x0  }
0x1a4: {  	[sflag:s6] =	ssyncadd.s32 $0xFFFFD800  }
0x1a5: {  	s13 =	rddreg [dreg:$0x11];
	_ =	swait.ge [sflag:s6], $0x2800  }
0x1a6: {  	[sflag:s6] =	ssyncset.done $0x0  }
0x1a7: {  	s8 =	smul.u32 $0x13C000, s13;
	[sflag:s6] =	ssyncadd.s32 $0xFFFFD800  }
0x1a8: {  	s14 =	rddreg [dreg:$0xa];
	[bflag:$0x0] =	sbarrier.arrive $0xFFFF  }
0x1a9: {  	s8 =	sadd.s32 s14, s8;
	s14 =	rddreg [dreg:$0x8]  }
0x1aa: {  	s8 =	sshrl.u32 s8, $0x3;
	s13 =	rddreg [dreg:$0xd]  }
0x1ab: {  	s8 =	sadd.s32 s14, s8;
	s14 =	rddreg [dreg:$0xe]  }
0x1ac: {  	[hbm:s8], [sflag:s13] =	dma.local [spmem:s14], $0x2710  }
0x1ad: {  	_ =	swait.ge [sflag:s12], $0x2710  }
0x1ae: {  	s8 =	rddreg [dreg:$0x10]  }
0x1af: {  	s8 =	sadd.s32 $0x1, s8  }
0x1b0: {  	p0 =	sne.s32 s8, $0x3  }
.Ltmp1:
0x1b1: {  	_ = 	snop;
	(pc) =	sbr.rel @p0 .LBB2_2-.Ltmp1, $3  }
0x1b2: {  	_ =	sdelay $0x1  }
0x1b3: {  	[sflag:s12] =	ssyncset.done $0x0  }
0x1b4: {  	s7 =	sadd.s32 $0xA000, s7;
	[sflag:s12] =	ssyncadd.s32 $0xFFFFD8F0  }
0x1b5: {  	s8 =	rddreg [dreg:$0xf]  }
0x1b6: {  	s7 =	rddreg [dreg:$0xb];
	s8 =	sadd.s32 $0x1, s8  }
0x1b7: {  	p0 =	sne.s32 s8, s7  }
.Ltmp2:
0x1b8: {  	_ = 	snop;
	(pc) =	sbr.rel @p0 .LBB2_1-.Ltmp2, $1  }
0x1b9: {  	_ =	sdelay $0x3  }
0x1ba: {  	_ =	sfence.sel $0x180000  }
0x1bb: {  	[bflag:$0x0] =	sbarrier.arrive $0xFFFF  }
0x1bc: {  	_ =	strace $0x9000004A  }
0x1bd: {  	s0 =	stileid.u32;
	[bflag:$0x2] =	sbarrier.arrive $0xFFFF  }
0x1be: {  	p0 =	sne.s32 s0, $0x0;
	s0 =	rddreg [dreg:$0x2]  }
0x1bf: {  	s0 =	sadd.s32 @!p0 $0x100000, s0  }
0x1c0: {  	[sflag:s0] =	ssyncadd.tile.s32 @!p0 $0x1;
	_ =	shalt  }
.Lfunc_end2:
_tile_overlayer_lowered:
.L_overlay_start_2:
0x1c1: {  	(tag) =	ssettag $0x2  }
0x1c2: {  	s0 =	rddreg [dreg:$0x0];
	s2 =	stileid.u32  }
0x1c3: {  	s1 =	rddreg [dreg:$0x1];
	p0 =	sne.s32 s2, $0x0  }
0x1c4: {  	s3 =	rddreg [dreg:$0x2];
	[bflag:$0x3] =	sbarrier.arrive $0xFFFF;
	s2 =	simm.s32 @!p0 $0x1C02  }
0x1c5: {  	[timem:s3], [sflag:s2] =	dma.local @!p0 [hbm:s0], s1  }
0x1c6: {  	s0 =	simm.s32 @!p0 $0x2  }
0x1c7: {  	_ =	swait.ge @!p0 [sflag:s0], s1  }
0x1c8: {  	s1 =	ssub.s32 @!p0 $0x0, s1;
	[sflag:s0] =	ssyncset.done @!p0 $0x0  }
0x1c9: {  	[sflag:s0] =	ssyncadd.s32 @!p0 s1  }
0x1ca: {  	[bflag:$0x3] =	sbarrier.arrive $0xFFFF  }
0x1cb: {  	_ =	shalt  }

// kernel: kernel.27.cloned.1.call-start
scs
__scs_entry_jumppad:
0x0: {  	(pc) =	sbr.rel $0x88, $3  }
0x1: {  	(tag) =	ssettag $0x0;
	lr =	simm.s32 $0x1  }
0x2: {  	[smem:$0x3F95] =	sst lr;
	_ =	strace $0xD0000000  }
0x3: {  	_ = 	snop  }
0x4: {  	_ = 	snop  }
0x5: {  	_ = 	snop  }
0x6: {  	_ = 	snop  }
0x7: {  	_ = 	snop  }
__scs_overlays_trampoline_lowered:
0x8: {  	[smem:$0x3FA4] =	sst s0  }
0x9: {  	[smem:$0x3FA5] =	sst s1  }
0xa: {  	[smem:$0x3FA6] =	sst s2  }
0xb: {  	[smem:$0x3FA7] =	sst s3  }
0xc: {  	[smem:$0x3FA8] =	sst s4  }
0xd: {  	[smem:$0x3FA9] =	sst s5  }
0xe: {  	[smem:$0x3FAA] =	sst s6  }
0xf: {  	[smem:$0x3FAB] =	sst s7  }
0x10: {  	[smem:$0x3FAC] =	sst s8  }
0x11: {  	[smem:$0x3FAD] =	sst s9;
	s0 =	simm.s32 @!p0 $0x0  }
0x12: {  	s1 =	sld [smem:$0x3F93];
	s0 =	simm.s32 @p0 $0x1  }
0x13: {  	[smem:$0x3FAE] =	sst s0;
	s0 =	simm.s32 @!p1 $0x0  }
0x14: {  	s2 =	sld [smem:$0x3F92];
	s0 =	simm.s32 @p1 $0x1  }
0x15: {  	[smem:$0x3FAF] =	sst s0;
	s0 =	simm.s32 @!p2 $0x0  }
0x16: {  	s3 =	sld [smem:$0x3FDB];
	s0 =	simm.s32 @p2 $0x1  }
0x17: {  	s4 =	simm.s32 $0x1BF5;
	[smem:$0x3FB1] =	sst s0  }
0x18: {  	s0 =	sld [smem:$0x3F94];
	_ =	swait.ge [sflag:s4], $0x0  }
0x19: {  	s7 =	sld [smem:$0x3F95]  }
0x1a: {  	s8 =	sadd.s32 $0xFFFFE003, lr  }
0x1b: {  	s9 =	sadd.s32 $0xFFFFFEF7, lr;
	s5 =	simm.s32 $0xFFFFFFFF;
	p2 =	slt.u32 s8, $0xFFFFF086  }
0x1c: {  	p1 =	slt.u32 s9, $0xF7A;
	s5 =	simm.s32 @!p2 $0x0  }
0x1d: {  	s5 =	simm.s32 @p1 $0x1;
	p0 =	seq.s32 s7, s2  }
0x1e: {  	s7 =	smul.u32 @!p0 $0xF7A, s2;
	p2 =	seq.s32 @!p0 s5, $0x0  }
0x1f: {  	s9 =	smul.u32 $0xF7A, s1;
	s8 =	simm.s32 @!p0 $0x1BF5;
	p2 =	por !p2, p0  }
0x20: {  	[sflag:s8] =	ssyncset.s32 @!p0 $0xFFFFF086;
	s6 =	sadd.s32 @!p0 s3, s7;
	s7 =	simm.s32 @!p0 $0x108  }
0x21: {  	s3 =	sadd.s32 s3, s9;
	s6 =	sadd.s32 @!p0 $0x88, s6;
	s7 =	simm.s32 @p2 $0x1082  }
0x22: {  	[simem:s7], [sflag:s8] =	dma.local @!p0 [hbm:s6], $0xF7A  }
0x23: {  	s9 =	sor.u32 $0xD0000000, s2;
	s6 =	simm.s32 $0x108;
	_ =	swait.ge @!p0 [sflag:s8], $0x0  }
0x24: {  	s3 =	sadd.s32 $0x88, s3;
	s6 =	simm.s32 @!p1 $0x1082;
	[sflag:s4] =	ssyncset.s32 $0xFFFFF086  }
0x25: {  	[simem:s6], [sflag:s4] =	dma.local [hbm:s3], $0xF7A  }
0x26: {  	[smem:$0x3F95] =	sst s1;
	(tag) =	ssettag s2;
	_ =	strace s9  }
0x27: {  	s1 =	sld [smem:$0x3FA5]  }
0x28: {  	s2 =	sld [smem:$0x3FA6]  }
0x29: {  	s4 =	sld [smem:$0x3FA8]  }
0x2a: {  	p0 =	seq.s32 s5, $0x0;
	s5 =	sld [smem:$0x3FA9]  }
0x2b: {  	s6 =	sld [smem:$0x3FAA]  }
0x2c: {  	s7 =	sld [smem:$0x3FAB]  }
0x2d: {  	s3 =	simm.s32 $0x108;
	s8 =	sld [smem:$0x3FAC]  }
0x2e: {  	s3 =	simm.s32 @!p0 $0x1082;
	s9 =	sld [smem:$0x3FAD]  }
0x2f: {  	lr =	sadd.s32 s0, s3;
	s0 =	sld [smem:$0x3FA4]  }
0x30: {  	s3 =	sld [smem:$0x3FA7]  }
0x31: {  	[smem:$0x3FB0] =	sst s10  }
0x32: {  	s10 =	sld [smem:$0x3FAE];
	_ =	sdelay $0x3  }
0x33: {  	p0 =	seq.s32 s10, $0x1;
	s10 =	sld [smem:$0x3FB0];
	_ =	sdelay $0x3  }
0x34: {  	[smem:$0x3FB0] =	sst s10  }
0x35: {  	s10 =	sld [smem:$0x3FAF];
	_ =	sdelay $0x3  }
0x36: {  	p1 =	seq.s32 s10, $0x1;
	s10 =	sld [smem:$0x3FB0];
	_ =	sdelay $0x3  }
0x37: {  	[smem:$0x3FB0] =	sst s10  }
0x38: {  	s10 =	sld [smem:$0x3FB1]  }
0x39: {  	_ = 	snop;
	(pc) =	sbr.ind lr, $3  }
0x3a: {  	_ = 	snop  }
0x3b: {  	_ = 	snop  }
0x3c: {  	p2 =	seq.s32 s10, $0x1;
	s10 =	sld [smem:$0x3FB0]  }
0x3d: {  	_ =	shalt  }
0x3e: {  	_ =	shalt  }
0x3f: {  	_ =	shalt  }
0x40: {  	_ =	shalt  }
0x41: {  	_ =	shalt  }
0x42: {  	_ =	shalt  }
0x43: {  	_ =	shalt  }
0x44: {  	_ =	shalt  }
0x45: {  	_ =	shalt  }
0x46: {  	_ =	shalt  }
0x47: {  	_ =	shalt  }
0x48: {  	_ =	shalt  }
0x49: {  	_ =	shalt  }
0x4a: {  	_ =	shalt  }
0x4b: {  	_ =	shalt  }
0x4c: {  	_ =	shalt  }
0x4d: {  	_ =	shalt  }
0x4e: {  	_ =	shalt  }
0x4f: {  	_ =	shalt  }
0x50: {  	_ =	shalt  }
0x51: {  	_ =	shalt  }
0x52: {  	_ =	shalt  }
0x53: {  	_ =	shalt  }
0x54: {  	_ =	shalt  }
0x55: {  	_ =	shalt  }
0x56: {  	_ =	shalt  }
0x57: {  	_ =	shalt  }
0x58: {  	_ =	shalt  }
0x59: {  	_ =	shalt  }
0x5a: {  	_ =	shalt  }
0x5b: {  	_ =	shalt  }
0x5c: {  	_ =	shalt  }
0x5d: {  	_ =	shalt  }
0x5e: {  	_ =	shalt  }
0x5f: {  	_ =	shalt  }
0x60: {  	_ =	shalt  }
0x61: {  	_ =	shalt  }
0x62: {  	_ =	shalt  }
0x63: {  	_ =	shalt  }
0x64: {  	_ =	shalt  }
0x65: {  	_ =	shalt  }
0x66: {  	_ =	shalt  }
0x67: {  	_ =	shalt  }
0x68: {  	_ =	shalt  }
0x69: {  	_ =	shalt  }
0x6a: {  	_ =	shalt  }
0x6b: {  	_ =	shalt  }
0x6c: {  	_ =	shalt  }
0x6d: {  	_ =	shalt  }
0x6e: {  	_ =	shalt  }
0x6f: {  	_ =	shalt  }
0x70: {  	_ =	shalt  }
0x71: {  	_ =	shalt  }
0x72: {  	_ =	shalt  }
0x73: {  	_ =	shalt  }
0x74: {  	_ =	shalt  }
0x75: {  	_ =	shalt  }
0x76: {  	_ =	shalt  }
0x77: {  	_ =	shalt  }
0x78: {  	_ =	shalt  }
0x79: {  	_ =	shalt  }
0x7a: {  	_ =	shalt  }
0x7b: {  	_ =	shalt  }
0x7c: {  	_ =	shalt  }
0x7d: {  	_ =	shalt  }
0x7e: {  	_ =	shalt  }
0x7f: {  	_ =	shalt  }
0x80: {  	_ =	shalt  }
0x81: {  	_ =	shalt  }
0x82: {  	_ =	shalt  }
0x83: {  	_ =	shalt  }
0x84: {  	_ =	shalt  }
0x85: {  	_ =	shalt  }
0x86: {  	_ =	shalt  }
0x87: {  	_ =	shalt  }
.Lfunc_end0:
.L_simem_size_0:
called_computation.4_lowered:
.L_overlay_start_0:
0x88: {  	s2 =	sld [smem:$0x3FD9]  }
0x89: {  	s3 =	sld [smem:$0x3FFE];
	_ =	sdelay $0x1  }
0x8a: {  	s1 =	srdreg.scid  }
0x8b: {  	s0 =	sand.u32 $0x1, s1  }
0x8c: {  	s17 =	sshll.u32 s0, $0xA;
	s2 =	sadd.s32 s3, s2  }
0x8d: {  	s2 =	sadd.s32 s2, s17  }
0x8e: {  	[smem:$0x3FBC] =	sst s2  }
0x8f: {  	_ = 	snop  }
0x90: {  	(tm) =	ssettm $0x1  }
0x91: {  	s18 =	sld [smem:$0x3FFB];
	_ =	sdelay $0x3  }
0x92: {  	_ =	strace s18  }
0x93: {  	s2 =	sld [smem:$0x3FFC];
	_ =	sdelay $0x3  }
0x94: {  	_ =	strace s2  }
0x95: {  	s2 =	sld [smem:$0x3FFD];
	_ =	sdelay $0x3  }
0x96: {  	_ =	strace s2  }
0x97: {  	_ =	strace $0x8FFFFFFF  }
0x98: {  	s19 =	sld [smem:$0x3FDB];
	_ =	sdelay $0x1  }
0x99: {  	s20 =	simm.s32 $_scs_section_size  }
0x9a: {  	s4 =	simm.s32 $_size__tile_overlayer_lowered;
	s5 =	simm.s32 $_tile_overlayer_lowered  }
0x9b: {  	s6 =	simm.s32 $0x1BFF;
	s21 =	sshll.u32 s5, $0x1;
	s3 =	sadd.s32 s20, s19  }
0x9c: {  	s22 =	simm.s32 $0x0;
	s4 =	sshll.u32 s4, $0x1;
	s5 =	sadd.s32 s21, s3  }
0x9d: {  	[timem:s22], [sflag:s6] =	dma.local [hbm:s5], s4  }
0x9e: {  	_ =	swait.ge [sflag:s6], s4  }
0x9f: {  	s4 =	ssub.s32 $0x0, s4;
	[sflag:s6] =	ssyncset.done $0x0  }
0xa0: {  	[sflag:s6] =	ssyncadd.s32 s4;
	_ =	sdelay $0x1  }
0xa1: {  	s23 =	simm.s32 $0x1B8B  }
0xa2: {  	_ =	swait.ge [sflag:s23], $0x1  }
0xa3: {  	[sflag:s23] =	ssyncset.done $0x0  }
0xa4: {  	[sflag:s23] =	ssyncadd.s32 $0xFFFFFFFF  }
0xa5: {  	s4 =	sld [smem:$0x0]  }
0xa6: {  	s5 =	sand.u32 $0xFFFFFFFE, s1  }
0xa7: {  	p0 =	sne.s32 s1, s5  }
0xa8: {  	s5 =	sshll.u32 @p0 s5, $0xE  }
0xa9: {  	s5 =	sadd.s32 @p0 $0x11B8D, s5;
	s6 =	sshll.u32 @p0 s4, $0x11  }
0xaa: {  	s5 =	sor.u32 @p0 s6, s5  }
0xab: {  	[sflag:s5] =	ssyncadd.remote.s32 @p0 $0x1;
	_ =	sdelay $0x1  }
0xac: {  	s5 =	simm.s32 @p0 $0x1B8D  }
0xad: {  	_ =	swait.eq @p0 [sflag:s5], $0x1  }
0xae: {  	[sflag:s5] =	ssyncadd.s32 @p0 $0xFFFFFFFF  }
0xaf: {  	s6 =	sshll.u32 @!p0 s1, $0xE  }
0xb0: {  	s6 =	sor.u32 @!p0 $0x4000, s6;
	s5 =	simm.s32 @!p0 $0x1B8D  }
0xb1: {  	s4 =	sshll.u32 @!p0 s4, $0x11;
	s6 =	sadd.s32 @!p0 $0x11B8D, s6;
	_ =	swait.eq @!p0 [sflag:s5], $0x1  }
0xb2: {  	s4 =	sor.u32 @!p0 s4, s6;
	[sflag:s5] =	ssyncadd.s32 @!p0 $0xFFFFFFFF  }
0xb3: {  	s25 =	simm.s32 $0x1B8E;
	s24 =	sld [smem:$0x3FFE];
	[sflag:s4] =	ssyncadd.remote.s32 @!p0 $0x1  }
0xb4: {  	s26 =	simm.s32 $execute0_lowered;
	[smem:$0x3FD2] =	sst s25  }
0xb5: {  	s5 =	sshll.u32 s26, $0x1;
	_ =	strace $0x8000004F;
	[dreg:$0x1] =	wrdreg $0xFFFFFFFF  }
0xb6: {  	s28 =	simm.s32 $_size_execute0_lowered;
	s3 =	sadd.s32 s3, s5;
	[dreg:$0x0] =	wrdreg $0x0  }
0xb7: {  	s5 =	sshll.u32 s28, $0x1;
	[dreg:$0x2] =	wrdreg s3  }
0xb8: {  	[dreg:$0x3] =	wrdreg s5  }
0xb9: {  	[dreg:$0x4] =	wrdreg $0xC0  }
0xba: {  	_ =	task [dreg:s22], $0x5FFFF  }
0xbb: {  	[dreg:$0x1] =	wrdreg $0xFFFFFFFF  }
0xbc: {  	[dreg:$0x0] =	wrdreg $0x60  }
0xbd: {  	[dreg:$0x2] =	wrdreg s24  }
0xbe: {  	[dreg:$0x3] =	wrdreg $0x98000  }
0xbf: {  	[dreg:$0x4] =	wrdreg $0xA  }
0xc0: {  	_ =	task.clear_ibuf [dreg:s22], $0x5FFFF;
	_ =	strace $0x9000004F  }
0xc1: {  	s29 =	simm.s32 $0xA;
	_ =	strace $0x80000051  }
0xc2: {  	_ =	swait.ge [sflag:s29], $0x1  }
0xc3: {  	[sflag:s29] =	ssyncadd.s32 $0xFFFFFFFF  }
0xc4: {  	_ =	strace $0x90000051  }
0xc5: {  	_ =	sfence  }
0xc6: {  	s30 =	sld [smem:$0x0];
	_ =	sdelay $0x2  }
0xc7: {  	s31 =	sshll.u32 s1, $0xD;
	s1 =	sshrl.u32 s1, $0x2  }
0xc8: {  	s4 =	sand.u32 $0x4000, s31;
	s1 =	sadd.s32 s1, s30  }
0xc9: {  	s0 =	sor.u32 s4, s0;
	s1 =	sshll.u32 s1, $0x11  }
0xca: {  	s0 =	sor.u32 s1, s0  }
0xcb: {  	s0 =	sadd.s32 $0x8F2B, s0  }
0xcc: {  	[sflag:s0] =	ssyncadd.remote.s32 $0x1  }
0xcd: {  	_ =	sfence.sel $0xFFFF  }
0xce: {  	[dreg:$0x0] =	wrdreg $0xFFFFFFFF;
	(pc) =	sbr.abs _section_cstart, $3  }
0xcf: {  	[dreg:$0x1] =	wrdreg $0xFFFFFFFF  }
0xd0: {  	_ =	task.clear_ibuf [dreg:s22], $0x2FFFF;
	_ =	strace $0x9FFFFFFF  }
0xd1: {  	(tm) =	ssettm $0x7FFFFFFF  }
tec
execute0_lowered:
.L_overlay_start_1:
0x0: {  	(tag) =	ssettag $0x1  }
0x1: {  	s9 =	rddreg [dreg:$0x0]  }
0x2: {  	s1 =	rddreg [dreg:$0x1]  }
0x3: {  	s2 =	simm.s32 $0x0;
	s6 =	srdreg.scid;
	s0 =	stileid.u32  }
0x4: {  	s17 =	simm.s32 $0x50;
	s18 =	simm.s32 $0x2000;
	s19 =	simm.s32 $0x4800  }
0x5: {  	s20 =	simm.s32 $0x1;
	s21 =	simm.s32 $0x2;
	s22 =	simm.s32 $0x1C00  }
0x6: {  	s26 =	simm.s32 $0x0;
	[smem:$0x7FF] =	sst s2;
	s4 =	sadd.s32 $0x383200, s9  }
0x7: {  	s5 =	sadd.s32 $0x30B200, s9;
	s10 =	sand.u32 $0x1, s6;
	s11 =	smul.u32 $0x4E200, s0  }
0x8: {  	s6 =	sadd.s32 $0x12E200, s9;
	s7 =	sadd.s32 $0x3E400, s9;
	s8 =	smul.u32 $0x5000, s0  }
0x9: {  	s9 =	sadd.s32 $0xBC5C00, s9;
	s30 =	sshll.u32 s0, $0x6;
	s16 =	smul.u32 $0x13C00, s0  }
0xa: {  	_ =	strace $0x80000050;
	s12 =	smul.u32 $0x1E0000, s10;
	s13 =	ssub.s32 $0x2, s10  }
0xb: {  	s15 =	smul.u32 $0x768000, s10;
	s14 =	sshrl.u32 s13, $0x1;
	s29 =	sshrl.u32 s11, $0x2  }
0xc: {  	s10 =	sor.u32 $0x1C03, s30;
	s13 =	ssub.s32 s13, s14;
	s31 =	sadd.s32 s29, s1  }
0xd: {  	s11 =	sadd.s32 s12, s8;
	s12 =	sadd.s32 s15, s16;
	s15 =	simm.s32 $0x3  }
0xe: {  	s16 =	simm.s32 $0x1000;
	s13 =	smax.u32 s13, $0x1;
	s14 =	sshrl.u32 s31, $0x3  }
.LBB2_1:
0xf: {  	s23 =	simm.s32 $0x0  }
.LBB2_2:
0x10: {  	[spmem:s14], [sflag:s10] =	dma.local [hbm:s7], $0x2710  }
0x11: {  	_ =	swait.ge [sflag:s15], $0x2710  }
0x12: {  	s25 =	smul.u32 $0x50000, s23;
	[sflag:s15] =	ssyncset.done $0x0  }
0x13: {  	s28 =	simm.s32 $0x0;
	[sflag:s15] =	ssyncadd.s32 $0xFFFFD8F0  }
0x14: {  	s24 =	sadd.s32 s11, s25;
	s25 =	sadd.s32 s8, s25;
	[bflag:$0x0] =	sbarrier.arrive $0xFFFF  }
.LBB2_3:
0x15: {  	s29 =	sshll.u32 s28, $0xC  }
0x16: {  	s30 =	sadd.s32 s29, s24  }
0x17: {  	s30 =	sshrl.u32 s30, $0x3  }
0x18: {  	s30 =	sadd.s32 s5, s30  }
0x19: {  	[tilespmem:s26], [sflag:$0x3] =	stream.linear.gather [hbm4b:s30+s26], $0xC80, $0x38;
	[tilespmem:$0x1D080] =	vst v63  }
0x1a: {  	s29 =	sadd.s32 s29, s25;
	_ =	swait.ge [sflag:s15], $0xC80  }
0x1b: {  	s29 =	sshrl.u32 s29, $0x3;
	[sflag:s15] =	ssyncset.done $0x0  }
0x1c: {  	s29 =	sadd.s32 s6, s29;
	[sflag:s15] =	ssyncadd.s32 $0xFFFFF380  }
0x1d: {  	[tilespmem:s16], [sflag:$0x3] =	stream.linear.gather [hbm4b:s29+s26], $0xC80, $0x38;
	[tilespmem:$0x1D080] =	vst v63  }
0x1e: {  	_ =	swait.ge [sflag:s15], $0xC80  }
0x1f: {  	[sflag:s15] =	ssyncset.done $0x0  }
0x20: {  	[sflag:s15] =	ssyncadd.s32 $0xFFFFF380  }
0x21: {  	[tilespmem:s18], [sflag:$0x1] =	stream.indirect.gather [hbm4b:s4+s17], $0x80, s26, s17, $0xb8;
	[tilespmem:$0x1D080] =	vst v63  }
0x22: {  	s29 =	simm.s32 $0x80  }
0x23: {  	[tilespmem:s19], [sflag:$0x2] =	stream.indirect.gather [hbm4b:s4+s17], $0x80, s29, s17, $0xb8;
	[tilespmem:$0x1D080] =	vst v63  }
0x24: {  	_ =	swait.ge [sflag:s20], $0x2800  }
0x25: {  	[sflag:s20] =	ssyncset.done $0x0  }
0x26: {  	s29 =	simm.s32 $0x1000;
	[sflag:s20] =	ssyncadd.s32 $0xFFFFD800  }
0x27: {  	[spmem:s1] =	stream.indirect.scatter.add.f32 [tilespmem:s18], [sflag:$0x3], $0x80, s29, s17, $0xb8;
	[tilespmem:$0x1D080] =	vst v63  }
0x28: {  	_ =	swait.ge [sflag:s15], $0x2800  }
0x29: {  	[sflag:s15] =	ssyncset.done $0x0  }
0x2a: {  	s29 =	simm.s32 $0x100;
	[sflag:s15] =	ssyncadd.s32 $0xFFFFD800  }
0x2b: {  	[tilespmem:s18], [sflag:$0x1] =	stream.indirect.gather [hbm4b:s4+s17], $0x80, s29, s17, $0xb8;
	[tilespmem:$0x1D080] =	vst v63  }
0x2c: {  	_ =	swait.ge [sflag:s21], $0x2800  }
0x2d: {  	[sflag:s21] =	ssyncset.done $0x0  }
0x2e: {  	s29 =	simm.s32 $0x1080;
	[sflag:s21] =	ssyncadd.s32 $0xFFFFD800  }
0x2f: {  	[spmem:s1] =	stream.indirect.scatter.add.f32 [tilespmem:s19], [sflag:$0x3], $0x80, s29, s17, $0xb8;
	[tilespmem:$0x1D080] =	vst v63  }
0x30: {  	_ =	swait.ge [sflag:s15], $0x2800  }
0x31: {  	s30 =	simm.s32 $0x800;
	s29 =	simm.s32 $0x100;
	[sflag:s15] =	ssyncset.done $0x0  }
.LBB2_4:
0x32: {  	s31 =	sadd.s32 $0x80, s29  }
0x33: {  	[sflag:s15] =	ssyncadd.s32 $0xFFFFD800;
	s0 =	smov.u32 s30;
	s3 =	sadd.s32 $0x400, s30  }
0x34: {  	[tilespmem:s19], [sflag:$0x2] =	stream.indirect.gather [hbm4b:s4+s17], $0x80, s31, s17, $0xb8;
	[tilespmem:$0x1D080] =	vst v63  }
0x35: {  	p0 =	sne.s32 s30, $0x2C00;
	_ =	swait.ge [sflag:s20], $0x2800  }
0x36: {  	[sflag:s20] =	ssyncset.done $0x0  }
0x37: {  	s30 =	sadd.s32 $0x1000, s29;
	[sflag:s20] =	ssyncadd.s32 $0xFFFFD800  }
0x38: {  	[spmem:s1] =	stream.indirect.scatter.add.f32 [tilespmem:s18], [sflag:$0x3], $0x80, s30, s17, $0xb8;
	[tilespmem:$0x1D080] =	vst v63  }
0x39: {  	_ =	swait.ge [sflag:s15], $0x2800  }
0x3a: {  	[sflag:s15] =	ssyncset.done $0x0  }
0x3b: {  	s30 =	sadd.s32 $0x100, s29;
	[sflag:s15] =	ssyncadd.s32 $0xFFFFD800  }
0x3c: {  	[tilespmem:s18], [sflag:$0x1] =	stream.indirect.gather [hbm4b:s4+s17], $0x80, s30, s17, $0xb8;
	[tilespmem:$0x1D080] =	vst v63  }
0x3d: {  	_ =	swait.ge [sflag:s21], $0x2800  }
.Ltmp0:
0x3e: {  	[sflag:s21] =	ssyncset.done $0x0;
	(pc) =	sbr.rel @p0 .LBB2_4-.Ltmp0, $4  }
0x3f: {  	s29 =	sadd.s32 $0x1080, s29;
	[sflag:s21] =	ssyncadd.s32 $0xFFFFD800  }
0x40: {  	[spmem:s1] =	stream.indirect.scatter.add.f32 [tilespmem:s19], [sflag:$0x3], $0x80, s29, s17, $0xb8;
	[tilespmem:$0x1D080] =	vst v63  }
0x41: {  	_ =	swait.ge [sflag:s15], $0x2800  }
0x42: {  	s30 =	smov.u32 s3;
	s29 =	sshra.s32 s0, $0x2;
	[sflag:s15] =	ssyncset.done $0x0  }
0x43: {  	s0 =	sadd.s32 $0x80, s29;
	[sflag:s15] =	ssyncadd.s32 $0xFFFFD800  }
0x44: {  	[tilespmem:s19], [sflag:$0x2] =	stream.indirect.gather [hbm4b:s4+s17], $0x80, s0, s17, $0xb8;
	[tilespmem:$0x1D080] =	vst v63  }
0x45: {  	_ =	swait.ge [sflag:s20], $0x2800  }
0x46: {  	[sflag:s20] =	ssyncset.done $0x0  }
0x47: {  	s3 =	sadd.s32 $0x1000, s29;
	[sflag:s20] =	ssyncadd.s32 $0xFFFFD800  }
0x48: {  	[spmem:s1] =	stream.indirect.scatter.add.f32 [tilespmem:s18], [sflag:$0x3], $0x80, s3, s17, $0xb8;
	[tilespmem:$0x1D080] =	vst v63  }
0x49: {  	_ =	swait.ge [sflag:s15], $0x2800  }
0x4a: {  	[sflag:s15] =	ssyncset.done $0x0  }
0x4b: {  	s30 =	sadd.s32 $0x100, s29;
	[sflag:s15] =	ssyncadd.s32 $0xFFFFD800  }
0x4c: {  	[tilespmem:s18], [sflag:$0x1] =	stream.indirect.gather [hbm4b:s4+s17], $0x80, s30, s17, $0xb8;
	[tilespmem:$0x1D080] =	vst v63  }
0x4d: {  	_ =	swait.ge [sflag:s21], $0x2800  }
0x4e: {  	[sflag:s21] =	ssyncset.done $0x0  }
0x4f: {  	s31 =	sadd.s32 $0x1080, s29;
	[sflag:s21] =	ssyncadd.s32 $0xFFFFD800  }
0x50: {  	[spmem:s1] =	stream.indirect.scatter.add.f32 [tilespmem:s19], [sflag:$0x3], $0x80, s31, s17, $0xb8;
	[tilespmem:$0x1D080] =	vst v63  }
0x51: {  	_ =	swait.ge [sflag:s15], $0x2800  }
0x52: {  	[sflag:s15] =	ssyncset.done $0x0  }
0x53: {  	[sflag:s15] =	ssyncadd.s32 $0xFFFFD800  }
0x54: {  	s28 =	sadd.s32 $0x1, s28;
	_ =	swait.ge [sflag:s20], $0x2800  }
0x55: {  	p0 =	sne.s32 s28, $0x5;
	[sflag:s20] =	ssyncset.done $0x0  }
.Ltmp1:
0x56: {  	[sflag:s20] =	ssyncadd.s32 $0xFFFFD800;
	(pc) =	sbr.rel @p0 .LBB2_3-.Ltmp1, $4  }
0x57: {  	[spmem:s1] =	stream.indirect.scatter.add.f32 [tilespmem:s18], [sflag:$0x3], $0x80, s22, s17, $0xb8;
	[tilespmem:$0x1D080] =	vst v63  }
0x58: {  	_ =	swait.ge [sflag:s15], $0x2800  }
0x59: {  	[sflag:s15] =	ssyncset.done $0x0  }
0x5a: {  	[sflag:s15] =	ssyncadd.s32 $0xFFFFD800  }
0x5b: {  	s0 =	smul.u32 $0x13C000, s23;
	_ =	sdelay $0x1  }
0x5c: {  	s23 =	sadd.s32 $0x1, s23;
	s0 =	sadd.s32 s0, s12  }
0x5d: {  	p0 =	sne.s32 s23, $0x6;
	s0 =	sshrl.u32 s0, $0x3  }
.Ltmp2:
0x5e: {  	[bflag:$0x0] =	sbarrier.arrive $0xFFFF;
	s0 =	sadd.s32 s9, s0;
	(pc) =	sbr.rel @p0 .LBB2_2-.Ltmp2, $4  }
0x5f: {  	[hbm:s0], [sflag:s10] =	dma.local [spmem:s14], $0x2710  }
0x60: {  	_ =	swait.ge [sflag:s15], $0x2710  }
0x61: {  	[sflag:s15] =	ssyncset.done $0x0  }
0x62: {  	[sflag:s15] =	ssyncadd.s32 $0xFFFFD8F0  }
0x63: {  	s2 =	sadd.s32 $0x1, s2  }
0x64: {  	p0 =	sne.s32 s2, s13  }
.Ltmp3:
0x65: {  	_ = 	snop;
	(pc) =	sbr.rel @p0 .LBB2_1-.Ltmp3, $1  }
0x66: {  	_ =	sdelay $0x3  }
0x67: {  	_ =	sfence.sel $0x180000  }
0x68: {  	[bflag:$0x0] =	sbarrier.arrive $0xFFFF  }
0x69: {  	_ =	strace $0x90000050  }
0x6a: {  	s0 =	stileid.u32;
	[bflag:$0x2] =	sbarrier.arrive $0xFFFF  }
0x6b: {  	p0 =	sne.s32 s0, $0x0;
	s0 =	rddreg [dreg:$0x2]  }
0x6c: {  	s0 =	sadd.s32 @!p0 $0x100000, s0  }
0x6d: {  	[sflag:s0] =	ssyncadd.tile.s32 @!p0 $0x1;
	_ =	shalt  }
.Lfunc_end2:
_tile_overlayer_lowered:
.L_overlay_start_2:
0x6e: {  	(tag) =	ssettag $0x2  }
0x6f: {  	s0 =	rddreg [dreg:$0x0];
	s2 =	stileid.u32  }
0x70: {  	s1 =	rddreg [dreg:$0x1];
	p0 =	sne.s32 s2, $0x0  }
0x71: {  	s3 =	rddreg [dreg:$0x2];
	[bflag:$0x3] =	sbarrier.arrive $0xFFFF;
	s2 =	simm.s32 @!p0 $0x1C03  }
0x72: {  	[timem:s3], [sflag:s2] =	dma.local @!p0 [hbm:s0], s1  }
0x73: {  	s0 =	simm.s32 @!p0 $0x3  }
0x74: {  	_ =	swait.ge @!p0 [sflag:s0], s1  }
0x75: {  	s1 =	ssub.s32 @!p0 $0x0, s1;
	[sflag:s0] =	ssyncset.done @!p0 $0x0  }
0x76: {  	[sflag:s0] =	ssyncadd.s32 @!p0 s1  }
0x77: {  	[bflag:$0x3] =	sbarrier.arrive $0xFFFF  }
0x78: {  	_ =	shalt  }

// kernel: kernel.30.cloned.1.call-start
scs
__scs_entry_jumppad:
0x0: {  	(pc) =	sbr.rel $0x88, $3  }
0x1: {  	(tag) =	ssettag $0x0;
	lr =	simm.s32 $0x1  }
0x2: {  	[smem:$0x3F95] =	sst lr;
	_ =	strace $0xD0000000  }
0x3: {  	_ = 	snop  }
0x4: {  	_ = 	snop  }
0x5: {  	_ = 	snop  }
0x6: {  	_ = 	snop  }
0x7: {  	_ = 	snop  }
__scs_overlays_trampoline_lowered:
0x8: {  	[smem:$0x3FA4] =	sst s0  }
0x9: {  	[smem:$0x3FA5] =	sst s1  }
0xa: {  	[smem:$0x3FA6] =	sst s2  }
0xb: {  	[smem:$0x3FA7] =	sst s3  }
0xc: {  	[smem:$0x3FA8] =	sst s4  }
0xd: {  	[smem:$0x3FA9] =	sst s5  }
0xe: {  	[smem:$0x3FAA] =	sst s6  }
0xf: {  	[smem:$0x3FAB] =	sst s7  }
0x10: {  	[smem:$0x3FAC] =	sst s8  }
0x11: {  	[smem:$0x3FAD] =	sst s9;
	s0 =	simm.s32 @!p0 $0x0  }
0x12: {  	s1 =	sld [smem:$0x3F93];
	s0 =	simm.s32 @p0 $0x1  }
0x13: {  	[smem:$0x3FAE] =	sst s0;
	s0 =	simm.s32 @!p1 $0x0  }
0x14: {  	s2 =	sld [smem:$0x3F92];
	s0 =	simm.s32 @p1 $0x1  }
0x15: {  	[smem:$0x3FAF] =	sst s0;
	s0 =	simm.s32 @!p2 $0x0  }
0x16: {  	s3 =	sld [smem:$0x3FDB];
	s0 =	simm.s32 @p2 $0x1  }
0x17: {  	s4 =	simm.s32 $0x1BF5;
	[smem:$0x3FB1] =	sst s0  }
0x18: {  	s0 =	sld [smem:$0x3F94];
	_ =	swait.ge [sflag:s4], $0x0  }
0x19: {  	s7 =	sld [smem:$0x3F95]  }
0x1a: {  	s8 =	sadd.s32 $0xFFFFE003, lr  }
0x1b: {  	s9 =	sadd.s32 $0xFFFFFEF7, lr;
	s5 =	simm.s32 $0xFFFFFFFF;
	p2 =	slt.u32 s8, $0xFFFFF086  }
0x1c: {  	p1 =	slt.u32 s9, $0xF7A;
	s5 =	simm.s32 @!p2 $0x0  }
0x1d: {  	s5 =	simm.s32 @p1 $0x1;
	p0 =	seq.s32 s7, s2  }
0x1e: {  	s7 =	smul.u32 @!p0 $0xF7A, s2;
	p2 =	seq.s32 @!p0 s5, $0x0  }
0x1f: {  	s9 =	smul.u32 $0xF7A, s1;
	s8 =	simm.s32 @!p0 $0x1BF5;
	p2 =	por !p2, p0  }
0x20: {  	[sflag:s8] =	ssyncset.s32 @!p0 $0xFFFFF086;
	s6 =	sadd.s32 @!p0 s3, s7;
	s7 =	simm.s32 @!p0 $0x108  }
0x21: {  	s3 =	sadd.s32 s3, s9;
	s6 =	sadd.s32 @!p0 $0x88, s6;
	s7 =	simm.s32 @p2 $0x1082  }
0x22: {  	[simem:s7], [sflag:s8] =	dma.local @!p0 [hbm:s6], $0xF7A  }
0x23: {  	s9 =	sor.u32 $0xD0000000, s2;
	s6 =	simm.s32 $0x108;
	_ =	swait.ge @!p0 [sflag:s8], $0x0  }
0x24: {  	s3 =	sadd.s32 $0x88, s3;
	s6 =	simm.s32 @!p1 $0x1082;
	[sflag:s4] =	ssyncset.s32 $0xFFFFF086  }
0x25: {  	[simem:s6], [sflag:s4] =	dma.local [hbm:s3], $0xF7A  }
0x26: {  	[smem:$0x3F95] =	sst s1;
	(tag) =	ssettag s2;
	_ =	strace s9  }
0x27: {  	s1 =	sld [smem:$0x3FA5]  }
0x28: {  	s2 =	sld [smem:$0x3FA6]  }
0x29: {  	s4 =	sld [smem:$0x3FA8]  }
0x2a: {  	p0 =	seq.s32 s5, $0x0;
	s5 =	sld [smem:$0x3FA9]  }
0x2b: {  	s6 =	sld [smem:$0x3FAA]  }
0x2c: {  	s7 =	sld [smem:$0x3FAB]  }
0x2d: {  	s3 =	simm.s32 $0x108;
	s8 =	sld [smem:$0x3FAC]  }
0x2e: {  	s3 =	simm.s32 @!p0 $0x1082;
	s9 =	sld [smem:$0x3FAD]  }
0x2f: {  	lr =	sadd.s32 s0, s3;
	s0 =	sld [smem:$0x3FA4]  }
0x30: {  	s3 =	sld [smem:$0x3FA7]  }
0x31: {  	[smem:$0x3FB0] =	sst s10  }
0x32: {  	s10 =	sld [smem:$0x3FAE];
	_ =	sdelay $0x3  }
0x33: {  	p0 =	seq.s32 s10, $0x1;
	s10 =	sld [smem:$0x3FB0];
	_ =	sdelay $0x3  }
0x34: {  	[smem:$0x3FB0] =	sst s10  }
0x35: {  	s10 =	sld [smem:$0x3FAF];
	_ =	sdelay $0x3  }
0x36: {  	p1 =	seq.s32 s10, $0x1;
	s10 =	sld [smem:$0x3FB0];
	_ =	sdelay $0x3  }
0x37: {  	[smem:$0x3FB0] =	sst s10  }
0x38: {  	s10 =	sld [smem:$0x3FB1]  }
0x39: {  	_ = 	snop;
	(pc) =	sbr.ind lr, $3  }
0x3a: {  	_ = 	snop  }
0x3b: {  	_ = 	snop  }
0x3c: {  	p2 =	seq.s32 s10, $0x1;
	s10 =	sld [smem:$0x3FB0]  }
0x3d: {  	_ =	shalt  }
0x3e: {  	_ =	shalt  }
0x3f: {  	_ =	shalt  }
0x40: {  	_ =	shalt  }
0x41: {  	_ =	shalt  }
0x42: {  	_ =	shalt  }
0x43: {  	_ =	shalt  }
0x44: {  	_ =	shalt  }
0x45: {  	_ =	shalt  }
0x46: {  	_ =	shalt  }
0x47: {  	_ =	shalt  }
0x48: {  	_ =	shalt  }
0x49: {  	_ =	shalt  }
0x4a: {  	_ =	shalt  }
0x4b: {  	_ =	shalt  }
0x4c: {  	_ =	shalt  }
0x4d: {  	_ =	shalt  }
0x4e: {  	_ =	shalt  }
0x4f: {  	_ =	shalt  }
0x50: {  	_ =	shalt  }
0x51: {  	_ =	shalt  }
0x52: {  	_ =	shalt  }
0x53: {  	_ =	shalt  }
0x54: {  	_ =	shalt  }
0x55: {  	_ =	shalt  }
0x56: {  	_ =	shalt  }
0x57: {  	_ =	shalt  }
0x58: {  	_ =	shalt  }
0x59: {  	_ =	shalt  }
0x5a: {  	_ =	shalt  }
0x5b: {  	_ =	shalt  }
0x5c: {  	_ =	shalt  }
0x5d: {  	_ =	shalt  }
0x5e: {  	_ =	shalt  }
0x5f: {  	_ =	shalt  }
0x60: {  	_ =	shalt  }
0x61: {  	_ =	shalt  }
0x62: {  	_ =	shalt  }
0x63: {  	_ =	shalt  }
0x64: {  	_ =	shalt  }
0x65: {  	_ =	shalt  }
0x66: {  	_ =	shalt  }
0x67: {  	_ =	shalt  }
0x68: {  	_ =	shalt  }
0x69: {  	_ =	shalt  }
0x6a: {  	_ =	shalt  }
0x6b: {  	_ =	shalt  }
0x6c: {  	_ =	shalt  }
0x6d: {  	_ =	shalt  }
0x6e: {  	_ =	shalt  }
0x6f: {  	_ =	shalt  }
0x70: {  	_ =	shalt  }
0x71: {  	_ =	shalt  }
0x72: {  	_ =	shalt  }
0x73: {  	_ =	shalt  }
0x74: {  	_ =	shalt  }
0x75: {  	_ =	shalt  }
0x76: {  	_ =	shalt  }
0x77: {  	_ =	shalt  }
0x78: {  	_ =	shalt  }
0x79: {  	_ =	shalt  }
0x7a: {  	_ =	shalt  }
0x7b: {  	_ =	shalt  }
0x7c: {  	_ =	shalt  }
0x7d: {  	_ =	shalt  }
0x7e: {  	_ =	shalt  }
0x7f: {  	_ =	shalt  }
0x80: {  	_ =	shalt  }
0x81: {  	_ =	shalt  }
0x82: {  	_ =	shalt  }
0x83: {  	_ =	shalt  }
0x84: {  	_ =	shalt  }
0x85: {  	_ =	shalt  }
0x86: {  	_ =	shalt  }
0x87: {  	_ =	shalt  }
.Lfunc_end0:
.L_simem_size_0:
called_computation.5_lowered:
.L_overlay_start_0:
0x88: {  	s2 =	sld [smem:$0x3FD9]  }
0x89: {  	s3 =	sld [smem:$0x3FFE];
	_ =	sdelay $0x1  }
0x8a: {  	s1 =	srdreg.scid  }
0x8b: {  	s0 =	sand.u32 $0x1, s1  }
0x8c: {  	s17 =	sshll.u32 s0, $0xA;
	s2 =	sadd.s32 s3, s2  }
0x8d: {  	s2 =	sadd.s32 s2, s17  }
0x8e: {  	[smem:$0x3FBC] =	sst s2  }
0x8f: {  	_ = 	snop  }
0x90: {  	(tm) =	ssettm $0x1  }
0x91: {  	s18 =	sld [smem:$0x3FFB];
	_ =	sdelay $0x3  }
0x92: {  	_ =	strace s18  }
0x93: {  	s2 =	sld [smem:$0x3FFC];
	_ =	sdelay $0x3  }
0x94: {  	_ =	strace s2  }
0x95: {  	s2 =	sld [smem:$0x3FFD];
	_ =	sdelay $0x3  }
0x96: {  	_ =	strace s2  }
0x97: {  	_ =	strace $0x8FFFFFFF  }
0x98: {  	s19 =	sld [smem:$0x3FDB];
	_ =	sdelay $0x1  }
0x99: {  	s20 =	simm.s32 $_scs_section_size  }
0x9a: {  	s4 =	simm.s32 $_size__tile_overlayer_lowered;
	s5 =	simm.s32 $_tile_overlayer_lowered  }
0x9b: {  	s6 =	simm.s32 $0x1BFF;
	s21 =	sshll.u32 s5, $0x1;
	s3 =	sadd.s32 s20, s19  }
0x9c: {  	s22 =	simm.s32 $0x0;
	s4 =	sshll.u32 s4, $0x1;
	s5 =	sadd.s32 s21, s3  }
0x9d: {  	[timem:s22], [sflag:s6] =	dma.local [hbm:s5], s4  }
0x9e: {  	_ =	swait.ge [sflag:s6], s4  }
0x9f: {  	s4 =	ssub.s32 $0x0, s4;
	[sflag:s6] =	ssyncset.done $0x0  }
0xa0: {  	[sflag:s6] =	ssyncadd.s32 s4;
	_ =	sdelay $0x1  }
0xa1: {  	s23 =	simm.s32 $0x1B8B  }
0xa2: {  	_ =	swait.ge [sflag:s23], $0x1  }
0xa3: {  	[sflag:s23] =	ssyncset.done $0x0  }
0xa4: {  	[sflag:s23] =	ssyncadd.s32 $0xFFFFFFFF  }
0xa5: {  	s4 =	sld [smem:$0x0]  }
0xa6: {  	s5 =	sand.u32 $0xFFFFFFFE, s1  }
0xa7: {  	p0 =	sne.s32 s1, s5  }
0xa8: {  	s5 =	sshll.u32 @p0 s5, $0xE  }
0xa9: {  	s5 =	sadd.s32 @p0 $0x11B8D, s5;
	s6 =	sshll.u32 @p0 s4, $0x11  }
0xaa: {  	s5 =	sor.u32 @p0 s6, s5  }
0xab: {  	[sflag:s5] =	ssyncadd.remote.s32 @p0 $0x1;
	_ =	sdelay $0x1  }
0xac: {  	s5 =	simm.s32 @p0 $0x1B8D  }
0xad: {  	_ =	swait.eq @p0 [sflag:s5], $0x1  }
0xae: {  	[sflag:s5] =	ssyncadd.s32 @p0 $0xFFFFFFFF  }
0xaf: {  	s6 =	sshll.u32 @!p0 s1, $0xE  }
0xb0: {  	s6 =	sor.u32 @!p0 $0x4000, s6;
	s5 =	simm.s32 @!p0 $0x1B8D  }
0xb1: {  	s4 =	sshll.u32 @!p0 s4, $0x11;
	s6 =	sadd.s32 @!p0 $0x11B8D, s6;
	_ =	swait.eq @!p0 [sflag:s5], $0x1  }
0xb2: {  	s4 =	sor.u32 @!p0 s4, s6;
	[sflag:s5] =	ssyncadd.s32 @!p0 $0xFFFFFFFF  }
0xb3: {  	s25 =	simm.s32 $0x1B8E;
	s24 =	sld [smem:$0x3FFE];
	[sflag:s4] =	ssyncadd.remote.s32 @!p0 $0x1  }
0xb4: {  	s26 =	simm.s32 $execute0_lowered;
	[smem:$0x3FD2] =	sst s25  }
0xb5: {  	s5 =	sshll.u32 s26, $0x1;
	_ =	strace $0x80000055;
	[dreg:$0x1] =	wrdreg $0xFFFFFFFF  }
0xb6: {  	s28 =	simm.s32 $_size_execute0_lowered;
	s3 =	sadd.s32 s3, s5;
	[dreg:$0x0] =	wrdreg $0x0  }
0xb7: {  	s5 =	sshll.u32 s28, $0x1;
	[dreg:$0x2] =	wrdreg s3  }
0xb8: {  	[dreg:$0x3] =	wrdreg s5  }
0xb9: {  	[dreg:$0x4] =	wrdreg $0xC0  }
0xba: {  	_ =	task [dreg:s22], $0x5FFFF  }
0xbb: {  	[dreg:$0x1] =	wrdreg $0xFFFFFFFF  }
0xbc: {  	[dreg:$0x0] =	wrdreg $0x60  }
0xbd: {  	[dreg:$0x2] =	wrdreg s24  }
0xbe: {  	[dreg:$0x3] =	wrdreg $0x98000  }
0xbf: {  	[dreg:$0x4] =	wrdreg $0xA  }
0xc0: {  	_ =	task.clear_ibuf [dreg:s22], $0x5FFFF;
	_ =	strace $0x90000055  }
0xc1: {  	s29 =	simm.s32 $0xA;
	_ =	strace $0x80000057  }
0xc2: {  	_ =	swait.ge [sflag:s29], $0x1  }
0xc3: {  	[sflag:s29] =	ssyncadd.s32 $0xFFFFFFFF  }
0xc4: {  	_ =	strace $0x90000057  }
0xc5: {  	_ =	sfence  }
0xc6: {  	s30 =	sld [smem:$0x0];
	_ =	sdelay $0x2  }
0xc7: {  	s31 =	sshll.u32 s1, $0xD;
	s1 =	sshrl.u32 s1, $0x2  }
0xc8: {  	s4 =	sand.u32 $0x4000, s31;
	s1 =	sadd.s32 s1, s30  }
0xc9: {  	s0 =	sor.u32 s4, s0;
	s1 =	sshll.u32 s1, $0x11  }
0xca: {  	s0 =	sor.u32 s1, s0  }
0xcb: {  	s0 =	sadd.s32 $0x8F2B, s0  }
0xcc: {  	[sflag:s0] =	ssyncadd.remote.s32 $0x1  }
0xcd: {  	_ =	sfence.sel $0xFFFF  }
0xce: {  	[dreg:$0x0] =	wrdreg $0xFFFFFFFF;
	(pc) =	sbr.abs _section_cstart, $3  }
0xcf: {  	[dreg:$0x1] =	wrdreg $0xFFFFFFFF  }
0xd0: {  	_ =	task.clear_ibuf [dreg:s22], $0x2FFFF;
	_ =	strace $0x9FFFFFFF  }
0xd1: {  	(tm) =	ssettm $0x7FFFFFFF  }
tec
execute0_lowered:
.L_overlay_start_1:
0x0: {  	(tag) =	ssettag $0x1  }
0x1: {  	s9 =	rddreg [dreg:$0x0]  }
0x2: {  	s1 =	rddreg [dreg:$0x1]  }
0x3: {  	s3 =	simm.s32 $0x0;
	s5 =	srdreg.scid;
	s0 =	stileid.u32  }
0x4: {  	s17 =	simm.s32 $0x50;
	s18 =	simm.s32 $0x2000;
	s19 =	simm.s32 $0x4800  }
0x5: {  	s20 =	simm.s32 $0x1;
	s21 =	simm.s32 $0x2;
	s22 =	simm.s32 $0x1C00  }
0x6: {  	s26 =	simm.s32 $0x0;
	[smem:$0x7FF] =	sst s3;
	s4 =	sadd.s32 $0x30B200, s9  }
0x7: {  	s10 =	sand.u32 $0x1, s5;
	s11 =	smul.u32 $0x4E200, s0;
	s5 =	sadd.s32 $0x817000, s9  }
0x8: {  	s6 =	sadd.s32 $0x12E200, s9;
	s7 =	sadd.s32 $0x3E400, s9;
	s8 =	smul.u32 $0x5000, s0  }
0x9: {  	s9 =	sadd.s32 $0xBC0800, s9;
	s30 =	sshll.u32 s0, $0x6;
	s16 =	smul.u32 $0x13C00, s0  }
0xa: {  	_ =	strace $0x80000056;
	s12 =	smul.u32 $0x1E0000, s10;
	s13 =	ssub.s32 $0x2, s10  }
0xb: {  	s15 =	smul.u32 $0x768000, s10;
	s14 =	sshrl.u32 s13, $0x1;
	s29 =	sshrl.u32 s11, $0x2  }
0xc: {  	s10 =	sor.u32 $0x1C03, s30;
	s13 =	ssub.s32 s13, s14;
	s31 =	sadd.s32 s29, s1  }
0xd: {  	s11 =	sadd.s32 s12, s8;
	s12 =	sadd.s32 s15, s16;
	s15 =	simm.s32 $0x3  }
0xe: {  	s16 =	simm.s32 $0x1000;
	s13 =	smax.u32 s13, $0x1;
	s14 =	sshrl.u32 s31, $0x3  }
.LBB2_1:
0xf: {  	s23 =	simm.s32 $0x0  }
.LBB2_2:
0x10: {  	[spmem:s14], [sflag:s10] =	dma.local [hbm:s7], $0x2710  }
0x11: {  	_ =	swait.ge [sflag:s15], $0x2710  }
0x12: {  	s25 =	smul.u32 $0x50000, s23;
	[sflag:s15] =	ssyncset.done $0x0  }
0x13: {  	s28 =	simm.s32 $0x0;
	[sflag:s15] =	ssyncadd.s32 $0xFFFFD8F0  }
0x14: {  	s24 =	sadd.s32 s11, s25;
	s25 =	sadd.s32 s8, s25;
	[bflag:$0x0] =	sbarrier.arrive $0xFFFF  }
.LBB2_3:
0x15: {  	s29 =	sshll.u32 s28, $0xC  }
0x16: {  	s30 =	sadd.s32 s29, s24  }
0x17: {  	s30 =	sshrl.u32 s30, $0x3  }
0x18: {  	s30 =	sadd.s32 s4, s30  }
0x19: {  	[tilespmem:s26], [sflag:$0x3] =	stream.linear.gather [hbm4b:s30+s26], $0xC80, $0x38;
	[tilespmem:$0x1D080] =	vst v63  }
0x1a: {  	s29 =	sadd.s32 s29, s25;
	_ =	swait.ge [sflag:s15], $0xC80  }
0x1b: {  	s29 =	sshrl.u32 s29, $0x3;
	[sflag:s15] =	ssyncset.done $0x0  }
0x1c: {  	s29 =	sadd.s32 s6, s29;
	[sflag:s15] =	ssyncadd.s32 $0xFFFFF380  }
0x1d: {  	[tilespmem:s16], [sflag:$0x3] =	stream.linear.gather [hbm4b:s29+s26], $0xC80, $0x38;
	[tilespmem:$0x1D080] =	vst v63  }
0x1e: {  	_ =	swait.ge [sflag:s15], $0xC80  }
0x1f: {  	[sflag:s15] =	ssyncset.done $0x0  }
0x20: {  	[sflag:s15] =	ssyncadd.s32 $0xFFFFF380  }
0x21: {  	[tilespmem:s18], [sflag:$0x1] =	stream.indirect.gather [hbm4b:s5+s17], $0x80, s26, s17, $0xb8;
	[tilespmem:$0x1D080] =	vst v63  }
0x22: {  	s29 =	simm.s32 $0x80  }
0x23: {  	[tilespmem:s19], [sflag:$0x2] =	stream.indirect.gather [hbm4b:s5+s17], $0x80, s29, s17, $0xb8;
	[tilespmem:$0x1D080] =	vst v63  }
0x24: {  	_ =	swait.ge [sflag:s20], $0x2800  }
0x25: {  	[sflag:s20] =	ssyncset.done $0x0  }
0x26: {  	s29 =	simm.s32 $0x1000;
	[sflag:s20] =	ssyncadd.s32 $0xFFFFD800  }
0x27: {  	[spmem:s1] =	stream.indirect.scatter.add.f32 [tilespmem:s18], [sflag:$0x3], $0x80, s29, s17, $0xb8;
	[tilespmem:$0x1D080] =	vst v63  }
0x28: {  	_ =	swait.ge [sflag:s15], $0x2800  }
0x29: {  	[sflag:s15] =	ssyncset.done $0x0  }
0x2a: {  	s29 =	simm.s32 $0x100;
	[sflag:s15] =	ssyncadd.s32 $0xFFFFD800  }
0x2b: {  	[tilespmem:s18], [sflag:$0x1] =	stream.indirect.gather [hbm4b:s5+s17], $0x80, s29, s17, $0xb8;
	[tilespmem:$0x1D080] =	vst v63  }
0x2c: {  	_ =	swait.ge [sflag:s21], $0x2800  }
0x2d: {  	[sflag:s21] =	ssyncset.done $0x0  }
0x2e: {  	s29 =	simm.s32 $0x1080;
	[sflag:s21] =	ssyncadd.s32 $0xFFFFD800  }
0x2f: {  	[spmem:s1] =	stream.indirect.scatter.add.f32 [tilespmem:s19], [sflag:$0x3], $0x80, s29, s17, $0xb8;
	[tilespmem:$0x1D080] =	vst v63  }
0x30: {  	_ =	swait.ge [sflag:s15], $0x2800  }
0x31: {  	s30 =	simm.s32 $0x800;
	s29 =	simm.s32 $0x100;
	[sflag:s15] =	ssyncset.done $0x0  }
.LBB2_4:
0x32: {  	s31 =	sadd.s32 $0x80, s29  }
0x33: {  	[sflag:s15] =	ssyncadd.s32 $0xFFFFD800;
	s0 =	smov.u32 s30;
	s2 =	sadd.s32 $0x400, s30  }
0x34: {  	[tilespmem:s19], [sflag:$0x2] =	stream.indirect.gather [hbm4b:s5+s17], $0x80, s31, s17, $0xb8;
	[tilespmem:$0x1D080] =	vst v63  }
0x35: {  	p0 =	sne.s32 s30, $0x2C00;
	_ =	swait.ge [sflag:s20], $0x2800  }
0x36: {  	[sflag:s20] =	ssyncset.done $0x0  }
0x37: {  	s30 =	sadd.s32 $0x1000, s29;
	[sflag:s20] =	ssyncadd.s32 $0xFFFFD800  }
0x38: {  	[spmem:s1] =	stream.indirect.scatter.add.f32 [tilespmem:s18], [sflag:$0x3], $0x80, s30, s17, $0xb8;
	[tilespmem:$0x1D080] =	vst v63  }
0x39: {  	_ =	swait.ge [sflag:s15], $0x2800  }
0x3a: {  	[sflag:s15] =	ssyncset.done $0x0  }
0x3b: {  	s30 =	sadd.s32 $0x100, s29;
	[sflag:s15] =	ssyncadd.s32 $0xFFFFD800  }
0x3c: {  	[tilespmem:s18], [sflag:$0x1] =	stream.indirect.gather [hbm4b:s5+s17], $0x80, s30, s17, $0xb8;
	[tilespmem:$0x1D080] =	vst v63  }
0x3d: {  	_ =	swait.ge [sflag:s21], $0x2800  }
.Ltmp0:
0x3e: {  	[sflag:s21] =	ssyncset.done $0x0;
	(pc) =	sbr.rel @p0 .LBB2_4-.Ltmp0, $4  }
0x3f: {  	s29 =	sadd.s32 $0x1080, s29;
	[sflag:s21] =	ssyncadd.s32 $0xFFFFD800  }
0x40: {  	[spmem:s1] =	stream.indirect.scatter.add.f32 [tilespmem:s19], [sflag:$0x3], $0x80, s29, s17, $0xb8;
	[tilespmem:$0x1D080] =	vst v63  }
0x41: {  	_ =	swait.ge [sflag:s15], $0x2800  }
0x42: {  	s30 =	smov.u32 s2;
	s29 =	sshra.s32 s0, $0x2;
	[sflag:s15] =	ssyncset.done $0x0  }
0x43: {  	s0 =	sadd.s32 $0x80, s29;
	[sflag:s15] =	ssyncadd.s32 $0xFFFFD800  }
0x44: {  	[tilespmem:s19], [sflag:$0x2] =	stream.indirect.gather [hbm4b:s5+s17], $0x80, s0, s17, $0xb8;
	[tilespmem:$0x1D080] =	vst v63  }
0x45: {  	_ =	swait.ge [sflag:s20], $0x2800  }
0x46: {  	[sflag:s20] =	ssyncset.done $0x0  }
0x47: {  	s2 =	sadd.s32 $0x1000, s29;
	[sflag:s20] =	ssyncadd.s32 $0xFFFFD800  }
0x48: {  	[spmem:s1] =	stream.indirect.scatter.add.f32 [tilespmem:s18], [sflag:$0x3], $0x80, s2, s17, $0xb8;
	[tilespmem:$0x1D080] =	vst v63  }
0x49: {  	_ =	swait.ge [sflag:s15], $0x2800  }
0x4a: {  	[sflag:s15] =	ssyncset.done $0x0  }
0x4b: {  	s30 =	sadd.s32 $0x100, s29;
	[sflag:s15] =	ssyncadd.s32 $0xFFFFD800  }
0x4c: {  	[tilespmem:s18], [sflag:$0x1] =	stream.indirect.gather [hbm4b:s5+s17], $0x80, s30, s17, $0xb8;
	[tilespmem:$0x1D080] =	vst v63  }
0x4d: {  	_ =	swait.ge [sflag:s21], $0x2800  }
0x4e: {  	[sflag:s21] =	ssyncset.done $0x0  }
0x4f: {  	s31 =	sadd.s32 $0x1080, s29;
	[sflag:s21] =	ssyncadd.s32 $0xFFFFD800  }
0x50: {  	[spmem:s1] =	stream.indirect.scatter.add.f32 [tilespmem:s19], [sflag:$0x3], $0x80, s31, s17, $0xb8;
	[tilespmem:$0x1D080] =	vst v63  }
0x51: {  	_ =	swait.ge [sflag:s15], $0x2800  }
0x52: {  	[sflag:s15] =	ssyncset.done $0x0  }
0x53: {  	[sflag:s15] =	ssyncadd.s32 $0xFFFFD800  }
0x54: {  	s28 =	sadd.s32 $0x1, s28;
	_ =	swait.ge [sflag:s20], $0x2800  }
0x55: {  	p0 =	sne.s32 s28, $0x5;
	[sflag:s20] =	ssyncset.done $0x0  }
.Ltmp1:
0x56: {  	[sflag:s20] =	ssyncadd.s32 $0xFFFFD800;
	(pc) =	sbr.rel @p0 .LBB2_3-.Ltmp1, $4  }
0x57: {  	[spmem:s1] =	stream.indirect.scatter.add.f32 [tilespmem:s18], [sflag:$0x3], $0x80, s22, s17, $0xb8;
	[tilespmem:$0x1D080] =	vst v63  }
0x58: {  	_ =	swait.ge [sflag:s15], $0x2800  }
0x59: {  	[sflag:s15] =	ssyncset.done $0x0  }
0x5a: {  	[sflag:s15] =	ssyncadd.s32 $0xFFFFD800  }
0x5b: {  	s0 =	smul.u32 $0x13C000, s23;
	_ =	sdelay $0x1  }
0x5c: {  	s23 =	sadd.s32 $0x1, s23;
	s0 =	sadd.s32 s0, s12  }
0x5d: {  	p0 =	sne.s32 s23, $0x6;
	s0 =	sshrl.u32 s0, $0x3  }
.Ltmp2:
0x5e: {  	[bflag:$0x0] =	sbarrier.arrive $0xFFFF;
	s0 =	sadd.s32 s9, s0;
	(pc) =	sbr.rel @p0 .LBB2_2-.Ltmp2, $4  }
0x5f: {  	[hbm:s0], [sflag:s10] =	dma.local [spmem:s14], $0x2710  }
0x60: {  	_ =	swait.ge [sflag:s15], $0x2710  }
0x61: {  	[sflag:s15] =	ssyncset.done $0x0  }
0x62: {  	[sflag:s15] =	ssyncadd.s32 $0xFFFFD8F0  }
0x63: {  	s3 =	sadd.s32 $0x1, s3  }
0x64: {  	p0 =	sne.s32 s3, s13  }
.Ltmp3:
0x65: {  	_ = 	snop;
	(pc) =	sbr.rel @p0 .LBB2_1-.Ltmp3, $1  }
0x66: {  	_ =	sdelay $0x3  }
0x67: {  	_ =	sfence.sel $0x180000  }
0x68: {  	[bflag:$0x0] =	sbarrier.arrive $0xFFFF  }
0x69: {  	_ =	strace $0x90000056  }
0x6a: {  	s0 =	stileid.u32;
	[bflag:$0x2] =	sbarrier.arrive $0xFFFF  }
0x6b: {  	p0 =	sne.s32 s0, $0x0;
	s0 =	rddreg [dreg:$0x2]  }
0x6c: {  	s0 =	sadd.s32 @!p0 $0x100000, s0  }
0x6d: {  	[sflag:s0] =	ssyncadd.tile.s32 @!p0 $0x1;
	_ =	shalt  }
.Lfunc_end2:
_tile_overlayer_lowered:
.L_overlay_start_2:
0x6e: {  	(tag) =	ssettag $0x2  }
0x6f: {  	s0 =	rddreg [dreg:$0x0];
	s2 =	stileid.u32  }
0x70: {  	s1 =	rddreg [dreg:$0x1];
	p0 =	sne.s32 s2, $0x0  }
0x71: {  	s3 =	rddreg [dreg:$0x2];
	[bflag:$0x3] =	sbarrier.arrive $0xFFFF;
	s2 =	simm.s32 @!p0 $0x1C03  }
0x72: {  	[timem:s3], [sflag:s2] =	dma.local @!p0 [hbm:s0], s1  }
0x73: {  	s0 =	simm.s32 @!p0 $0x3  }
0x74: {  	_ =	swait.ge @!p0 [sflag:s0], s1  }
0x75: {  	s1 =	ssub.s32 @!p0 $0x0, s1;
	[sflag:s0] =	ssyncset.done @!p0 $0x0  }
0x76: {  	[sflag:s0] =	ssyncadd.s32 @!p0 s1  }
0x77: {  	[bflag:$0x3] =	sbarrier.arrive $0xFFFF  }
0x78: {  	_ =	shalt  }

</sc_bundles>
